<compile_context>
chip_gen: v7x
topology: tpu7x:2x2x1
jax: 0.10.2.dev20260603
libtpu: 0.0.44.dev20260713+nightly
codegen_flags: <defaults>
</compile_context>

<pallas_src>
import functools

import jax
import jax.numpy as jnp
from jax import lax
from jax.experimental import pallas as pl
from jax.experimental.pallas import tpu as pltpu
from jax.experimental.pallas import tpu_sc as plsc

_B = 16384
_D = 64
_V = 100000

_info = plsc.get_sparse_core_info()
_NC, _NS, _L = _info.num_cores, _info.num_subcores, _info.num_lanes
_NW = _NC * _NS
_DPW = _D // _NW
_CHUNK = 4096
_NCHUNK = _B // _CHUNK


def _make_sc_gather():
    mesh = plsc.VectorSubcoreMesh(core_axis_name="c", subcore_axis_name="s")

    @functools.partial(
        pl.kernel,
        mesh=mesh,
        out_type=jax.ShapeDtypeStruct((_D, _B), jnp.float32),
        scratch_types=[
            pltpu.VMEM((1, _V), jnp.float32),
            pltpu.VMEM((_B,), jnp.int32),
            pltpu.VMEM((1, _CHUNK), jnp.float32),
            pltpu.VMEM((1, _CHUNK), jnp.float32),
            pltpu.SemaphoreType.DMA,
            pltpu.SemaphoreType.DMA,
        ],
        compiler_params=pltpu.CompilerParams(
            use_tc_tiling_on_sc=True,
            needs_layout_passes=False,
            disable_bounds_checks=True,
            disable_semaphore_checks=True,
            skip_device_barrier=True,
        ),
    )
    def sc_gather(idx_hbm, tableT_hbm, outT_hbm, row_v, idx_v, ob_a, ob_b, sem_r, sem_w):
        wid = lax.axis_index("s") * _NC + lax.axis_index("c")
        pltpu.sync_copy(idx_hbm, idx_v)
        zero16 = jnp.zeros((_L,), jnp.int32)
        n_store = 0
        for rep in range(_DPW):
            d = wid * _DPW + rep
            pltpu.async_copy(tableT_hbm.at[pl.ds(d, 1)], row_v, sem_r).wait()
            for c in range(_NCHUNK):
                buf = ob_a if c % 2 == 0 else ob_b

                def step(k, carry, buf=buf, c=c):
                    ivs = [
                        idx_v[pl.ds(c * _CHUNK + k * _L * 16 + j * _L, _L)]
                        for j in range(16)
                    ]
                    vals = [plsc.load_gather(row_v, [zero16, iv]) for iv in ivs]
                    for j in range(16):
                        buf[0, pl.ds(k * _L * 16 + j * _L, _L)] = vals[j]
                    return carry

                if n_store >= 2:
                    pltpu.make_async_copy(
                        buf, outT_hbm.at[pl.ds(0, 1), pl.ds(0, _CHUNK)], sem_w
                    ).wait()
                lax.fori_loop(0, _CHUNK // (_L * 16), step, 0, unroll=2)
                pltpu.async_copy(
                    buf, outT_hbm.at[pl.ds(d, 1), pl.ds(c * _CHUNK, _CHUNK)], sem_w
                )
                n_store += 1
        for buf in (ob_a, ob_b):
            pltpu.make_async_copy(
                buf, outT_hbm.at[pl.ds(0, 1), pl.ds(0, _CHUNK)], sem_w
            ).wait()

    return sc_gather


_sc_gather = _make_sc_gather()


def kernel(odor_ids, embedding_table):
    ids = odor_ids.astype(jnp.int32)
    out_t = _sc_gather(ids, embedding_table.T)
    return out_t.T

# --- scband reference (transcript-rebuilt; emitter-appended) ---
"""Pipeline reference for scband-odor-one-hot-encoder-39273180955352 (READ-ONLY COPY).

The authoritative reference and input builder live on the scoring server;
editing this copy changes nothing except your own understanding.
"""

import jax, jax.numpy as jnp
import numpy as np

N_ODORS = 100000
EMBED_DIM = 64
BATCH = 16384

def setup_inputs(seed: int = 0) -> dict:
    key = jax.random.key(seed)
    k_idx, k_table = jax.random.split(key)
    odor_ids = jax.random.randint(k_idx, (BATCH,), 0, N_ODORS, dtype=jnp.int64 if jax.config.jax_enable_x64 else jnp.int32)
    embedding_table = jax.random.normal(k_table, (N_ODORS, EMBED_DIM), dtype=jnp.float32)
    return {"odor_ids": odor_ids, "embedding_table": embedding_table}

def reference(odor_ids, embedding_table):
    # nn.Embedding forward: row gather from the table
    return jnp.take(embedding_table, odor_ids, axis=0)

if __name__ == "__main__":
    import jax
    _d = setup_inputs()
    print(jax.jit(kernel)(*tuple(_d.values())))

</pallas_src>

<mosaic_0001>
#map = affine_map<(d0, d1) -> (0)>
#map1 = affine_map<(d0, d1) -> (0, 0)>
module attributes {stable_mosaic.version = 14 : i64} {
  func.func @sc_gather(%arg0: i32, %arg1: i32, %arg2: memref<16384xi32, #tpu.memory_space<hbm>>, %arg3: memref<64x100000xf32, #tpu.memory_space<hbm>>, %arg4: memref<64x16384xf32, #tpu.memory_space<hbm>>, %arg5: memref<1x100000xf32, #tpu.memory_space<vmem>>, %arg6: memref<16384xi32, #tpu.memory_space<vmem>>, %arg7: memref<1x4096xf32, #tpu.memory_space<vmem>>, %arg8: memref<1x4096xf32, #tpu.memory_space<vmem>>, %arg9: memref<!tpu.dma_semaphore, #tpu.memory_space<semaphore_mem>>, %arg10: memref<!tpu.dma_semaphore, #tpu.memory_space<semaphore_mem>>) attributes {dimension_semantics = [#tpu.dimension_semantics<core_parallel>, #tpu.dimension_semantics<subcore_parallel>], iteration_bounds = array<i64: 2, 16>, scalar_prefetch = 0 : i64, scratch_operands = 6 : i64, tpu.core_type = #tpu.core_type<sc_vector_subcore>, window_params = [{transform_indices = #map}, {transform_indices = #map1}, {transform_indices = #map1}]} {
    %mul3A = arith.constant 2 : i32
    %mul3A_0 = arith.muli %arg1, %mul3A : i32
    %add3A = arith.addi %mul3A_0, %arg0 : i32
    "tpu.region"() ({
      %run_scoped3A = tpu.sem_alloc : memref<!tpu.dma_semaphore, #tpu.memory_space<semaphore_mem>>
      tpu.enqueue_dma source(%arg2 : memref<16384xi32, #tpu.memory_space<hbm>>) target(%arg6 : memref<16384xi32, #tpu.memory_space<vmem>>) target_semaphore(%run_scoped3A : memref<!tpu.dma_semaphore, #tpu.memory_space<semaphore_mem>>)
      tpu.wait_dma2 semaphore(%run_scoped3A : memref<!tpu.dma_semaphore, #tpu.memory_space<semaphore_mem>>) src(%arg2 : memref<16384xi32, #tpu.memory_space<hbm>>) dst(%arg6 : memref<16384xi32, #tpu.memory_space<vmem>>)
      tpu.yield
    }) : () -> ()
    %broadcast_in_dim3A = arith.constant 0 : i32
    %broadcast_in_dim3A_1 = vector.broadcast %broadcast_in_dim3A : i32 to vector<16xi32>
    %mul3A_2 = arith.constant 2 : i32
    %mul3A_3 = arith.muli %add3A, %mul3A_2 : i32
    %add3A_4 = arith.constant 0 : i32
    %add3A_5 = arith.addi %mul3A_3, %add3A_4 : i32
    %dma_start3A = arith.constant 0 : i32
    %dma_start3A_6 = tpu.memref_slice %arg3[%add3A_5, %dma_start3A] : memref<64x100000xf32, #tpu.memory_space<hbm>> -> memref<1x100000xf32, #tpu.memory_space<hbm>>
    %dma_start3A_7 = arith.constant 0 : i32
    %dma_start3A_8 = tpu.memref_slice %arg3[%add3A_5, %dma_start3A_7] : memref<64x100000xf32, #tpu.memory_space<hbm>> -> memref<1x100000xf32, #tpu.memory_space<hbm>>
    tpu.enqueue_dma source(%dma_start3A_8 : memref<1x100000xf32, #tpu.memory_space<hbm>>) target(%arg5 : memref<1x100000xf32, #tpu.memory_space<vmem>>) target_semaphore(%arg9 : memref<!tpu.dma_semaphore, #tpu.memory_space<semaphore_mem>>)
    %dma_wait3A = arith.constant 0 : i32
    %dma_wait3A_9 = tpu.memref_slice %arg3[%add3A_5, %dma_wait3A] : memref<64x100000xf32, #tpu.memory_space<hbm>> -> memref<1x100000xf32, #tpu.memory_space<hbm>>
    %dma_wait3A_10 = arith.constant 0 : i32
    %dma_wait3A_11 = tpu.memref_slice %arg3[%add3A_5, %dma_wait3A_10] : memref<64x100000xf32, #tpu.memory_space<hbm>> -> memref<1x100000xf32, #tpu.memory_space<hbm>>
    tpu.wait_dma2 semaphore(%arg9 : memref<!tpu.dma_semaphore, #tpu.memory_space<semaphore_mem>>) src(%dma_wait3A_11 : memref<1x100000xf32, #tpu.memory_space<hbm>>) dst(%arg5 : memref<1x100000xf32, #tpu.memory_space<vmem>>)
    %scan3A = arith.constant 0 : i32
    %scan3A_12 = arith.constant 0 : i32
    %scan3A_13 = arith.constant 16 : i32
    %scan3A_14 = arith.addi %scan3A_12, %scan3A_13 : i32
    %scan3A_15 = arith.constant 2 : i32
    scf.for %scan3A_151 = %scan3A_12 to %scan3A_14 step %scan3A_15  : i32 {
      %mul3A_152 = arith.constant 16 : i32
      %mul3A_153 = arith.muli %scan3A_151, %mul3A_152 : i32
      %mul3A_154 = arith.constant 16 : i32
      %mul3A_155 = arith.muli %mul3A_153, %mul3A_154 : i32
      %add3A_156 = arith.constant 0 : i32
      %add3A_157 = arith.addi %add3A_156, %mul3A_155 : i32
      %add3A_158 = arith.constant 0 : i32
      %add3A_159 = arith.addi %add3A_157, %add3A_158 : i32
      %get3A = arith.index_cast %add3A_159 : i32 to index
      %get3A_160 = tpu.vector_load %arg6[%get3A] {strides = array<i32>} : memref<16384xi32, #tpu.memory_space<vmem>>, vector<16xi32>,
      %mul3A_161 = arith.constant 16 : i32
      %mul3A_162 = arith.muli %scan3A_151, %mul3A_161 : i32
      %mul3A_163 = arith.constant 16 : i32
      %mul3A_164 = arith.muli %mul3A_162, %mul3A_163 : i32
      %add3A_165 = arith.constant 0 : i32
      %add3A_166 = arith.addi %add3A_165, %mul3A_164 : i32
      %add3A_167 = arith.constant 16 : i32
      %add3A_168 = arith.addi %add3A_166, %add3A_167 : i32
      %get3A_169 = arith.index_cast %add3A_168 : i32 to index
      %get3A_170 = tpu.vector_load %arg6[%get3A_169] {strides = array<i32>} : memref<16384xi32, #tpu.memory_space<vmem>>, vector<16xi32>,
      %mul3A_171 = arith.constant 16 : i32
      %mul3A_172 = arith.muli %scan3A_151, %mul3A_171 : i32
      %mul3A_173 = arith.constant 16 : i32
      %mul3A_174 = arith.muli %mul3A_172, %mul3A_173 : i32
      %add3A_175 = arith.constant 0 : i32
      %add3A_176 = arith.addi %add3A_175, %mul3A_174 : i32
      %add3A_177 = arith.constant 32 : i32
      %add3A_178 = arith.addi %add3A_176, %add3A_177 : i32
      %get3A_179 = arith.index_cast %add3A_178 : i32 to index
      %get3A_180 = tpu.vector_load %arg6[%get3A_179] {strides = array<i32>} : memref<16384xi32, #tpu.memory_space<vmem>>, vector<16xi32>,
      %mul3A_181 = arith.constant 16 : i32
      %mul3A_182 = arith.muli %scan3A_151, %mul3A_181 : i32
      %mul3A_183 = arith.constant 16 : i32
      %mul3A_184 = arith.muli %mul3A_182, %mul3A_183 : i32
      %add3A_185 = arith.constant 0 : i32
      %add3A_186 = arith.addi %add3A_185, %mul3A_184 : i32
      %add3A_187 = arith.constant 48 : i32
      %add3A_188 = arith.addi %add3A_186, %add3A_187 : i32
      %get3A_189 = arith.index_cast %add3A_188 : i32 to index
      %get3A_190 = tpu.vector_load %arg6[%get3A_189] {strides = array<i32>} : memref<16384xi32, #tpu.memory_space<vmem>>, vector<16xi32>,
      %mul3A_191 = arith.constant 16 : i32
      %mul3A_192 = arith.muli %scan3A_151, %mul3A_191 : i32
      %mul3A_193 = arith.constant 16 : i32
      %mul3A_194 = arith.muli %mul3A_192, %mul3A_193 : i32
      %add3A_195 = arith.constant 0 : i32
      %add3A_196 = arith.addi %add3A_195, %mul3A_194 : i32
      %add3A_197 = arith.constant 64 : i32
      %add3A_198 = arith.addi %add3A_196, %add3A_197 : i32
      %get3A_199 = arith.index_cast %add3A_198 : i32 to index
      %get3A_200 = tpu.vector_load %arg6[%get3A_199] {strides = array<i32>} : memref<16384xi32, #tpu.memory_space<vmem>>, vector<16xi32>,
      %mul3A_201 = arith.constant 16 : i32
      %mul3A_202 = arith.muli %scan3A_151, %mul3A_201 : i32
      %mul3A_203 = arith.constant 16 : i32
      %mul3A_204 = arith.muli %mul3A_202, %mul3A_203 : i32
      %add3A_205 = arith.constant 0 : i32
      %add3A_206 = arith.addi %add3A_205, %mul3A_204 : i32
      %add3A_207 = arith.constant 80 : i32
      %add3A_208 = arith.addi %add3A_206, %add3A_207 : i32
      %get3A_209 = arith.index_cast %add3A_208 : i32 to index
      %get3A_210 = tpu.vector_load %arg6[%get3A_209] {strides = array<i32>} : memref<16384xi32, #tpu.memory_space<vmem>>, vector<16xi32>,
      %mul3A_211 = arith.constant 16 : i32
      %mul3A_212 = arith.muli %scan3A_151, %mul3A_211 : i32
      %mul3A_213 = arith.constant 16 : i32
      %mul3A_214 = arith.muli %mul3A_212, %mul3A_213 : i32
      %add3A_215 = arith.constant 0 : i32
      %add3A_216 = arith.addi %add3A_215, %mul3A_214 : i32
      %add3A_217 = arith.constant 96 : i32
      %add3A_218 = arith.addi %add3A_216, %add3A_217 : i32
      %get3A_219 = arith.index_cast %add3A_218 : i32 to index
      %get3A_220 = tpu.vector_load %arg6[%get3A_219] {strides = array<i32>} : memref<16384xi32, #tpu.memory_space<vmem>>, vector<16xi32>,
      %mul3A_221 = arith.constant 16 : i32
      %mul3A_222 = arith.muli %scan3A_151, %mul3A_221 : i32
      %mul3A_223 = arith.constant 16 : i32
      %mul3A_224 = arith.muli %mul3A_222, %mul3A_223 : i32
      %add3A_225 = arith.constant 0 : i32
      %add3A_226 = arith.addi %add3A_225, %mul3A_224 : i32
      %add3A_227 = arith.constant 112 : i32
      %add3A_228 = arith.addi %add3A_226, %add3A_227 : i32
      %get3A_229 = arith.index_cast %add3A_228 : i32 to index
      %get3A_230 = tpu.vector_load %arg6[%get3A_229] {strides = array<i32>} : memref<16384xi32, #tpu.memory_space<vmem>>, vector<16xi32>,
      %mul3A_231 = arith.constant 16 : i32
      %mul3A_232 = arith.muli %scan3A_151, %mul3A_231 : i32
      %mul3A_233 = arith.constant 16 : i32
      %mul3A_234 = arith.muli %mul3A_232, %mul3A_233 : i32
      %add3A_235 = arith.constant 0 : i32
      %add3A_236 = arith.addi %add3A_235, %mul3A_234 : i32
      %add3A_237 = arith.constant 128 : i32
      %add3A_238 = arith.addi %add3A_236, %add3A_237 : i32
      %get3A_239 = arith.index_cast %add3A_238 : i32 to index
      %get3A_240 = tpu.vector_load %arg6[%get3A_239] {strides = array<i32>} : memref<16384xi32, #tpu.memory_space<vmem>>, vector<16xi32>,
      %mul3A_241 = arith.constant 16 : i32
      %mul3A_242 = arith.muli %scan3A_151, %mul3A_241 : i32
      %mul3A_243 = arith.constant 16 : i32
      %mul3A_244 = arith.muli %mul3A_242, %mul3A_243 : i32
      %add3A_245 = arith.constant 0 : i32
      %add3A_246 = arith.addi %add3A_245, %mul3A_244 : i32
      %add3A_247 = arith.constant 144 : i32
      %add3A_248 = arith.addi %add3A_246, %add3A_247 : i32
      %get3A_249 = arith.index_cast %add3A_248 : i32 to index
      %get3A_250 = tpu.vector_load %arg6[%get3A_249] {strides = array<i32>} : memref<16384xi32, #tpu.memory_space<vmem>>, vector<16xi32>,
      %mul3A_251 = arith.constant 16 : i32
      %mul3A_252 = arith.muli %scan3A_151, %mul3A_251 : i32
      %mul3A_253 = arith.constant 16 : i32
      %mul3A_254 = arith.muli %mul3A_252, %mul3A_253 : i32
      %add3A_255 = arith.constant 0 : i32
      %add3A_256 = arith.addi %add3A_255, %mul3A_254 : i32
      %add3A_257 = arith.constant 160 : i32
      %add3A_258 = arith.addi %add3A_256, %add3A_257 : i32
      %get3A_259 = arith.index_cast %add3A_258 : i32 to index
      %get3A_260 = tpu.vector_load %arg6[%get3A_259] {strides = array<i32>} : memref<16384xi32, #tpu.memory_space<vmem>>, vector<16xi32>,
      %mul3A_261 = arith.constant 16 : i32
      %mul3A_262 = arith.muli %scan3A_151, %mul3A_261 : i32
      %mul3A_263 = arith.constant 16 : i32
      %mul3A_264 = arith.muli %mul3A_262, %mul3A_263 : i32
      %add3A_265 = arith.constant 0 : i32
      %add3A_266 = arith.addi %add3A_265, %mul3A_264 : i32
      %add3A_267 = arith.constant 176 : i32
      %add3A_268 = arith.addi %add3A_266, %add3A_267 : i32
      %get3A_269 = arith.index_cast %add3A_268 : i32 to index
      %get3A_270 = tpu.vector_load %arg6[%get3A_269] {strides = array<i32>} : memref<16384xi32, #tpu.memory_space<vmem>>, vector<16xi32>,
      %mul3A_271 = arith.constant 16 : i32
      %mul3A_272 = arith.muli %scan3A_151, %mul3A_271 : i32
      %mul3A_273 = arith.constant 16 : i32
      %mul3A_274 = arith.muli %mul3A_272, %mul3A_273 : i32
      %add3A_275 = arith.constant 0 : i32
      %add3A_276 = arith.addi %add3A_275, %mul3A_274 : i32
      %add3A_277 = arith.constant 192 : i32
      %add3A_278 = arith.addi %add3A_276, %add3A_277 : i32
      %get3A_279 = arith.index_cast %add3A_278 : i32 to index
      %get3A_280 = tpu.vector_load %arg6[%get3A_279] {strides = array<i32>} : memref<16384xi32, #tpu.memory_space<vmem>>, vector<16xi32>,
      %mul3A_281 = arith.constant 16 : i32
      %mul3A_282 = arith.muli %scan3A_151, %mul3A_281 : i32
      %mul3A_283 = arith.constant 16 : i32
      %mul3A_284 = arith.muli %mul3A_282, %mul3A_283 : i32
      %add3A_285 = arith.constant 0 : i32
      %add3A_286 = arith.addi %add3A_285, %mul3A_284 : i32
      %add3A_287 = arith.constant 208 : i32
      %add3A_288 = arith.addi %add3A_286, %add3A_287 : i32
      %get3A_289 = arith.index_cast %add3A_288 : i32 to index
      %get3A_290 = tpu.vector_load %arg6[%get3A_289] {strides = array<i32>} : memref<16384xi32, #tpu.memory_space<vmem>>, vector<16xi32>,
      %mul3A_291 = arith.constant 16 : i32
      %mul3A_292 = arith.muli %scan3A_151, %mul3A_291 : i32
      %mul3A_293 = arith.constant 16 : i32
      %mul3A_294 = arith.muli %mul3A_292, %mul3A_293 : i32
      %add3A_295 = arith.constant 0 : i32
      %add3A_296 = arith.addi %add3A_295, %mul3A_294 : i32
      %add3A_297 = arith.constant 224 : i32
      %add3A_298 = arith.addi %add3A_296, %add3A_297 : i32
      %get3A_299 = arith.index_cast %add3A_298 : i32 to index
      %get3A_300 = tpu.vector_load %arg6[%get3A_299] {strides = array<i32>} : memref<16384xi32, #tpu.memory_space<vmem>>, vector<16xi32>,
      %mul3A_301 = arith.constant 16 : i32
      %mul3A_302 = arith.muli %scan3A_151, %mul3A_301 : i32
      %mul3A_303 = arith.constant 16 : i32
      %mul3A_304 = arith.muli %mul3A_302, %mul3A_303 : i32
      %add3A_305 = arith.constant 0 : i32
      %add3A_306 = arith.addi %add3A_305, %mul3A_304 : i32
      %add3A_307 = arith.constant 240 : i32
      %add3A_308 = arith.addi %add3A_306, %add3A_307 : i32
      %get3A_309 = arith.index_cast %add3A_308 : i32 to index
      %get3A_310 = tpu.vector_load %arg6[%get3A_309] {strides = array<i32>} : memref<16384xi32, #tpu.memory_space<vmem>>, vector<16xi32>,
      %gather3A = tpu.vector_load_idx %arg5[%broadcast_in_dim3A_1, %get3A_160] : memref<1x100000xf32, #tpu.memory_space<vmem>>[vector<16xi32>, vector<16xi32>], vector<16xf32>,
      %gather3A_311 = tpu.vector_load_idx %arg5[%broadcast_in_dim3A_1, %get3A_170] : memref<1x100000xf32, #tpu.memory_space<vmem>>[vector<16xi32>, vector<16xi32>], vector<16xf32>,
      %gather3A_312 = tpu.vector_load_idx %arg5[%broadcast_in_dim3A_1, %get3A_180] : memref<1x100000xf32, #tpu.memory_space<vmem>>[vector<16xi32>, vector<16xi32>], vector<16xf32>,
      %gather3A_313 = tpu.vector_load_idx %arg5[%broadcast_in_dim3A_1, %get3A_190] : memref<1x100000xf32, #tpu.memory_space<vmem>>[vector<16xi32>, vector<16xi32>], vector<16xf32>,
      %gather3A_314 = tpu.vector_load_idx %arg5[%broadcast_in_dim3A_1, %get3A_200] : memref<1x100000xf32, #tpu.memory_space<vmem>>[vector<16xi32>, vector<16xi32>], vector<16xf32>,
      %gather3A_315 = tpu.vector_load_idx %arg5[%broadcast_in_dim3A_1, %get3A_210] : memref<1x100000xf32, #tpu.memory_space<vmem>>[vector<16xi32>, vector<16xi32>], vector<16xf32>,
      %gather3A_316 = tpu.vector_load_idx %arg5[%broadcast_in_dim3A_1, %get3A_220] : memref<1x100000xf32, #tpu.memory_space<vmem>>[vector<16xi32>, vector<16xi32>], vector<16xf32>,
      %gather3A_317 = tpu.vector_load_idx %arg5[%broadcast_in_dim3A_1, %get3A_230] : memref<1x100000xf32, #tpu.memory_space<vmem>>[vector<16xi32>, vector<16xi32>], vector<16xf32>,
      %gather3A_318 = tpu.vector_load_idx %arg5[%broadcast_in_dim3A_1, %get3A_240] : memref<1x100000xf32, #tpu.memory_space<vmem>>[vector<16xi32>, vector<16xi32>], vector<16xf32>,
      %gather3A_319 = tpu.vector_load_idx %arg5[%broadcast_in_dim3A_1, %get3A_250] : memref<1x100000xf32, #tpu.memory_space<vmem>>[vector<16xi32>, vector<16xi32>], vector<16xf32>,
      %gather3A_320 = tpu.vector_load_idx %arg5[%broadcast_in_dim3A_1, %get3A_260] : memref<1x100000xf32, #tpu.memory_space<vmem>>[vector<16xi32>, vector<16xi32>], vector<16xf32>,
      %gather3A_321 = tpu.vector_load_idx %arg5[%broadcast_in_dim3A_1, %get3A_270] : memref<1x100000xf32, #tpu.memory_space<vmem>>[vector<16xi32>, vector<16xi32>], vector<16xf32>,
      %gather3A_322 = tpu.vector_load_idx %arg5[%broadcast_in_dim3A_1, %get3A_280] : memref<1x100000xf32, #tpu.memory_space<vmem>>[vector<16xi32>, vector<16xi32>], vector<16xf32>,
      %gather3A_323 = tpu.vector_load_idx %arg5[%broadcast_in_dim3A_1, %get3A_290] : memref<1x100000xf32, #tpu.memory_space<vmem>>[vector<16xi32>, vector<16xi32>], vector<16xf32>,
      %gather3A_324 = tpu.vector_load_idx %arg5[%broadcast_in_dim3A_1, %get3A_300] : memref<1x100000xf32, #tpu.memory_space<vmem>>[vector<16xi32>, vector<16xi32>], vector<16xf32>,
      %gather3A_325 = tpu.vector_load_idx %arg5[%broadcast_in_dim3A_1, %get3A_310] : memref<1x100000xf32, #tpu.memory_space<vmem>>[vector<16xi32>, vector<16xi32>], vector<16xf32>,
      %mul3A_326 = arith.constant 16 : i32
      %mul3A_327 = arith.muli %scan3A_151, %mul3A_326 : i32
      %mul3A_328 = arith.constant 16 : i32
      %mul3A_329 = arith.muli %mul3A_327, %mul3A_328 : i32
      %add3A_330 = arith.constant 0 : i32
      %add3A_331 = arith.addi %mul3A_329, %add3A_330 : i32
      %swap3A = arith.constant 0 : i32
      %swap3A_332 = arith.index_cast %swap3A : i32 to index
      %swap3A_333 = arith.index_cast %add3A_331 : i32 to index
      %swap3A_334 = tpu.vector_load %arg7[%swap3A_332, %swap3A_333] {strides = array<i32>} : memref<1x4096xf32, #tpu.memory_space<vmem>>, vector<16xf32>,
      tpu.vector_store %arg7[%swap3A_332, %swap3A_333], %gather3A {strides = array<i32>} : memref<1x4096xf32, #tpu.memory_space<vmem>>, vector<16xf32>,
      %mul3A_335 = arith.constant 16 : i32
      %mul3A_336 = arith.muli %scan3A_151, %mul3A_335 : i32
      %mul3A_337 = arith.constant 16 : i32
      %mul3A_338 = arith.muli %mul3A_336, %mul3A_337 : i32
      %add3A_339 = arith.constant 16 : i32
      %add3A_340 = arith.addi %mul3A_338, %add3A_339 : i32
      %swap3A_341 = arith.constant 0 : i32
      %swap3A_342 = arith.index_cast %swap3A_341 : i32 to index
      %swap3A_343 = arith.index_cast %add3A_340 : i32 to index
      %swap3A_344 = tpu.vector_load %arg7[%swap3A_342, %swap3A_343] {strides = array<i32>} : memref<1x4096xf32, #tpu.memory_space<vmem>>, vector<16xf32>,
      tpu.vector_store %arg7[%swap3A_342, %swap3A_343], %gather3A_311 {strides = array<i32>} : memref<1x4096xf32, #tpu.memory_space<vmem>>, vector<16xf32>,
      %mul3A_345 = arith.constant 16 : i32
      %mul3A_346 = arith.muli %scan3A_151, %mul3A_345 : i32
      %mul3A_347 = arith.constant 16 : i32
      %mul3A_348 = arith.muli %mul3A_346, %mul3A_347 : i32
      %add3A_349 = arith.constant 32 : i32
      %add3A_350 = arith.addi %mul3A_348, %add3A_349 : i32
      %swap3A_351 = arith.constant 0 : i32
      %swap3A_352 = arith.index_cast %swap3A_351 : i32 to index
      %swap3A_353 = arith.index_cast %add3A_350 : i32 to index
      %swap3A_354 = tpu.vector_load %arg7[%swap3A_352, %swap3A_353] {strides = array<i32>} : memref<1x4096xf32, #tpu.memory_space<vmem>>, vector<16xf32>,
      tpu.vector_store %arg7[%swap3A_352, %swap3A_353], %gather3A_312 {strides = array<i32>} : memref<1x4096xf32, #tpu.memory_space<vmem>>, vector<16xf32>,
      %mul3A_355 = arith.constant 16 : i32
      %mul3A_356 = arith.muli %scan3A_151, %mul3A_355 : i32
      %mul3A_357 = arith.constant 16 : i32
      %mul3A_358 = arith.muli %mul3A_356, %mul3A_357 : i32
      %add3A_359 = arith.constant 48 : i32
      %add3A_360 = arith.addi %mul3A_358, %add3A_359 : i32
      %swap3A_361 = arith.constant 0 : i32
      %swap3A_362 = arith.index_cast %swap3A_361 : i32 to index
      %swap3A_363 = arith.index_cast %add3A_360 : i32 to index
      %swap3A_364 = tpu.vector_load %arg7[%swap3A_362, %swap3A_363] {strides = array<i32>} : memref<1x4096xf32, #tpu.memory_space<vmem>>, vector<16xf32>,
      tpu.vector_store %arg7[%swap3A_362, %swap3A_363], %gather3A_313 {strides = array<i32>} : memref<1x4096xf32, #tpu.memory_space<vmem>>, vector<16xf32>,
      %mul3A_365 = arith.constant 16 : i32
      %mul3A_366 = arith.muli %scan3A_151, %mul3A_365 : i32
      %mul3A_367 = arith.constant 16 : i32
      %mul3A_368 = arith.muli %mul3A_366, %mul3A_367 : i32
      %add3A_369 = arith.constant 64 : i32
      %add3A_370 = arith.addi %mul3A_368, %add3A_369 : i32
      %swap3A_371 = arith.constant 0 : i32
      %swap3A_372 = arith.index_cast %swap3A_371 : i32 to index
      %swap3A_373 = arith.index_cast %add3A_370 : i32 to index
      %swap3A_374 = tpu.vector_load %arg7[%swap3A_372, %swap3A_373] {strides = array<i32>} : memref<1x4096xf32, #tpu.memory_space<vmem>>, vector<16xf32>,
      tpu.vector_store %arg7[%swap3A_372, %swap3A_373], %gather3A_314 {strides = array<i32>} : memref<1x4096xf32, #tpu.memory_space<vmem>>, vector<16xf32>,
      %mul3A_375 = arith.constant 16 : i32
      %mul3A_376 = arith.muli %scan3A_151, %mul3A_375 : i32
      %mul3A_377 = arith.constant 16 : i32
      %mul3A_378 = arith.muli %mul3A_376, %mul3A_377 : i32
      %add3A_379 = arith.constant 80 : i32
      %add3A_380 = arith.addi %mul3A_378, %add3A_379 : i32
      %swap3A_381 = arith.constant 0 : i32
      %swap3A_382 = arith.index_cast %swap3A_381 : i32 to index
      %swap3A_383 = arith.index_cast %add3A_380 : i32 to index
      %swap3A_384 = tpu.vector_load %arg7[%swap3A_382, %swap3A_383] {strides = array<i32>} : memref<1x4096xf32, #tpu.memory_space<vmem>>, vector<16xf32>,
      tpu.vector_store %arg7[%swap3A_382, %swap3A_383], %gather3A_315 {strides = array<i32>} : memref<1x4096xf32, #tpu.memory_space<vmem>>, vector<16xf32>,
      %mul3A_385 = arith.constant 16 : i32
      %mul3A_386 = arith.muli %scan3A_151, %mul3A_385 : i32
      %mul3A_387 = arith.constant 16 : i32
      %mul3A_388 = arith.muli %mul3A_386, %mul3A_387 : i32
      %add3A_389 = arith.constant 96 : i32
      %add3A_390 = arith.addi %mul3A_388, %add3A_389 : i32
      %swap3A_391 = arith.constant 0 : i32
      %swap3A_392 = arith.index_cast %swap3A_391 : i32 to index
      %swap3A_393 = arith.index_cast %add3A_390 : i32 to index
      %swap3A_394 = tpu.vector_load %arg7[%swap3A_392, %swap3A_393] {strides = array<i32>} : memref<1x4096xf32, #tpu.memory_space<vmem>>, vector<16xf32>,
      tpu.vector_store %arg7[%swap3A_392, %swap3A_393], %gather3A_316 {strides = array<i32>} : memref<1x4096xf32, #tpu.memory_space<vmem>>, vector<16xf32>,
      %mul3A_395 = arith.constant 16 : i32
      %mul3A_396 = arith.muli %scan3A_151, %mul3A_395 : i32
      %mul3A_397 = arith.constant 16 : i32
      %mul3A_398 = arith.muli %mul3A_396, %mul3A_397 : i32
      %add3A_399 = arith.constant 112 : i32
      %add3A_400 = arith.addi %mul3A_398, %add3A_399 : i32
      %swap3A_401 = arith.constant 0 : i32
      %swap3A_402 = arith.index_cast %swap3A_401 : i32 to index
      %swap3A_403 = arith.index_cast %add3A_400 : i32 to index
      %swap3A_404 = tpu.vector_load %arg7[%swap3A_402, %swap3A_403] {strides = array<i32>} : memref<1x4096xf32, #tpu.memory_space<vmem>>, vector<16xf32>,
      tpu.vector_store %arg7[%swap3A_402, %swap3A_403], %gather3A_317 {strides = array<i32>} : memref<1x4096xf32, #tpu.memory_space<vmem>>, vector<16xf32>,
      %mul3A_405 = arith.constant 16 : i32
      %mul3A_406 = arith.muli %scan3A_151, %mul3A_405 : i32
      %mul3A_407 = arith.constant 16 : i32
      %mul3A_408 = arith.muli %mul3A_406, %mul3A_407 : i32
      %add3A_409 = arith.constant 128 : i32
      %add3A_410 = arith.addi %mul3A_408, %add3A_409 : i32
      %swap3A_411 = arith.constant 0 : i32
      %swap3A_412 = arith.index_cast %swap3A_411 : i32 to index
      %swap3A_413 = arith.index_cast %add3A_410 : i32 to index
      %swap3A_414 = tpu.vector_load %arg7[%swap3A_412, %swap3A_413] {strides = array<i32>} : memref<1x4096xf32, #tpu.memory_space<vmem>>, vector<16xf32>,
      tpu.vector_store %arg7[%swap3A_412, %swap3A_413], %gather3A_318 {strides = array<i32>} : memref<1x4096xf32, #tpu.memory_space<vmem>>, vector<16xf32>,
      %mul3A_415 = arith.constant 16 : i32
      %mul3A_416 = arith.muli %scan3A_151, %mul3A_415 : i32
      %mul3A_417 = arith.constant 16 : i32
      %mul3A_418 = arith.muli %mul3A_416, %mul3A_417 : i32
      %add3A_419 = arith.constant 144 : i32
      %add3A_420 = arith.addi %mul3A_418, %add3A_419 : i32
      %swap3A_421 = arith.constant 0 : i32
      %swap3A_422 = arith.index_cast %swap3A_421 : i32 to index
      %swap3A_423 = arith.index_cast %add3A_420 : i32 to index
      %swap3A_424 = tpu.vector_load %arg7[%swap3A_422, %swap3A_423] {strides = array<i32>} : memref<1x4096xf32, #tpu.memory_space<vmem>>, vector<16xf32>,
      tpu.vector_store %arg7[%swap3A_422, %swap3A_423], %gather3A_319 {strides = array<i32>} : memref<1x4096xf32, #tpu.memory_space<vmem>>, vector<16xf32>,
      %mul3A_425 = arith.constant 16 : i32
      %mul3A_426 = arith.muli %scan3A_151, %mul3A_425 : i32
      %mul3A_427 = arith.constant 16 : i32
      %mul3A_428 = arith.muli %mul3A_426, %mul3A_427 : i32
      %add3A_429 = arith.constant 160 : i32
      %add3A_430 = arith.addi %mul3A_428, %add3A_429 : i32
      %swap3A_431 = arith.constant 0 : i32
      %swap3A_432 = arith.index_cast %swap3A_431 : i32 to index
      %swap3A_433 = arith.index_cast %add3A_430 : i32 to index
      %swap3A_434 = tpu.vector_load %arg7[%swap3A_432, %swap3A_433] {strides = array<i32>} : memref<1x4096xf32, #tpu.memory_space<vmem>>, vector<16xf32>,
      tpu.vector_store %arg7[%swap3A_432, %swap3A_433], %gather3A_320 {strides = array<i32>} : memref<1x4096xf32, #tpu.memory_space<vmem>>, vector<16xf32>,
      %mul3A_435 = arith.constant 16 : i32
      %mul3A_436 = arith.muli %scan3A_151, %mul3A_435 : i32
      %mul3A_437 = arith.constant 16 : i32
      %mul3A_438 = arith.muli %mul3A_436, %mul3A_437 : i32
      %add3A_439 = arith.constant 176 : i32
      %add3A_440 = arith.addi %mul3A_438, %add3A_439 : i32
      %swap3A_441 = arith.constant 0 : i32
      %swap3A_442 = arith.index_cast %swap3A_441 : i32 to index
      %swap3A_443 = arith.index_cast %add3A_440 : i32 to index
      %swap3A_444 = tpu.vector_load %arg7[%swap3A_442, %swap3A_443] {strides = array<i32>} : memref<1x4096xf32, #tpu.memory_space<vmem>>, vector<16xf32>,
      tpu.vector_store %arg7[%swap3A_442, %swap3A_443], %gather3A_321 {strides = array<i32>} : memref<1x4096xf32, #tpu.memory_space<vmem>>, vector<16xf32>,
      %mul3A_445 = arith.constant 16 : i32
      %mul3A_446 = arith.muli %scan3A_151, %mul3A_445 : i32
      %mul3A_447 = arith.constant 16 : i32
      %mul3A_448 = arith.muli %mul3A_446, %mul3A_447 : i32
      %add3A_449 = arith.constant 192 : i32
      %add3A_450 = arith.addi %mul3A_448, %add3A_449 : i32
      %swap3A_451 = arith.constant 0 : i32
      %swap3A_452 = arith.index_cast %swap3A_451 : i32 to index
      %swap3A_453 = arith.index_cast %add3A_450 : i32 to index
      %swap3A_454 = tpu.vector_load %arg7[%swap3A_452, %swap3A_453] {strides = array<i32>} : memref<1x4096xf32, #tpu.memory_space<vmem>>, vector<16xf32>,
      tpu.vector_store %arg7[%swap3A_452, %swap3A_453], %gather3A_322 {strides = array<i32>} : memref<1x4096xf32, #tpu.memory_space<vmem>>, vector<16xf32>,
      %mul3A_455 = arith.constant 16 : i32
      %mul3A_456 = arith.muli %scan3A_151, %mul3A_455 : i32
      %mul3A_457 = arith.constant 16 : i32
      %mul3A_458 = arith.muli %mul3A_456, %mul3A_457 : i32
      %add3A_459 = arith.constant 208 : i32
      %add3A_460 = arith.addi %mul3A_458, %add3A_459 : i32
      %swap3A_461 = arith.constant 0 : i32
      %swap3A_462 = arith.index_cast %swap3A_461 : i32 to index
      %swap3A_463 = arith.index_cast %add3A_460 : i32 to index
      %swap3A_464 = tpu.vector_load %arg7[%swap3A_462, %swap3A_463] {strides = array<i32>} : memref<1x4096xf32, #tpu.memory_space<vmem>>, vector<16xf32>,
      tpu.vector_store %arg7[%swap3A_462, %swap3A_463], %gather3A_323 {strides = array<i32>} : memref<1x4096xf32, #tpu.memory_space<vmem>>, vector<16xf32>,
      %mul3A_465 = arith.constant 16 : i32
      %mul3A_466 = arith.muli %scan3A_151, %mul3A_465 : i32
      %mul3A_467 = arith.constant 16 : i32
      %mul3A_468 = arith.muli %mul3A_466, %mul3A_467 : i32
      %add3A_469 = arith.constant 224 : i32
      %add3A_470 = arith.addi %mul3A_468, %add3A_469 : i32
      %swap3A_471 = arith.constant 0 : i32
      %swap3A_472 = arith.index_cast %swap3A_471 : i32 to index
      %swap3A_473 = arith.index_cast %add3A_470 : i32 to index
      %swap3A_474 = tpu.vector_load %arg7[%swap3A_472, %swap3A_473] {strides = array<i32>} : memref<1x4096xf32, #tpu.memory_space<vmem>>, vector<16xf32>,
      tpu.vector_store %arg7[%swap3A_472, %swap3A_473], %gather3A_324 {strides = array<i32>} : memref<1x4096xf32, #tpu.memory_space<vmem>>, vector<16xf32>,
      %mul3A_475 = arith.constant 16 : i32
      %mul3A_476 = arith.muli %scan3A_151, %mul3A_475 : i32
      %mul3A_477 = arith.constant 16 : i32
      %mul3A_478 = arith.muli %mul3A_476, %mul3A_477 : i32
      %add3A_479 = arith.constant 240 : i32
      %add3A_480 = arith.addi %mul3A_478, %add3A_479 : i32
      %swap3A_481 = arith.constant 0 : i32
      %swap3A_482 = arith.index_cast %swap3A_481 : i32 to index
      %swap3A_483 = arith.index_cast %add3A_480 : i32 to index
      %swap3A_484 = tpu.vector_load %arg7[%swap3A_482, %swap3A_483] {strides = array<i32>} : memref<1x4096xf32, #tpu.memory_space<vmem>>, vector<16xf32>,
      tpu.vector_store %arg7[%swap3A_482, %swap3A_483], %gather3A_325 {strides = array<i32>} : memref<1x4096xf32, #tpu.memory_space<vmem>>, vector<16xf32>,
      %scan3A_485 = arith.constant 1 : i32
      %scan3A_486 = arith.addi %scan3A_151, %scan3A_485 : i32
      %mul3A_487 = arith.constant 16 : i32
      %mul3A_488 = arith.muli %scan3A_486, %mul3A_487 : i32
      %mul3A_489 = arith.constant 16 : i32
      %mul3A_490 = arith.muli %mul3A_488, %mul3A_489 : i32
      %add3A_491 = arith.constant 0 : i32
      %add3A_492 = arith.addi %add3A_491, %mul3A_490 : i32
      %add3A_493 = arith.constant 0 : i32
      %add3A_494 = arith.addi %add3A_492, %add3A_493 : i32
      %get3A_495 = arith.index_cast %add3A_494 : i32 to index
      %get3A_496 = tpu.vector_load %arg6[%get3A_495] {strides = array<i32>} : memref<16384xi32, #tpu.memory_space<vmem>>, vector<16xi32>,
      %mul3A_497 = arith.constant 16 : i32
      %mul3A_498 = arith.muli %scan3A_486, %mul3A_497 : i32
      %mul3A_499 = arith.constant 16 : i32
      %mul3A_500 = arith.muli %mul3A_498, %mul3A_499 : i32
      %add3A_501 = arith.constant 0 : i32
      %add3A_502 = arith.addi %add3A_501, %mul3A_500 : i32
      %add3A_503 = arith.constant 16 : i32
      %add3A_504 = arith.addi %add3A_502, %add3A_503 : i32
      %get3A_505 = arith.index_cast %add3A_504 : i32 to index
      %get3A_506 = tpu.vector_load %arg6[%get3A_505] {strides = array<i32>} : memref<16384xi32, #tpu.memory_space<vmem>>, vector<16xi32>,
      %mul3A_507 = arith.constant 16 : i32
      %mul3A_508 = arith.muli %scan3A_486, %mul3A_507 : i32
      %mul3A_509 = arith.constant 16 : i32
      %mul3A_510 = arith.muli %mul3A_508, %mul3A_509 : i32
      %add3A_511 = arith.constant 0 : i32
      %add3A_512 = arith.addi %add3A_511, %mul3A_510 : i32
      %add3A_513 = arith.constant 32 : i32
      %add3A_514 = arith.addi %add3A_512, %add3A_513 : i32
      %get3A_515 = arith.index_cast %add3A_514 : i32 to index
      %get3A_516 = tpu.vector_load %arg6[%get3A_515] {strides = array<i32>} : memref<16384xi32, #tpu.memory_space<vmem>>, vector<16xi32>,
      %mul3A_517 = arith.constant 16 : i32
      %mul3A_518 = arith.muli %scan3A_486, %mul3A_517 : i32
      %mul3A_519 = arith.constant 16 : i32
      %mul3A_520 = arith.muli %mul3A_518, %mul3A_519 : i32
      %add3A_521 = arith.constant 0 : i32
      %add3A_522 = arith.addi %add3A_521, %mul3A_520 : i32
      %add3A_523 = arith.constant 48 : i32
      %add3A_524 = arith.addi %add3A_522, %add3A_523 : i32
      %get3A_525 = arith.index_cast %add3A_524 : i32 to index
      %get3A_526 = tpu.vector_load %arg6[%get3A_525] {strides = array<i32>} : memref<16384xi32, #tpu.memory_space<vmem>>, vector<16xi32>,
      %mul3A_527 = arith.constant 16 : i32
      %mul3A_528 = arith.muli %scan3A_486, %mul3A_527 : i32
      %mul3A_529 = arith.constant 16 : i32
      %mul3A_530 = arith.muli %mul3A_528, %mul3A_529 : i32
      %add3A_531 = arith.constant 0 : i32
      %add3A_532 = arith.addi %add3A_531, %mul3A_530 : i32
      %add3A_533 = arith.constant 64 : i32
      %add3A_534 = arith.addi %add3A_532, %add3A_533 : i32
      %get3A_535 = arith.index_cast %add3A_534 : i32 to index
      %get3A_536 = tpu.vector_load %arg6[%get3A_535] {strides = array<i32>} : memref<16384xi32, #tpu.memory_space<vmem>>, vector<16xi32>,
      %mul3A_537 = arith.constant 16 : i32
      %mul3A_538 = arith.muli %scan3A_486, %mul3A_537 : i32
      %mul3A_539 = arith.constant 16 : i32
      %mul3A_540 = arith.muli %mul3A_538, %mul3A_539 : i32
      %add3A_541 = arith.constant 0 : i32
      %add3A_542 = arith.addi %add3A_541, %mul3A_540 : i32
      %add3A_543 = arith.constant 80 : i32
      %add3A_544 = arith.addi %add3A_542, %add3A_543 : i32
      %get3A_545 = arith.index_cast %add3A_544 : i32 to index
      %get3A_546 = tpu.vector_load %arg6[%get3A_545] {strides = array<i32>} : memref<16384xi32, #tpu.memory_space<vmem>>, vector<16xi32>,
      %mul3A_547 = arith.constant 16 : i32
      %mul3A_548 = arith.muli %scan3A_486, %mul3A_547 : i32
      %mul3A_549 = arith.constant 16 : i32
      %mul3A_550 = arith.muli %mul3A_548, %mul3A_549 : i32
      %add3A_551 = arith.constant 0 : i32
      %add3A_552 = arith.addi %add3A_551, %mul3A_550 : i32
      %add3A_553 = arith.constant 96 : i32
      %add3A_554 = arith.addi %add3A_552, %add3A_553 : i32
      %get3A_555 = arith.index_cast %add3A_554 : i32 to index
      %get3A_556 = tpu.vector_load %arg6[%get3A_555] {strides = array<i32>} : memref<16384xi32, #tpu.memory_space<vmem>>, vector<16xi32>,
      %mul3A_557 = arith.constant 16 : i32
      %mul3A_558 = arith.muli %scan3A_486, %mul3A_557 : i32
      %mul3A_559 = arith.constant 16 : i32
      %mul3A_560 = arith.muli %mul3A_558, %mul3A_559 : i32
      %add3A_561 = arith.constant 0 : i32
      %add3A_562 = arith.addi %add3A_561, %mul3A_560 : i32
      %add3A_563 = arith.constant 112 : i32
      %add3A_564 = arith.addi %add3A_562, %add3A_563 : i32
      %get3A_565 = arith.index_cast %add3A_564 : i32 to index
      %get3A_566 = tpu.vector_load %arg6[%get3A_565] {strides = array<i32>} : memref<16384xi32, #tpu.memory_space<vmem>>, vector<16xi32>,
      %mul3A_567 = arith.constant 16 : i32
      %mul3A_568 = arith.muli %scan3A_486, %mul3A_567 : i32
      %mul3A_569 = arith.constant 16 : i32
      %mul3A_570 = arith.muli %mul3A_568, %mul3A_569 : i32
      %add3A_571 = arith.constant 0 : i32
      %add3A_572 = arith.addi %add3A_571, %mul3A_570 : i32
      %add3A_573 = arith.constant 128 : i32
      %add3A_574 = arith.addi %add3A_572, %add3A_573 : i32
      %get3A_575 = arith.index_cast %add3A_574 : i32 to index
      %get3A_576 = tpu.vector_load %arg6[%get3A_575] {strides = array<i32>} : memref<16384xi32, #tpu.memory_space<vmem>>, vector<16xi32>,
      %mul3A_577 = arith.constant 16 : i32
      %mul3A_578 = arith.muli %scan3A_486, %mul3A_577 : i32
      %mul3A_579 = arith.constant 16 : i32
      %mul3A_580 = arith.muli %mul3A_578, %mul3A_579 : i32
      %add3A_581 = arith.constant 0 : i32
      %add3A_582 = arith.addi %add3A_581, %mul3A_580 : i32
      %add3A_583 = arith.constant 144 : i32
      %add3A_584 = arith.addi %add3A_582, %add3A_583 : i32
      %get3A_585 = arith.index_cast %add3A_584 : i32 to index
      %get3A_586 = tpu.vector_load %arg6[%get3A_585] {strides = array<i32>} : memref<16384xi32, #tpu.memory_space<vmem>>, vector<16xi32>,
      %mul3A_587 = arith.constant 16 : i32
      %mul3A_588 = arith.muli %scan3A_486, %mul3A_587 : i32
      %mul3A_589 = arith.constant 16 : i32
      %mul3A_590 = arith.muli %mul3A_588, %mul3A_589 : i32
      %add3A_591 = arith.constant 0 : i32
      %add3A_592 = arith.addi %add3A_591, %mul3A_590 : i32
      %add3A_593 = arith.constant 160 : i32
      %add3A_594 = arith.addi %add3A_592, %add3A_593 : i32
      %get3A_595 = arith.index_cast %add3A_594 : i32 to index
      %get3A_596 = tpu.vector_load %arg6[%get3A_595] {strides = array<i32>} : memref<16384xi32, #tpu.memory_space<vmem>>, vector<16xi32>,
      %mul3A_597 = arith.constant 16 : i32
      %mul3A_598 = arith.muli %scan3A_486, %mul3A_597 : i32
      %mul3A_599 = arith.constant 16 : i32
      %mul3A_600 = arith.muli %mul3A_598, %mul3A_599 : i32
      %add3A_601 = arith.constant 0 : i32
      %add3A_602 = arith.addi %add3A_601, %mul3A_600 : i32
      %add3A_603 = arith.constant 176 : i32
      %add3A_604 = arith.addi %add3A_602, %add3A_603 : i32
      %get3A_605 = arith.index_cast %add3A_604 : i32 to index
      %get3A_606 = tpu.vector_load %arg6[%get3A_605] {strides = array<i32>} : memref<16384xi32, #tpu.memory_space<vmem>>, vector<16xi32>,
      %mul3A_607 = arith.constant 16 : i32
      %mul3A_608 = arith.muli %scan3A_486, %mul3A_607 : i32
      %mul3A_609 = arith.constant 16 : i32
      %mul3A_610 = arith.muli %mul3A_608, %mul3A_609 : i32
      %add3A_611 = arith.constant 0 : i32
      %add3A_612 = arith.addi %add3A_611, %mul3A_610 : i32
      %add3A_613 = arith.constant 192 : i32
      %add3A_614 = arith.addi %add3A_612, %add3A_613 : i32
      %get3A_615 = arith.index_cast %add3A_614 : i32 to index
      %get3A_616 = tpu.vector_load %arg6[%get3A_615] {strides = array<i32>} : memref<16384xi32, #tpu.memory_space<vmem>>, vector<16xi32>,
      %mul3A_617 = arith.constant 16 : i32
      %mul3A_618 = arith.muli %scan3A_486, %mul3A_617 : i32
      %mul3A_619 = arith.constant 16 : i32
      %mul3A_620 = arith.muli %mul3A_618, %mul3A_619 : i32
      %add3A_621 = arith.constant 0 : i32
      %add3A_622 = arith.addi %add3A_621, %mul3A_620 : i32
      %add3A_623 = arith.constant 208 : i32
      %add3A_624 = arith.addi %add3A_622, %add3A_623 : i32
      %get3A_625 = arith.index_cast %add3A_624 : i32 to index
      %get3A_626 = tpu.vector_load %arg6[%get3A_625] {strides = array<i32>} : memref<16384xi32, #tpu.memory_space<vmem>>, vector<16xi32>,
      %mul3A_627 = arith.constant 16 : i32
      %mul3A_628 = arith.muli %scan3A_486, %mul3A_627 : i32
      %mul3A_629 = arith.constant 16 : i32
      %mul3A_630 = arith.muli %mul3A_628, %mul3A_629 : i32
      %add3A_631 = arith.constant 0 : i32
      %add3A_632 = arith.addi %add3A_631, %mul3A_630 : i32
      %add3A_633 = arith.constant 224 : i32
      %add3A_634 = arith.addi %add3A_632, %add3A_633 : i32
      %get3A_635 = arith.index_cast %add3A_634 : i32 to index
      %get3A_636 = tpu.vector_load %arg6[%get3A_635] {strides = array<i32>} : memref<16384xi32, #tpu.memory_space<vmem>>, vector<16xi32>,
      %mul3A_637 = arith.constant 16 : i32
      %mul3A_638 = arith.muli %scan3A_486, %mul3A_637 : i32
      %mul3A_639 = arith.constant 16 : i32
      %mul3A_640 = arith.muli %mul3A_638, %mul3A_639 : i32
      %add3A_641 = arith.constant 0 : i32
      %add3A_642 = arith.addi %add3A_641, %mul3A_640 : i32
      %add3A_643 = arith.constant 240 : i32
      %add3A_644 = arith.addi %add3A_642, %add3A_643 : i32
      %get3A_645 = arith.index_cast %add3A_644 : i32 to index
      %get3A_646 = tpu.vector_load %arg6[%get3A_645] {strides = array<i32>} : memref<16384xi32, #tpu.memory_space<vmem>>, vector<16xi32>,
      %gather3A_647 = tpu.vector_load_idx %arg5[%broadcast_in_dim3A_1, %get3A_496] : memref<1x100000xf32, #tpu.memory_space<vmem>>[vector<16xi32>, vector<16xi32>], vector<16xf32>,
      %gather3A_648 = tpu.vector_load_idx %arg5[%broadcast_in_dim3A_1, %get3A_506] : memref<1x100000xf32, #tpu.memory_space<vmem>>[vector<16xi32>, vector<16xi32>], vector<16xf32>,
      %gather3A_649 = tpu.vector_load_idx %arg5[%broadcast_in_dim3A_1, %get3A_516] : memref<1x100000xf32, #tpu.memory_space<vmem>>[vector<16xi32>, vector<16xi32>], vector<16xf32>,
      %gather3A_650 = tpu.vector_load_idx %arg5[%broadcast_in_dim3A_1, %get3A_526] : memref<1x100000xf32, #tpu.memory_space<vmem>>[vector<16xi32>, vector<16xi32>], vector<16xf32>,
      %gather3A_651 = tpu.vector_load_idx %arg5[%broadcast_in_dim3A_1, %get3A_536] : memref<1x100000xf32, #tpu.memory_space<vmem>>[vector<16xi32>, vector<16xi32>], vector<16xf32>,
      %gather3A_652 = tpu.vector_load_idx %arg5[%broadcast_in_dim3A_1, %get3A_546] : memref<1x100000xf32, #tpu.memory_space<vmem>>[vector<16xi32>, vector<16xi32>], vector<16xf32>,
      %gather3A_653 = tpu.vector_load_idx %arg5[%broadcast_in_dim3A_1, %get3A_556] : memref<1x100000xf32, #tpu.memory_space<vmem>>[vector<16xi32>, vector<16xi32>], vector<16xf32>,
      %gather3A_654 = tpu.vector_load_idx %arg5[%broadcast_in_dim3A_1, %get3A_566] : memref<1x100000xf32, #tpu.memory_space<vmem>>[vector<16xi32>, vector<16xi32>], vector<16xf32>,
      %gather3A_655 = tpu.vector_load_idx %arg5[%broadcast_in_dim3A_1, %get3A_576] : memref<1x100000xf32, #tpu.memory_space<vmem>>[vector<16xi32>, vector<16xi32>], vector<16xf32>,
      %gather3A_656 = tpu.vector_load_idx %arg5[%broadcast_in_dim3A_1, %get3A_586] : memref<1x100000xf32, #tpu.memory_space<vmem>>[vector<16xi32>, vector<16xi32>], vector<16xf32>,
      %gather3A_657 = tpu.vector_load_idx %arg5[%broadcast_in_dim3A_1, %get3A_596] : memref<1x100000xf32, #tpu.memory_space<vmem>>[vector<16xi32>, vector<16xi32>], vector<16xf32>,
      %gather3A_658 = tpu.vector_load_idx %arg5[%broadcast_in_dim3A_1, %get3A_606] : memref<1x100000xf32, #tpu.memory_space<vmem>>[vector<16xi32>, vector<16xi32>], vector<16xf32>,
      %gather3A_659 = tpu.vector_load_idx %arg5[%broadcast_in_dim3A_1, %get3A_616] : memref<1x100000xf32, #tpu.memory_space<vmem>>[vector<16xi32>, vector<16xi32>], vector<16xf32>,
      %gather3A_660 = tpu.vector_load_idx %arg5[%broadcast_in_dim3A_1, %get3A_626] : memref<1x100000xf32, #tpu.memory_space<vmem>>[vector<16xi32>, vector<16xi32>], vector<16xf32>,
      %gather3A_661 = tpu.vector_load_idx %arg5[%broadcast_in_dim3A_1, %get3A_636] : memref<1x100000xf32, #tpu.memory_space<vmem>>[vector<16xi32>, vector<16xi32>], vector<16xf32>,
      %gather3A_662 = tpu.vector_load_idx %arg5[%broadcast_in_dim3A_1, %get3A_646] : memref<1x100000xf32, #tpu.memory_space<vmem>>[vector<16xi32>, vector<16xi32>], vector<16xf32>,
      %mul3A_663 = arith.constant 16 : i32
      %mul3A_664 = arith.muli %scan3A_486, %mul3A_663 : i32
      %mul3A_665 = arith.constant 16 : i32
      %mul3A_666 = arith.muli %mul3A_664, %mul3A_665 : i32
      %add3A_667 = arith.constant 0 : i32
      %add3A_668 = arith.addi %mul3A_666, %add3A_667 : i32
      %swap3A_669 = arith.constant 0 : i32
      %swap3A_670 = arith.index_cast %swap3A_669 : i32 to index
      %swap3A_671 = arith.index_cast %add3A_668 : i32 to index
      %swap3A_672 = tpu.vector_load %arg7[%swap3A_670, %swap3A_671] {strides = array<i32>} : memref<1x4096xf32, #tpu.memory_space<vmem>>, vector<16xf32>,
      tpu.vector_store %arg7[%swap3A_670, %swap3A_671], %gather3A_647 {strides = array<i32>} : memref<1x4096xf32, #tpu.memory_space<vmem>>, vector<16xf32>,
      %mul3A_673 = arith.constant 16 : i32
      %mul3A_674 = arith.muli %scan3A_486, %mul3A_673 : i32
      %mul3A_675 = arith.constant 16 : i32
      %mul3A_676 = arith.muli %mul3A_674, %mul3A_675 : i32
      %add3A_677 = arith.constant 16 : i32
      %add3A_678 = arith.addi %mul3A_676, %add3A_677 : i32
      %swap3A_679 = arith.constant 0 : i32
      %swap3A_680 = arith.index_cast %swap3A_679 : i32 to index
      %swap3A_681 = arith.index_cast %add3A_678 : i32 to index
      %swap3A_682 = tpu.vector_load %arg7[%swap3A_680, %swap3A_681] {strides = array<i32>} : memref<1x4096xf32, #tpu.memory_space<vmem>>, vector<16xf32>,
      tpu.vector_store %arg7[%swap3A_680, %swap3A_681], %gather3A_648 {strides = array<i32>} : memref<1x4096xf32, #tpu.memory_space<vmem>>, vector<16xf32>,
      %mul3A_683 = arith.constant 16 : i32
      %mul3A_684 = arith.muli %scan3A_486, %mul3A_683 : i32
      %mul3A_685 = arith.constant 16 : i32
      %mul3A_686 = arith.muli %mul3A_684, %mul3A_685 : i32
      %add3A_687 = arith.constant 32 : i32
      %add3A_688 = arith.addi %mul3A_686, %add3A_687 : i32
      %swap3A_689 = arith.constant 0 : i32
      %swap3A_690 = arith.index_cast %swap3A_689 : i32 to index
      %swap3A_691 = arith.index_cast %add3A_688 : i32 to index
      %swap3A_692 = tpu.vector_load %arg7[%swap3A_690, %swap3A_691] {strides = array<i32>} : memref<1x4096xf32, #tpu.memory_space<vmem>>, vector<16xf32>,
      tpu.vector_store %arg7[%swap3A_690, %swap3A_691], %gather3A_649 {strides = array<i32>} : memref<1x4096xf32, #tpu.memory_space<vmem>>, vector<16xf32>,
      %mul3A_693 = arith.constant 16 : i32
      %mul3A_694 = arith.muli %scan3A_486, %mul3A_693 : i32
      %mul3A_695 = arith.constant 16 : i32
      %mul3A_696 = arith.muli %mul3A_694, %mul3A_695 : i32
      %add3A_697 = arith.constant 48 : i32
      %add3A_698 = arith.addi %mul3A_696, %add3A_697 : i32
      %swap3A_699 = arith.constant 0 : i32
      %swap3A_700 = arith.index_cast %swap3A_699 : i32 to index
      %swap3A_701 = arith.index_cast %add3A_698 : i32 to index
      %swap3A_702 = tpu.vector_load %arg7[%swap3A_700, %swap3A_701] {strides = array<i32>} : memref<1x4096xf32, #tpu.memory_space<vmem>>, vector<16xf32>,
      tpu.vector_store %arg7[%swap3A_700, %swap3A_701], %gather3A_650 {strides = array<i32>} : memref<1x4096xf32, #tpu.memory_space<vmem>>, vector<16xf32>,
      %mul3A_703 = arith.constant 16 : i32
      %mul3A_704 = arith.muli %scan3A_486, %mul3A_703 : i32
      %mul3A_705 = arith.constant 16 : i32
      %mul3A_706 = arith.muli %mul3A_704, %mul3A_705 : i32
      %add3A_707 = arith.constant 64 : i32
      %add3A_708 = arith.addi %mul3A_706, %add3A_707 : i32
      %swap3A_709 = arith.constant 0 : i32
      %swap3A_710 = arith.index_cast %swap3A_709 : i32 to index
      %swap3A_711 = arith.index_cast %add3A_708 : i32 to index
      %swap3A_712 = tpu.vector_load %arg7[%swap3A_710, %swap3A_711] {strides = array<i32>} : memref<1x4096xf32, #tpu.memory_space<vmem>>, vector<16xf32>,
      tpu.vector_store %arg7[%swap3A_710, %swap3A_711], %gather3A_651 {strides = array<i32>} : memref<1x4096xf32, #tpu.memory_space<vmem>>, vector<16xf32>,
      %mul3A_713 = arith.constant 16 : i32
      %mul3A_714 = arith.muli %scan3A_486, %mul3A_713 : i32
      %mul3A_715 = arith.constant 16 : i32
      %mul3A_716 = arith.muli %mul3A_714, %mul3A_715 : i32
      %add3A_717 = arith.constant 80 : i32
      %add3A_718 = arith.addi %mul3A_716, %add3A_717 : i32
      %swap3A_719 = arith.constant 0 : i32
      %swap3A_720 = arith.index_cast %swap3A_719 : i32 to index
      %swap3A_721 = arith.index_cast %add3A_718 : i32 to index
      %swap3A_722 = tpu.vector_load %arg7[%swap3A_720, %swap3A_721] {strides = array<i32>} : memref<1x4096xf32, #tpu.memory_space<vmem>>, vector<16xf32>,
      tpu.vector_store %arg7[%swap3A_720, %swap3A_721], %gather3A_652 {strides = array<i32>} : memref<1x4096xf32, #tpu.memory_space<vmem>>, vector<16xf32>,
      %mul3A_723 = arith.constant 16 : i32
      %mul3A_724 = arith.muli %scan3A_486, %mul3A_723 : i32
      %mul3A_725 = arith.constant 16 : i32
      %mul3A_726 = arith.muli %mul3A_724, %mul3A_725 : i32
      %add3A_727 = arith.constant 96 : i32
      %add3A_728 = arith.addi %mul3A_726, %add3A_727 : i32
      %swap3A_729 = arith.constant 0 : i32
      %swap3A_730 = arith.index_cast %swap3A_729 : i32 to index
      %swap3A_731 = arith.index_cast %add3A_728 : i32 to index
      %swap3A_732 = tpu.vector_load %arg7[%swap3A_730, %swap3A_731] {strides = array<i32>} : memref<1x4096xf32, #tpu.memory_space<vmem>>, vector<16xf32>,
      tpu.vector_store %arg7[%swap3A_730, %swap3A_731], %gather3A_653 {strides = array<i32>} : memref<1x4096xf32, #tpu.memory_space<vmem>>, vector<16xf32>,
      %mul3A_733 = arith.constant 16 : i32
      %mul3A_734 = arith.muli %scan3A_486, %mul3A_733 : i32
      %mul3A_735 = arith.constant 16 : i32
      %mul3A_736 = arith.muli %mul3A_734, %mul3A_735 : i32
      %add3A_737 = arith.constant 112 : i32
      %add3A_738 = arith.addi %mul3A_736, %add3A_737 : i32
      %swap3A_739 = arith.constant 0 : i32
      %swap3A_740 = arith.index_cast %swap3A_739 : i32 to index
      %swap3A_741 = arith.index_cast %add3A_738 : i32 to index
      %swap3A_742 = tpu.vector_load %arg7[%swap3A_740, %swap3A_741] {strides = array<i32>} : memref<1x4096xf32, #tpu.memory_space<vmem>>, vector<16xf32>,
      tpu.vector_store %arg7[%swap3A_740, %swap3A_741], %gather3A_654 {strides = array<i32>} : memref<1x4096xf32, #tpu.memory_space<vmem>>, vector<16xf32>,
      %mul3A_743 = arith.constant 16 : i32
      %mul3A_744 = arith.muli %scan3A_486, %mul3A_743 : i32
      %mul3A_745 = arith.constant 16 : i32
      %mul3A_746 = arith.muli %mul3A_744, %mul3A_745 : i32
      %add3A_747 = arith.constant 128 : i32
      %add3A_748 = arith.addi %mul3A_746, %add3A_747 : i32
      %swap3A_749 = arith.constant 0 : i32
      %swap3A_750 = arith.index_cast %swap3A_749 : i32 to index
      %swap3A_751 = arith.index_cast %add3A_748 : i32 to index
      %swap3A_752 = tpu.vector_load %arg7[%swap3A_750, %swap3A_751] {strides = array<i32>} : memref<1x4096xf32, #tpu.memory_space<vmem>>, vector<16xf32>,
      tpu.vector_store %arg7[%swap3A_750, %swap3A_751], %gather3A_655 {strides = array<i32>} : memref<1x4096xf32, #tpu.memory_space<vmem>>, vector<16xf32>,
      %mul3A_753 = arith.constant 16 : i32
      %mul3A_754 = arith.muli %scan3A_486, %mul3A_753 : i32
      %mul3A_755 = arith.constant 16 : i32
      %mul3A_756 = arith.muli %mul3A_754, %mul3A_755 : i32
      %add3A_757 = arith.constant 144 : i32
      %add3A_758 = arith.addi %mul3A_756, %add3A_757 : i32
      %swap3A_759 = arith.constant 0 : i32
      %swap3A_760 = arith.index_cast %swap3A_759 : i32 to index
      %swap3A_761 = arith.index_cast %add3A_758 : i32 to index
      %swap3A_762 = tpu.vector_load %arg7[%swap3A_760, %swap3A_761] {strides = array<i32>} : memref<1x4096xf32, #tpu.memory_space<vmem>>, vector<16xf32>,
      tpu.vector_store %arg7[%swap3A_760, %swap3A_761], %gather3A_656 {strides = array<i32>} : memref<1x4096xf32, #tpu.memory_space<vmem>>, vector<16xf32>,
      %mul3A_763 = arith.constant 16 : i32
      %mul3A_764 = arith.muli %scan3A_486, %mul3A_763 : i32
      %mul3A_765 = arith.constant 16 : i32
      %mul3A_766 = arith.muli %mul3A_764, %mul3A_765 : i32
      %add3A_767 = arith.constant 160 : i32
      %add3A_768 = arith.addi %mul3A_766, %add3A_767 : i32
      %swap3A_769 = arith.constant 0 : i32
      %swap3A_770 = arith.index_cast %swap3A_769 : i32 to index
      %swap3A_771 = arith.index_cast %add3A_768 : i32 to index
      %swap3A_772 = tpu.vector_load %arg7[%swap3A_770, %swap3A_771] {strides = array<i32>} : memref<1x4096xf32, #tpu.memory_space<vmem>>, vector<16xf32>,
      tpu.vector_store %arg7[%swap3A_770, %swap3A_771], %gather3A_657 {strides = array<i32>} : memref<1x4096xf32, #tpu.memory_space<vmem>>, vector<16xf32>,
      %mul3A_773 = arith.constant 16 : i32
      %mul3A_774 = arith.muli %scan3A_486, %mul3A_773 : i32
      %mul3A_775 = arith.constant 16 : i32
      %mul3A_776 = arith.muli %mul3A_774, %mul3A_775 : i32
      %add3A_777 = arith.constant 176 : i32
      %add3A_778 = arith.addi %mul3A_776, %add3A_777 : i32
      %swap3A_779 = arith.constant 0 : i32
      %swap3A_780 = arith.index_cast %swap3A_779 : i32 to index
      %swap3A_781 = arith.index_cast %add3A_778 : i32 to index
      %swap3A_782 = tpu.vector_load %arg7[%swap3A_780, %swap3A_781] {strides = array<i32>} : memref<1x4096xf32, #tpu.memory_space<vmem>>, vector<16xf32>,
      tpu.vector_store %arg7[%swap3A_780, %swap3A_781], %gather3A_658 {strides = array<i32>} : memref<1x4096xf32, #tpu.memory_space<vmem>>, vector<16xf32>,
      %mul3A_783 = arith.constant 16 : i32
      %mul3A_784 = arith.muli %scan3A_486, %mul3A_783 : i32
      %mul3A_785 = arith.constant 16 : i32
      %mul3A_786 = arith.muli %mul3A_784, %mul3A_785 : i32
      %add3A_787 = arith.constant 192 : i32
      %add3A_788 = arith.addi %mul3A_786, %add3A_787 : i32
      %swap3A_789 = arith.constant 0 : i32
      %swap3A_790 = arith.index_cast %swap3A_789 : i32 to index
      %swap3A_791 = arith.index_cast %add3A_788 : i32 to index
      %swap3A_792 = tpu.vector_load %arg7[%swap3A_790, %swap3A_791] {strides = array<i32>} : memref<1x4096xf32, #tpu.memory_space<vmem>>, vector<16xf32>,
      tpu.vector_store %arg7[%swap3A_790, %swap3A_791], %gather3A_659 {strides = array<i32>} : memref<1x4096xf32, #tpu.memory_space<vmem>>, vector<16xf32>,
      %mul3A_793 = arith.constant 16 : i32
      %mul3A_794 = arith.muli %scan3A_486, %mul3A_793 : i32
      %mul3A_795 = arith.constant 16 : i32
      %mul3A_796 = arith.muli %mul3A_794, %mul3A_795 : i32
      %add3A_797 = arith.constant 208 : i32
      %add3A_798 = arith.addi %mul3A_796, %add3A_797 : i32
      %swap3A_799 = arith.constant 0 : i32
      %swap3A_800 = arith.index_cast %swap3A_799 : i32 to index
      %swap3A_801 = arith.index_cast %add3A_798 : i32 to index
      %swap3A_802 = tpu.vector_load %arg7[%swap3A_800, %swap3A_801] {strides = array<i32>} : memref<1x4096xf32, #tpu.memory_space<vmem>>, vector<16xf32>,
      tpu.vector_store %arg7[%swap3A_800, %swap3A_801], %gather3A_660 {strides = array<i32>} : memref<1x4096xf32, #tpu.memory_space<vmem>>, vector<16xf32>,
      %mul3A_803 = arith.constant 16 : i32
      %mul3A_804 = arith.muli %scan3A_486, %mul3A_803 : i32
      %mul3A_805 = arith.constant 16 : i32
      %mul3A_806 = arith.muli %mul3A_804, %mul3A_805 : i32
      %add3A_807 = arith.constant 224 : i32
      %add3A_808 = arith.addi %mul3A_806, %add3A_807 : i32
      %swap3A_809 = arith.constant 0 : i32
      %swap3A_810 = arith.index_cast %swap3A_809 : i32 to index
      %swap3A_811 = arith.index_cast %add3A_808 : i32 to index
      %swap3A_812 = tpu.vector_load %arg7[%swap3A_810, %swap3A_811] {strides = array<i32>} : memref<1x4096xf32, #tpu.memory_space<vmem>>, vector<16xf32>,
      tpu.vector_store %arg7[%swap3A_810, %swap3A_811], %gather3A_661 {strides = array<i32>} : memref<1x4096xf32, #tpu.memory_space<vmem>>, vector<16xf32>,
      %mul3A_813 = arith.constant 16 : i32
      %mul3A_814 = arith.muli %scan3A_486, %mul3A_813 : i32
      %mul3A_815 = arith.constant 16 : i32
      %mul3A_816 = arith.muli %mul3A_814, %mul3A_815 : i32
      %add3A_817 = arith.constant 240 : i32
      %add3A_818 = arith.addi %mul3A_816, %add3A_817 : i32
      %swap3A_819 = arith.constant 0 : i32
      %swap3A_820 = arith.index_cast %swap3A_819 : i32 to index
      %swap3A_821 = arith.index_cast %add3A_818 : i32 to index
      %swap3A_822 = tpu.vector_load %arg7[%swap3A_820, %swap3A_821] {strides = array<i32>} : memref<1x4096xf32, #tpu.memory_space<vmem>>, vector<16xf32>,
      tpu.vector_store %arg7[%swap3A_820, %swap3A_821], %gather3A_662 {strides = array<i32>} : memref<1x4096xf32, #tpu.memory_space<vmem>>, vector<16xf32>,
    }
    %scan3A_16 = arith.constant 16 : i32
    %dma_start3A_17 = arith.constant 0 : i32
    %dma_start3A_18 = tpu.memref_slice %arg4[%add3A_5, %dma_start3A_17] : memref<64x16384xf32, #tpu.memory_space<hbm>> -> memref<1x4096xf32, #tpu.memory_space<hbm>>
    %dma_start3A_19 = arith.constant 0 : i32
    %dma_start3A_20 = tpu.memref_slice %arg4[%add3A_5, %dma_start3A_19] : memref<64x16384xf32, #tpu.memory_space<hbm>> -> memref<1x4096xf32, #tpu.memory_space<hbm>>
    tpu.enqueue_dma source(%arg7 : memref<1x4096xf32, #tpu.memory_space<vmem>>) target(%dma_start3A_20 : memref<1x4096xf32, #tpu.memory_space<hbm>>) target_semaphore(%arg10 : memref<!tpu.dma_semaphore, #tpu.memory_space<semaphore_mem>>)
    %scan3A_21 = arith.constant 0 : i32
    %scan3A_22 = arith.constant 0 : i32
    %scan3A_23 = arith.constant 16 : i32
    %scan3A_24 = arith.addi %scan3A_22, %scan3A_23 : i32
    %scan3A_25 = arith.constant 2 : i32
    scf.for %scan3A_151 = %scan3A_22 to %scan3A_24 step %scan3A_25  : i32 {
      %mul3A_152 = arith.constant 16 : i32
      %mul3A_153 = arith.muli %scan3A_151, %mul3A_152 : i32
      %mul3A_154 = arith.constant 16 : i32
      %mul3A_155 = arith.muli %mul3A_153, %mul3A_154 : i32
      %add3A_156 = arith.constant 4096 : i32
      %add3A_157 = arith.addi %add3A_156, %mul3A_155 : i32
      %add3A_158 = arith.constant 0 : i32
      %add3A_159 = arith.addi %add3A_157, %add3A_158 : i32
      %get3A = arith.index_cast %add3A_159 : i32 to index
      %get3A_160 = tpu.vector_load %arg6[%get3A] {strides = array<i32>} : memref<16384xi32, #tpu.memory_space<vmem>>, vector<16xi32>,
      %mul3A_161 = arith.constant 16 : i32
      %mul3A_162 = arith.muli %scan3A_151, %mul3A_161 : i32
      %mul3A_163 = arith.constant 16 : i32
      %mul3A_164 = arith.muli %mul3A_162, %mul3A_163 : i32
      %add3A_165 = arith.constant 4096 : i32
      %add3A_166 = arith.addi %add3A_165, %mul3A_164 : i32
      %add3A_167 = arith.constant 16 : i32
      %add3A_168 = arith.addi %add3A_166, %add3A_167 : i32
      %get3A_169 = arith.index_cast %add3A_168 : i32 to index
      %get3A_170 = tpu.vector_load %arg6[%get3A_169] {strides = array<i32>} : memref<16384xi32, #tpu.memory_space<vmem>>, vector<16xi32>,
      %mul3A_171 = arith.constant 16 : i32
      %mul3A_172 = arith.muli %scan3A_151, %mul3A_171 : i32
      %mul3A_173 = arith.constant 16 : i32
      %mul3A_174 = arith.muli %mul3A_172, %mul3A_173 : i32
      %add3A_175 = arith.constant 4096 : i32
      %add3A_176 = arith.addi %add3A_175, %mul3A_174 : i32
      %add3A_177 = arith.constant 32 : i32
      %add3A_178 = arith.addi %add3A_176, %add3A_177 : i32
      %get3A_179 = arith.index_cast %add3A_178 : i32 to index
      %get3A_180 = tpu.vector_load %arg6[%get3A_179] {strides = array<i32>} : memref<16384xi32, #tpu.memory_space<vmem>>, vector<16xi32>,
      %mul3A_181 = arith.constant 16 : i32
      %mul3A_182 = arith.muli %scan3A_151, %mul3A_181 : i32
      %mul3A_183 = arith.constant 16 : i32
      %mul3A_184 = arith.muli %mul3A_182, %mul3A_183 : i32
      %add3A_185 = arith.constant 4096 : i32
      %add3A_186 = arith.addi %add3A_185, %mul3A_184 : i32
      %add3A_187 = arith.constant 48 : i32
      %add3A_188 = arith.addi %add3A_186, %add3A_187 : i32
      %get3A_189 = arith.index_cast %add3A_188 : i32 to index
      %get3A_190 = tpu.vector_load %arg6[%get3A_189] {strides = array<i32>} : memref<16384xi32, #tpu.memory_space<vmem>>, vector<16xi32>,
      %mul3A_191 = arith.constant 16 : i32
      %mul3A_192 = arith.muli %scan3A_151, %mul3A_191 : i32
      %mul3A_193 = arith.constant 16 : i32
      %mul3A_194 = arith.muli %mul3A_192, %mul3A_193 : i32
      %add3A_195 = arith.constant 4096 : i32
      %add3A_196 = arith.addi %add3A_195, %mul3A_194 : i32
      %add3A_197 = arith.constant 64 : i32
      %add3A_198 = arith.addi %add3A_196, %add3A_197 : i32
      %get3A_199 = arith.index_cast %add3A_198 : i32 to index
      %get3A_200 = tpu.vector_load %arg6[%get3A_199] {strides = array<i32>} : memref<16384xi32, #tpu.memory_space<vmem>>, vector<16xi32>,
      %mul3A_201 = arith.constant 16 : i32
      %mul3A_202 = arith.muli %scan3A_151, %mul3A_201 : i32
      %mul3A_203 = arith.constant 16 : i32
      %mul3A_204 = arith.muli %mul3A_202, %mul3A_203 : i32
      %add3A_205 = arith.constant 4096 : i32
      %add3A_206 = arith.addi %add3A_205, %mul3A_204 : i32
      %add3A_207 = arith.constant 80 : i32
      %add3A_208 = arith.addi %add3A_206, %add3A_207 : i32
      %get3A_209 = arith.index_cast %add3A_208 : i32 to index
      %get3A_210 = tpu.vector_load %arg6[%get3A_209] {strides = array<i32>} : memref<16384xi32, #tpu.memory_space<vmem>>, vector<16xi32>,
      %mul3A_211 = arith.constant 16 : i32
      %mul3A_212 = arith.muli %scan3A_151, %mul3A_211 : i32
      %mul3A_213 = arith.constant 16 : i32
      %mul3A_214 = arith.muli %mul3A_212, %mul3A_213 : i32
      %add3A_215 = arith.constant 4096 : i32
      %add3A_216 = arith.addi %add3A_215, %mul3A_214 : i32
      %add3A_217 = arith.constant 96 : i32
      %add3A_218 = arith.addi %add3A_216, %add3A_217 : i32
      %get3A_219 = arith.index_cast %add3A_218 : i32 to index
      %get3A_220 = tpu.vector_load %arg6[%get3A_219] {strides = array<i32>} : memref<16384xi32, #tpu.memory_space<vmem>>, vector<16xi32>,
      %mul3A_221 = arith.constant 16 : i32
      %mul3A_222 = arith.muli %scan3A_151, %mul3A_221 : i32
      %mul3A_223 = arith.constant 16 : i32
      %mul3A_224 = arith.muli %mul3A_222, %mul3A_223 : i32
      %add3A_225 = arith.constant 4096 : i32
      %add3A_226 = arith.addi %add3A_225, %mul3A_224 : i32
      %add3A_227 = arith.constant 112 : i32
      %add3A_228 = arith.addi %add3A_226, %add3A_227 : i32
      %get3A_229 = arith.index_cast %add3A_228 : i32 to index
      %get3A_230 = tpu.vector_load %arg6[%get3A_229] {strides = array<i32>} : memref<16384xi32, #tpu.memory_space<vmem>>, vector<16xi32>,
      %mul3A_231 = arith.constant 16 : i32
      %mul3A_232 = arith.muli %scan3A_151, %mul3A_231 : i32
      %mul3A_233 = arith.constant 16 : i32
      %mul3A_234 = arith.muli %mul3A_232, %mul3A_233 : i32
      %add3A_235 = arith.constant 4096 : i32
      %add3A_236 = arith.addi %add3A_235, %mul3A_234 : i32
      %add3A_237 = arith.constant 128 : i32
      %add3A_238 = arith.addi %add3A_236, %add3A_237 : i32
      %get3A_239 = arith.index_cast %add3A_238 : i32 to index
      %get3A_240 = tpu.vector_load %arg6[%get3A_239] {strides = array<i32>} : memref<16384xi32, #tpu.memory_space<vmem>>, vector<16xi32>,
      %mul3A_241 = arith.constant 16 : i32
      %mul3A_242 = arith.muli %scan3A_151, %mul3A_241 : i32
      %mul3A_243 = arith.constant 16 : i32
      %mul3A_244 = arith.muli %mul3A_242, %mul3A_243 : i32
      %add3A_245 = arith.constant 4096 : i32
      %add3A_246 = arith.addi %add3A_245, %mul3A_244 : i32
      %add3A_247 = arith.constant 144 : i32
      %add3A_248 = arith.addi %add3A_246, %add3A_247 : i32
      %get3A_249 = arith.index_cast %add3A_248 : i32 to index
      %get3A_250 = tpu.vector_load %arg6[%get3A_249] {strides = array<i32>} : memref<16384xi32, #tpu.memory_space<vmem>>, vector<16xi32>,
      %mul3A_251 = arith.constant 16 : i32
      %mul3A_252 = arith.muli %scan3A_151, %mul3A_251 : i32
      %mul3A_253 = arith.constant 16 : i32
      %mul3A_254 = arith.muli %mul3A_252, %mul3A_253 : i32
      %add3A_255 = arith.constant 4096 : i32
      %add3A_256 = arith.addi %add3A_255, %mul3A_254 : i32
      %add3A_257 = arith.constant 160 : i32
      %add3A_258 = arith.addi %add3A_256, %add3A_257 : i32
      %get3A_259 = arith.index_cast %add3A_258 : i32 to index
      %get3A_260 = tpu.vector_load %arg6[%get3A_259] {strides = array<i32>} : memref<16384xi32, #tpu.memory_space<vmem>>, vector<16xi32>,
      %mul3A_261 = arith.constant 16 : i32
      %mul3A_262 = arith.muli %scan3A_151, %mul3A_261 : i32
      %mul3A_263 = arith.constant 16 : i32
      %mul3A_264 = arith.muli %mul3A_262, %mul3A_263 : i32
      %add3A_265 = arith.constant 4096 : i32
      %add3A_266 = arith.addi %add3A_265, %mul3A_264 : i32
      %add3A_267 = arith.constant 176 : i32
      %add3A_268 = arith.addi %add3A_266, %add3A_267 : i32
      %get3A_269 = arith.index_cast %add3A_268 : i32 to index
      %get3A_270 = tpu.vector_load %arg6[%get3A_269] {strides = array<i32>} : memref<16384xi32, #tpu.memory_space<vmem>>, vector<16xi32>,
      %mul3A_271 = arith.constant 16 : i32
      %mul3A_272 = arith.muli %scan3A_151, %mul3A_271 : i32
      %mul3A_273 = arith.constant 16 : i32
      %mul3A_274 = arith.muli %mul3A_272, %mul3A_273 : i32
      %add3A_275 = arith.constant 4096 : i32
      %add3A_276 = arith.addi %add3A_275, %mul3A_274 : i32
      %add3A_277 = arith.constant 192 : i32
      %add3A_278 = arith.addi %add3A_276, %add3A_277 : i32
      %get3A_279 = arith.index_cast %add3A_278 : i32 to index
      %get3A_280 = tpu.vector_load %arg6[%get3A_279] {strides = array<i32>} : memref<16384xi32, #tpu.memory_space<vmem>>, vector<16xi32>,
      %mul3A_281 = arith.constant 16 : i32
      %mul3A_282 = arith.muli %scan3A_151, %mul3A_281 : i32
      %mul3A_283 = arith.constant 16 : i32
      %mul3A_284 = arith.muli %mul3A_282, %mul3A_283 : i32
      %add3A_285 = arith.constant 4096 : i32
      %add3A_286 = arith.addi %add3A_285, %mul3A_284 : i32
      %add3A_287 = arith.constant 208 : i32
      %add3A_288 = arith.addi %add3A_286, %add3A_287 : i32
      %get3A_289 = arith.index_cast %add3A_288 : i32 to index
      %get3A_290 = tpu.vector_load %arg6[%get3A_289] {strides = array<i32>} : memref<16384xi32, #tpu.memory_space<vmem>>, vector<16xi32>,
      %mul3A_291 = arith.constant 16 : i32
      %mul3A_292 = arith.muli %scan3A_151, %mul3A_291 : i32
      %mul3A_293 = arith.constant 16 : i32
      %mul3A_294 = arith.muli %mul3A_292, %mul3A_293 : i32
      %add3A_295 = arith.constant 4096 : i32
      %add3A_296 = arith.addi %add3A_295, %mul3A_294 : i32
      %add3A_297 = arith.constant 224 : i32
      %add3A_298 = arith.addi %add3A_296, %add3A_297 : i32
      %get3A_299 = arith.index_cast %add3A_298 : i32 to index
      %get3A_300 = tpu.vector_load %arg6[%get3A_299] {strides = array<i32>} : memref<16384xi32, #tpu.memory_space<vmem>>, vector<16xi32>,
      %mul3A_301 = arith.constant 16 : i32
      %mul3A_302 = arith.muli %scan3A_151, %mul3A_301 : i32
      %mul3A_303 = arith.constant 16 : i32
      %mul3A_304 = arith.muli %mul3A_302, %mul3A_303 : i32
      %add3A_305 = arith.constant 4096 : i32
      %add3A_306 = arith.addi %add3A_305, %mul3A_304 : i32
      %add3A_307 = arith.constant 240 : i32
      %add3A_308 = arith.addi %add3A_306, %add3A_307 : i32
      %get3A_309 = arith.index_cast %add3A_308 : i32 to index
      %get3A_310 = tpu.vector_load %arg6[%get3A_309] {strides = array<i32>} : memref<16384xi32, #tpu.memory_space<vmem>>, vector<16xi32>,
      %gather3A = tpu.vector_load_idx %arg5[%broadcast_in_dim3A_1, %get3A_160] : memref<1x100000xf32, #tpu.memory_space<vmem>>[vector<16xi32>, vector<16xi32>], vector<16xf32>,
      %gather3A_311 = tpu.vector_load_idx %arg5[%broadcast_in_dim3A_1, %get3A_170] : memref<1x100000xf32, #tpu.memory_space<vmem>>[vector<16xi32>, vector<16xi32>], vector<16xf32>,
      %gather3A_312 = tpu.vector_load_idx %arg5[%broadcast_in_dim3A_1, %get3A_180] : memref<1x100000xf32, #tpu.memory_space<vmem>>[vector<16xi32>, vector<16xi32>], vector<16xf32>,
      %gather3A_313 = tpu.vector_load_idx %arg5[%broadcast_in_dim3A_1, %get3A_190] : memref<1x100000xf32, #tpu.memory_space<vmem>>[vector<16xi32>, vector<16xi32>], vector<16xf32>,
      %gather3A_314 = tpu.vector_load_idx %arg5[%broadcast_in_dim3A_1, %get3A_200] : memref<1x100000xf32, #tpu.memory_space<vmem>>[vector<16xi32>, vector<16xi32>], vector<16xf32>,
      %gather3A_315 = tpu.vector_load_idx %arg5[%broadcast_in_dim3A_1, %get3A_210] : memref<1x100000xf32, #tpu.memory_space<vmem>>[vector<16xi32>, vector<16xi32>], vector<16xf32>,
      %gather3A_316 = tpu.vector_load_idx %arg5[%broadcast_in_dim3A_1, %get3A_220] : memref<1x100000xf32, #tpu.memory_space<vmem>>[vector<16xi32>, vector<16xi32>], vector<16xf32>,
      %gather3A_317 = tpu.vector_load_idx %arg5[%broadcast_in_dim3A_1, %get3A_230] : memref<1x100000xf32, #tpu.memory_space<vmem>>[vector<16xi32>, vector<16xi32>], vector<16xf32>,
      %gather3A_318 = tpu.vector_load_idx %arg5[%broadcast_in_dim3A_1, %get3A_240] : memref<1x100000xf32, #tpu.memory_space<vmem>>[vector<16xi32>, vector<16xi32>], vector<16xf32>,
      %gather3A_319 = tpu.vector_load_idx %arg5[%broadcast_in_dim3A_1, %get3A_250] : memref<1x100000xf32, #tpu.memory_space<vmem>>[vector<16xi32>, vector<16xi32>], vector<16xf32>,
      %gather3A_320 = tpu.vector_load_idx %arg5[%broadcast_in_dim3A_1, %get3A_260] : memref<1x100000xf32, #tpu.memory_space<vmem>>[vector<16xi32>, vector<16xi32>], vector<16xf32>,
      %gather3A_321 = tpu.vector_load_idx %arg5[%broadcast_in_dim3A_1, %get3A_270] : memref<1x100000xf32, #tpu.memory_space<vmem>>[vector<16xi32>, vector<16xi32>], vector<16xf32>,
      %gather3A_322 = tpu.vector_load_idx %arg5[%broadcast_in_dim3A_1, %get3A_280] : memref<1x100000xf32, #tpu.memory_space<vmem>>[vector<16xi32>, vector<16xi32>], vector<16xf32>,
      %gather3A_323 = tpu.vector_load_idx %arg5[%broadcast_in_dim3A_1, %get3A_290] : memref<1x100000xf32, #tpu.memory_space<vmem>>[vector<16xi32>, vector<16xi32>], vector<16xf32>,
      %gather3A_324 = tpu.vector_load_idx %arg5[%broadcast_in_dim3A_1, %get3A_300] : memref<1x100000xf32, #tpu.memory_space<vmem>>[vector<16xi32>, vector<16xi32>], vector<16xf32>,
      %gather3A_325 = tpu.vector_load_idx %arg5[%broadcast_in_dim3A_1, %get3A_310] : memref<1x100000xf32, #tpu.memory_space<vmem>>[vector<16xi32>, vector<16xi32>], vector<16xf32>,
      %mul3A_326 = arith.constant 16 : i32
      %mul3A_327 = arith.muli %scan3A_151, %mul3A_326 : i32
      %mul3A_328 = arith.constant 16 : i32
      %mul3A_329 = arith.muli %mul3A_327, %mul3A_328 : i32
      %add3A_330 = arith.constant 0 : i32
      %add3A_331 = arith.addi %mul3A_329, %add3A_330 : i32
      %swap3A = arith.constant 0 : i32
      %swap3A_332 = arith.index_cast %swap3A : i32 to index
      %swap3A_333 = arith.index_cast %add3A_331 : i32 to index
      %swap3A_334 = tpu.vector_load %arg8[%swap3A_332, %swap3A_333] {strides = array<i32>} : memref<1x4096xf32, #tpu.memory_space<vmem>>, vector<16xf32>,
      tpu.vector_store %arg8[%swap3A_332, %swap3A_333], %gather3A {strides = array<i32>} : memref<1x4096xf32, #tpu.memory_space<vmem>>, vector<16xf32>,
      %mul3A_335 = arith.constant 16 : i32
      %mul3A_336 = arith.muli %scan3A_151, %mul3A_335 : i32
      %mul3A_337 = arith.constant 16 : i32
      %mul3A_338 = arith.muli %mul3A_336, %mul3A_337 : i32
      %add3A_339 = arith.constant 16 : i32
      %add3A_340 = arith.addi %mul3A_338, %add3A_339 : i32
      %swap3A_341 = arith.constant 0 : i32
      %swap3A_342 = arith.index_cast %swap3A_341 : i32 to index
      %swap3A_343 = arith.index_cast %add3A_340 : i32 to index
      %swap3A_344 = tpu.vector_load %arg8[%swap3A_342, %swap3A_343] {strides = array<i32>} : memref<1x4096xf32, #tpu.memory_space<vmem>>, vector<16xf32>,
      tpu.vector_store %arg8[%swap3A_342, %swap3A_343], %gather3A_311 {strides = array<i32>} : memref<1x4096xf32, #tpu.memory_space<vmem>>, vector<16xf32>,
      %mul3A_345 = arith.constant 16 : i32
      %mul3A_346 = arith.muli %scan3A_151, %mul3A_345 : i32
      %mul3A_347 = arith.constant 16 : i32
      %mul3A_348 = arith.muli %mul3A_346, %mul3A_347 : i32
      %add3A_349 = arith.constant 32 : i32
      %add3A_350 = arith.addi %mul3A_348, %add3A_349 : i32
      %swap3A_351 = arith.constant 0 : i32
      %swap3A_352 = arith.index_cast %swap3A_351 : i32 to index
      %swap3A_353 = arith.index_cast %add3A_350 : i32 to index
      %swap3A_354 = tpu.vector_load %arg8[%swap3A_352, %swap3A_353] {strides = array<i32>} : memref<1x4096xf32, #tpu.memory_space<vmem>>, vector<16xf32>,
      tpu.vector_store %arg8[%swap3A_352, %swap3A_353], %gather3A_312 {strides = array<i32>} : memref<1x4096xf32, #tpu.memory_space<vmem>>, vector<16xf32>,
      %mul3A_355 = arith.constant 16 : i32
      %mul3A_356 = arith.muli %scan3A_151, %mul3A_355 : i32
      %mul3A_357 = arith.constant 16 : i32
      %mul3A_358 = arith.muli %mul3A_356, %mul3A_357 : i32
      %add3A_359 = arith.constant 48 : i32
      %add3A_360 = arith.addi %mul3A_358, %add3A_359 : i32
      %swap3A_361 = arith.constant 0 : i32
      %swap3A_362 = arith.index_cast %swap3A_361 : i32 to index
      %swap3A_363 = arith.index_cast %add3A_360 : i32 to index
      %swap3A_364 = tpu.vector_load %arg8[%swap3A_362, %swap3A_363] {strides = array<i32>} : memref<1x4096xf32, #tpu.memory_space<vmem>>, vector<16xf32>,
      tpu.vector_store %arg8[%swap3A_362, %swap3A_363], %gather3A_313 {strides = array<i32>} : memref<1x4096xf32, #tpu.memory_space<vmem>>, vector<16xf32>,
      %mul3A_365 = arith.constant 16 : i32
      %mul3A_366 = arith.muli %scan3A_151, %mul3A_365 : i32
      %mul3A_367 = arith.constant 16 : i32
      %mul3A_368 = arith.muli %mul3A_366, %mul3A_367 : i32
      %add3A_369 = arith.constant 64 : i32
      %add3A_370 = arith.addi %mul3A_368, %add3A_369 : i32
      %swap3A_371 = arith.constant 0 : i32
      %swap3A_372 = arith.index_cast %swap3A_371 : i32 to index
      %swap3A_373 = arith.index_cast %add3A_370 : i32 to index
      %swap3A_374 = tpu.vector_load %arg8[%swap3A_372, %swap3A_373] {strides = array<i32>} : memref<1x4096xf32, #tpu.memory_space<vmem>>, vector<16xf32>,
      tpu.vector_store %arg8[%swap3A_372, %swap3A_373], %gather3A_314 {strides = array<i32>} : memref<1x4096xf32, #tpu.memory_space<vmem>>, vector<16xf32>,
      %mul3A_375 = arith.constant 16 : i32
      %mul3A_376 = arith.muli %scan3A_151, %mul3A_375 : i32
      %mul3A_377 = arith.constant 16 : i32
      %mul3A_378 = arith.muli %mul3A_376, %mul3A_377 : i32
      %add3A_379 = arith.constant 80 : i32
      %add3A_380 = arith.addi %mul3A_378, %add3A_379 : i32
      %swap3A_381 = arith.constant 0 : i32
      %swap3A_382 = arith.index_cast %swap3A_381 : i32 to index
      %swap3A_383 = arith.index_cast %add3A_380 : i32 to index
      %swap3A_384 = tpu.vector_load %arg8[%swap3A_382, %swap3A_383] {strides = array<i32>} : memref<1x4096xf32, #tpu.memory_space<vmem>>, vector<16xf32>,
      tpu.vector_store %arg8[%swap3A_382, %swap3A_383], %gather3A_315 {strides = array<i32>} : memref<1x4096xf32, #tpu.memory_space<vmem>>, vector<16xf32>,
      %mul3A_385 = arith.constant 16 : i32
      %mul3A_386 = arith.muli %scan3A_151, %mul3A_385 : i32
      %mul3A_387 = arith.constant 16 : i32
      %mul3A_388 = arith.muli %mul3A_386, %mul3A_387 : i32
      %add3A_389 = arith.constant 96 : i32
      %add3A_390 = arith.addi %mul3A_388, %add3A_389 : i32
      %swap3A_391 = arith.constant 0 : i32
      %swap3A_392 = arith.index_cast %swap3A_391 : i32 to index
      %swap3A_393 = arith.index_cast %add3A_390 : i32 to index
      %swap3A_394 = tpu.vector_load %arg8[%swap3A_392, %swap3A_393] {strides = array<i32>} : memref<1x4096xf32, #tpu.memory_space<vmem>>, vector<16xf32>,
      tpu.vector_store %arg8[%swap3A_392, %swap3A_393], %gather3A_316 {strides = array<i32>} : memref<1x4096xf32, #tpu.memory_space<vmem>>, vector<16xf32>,
      %mul3A_395 = arith.constant 16 : i32
      %mul3A_396 = arith.muli %scan3A_151, %mul3A_395 : i32
      %mul3A_397 = arith.constant 16 : i32
      %mul3A_398 = arith.muli %mul3A_396, %mul3A_397 : i32
      %add3A_399 = arith.constant 112 : i32
      %add3A_400 = arith.addi %mul3A_398, %add3A_399 : i32
      %swap3A_401 = arith.constant 0 : i32
      %swap3A_402 = arith.index_cast %swap3A_401 : i32 to index
      %swap3A_403 = arith.index_cast %add3A_400 : i32 to index
      %swap3A_404 = tpu.vector_load %arg8[%swap3A_402, %swap3A_403] {strides = array<i32>} : memref<1x4096xf32, #tpu.memory_space<vmem>>, vector<16xf32>,
      tpu.vector_store %arg8[%swap3A_402, %swap3A_403], %gather3A_317 {strides = array<i32>} : memref<1x4096xf32, #tpu.memory_space<vmem>>, vector<16xf32>,
      %mul3A_405 = arith.constant 16 : i32
      %mul3A_406 = arith.muli %scan3A_151, %mul3A_405 : i32
      %mul3A_407 = arith.constant 16 : i32
      %mul3A_408 = arith.muli %mul3A_406, %mul3A_407 : i32
      %add3A_409 = arith.constant 128 : i32
      %add3A_410 = arith.addi %mul3A_408, %add3A_409 : i32
      %swap3A_411 = arith.constant 0 : i32
      %swap3A_412 = arith.index_cast %swap3A_411 : i32 to index
      %swap3A_413 = arith.index_cast %add3A_410 : i32 to index
      %swap3A_414 = tpu.vector_load %arg8[%swap3A_412, %swap3A_413] {strides = array<i32>} : memref<1x4096xf32, #tpu.memory_space<vmem>>, vector<16xf32>,
      tpu.vector_store %arg8[%swap3A_412, %swap3A_413], %gather3A_318 {strides = array<i32>} : memref<1x4096xf32, #tpu.memory_space<vmem>>, vector<16xf32>,
      %mul3A_415 = arith.constant 16 : i32
      %mul3A_416 = arith.muli %scan3A_151, %mul3A_415 : i32
      %mul3A_417 = arith.constant 16 : i32
      %mul3A_418 = arith.muli %mul3A_416, %mul3A_417 : i32
      %add3A_419 = arith.constant 144 : i32
      %add3A_420 = arith.addi %mul3A_418, %add3A_419 : i32
      %swap3A_421 = arith.constant 0 : i32
      %swap3A_422 = arith.index_cast %swap3A_421 : i32 to index
      %swap3A_423 = arith.index_cast %add3A_420 : i32 to index
      %swap3A_424 = tpu.vector_load %arg8[%swap3A_422, %swap3A_423] {strides = array<i32>} : memref<1x4096xf32, #tpu.memory_space<vmem>>, vector<16xf32>,
      tpu.vector_store %arg8[%swap3A_422, %swap3A_423], %gather3A_319 {strides = array<i32>} : memref<1x4096xf32, #tpu.memory_space<vmem>>, vector<16xf32>,
      %mul3A_425 = arith.constant 16 : i32
      %mul3A_426 = arith.muli %scan3A_151, %mul3A_425 : i32
      %mul3A_427 = arith.constant 16 : i32
      %mul3A_428 = arith.muli %mul3A_426, %mul3A_427 : i32
      %add3A_429 = arith.constant 160 : i32
      %add3A_430 = arith.addi %mul3A_428, %add3A_429 : i32
      %swap3A_431 = arith.constant 0 : i32
      %swap3A_432 = arith.index_cast %swap3A_431 : i32 to index
      %swap3A_433 = arith.index_cast %add3A_430 : i32 to index
      %swap3A_434 = tpu.vector_load %arg8[%swap3A_432, %swap3A_433] {strides = array<i32>} : memref<1x4096xf32, #tpu.memory_space<vmem>>, vector<16xf32>,
      tpu.vector_store %arg8[%swap3A_432, %swap3A_433], %gather3A_320 {strides = array<i32>} : memref<1x4096xf32, #tpu.memory_space<vmem>>, vector<16xf32>,
      %mul3A_435 = arith.constant 16 : i32
      %mul3A_436 = arith.muli %scan3A_151, %mul3A_435 : i32
      %mul3A_437 = arith.constant 16 : i32
      %mul3A_438 = arith.muli %mul3A_436, %mul3A_437 : i32
      %add3A_439 = arith.constant 176 : i32
      %add3A_440 = arith.addi %mul3A_438, %add3A_439 : i32
      %swap3A_441 = arith.constant 0 : i32
      %swap3A_442 = arith.index_cast %swap3A_441 : i32 to index
      %swap3A_443 = arith.index_cast %add3A_440 : i32 to index
      %swap3A_444 = tpu.vector_load %arg8[%swap3A_442, %swap3A_443] {strides = array<i32>} : memref<1x4096xf32, #tpu.memory_space<vmem>>, vector<16xf32>,
      tpu.vector_store %arg8[%swap3A_442, %swap3A_443], %gather3A_321 {strides = array<i32>} : memref<1x4096xf32, #tpu.memory_space<vmem>>, vector<16xf32>,
      %mul3A_445 = arith.constant 16 : i32
      %mul3A_446 = arith.muli %scan3A_151, %mul3A_445 : i32
      %mul3A_447 = arith.constant 16 : i32
      %mul3A_448 = arith.muli %mul3A_446, %mul3A_447 : i32
      %add3A_449 = arith.constant 192 : i32
      %add3A_450 = arith.addi %mul3A_448, %add3A_449 : i32
      %swap3A_451 = arith.constant 0 : i32
      %swap3A_452 = arith.index_cast %swap3A_451 : i32 to index
      %swap3A_453 = arith.index_cast %add3A_450 : i32 to index
      %swap3A_454 = tpu.vector_load %arg8[%swap3A_452, %swap3A_453] {strides = array<i32>} : memref<1x4096xf32, #tpu.memory_space<vmem>>, vector<16xf32>,
      tpu.vector_store %arg8[%swap3A_452, %swap3A_453], %gather3A_322 {strides = array<i32>} : memref<1x4096xf32, #tpu.memory_space<vmem>>, vector<16xf32>,
      %mul3A_455 = arith.constant 16 : i32
      %mul3A_456 = arith.muli %scan3A_151, %mul3A_455 : i32
      %mul3A_457 = arith.constant 16 : i32
      %mul3A_458 = arith.muli %mul3A_456, %mul3A_457 : i32
      %add3A_459 = arith.constant 208 : i32
      %add3A_460 = arith.addi %mul3A_458, %add3A_459 : i32
      %swap3A_461 = arith.constant 0 : i32
      %swap3A_462 = arith.index_cast %swap3A_461 : i32 to index
      %swap3A_463 = arith.index_cast %add3A_460 : i32 to index
      %swap3A_464 = tpu.vector_load %arg8[%swap3A_462, %swap3A_463] {strides = array<i32>} : memref<1x4096xf32, #tpu.memory_space<vmem>>, vector<16xf32>,
      tpu.vector_store %arg8[%swap3A_462, %swap3A_463], %gather3A_323 {strides = array<i32>} : memref<1x4096xf32, #tpu.memory_space<vmem>>, vector<16xf32>,
      %mul3A_465 = arith.constant 16 : i32
      %mul3A_466 = arith.muli %scan3A_151, %mul3A_465 : i32
      %mul3A_467 = arith.constant 16 : i32
      %mul3A_468 = arith.muli %mul3A_466, %mul3A_467 : i32
      %add3A_469 = arith.constant 224 : i32
      %add3A_470 = arith.addi %mul3A_468, %add3A_469 : i32
      %swap3A_471 = arith.constant 0 : i32
      %swap3A_472 = arith.index_cast %swap3A_471 : i32 to index
      %swap3A_473 = arith.index_cast %add3A_470 : i32 to index
      %swap3A_474 = tpu.vector_load %arg8[%swap3A_472, %swap3A_473] {strides = array<i32>} : memref<1x4096xf32, #tpu.memory_space<vmem>>, vector<16xf32>,
      tpu.vector_store %arg8[%swap3A_472, %swap3A_473], %gather3A_324 {strides = array<i32>} : memref<1x4096xf32, #tpu.memory_space<vmem>>, vector<16xf32>,
      %mul3A_475 = arith.constant 16 : i32
      %mul3A_476 = arith.muli %scan3A_151, %mul3A_475 : i32
      %mul3A_477 = arith.constant 16 : i32
      %mul3A_478 = arith.muli %mul3A_476, %mul3A_477 : i32
      %add3A_479 = arith.constant 240 : i32
      %add3A_480 = arith.addi %mul3A_478, %add3A_479 : i32
      %swap3A_481 = arith.constant 0 : i32
      %swap3A_482 = arith.index_cast %swap3A_481 : i32 to index
      %swap3A_483 = arith.index_cast %add3A_480 : i32 to index
      %swap3A_484 = tpu.vector_load %arg8[%swap3A_482, %swap3A_483] {strides = array<i32>} : memref<1x4096xf32, #tpu.memory_space<vmem>>, vector<16xf32>,
      tpu.vector_store %arg8[%swap3A_482, %swap3A_483], %gather3A_325 {strides = array<i32>} : memref<1x4096xf32, #tpu.memory_space<vmem>>, vector<16xf32>,
      %scan3A_485 = arith.constant 1 : i32
      %scan3A_486 = arith.addi %scan3A_151, %scan3A_485 : i32
      %mul3A_487 = arith.constant 16 : i32
      %mul3A_488 = arith.muli %scan3A_486, %mul3A_487 : i32
      %mul3A_489 = arith.constant 16 : i32
      %mul3A_490 = arith.muli %mul3A_488, %mul3A_489 : i32
      %add3A_491 = arith.constant 4096 : i32
      %add3A_492 = arith.addi %add3A_491, %mul3A_490 : i32
      %add3A_493 = arith.constant 0 : i32
      %add3A_494 = arith.addi %add3A_492, %add3A_493 : i32
      %get3A_495 = arith.index_cast %add3A_494 : i32 to index
      %get3A_496 = tpu.vector_load %arg6[%get3A_495] {strides = array<i32>} : memref<16384xi32, #tpu.memory_space<vmem>>, vector<16xi32>,
      %mul3A_497 = arith.constant 16 : i32
      %mul3A_498 = arith.muli %scan3A_486, %mul3A_497 : i32
      %mul3A_499 = arith.constant 16 : i32
      %mul3A_500 = arith.muli %mul3A_498, %mul3A_499 : i32
      %add3A_501 = arith.constant 4096 : i32
      %add3A_502 = arith.addi %add3A_501, %mul3A_500 : i32
      %add3A_503 = arith.constant 16 : i32
      %add3A_504 = arith.addi %add3A_502, %add3A_503 : i32
      %get3A_505 = arith.index_cast %add3A_504 : i32 to index
      %get3A_506 = tpu.vector_load %arg6[%get3A_505] {strides = array<i32>} : memref<16384xi32, #tpu.memory_space<vmem>>, vector<16xi32>,
      %mul3A_507 = arith.constant 16 : i32
      %mul3A_508 = arith.muli %scan3A_486, %mul3A_507 : i32
      %mul3A_509 = arith.constant 16 : i32
      %mul3A_510 = arith.muli %mul3A_508, %mul3A_509 : i32
      %add3A_511 = arith.constant 4096 : i32
      %add3A_512 = arith.addi %add3A_511, %mul3A_510 : i32
      %add3A_513 = arith.constant 32 : i32
      %add3A_514 = arith.addi %add3A_512, %add3A_513 : i32
      %get3A_515 = arith.index_cast %add3A_514 : i32 to index
      %get3A_516 = tpu.vector_load %arg6[%get3A_515] {strides = array<i32>} : memref<16384xi32, #tpu.memory_space<vmem>>, vector<16xi32>,
      %mul3A_517 = arith.constant 16 : i32
      %mul3A_518 = arith.muli %scan3A_486, %mul3A_517 : i32
      %mul3A_519 = arith.constant 16 : i32
      %mul3A_520 = arith.muli %mul3A_518, %mul3A_519 : i32
      %add3A_521 = arith.constant 4096 : i32
      %add3A_522 = arith.addi %add3A_521, %mul3A_520 : i32
      %add3A_523 = arith.constant 48 : i32
      %add3A_524 = arith.addi %add3A_522, %add3A_523 : i32
      %get3A_525 = arith.index_cast %add3A_524 : i32 to index
      %get3A_526 = tpu.vector_load %arg6[%get3A_525] {strides = array<i32>} : memref<16384xi32, #tpu.memory_space<vmem>>, vector<16xi32>,
      %mul3A_527 = arith.constant 16 : i32
      %mul3A_528 = arith.muli %scan3A_486, %mul3A_527 : i32
      %mul3A_529 = arith.constant 16 : i32
      %mul3A_530 = arith.muli %mul3A_528, %mul3A_529 : i32
      %add3A_531 = arith.constant 4096 : i32
      %add3A_532 = arith.addi %add3A_531, %mul3A_530 : i32
      %add3A_533 = arith.constant 64 : i32
      %add3A_534 = arith.addi %add3A_532, %add3A_533 : i32
      %get3A_535 = arith.index_cast %add3A_534 : i32 to index
      %get3A_536 = tpu.vector_load %arg6[%get3A_535] {strides = array<i32>} : memref<16384xi32, #tpu.memory_space<vmem>>, vector<16xi32>,
      %mul3A_537 = arith.constant 16 : i32
      %mul3A_538 = arith.muli %scan3A_486, %mul3A_537 : i32
      %mul3A_539 = arith.constant 16 : i32
      %mul3A_540 = arith.muli %mul3A_538, %mul3A_539 : i32
      %add3A_541 = arith.constant 4096 : i32
      %add3A_542 = arith.addi %add3A_541, %mul3A_540 : i32
      %add3A_543 = arith.constant 80 : i32
      %add3A_544 = arith.addi %add3A_542, %add3A_543 : i32
      %get3A_545 = arith.index_cast %add3A_544 : i32 to index
      %get3A_546 = tpu.vector_load %arg6[%get3A_545] {strides = array<i32>} : memref<16384xi32, #tpu.memory_space<vmem>>, vector<16xi32>,
      %mul3A_547 = arith.constant 16 : i32
      %mul3A_548 = arith.muli %scan3A_486, %mul3A_547 : i32
      %mul3A_549 = arith.constant 16 : i32
      %mul3A_550 = arith.muli %mul3A_548, %mul3A_549 : i32
      %add3A_551 = arith.constant 4096 : i32
      %add3A_552 = arith.addi %add3A_551, %mul3A_550 : i32
      %add3A_553 = arith.constant 96 : i32
      %add3A_554 = arith.addi %add3A_552, %add3A_553 : i32
      %get3A_555 = arith.index_cast %add3A_554 : i32 to index
      %get3A_556 = tpu.vector_load %arg6[%get3A_555] {strides = array<i32>} : memref<16384xi32, #tpu.memory_space<vmem>>, vector<16xi32>,
      %mul3A_557 = arith.constant 16 : i32
      %mul3A_558 = arith.muli %scan3A_486, %mul3A_557 : i32
      %mul3A_559 = arith.constant 16 : i32
      %mul3A_560 = arith.muli %mul3A_558, %mul3A_559 : i32
      %add3A_561 = arith.constant 4096 : i32
      %add3A_562 = arith.addi %add3A_561, %mul3A_560 : i32
      %add3A_563 = arith.constant 112 : i32
      %add3A_564 = arith.addi %add3A_562, %add3A_563 : i32
      %get3A_565 = arith.index_cast %add3A_564 : i32 to index
      %get3A_566 = tpu.vector_load %arg6[%get3A_565] {strides = array<i32>} : memref<16384xi32, #tpu.memory_space<vmem>>, vector<16xi32>,
      %mul3A_567 = arith.constant 16 : i32
      %mul3A_568 = arith.muli %scan3A_486, %mul3A_567 : i32
      %mul3A_569 = arith.constant 16 : i32
      %mul3A_570 = arith.muli %mul3A_568, %mul3A_569 : i32
      %add3A_571 = arith.constant 4096 : i32
      %add3A_572 = arith.addi %add3A_571, %mul3A_570 : i32
      %add3A_573 = arith.constant 128 : i32
      %add3A_574 = arith.addi %add3A_572, %add3A_573 : i32
      %get3A_575 = arith.index_cast %add3A_574 : i32 to index
      %get3A_576 = tpu.vector_load %arg6[%get3A_575] {strides = array<i32>} : memref<16384xi32, #tpu.memory_space<vmem>>, vector<16xi32>,
      %mul3A_577 = arith.constant 16 : i32
      %mul3A_578 = arith.muli %scan3A_486, %mul3A_577 : i32
      %mul3A_579 = arith.constant 16 : i32
      %mul3A_580 = arith.muli %mul3A_578, %mul3A_579 : i32
      %add3A_581 = arith.constant 4096 : i32
      %add3A_582 = arith.addi %add3A_581, %mul3A_580 : i32
      %add3A_583 = arith.constant 144 : i32
      %add3A_584 = arith.addi %add3A_582, %add3A_583 : i32
      %get3A_585 = arith.index_cast %add3A_584 : i32 to index
      %get3A_586 = tpu.vector_load %arg6[%get3A_585] {strides = array<i32>} : memref<16384xi32, #tpu.memory_space<vmem>>, vector<16xi32>,
      %mul3A_587 = arith.constant 16 : i32
      %mul3A_588 = arith.muli %scan3A_486, %mul3A_587 : i32
      %mul3A_589 = arith.constant 16 : i32
      %mul3A_590 = arith.muli %mul3A_588, %mul3A_589 : i32
      %add3A_591 = arith.constant 4096 : i32
      %add3A_592 = arith.addi %add3A_591, %mul3A_590 : i32
      %add3A_593 = arith.constant 160 : i32
      %add3A_594 = arith.addi %add3A_592, %add3A_593 : i32
      %get3A_595 = arith.index_cast %add3A_594 : i32 to index
      %get3A_596 = tpu.vector_load %arg6[%get3A_595] {strides = array<i32>} : memref<16384xi32, #tpu.memory_space<vmem>>, vector<16xi32>,
      %mul3A_597 = arith.constant 16 : i32
      %mul3A_598 = arith.muli %scan3A_486, %mul3A_597 : i32
      %mul3A_599 = arith.constant 16 : i32
      %mul3A_600 = arith.muli %mul3A_598, %mul3A_599 : i32
      %add3A_601 = arith.constant 4096 : i32
      %add3A_602 = arith.addi %add3A_601, %mul3A_600 : i32
      %add3A_603 = arith.constant 176 : i32
      %add3A_604 = arith.addi %add3A_602, %add3A_603 : i32
      %get3A_605 = arith.index_cast %add3A_604 : i32 to index
      %get3A_606 = tpu.vector_load %arg6[%get3A_605] {strides = array<i32>} : memref<16384xi32, #tpu.memory_space<vmem>>, vector<16xi32>,
      %mul3A_607 = arith.constant 16 : i32
      %mul3A_608 = arith.muli %scan3A_486, %mul3A_607 : i32
      %mul3A_609 = arith.constant 16 : i32
      %mul3A_610 = arith.muli %mul3A_608, %mul3A_609 : i32
      %add3A_611 = arith.constant 4096 : i32
      %add3A_612 = arith.addi %add3A_611, %mul3A_610 : i32
      %add3A_613 = arith.constant 192 : i32
      %add3A_614 = arith.addi %add3A_612, %add3A_613 : i32
      %get3A_615 = arith.index_cast %add3A_614 : i32 to index
      %get3A_616 = tpu.vector_load %arg6[%get3A_615] {strides = array<i32>} : memref<16384xi32, #tpu.memory_space<vmem>>, vector<16xi32>,
      %mul3A_617 = arith.constant 16 : i32
      %mul3A_618 = arith.muli %scan3A_486, %mul3A_617 : i32
      %mul3A_619 = arith.constant 16 : i32
      %mul3A_620 = arith.muli %mul3A_618, %mul3A_619 : i32
      %add3A_621 = arith.constant 4096 : i32
      %add3A_622 = arith.addi %add3A_621, %mul3A_620 : i32
      %add3A_623 = arith.constant 208 : i32
      %add3A_624 = arith.addi %add3A_622, %add3A_623 : i32
      %get3A_625 = arith.index_cast %add3A_624 : i32 to index
      %get3A_626 = tpu.vector_load %arg6[%get3A_625] {strides = array<i32>} : memref<16384xi32, #tpu.memory_space<vmem>>, vector<16xi32>,
      %mul3A_627 = arith.constant 16 : i32
      %mul3A_628 = arith.muli %scan3A_486, %mul3A_627 : i32
      %mul3A_629 = arith.constant 16 : i32
      %mul3A_630 = arith.muli %mul3A_628, %mul3A_629 : i32
      %add3A_631 = arith.constant 4096 : i32
      %add3A_632 = arith.addi %add3A_631, %mul3A_630 : i32
      %add3A_633 = arith.constant 224 : i32
      %add3A_634 = arith.addi %add3A_632, %add3A_633 : i32
      %get3A_635 = arith.index_cast %add3A_634 : i32 to index
      %get3A_636 = tpu.vector_load %arg6[%get3A_635] {strides = array<i32>} : memref<16384xi32, #tpu.memory_space<vmem>>, vector<16xi32>,
      %mul3A_637 = arith.constant 16 : i32
      %mul3A_638 = arith.muli %scan3A_486, %mul3A_637 : i32
      %mul3A_639 = arith.constant 16 : i32
      %mul3A_640 = arith.muli %mul3A_638, %mul3A_639 : i32
      %add3A_641 = arith.constant 4096 : i32
      %add3A_642 = arith.addi %add3A_641, %mul3A_640 : i32
      %add3A_643 = arith.constant 240 : i32
      %add3A_644 = arith.addi %add3A_642, %add3A_643 : i32
      %get3A_645 = arith.index_cast %add3A_644 : i32 to index
      %get3A_646 = tpu.vector_load %arg6[%get3A_645] {strides = array<i32>} : memref<16384xi32, #tpu.memory_space<vmem>>, vector<16xi32>,
      %gather3A_647 = tpu.vector_load_idx %arg5[%broadcast_in_dim3A_1, %get3A_496] : memref<1x100000xf32, #tpu.memory_space<vmem>>[vector<16xi32>, vector<16xi32>], vector<16xf32>,
      %gather3A_648 = tpu.vector_load_idx %arg5[%broadcast_in_dim3A_1, %get3A_506] : memref<1x100000xf32, #tpu.memory_space<vmem>>[vector<16xi32>, vector<16xi32>], vector<16xf32>,
      %gather3A_649 = tpu.vector_load_idx %arg5[%broadcast_in_dim3A_1, %get3A_516] : memref<1x100000xf32, #tpu.memory_space<vmem>>[vector<16xi32>, vector<16xi32>], vector<16xf32>,
      %gather3A_650 = tpu.vector_load_idx %arg5[%broadcast_in_dim3A_1, %get3A_526] : memref<1x100000xf32, #tpu.memory_space<vmem>>[vector<16xi32>, vector<16xi32>], vector<16xf32>,
      %gather3A_651 = tpu.vector_load_idx %arg5[%broadcast_in_dim3A_1, %get3A_536] : memref<1x100000xf32, #tpu.memory_space<vmem>>[vector<16xi32>, vector<16xi32>], vector<16xf32>,
      %gather3A_652 = tpu.vector_load_idx %arg5[%broadcast_in_dim3A_1, %get3A_546] : memref<1x100000xf32, #tpu.memory_space<vmem>>[vector<16xi32>, vector<16xi32>], vector<16xf32>,
      %gather3A_653 = tpu.vector_load_idx %arg5[%broadcast_in_dim3A_1, %get3A_556] : memref<1x100000xf32, #tpu.memory_space<vmem>>[vector<16xi32>, vector<16xi32>], vector<16xf32>,
      %gather3A_654 = tpu.vector_load_idx %arg5[%broadcast_in_dim3A_1, %get3A_566] : memref<1x100000xf32, #tpu.memory_space<vmem>>[vector<16xi32>, vector<16xi32>], vector<16xf32>,
      %gather3A_655 = tpu.vector_load_idx %arg5[%broadcast_in_dim3A_1, %get3A_576] : memref<1x100000xf32, #tpu.memory_space<vmem>>[vector<16xi32>, vector<16xi32>], vector<16xf32>,
      %gather3A_656 = tpu.vector_load_idx %arg5[%broadcast_in_dim3A_1, %get3A_586] : memref<1x100000xf32, #tpu.memory_space<vmem>>[vector<16xi32>, vector<16xi32>], vector<16xf32>,
      %gather3A_657 = tpu.vector_load_idx %arg5[%broadcast_in_dim3A_1, %get3A_596] : memref<1x100000xf32, #tpu.memory_space<vmem>>[vector<16xi32>, vector<16xi32>], vector<16xf32>,
      %gather3A_658 = tpu.vector_load_idx %arg5[%broadcast_in_dim3A_1, %get3A_606] : memref<1x100000xf32, #tpu.memory_space<vmem>>[vector<16xi32>, vector<16xi32>], vector<16xf32>,
      %gather3A_659 = tpu.vector_load_idx %arg5[%broadcast_in_dim3A_1, %get3A_616] : memref<1x100000xf32, #tpu.memory_space<vmem>>[vector<16xi32>, vector<16xi32>], vector<16xf32>,
      %gather3A_660 = tpu.vector_load_idx %arg5[%broadcast_in_dim3A_1, %get3A_626] : memref<1x100000xf32, #tpu.memory_space<vmem>>[vector<16xi32>, vector<16xi32>], vector<16xf32>,
      %gather3A_661 = tpu.vector_load_idx %arg5[%broadcast_in_dim3A_1, %get3A_636] : memref<1x100000xf32, #tpu.memory_space<vmem>>[vector<16xi32>, vector<16xi32>], vector<16xf32>,
      %gather3A_662 = tpu.vector_load_idx %arg5[%broadcast_in_dim3A_1, %get3A_646] : memref<1x100000xf32, #tpu.memory_space<vmem>>[vector<16xi32>, vector<16xi32>], vector<16xf32>,
      %mul3A_663 = arith.constant 16 : i32
      %mul3A_664 = arith.muli %scan3A_486, %mul3A_663 : i32
      %mul3A_665 = arith.constant 16 : i32
      %mul3A_666 = arith.muli %mul3A_664, %mul3A_665 : i32
      %add3A_667 = arith.constant 0 : i32
      %add3A_668 = arith.addi %mul3A_666, %add3A_667 : i32
      %swap3A_669 = arith.constant 0 : i32
      %swap3A_670 = arith.index_cast %swap3A_669 : i32 to index
      %swap3A_671 = arith.index_cast %add3A_668 : i32 to index
      %swap3A_672 = tpu.vector_load %arg8[%swap3A_670, %swap3A_671] {strides = array<i32>} : memref<1x4096xf32, #tpu.memory_space<vmem>>, vector<16xf32>,
      tpu.vector_store %arg8[%swap3A_670, %swap3A_671], %gather3A_647 {strides = array<i32>} : memref<1x4096xf32, #tpu.memory_space<vmem>>, vector<16xf32>,
      %mul3A_673 = arith.constant 16 : i32
      %mul3A_674 = arith.muli %scan3A_486, %mul3A_673 : i32
      %mul3A_675 = arith.constant 16 : i32
      %mul3A_676 = arith.muli %mul3A_674, %mul3A_675 : i32
      %add3A_677 = arith.constant 16 : i32
      %add3A_678 = arith.addi %mul3A_676, %add3A_677 : i32
      %swap3A_679 = arith.constant 0 : i32
      %swap3A_680 = arith.index_cast %swap3A_679 : i32 to index
      %swap3A_681 = arith.index_cast %add3A_678 : i32 to index
      %swap3A_682 = tpu.vector_load %arg8[%swap3A_680, %swap3A_681] {strides = array<i32>} : memref<1x4096xf32, #tpu.memory_space<vmem>>, vector<16xf32>,
      tpu.vector_store %arg8[%swap3A_680, %swap3A_681], %gather3A_648 {strides = array<i32>} : memref<1x4096xf32, #tpu.memory_space<vmem>>, vector<16xf32>,
      %mul3A_683 = arith.constant 16 : i32
      %mul3A_684 = arith.muli %scan3A_486, %mul3A_683 : i32
      %mul3A_685 = arith.constant 16 : i32
      %mul3A_686 = arith.muli %mul3A_684, %mul3A_685 : i32
      %add3A_687 = arith.constant 32 : i32
      %add3A_688 = arith.addi %mul3A_686, %add3A_687 : i32
      %swap3A_689 = arith.constant 0 : i32
      %swap3A_690 = arith.index_cast %swap3A_689 : i32 to index
      %swap3A_691 = arith.index_cast %add3A_688 : i32 to index
      %swap3A_692 = tpu.vector_load %arg8[%swap3A_690, %swap3A_691] {strides = array<i32>} : memref<1x4096xf32, #tpu.memory_space<vmem>>, vector<16xf32>,
      tpu.vector_store %arg8[%swap3A_690, %swap3A_691], %gather3A_649 {strides = array<i32>} : memref<1x4096xf32, #tpu.memory_space<vmem>>, vector<16xf32>,
      %mul3A_693 = arith.constant 16 : i32
      %mul3A_694 = arith.muli %scan3A_486, %mul3A_693 : i32
      %mul3A_695 = arith.constant 16 : i32
      %mul3A_696 = arith.muli %mul3A_694, %mul3A_695 : i32
      %add3A_697 = arith.constant 48 : i32
      %add3A_698 = arith.addi %mul3A_696, %add3A_697 : i32
      %swap3A_699 = arith.constant 0 : i32
      %swap3A_700 = arith.index_cast %swap3A_699 : i32 to index
      %swap3A_701 = arith.index_cast %add3A_698 : i32 to index
      %swap3A_702 = tpu.vector_load %arg8[%swap3A_700, %swap3A_701] {strides = array<i32>} : memref<1x4096xf32, #tpu.memory_space<vmem>>, vector<16xf32>,
      tpu.vector_store %arg8[%swap3A_700, %swap3A_701], %gather3A_650 {strides = array<i32>} : memref<1x4096xf32, #tpu.memory_space<vmem>>, vector<16xf32>,
      %mul3A_703 = arith.constant 16 : i32
      %mul3A_704 = arith.muli %scan3A_486, %mul3A_703 : i32
      %mul3A_705 = arith.constant 16 : i32
      %mul3A_706 = arith.muli %mul3A_704, %mul3A_705 : i32
      %add3A_707 = arith.constant 64 : i32
      %add3A_708 = arith.addi %mul3A_706, %add3A_707 : i32
      %swap3A_709 = arith.constant 0 : i32
      %swap3A_710 = arith.index_cast %swap3A_709 : i32 to index
      %swap3A_711 = arith.index_cast %add3A_708 : i32 to index
      %swap3A_712 = tpu.vector_load %arg8[%swap3A_710, %swap3A_711] {strides = array<i32>} : memref<1x4096xf32, #tpu.memory_space<vmem>>, vector<16xf32>,
      tpu.vector_store %arg8[%swap3A_710, %swap3A_711], %gather3A_651 {strides = array<i32>} : memref<1x4096xf32, #tpu.memory_space<vmem>>, vector<16xf32>,
      %mul3A_713 = arith.constant 16 : i32
      %mul3A_714 = arith.muli %scan3A_486, %mul3A_713 : i32
      %mul3A_715 = arith.constant 16 : i32
      %mul3A_716 = arith.muli %mul3A_714, %mul3A_715 : i32
      %add3A_717 = arith.constant 80 : i32
      %add3A_718 = arith.addi %mul3A_716, %add3A_717 : i32
      %swap3A_719 = arith.constant 0 : i32
      %swap3A_720 = arith.index_cast %swap3A_719 : i32 to index
      %swap3A_721 = arith.index_cast %add3A_718 : i32 to index
      %swap3A_722 = tpu.vector_load %arg8[%swap3A_720, %swap3A_721] {strides = array<i32>} : memref<1x4096xf32, #tpu.memory_space<vmem>>, vector<16xf32>,
      tpu.vector_store %arg8[%swap3A_720, %swap3A_721], %gather3A_652 {strides = array<i32>} : memref<1x4096xf32, #tpu.memory_space<vmem>>, vector<16xf32>,
      %mul3A_723 = arith.constant 16 : i32
      %mul3A_724 = arith.muli %scan3A_486, %mul3A_723 : i32
      %mul3A_725 = arith.constant 16 : i32
      %mul3A_726 = arith.muli %mul3A_724, %mul3A_725 : i32
      %add3A_727 = arith.constant 96 : i32
      %add3A_728 = arith.addi %mul3A_726, %add3A_727 : i32
      %swap3A_729 = arith.constant 0 : i32
      %swap3A_730 = arith.index_cast %swap3A_729 : i32 to index
      %swap3A_731 = arith.index_cast %add3A_728 : i32 to index
      %swap3A_732 = tpu.vector_load %arg8[%swap3A_730, %swap3A_731] {strides = array<i32>} : memref<1x4096xf32, #tpu.memory_space<vmem>>, vector<16xf32>,
      tpu.vector_store %arg8[%swap3A_730, %swap3A_731], %gather3A_653 {strides = array<i32>} : memref<1x4096xf32, #tpu.memory_space<vmem>>, vector<16xf32>,
      %mul3A_733 = arith.constant 16 : i32
      %mul3A_734 = arith.muli %scan3A_486, %mul3A_733 : i32
      %mul3A_735 = arith.constant 16 : i32
      %mul3A_736 = arith.muli %mul3A_734, %mul3A_735 : i32
      %add3A_737 = arith.constant 112 : i32
      %add3A_738 = arith.addi %mul3A_736, %add3A_737 : i32
      %swap3A_739 = arith.constant 0 : i32
      %swap3A_740 = arith.index_cast %swap3A_739 : i32 to index
      %swap3A_741 = arith.index_cast %add3A_738 : i32 to index
      %swap3A_742 = tpu.vector_load %arg8[%swap3A_740, %swap3A_741] {strides = array<i32>} : memref<1x4096xf32, #tpu.memory_space<vmem>>, vector<16xf32>,
      tpu.vector_store %arg8[%swap3A_740, %swap3A_741], %gather3A_654 {strides = array<i32>} : memref<1x4096xf32, #tpu.memory_space<vmem>>, vector<16xf32>,
      %mul3A_743 = arith.constant 16 : i32
      %mul3A_744 = arith.muli %scan3A_486, %mul3A_743 : i32
      %mul3A_745 = arith.constant 16 : i32
      %mul3A_746 = arith.muli %mul3A_744, %mul3A_745 : i32
      %add3A_747 = arith.constant 128 : i32
      %add3A_748 = arith.addi %mul3A_746, %add3A_747 : i32
      %swap3A_749 = arith.constant 0 : i32
      %swap3A_750 = arith.index_cast %swap3A_749 : i32 to index
      %swap3A_751 = arith.index_cast %add3A_748 : i32 to index
      %swap3A_752 = tpu.vector_load %arg8[%swap3A_750, %swap3A_751] {strides = array<i32>} : memref<1x4096xf32, #tpu.memory_space<vmem>>, vector<16xf32>,
      tpu.vector_store %arg8[%swap3A_750, %swap3A_751], %gather3A_655 {strides = array<i32>} : memref<1x4096xf32, #tpu.memory_space<vmem>>, vector<16xf32>,
      %mul3A_753 = arith.constant 16 : i32
      %mul3A_754 = arith.muli %scan3A_486, %mul3A_753 : i32
      %mul3A_755 = arith.constant 16 : i32
      %mul3A_756 = arith.muli %mul3A_754, %mul3A_755 : i32
      %add3A_757 = arith.constant 144 : i32
      %add3A_758 = arith.addi %mul3A_756, %add3A_757 : i32
      %swap3A_759 = arith.constant 0 : i32
      %swap3A_760 = arith.index_cast %swap3A_759 : i32 to index
      %swap3A_761 = arith.index_cast %add3A_758 : i32 to index
      %swap3A_762 = tpu.vector_load %arg8[%swap3A_760, %swap3A_761] {strides = array<i32>} : memref<1x4096xf32, #tpu.memory_space<vmem>>, vector<16xf32>,
      tpu.vector_store %arg8[%swap3A_760, %swap3A_761], %gather3A_656 {strides = array<i32>} : memref<1x4096xf32, #tpu.memory_space<vmem>>, vector<16xf32>,
      %mul3A_763 = arith.constant 16 : i32
      %mul3A_764 = arith.muli %scan3A_486, %mul3A_763 : i32
      %mul3A_765 = arith.constant 16 : i32
      %mul3A_766 = arith.muli %mul3A_764, %mul3A_765 : i32
      %add3A_767 = arith.constant 160 : i32
      %add3A_768 = arith.addi %mul3A_766, %add3A_767 : i32
      %swap3A_769 = arith.constant 0 : i32
      %swap3A_770 = arith.index_cast %swap3A_769 : i32 to index
      %swap3A_771 = arith.index_cast %add3A_768 : i32 to index
      %swap3A_772 = tpu.vector_load %arg8[%swap3A_770, %swap3A_771] {strides = array<i32>} : memref<1x4096xf32, #tpu.memory_space<vmem>>, vector<16xf32>,
      tpu.vector_store %arg8[%swap3A_770, %swap3A_771], %gather3A_657 {strides = array<i32>} : memref<1x4096xf32, #tpu.memory_space<vmem>>, vector<16xf32>,
      %mul3A_773 = arith.constant 16 : i32
      %mul3A_774 = arith.muli %scan3A_486, %mul3A_773 : i32
      %mul3A_775 = arith.constant 16 : i32
      %mul3A_776 = arith.muli %mul3A_774, %mul3A_775 : i32
      %add3A_777 = arith.constant 176 : i32
      %add3A_778 = arith.addi %mul3A_776, %add3A_777 : i32
      %swap3A_779 = arith.constant 0 : i32
      %swap3A_780 = arith.index_cast %swap3A_779 : i32 to index
      %swap3A_781 = arith.index_cast %add3A_778 : i32 to index
      %swap3A_782 = tpu.vector_load %arg8[%swap3A_780, %swap3A_781] {strides = array<i32>} : memref<1x4096xf32, #tpu.memory_space<vmem>>, vector<16xf32>,
      tpu.vector_store %arg8[%swap3A_780, %swap3A_781], %gather3A_658 {strides = array<i32>} : memref<1x4096xf32, #tpu.memory_space<vmem>>, vector<16xf32>,
      %mul3A_783 = arith.constant 16 : i32
      %mul3A_784 = arith.muli %scan3A_486, %mul3A_783 : i32
      %mul3A_785 = arith.constant 16 : i32
      %mul3A_786 = arith.muli %mul3A_784, %mul3A_785 : i32
      %add3A_787 = arith.constant 192 : i32
      %add3A_788 = arith.addi %mul3A_786, %add3A_787 : i32
      %swap3A_789 = arith.constant 0 : i32
      %swap3A_790 = arith.index_cast %swap3A_789 : i32 to index
      %swap3A_791 = arith.index_cast %add3A_788 : i32 to index
      %swap3A_792 = tpu.vector_load %arg8[%swap3A_790, %swap3A_791] {strides = array<i32>} : memref<1x4096xf32, #tpu.memory_space<vmem>>, vector<16xf32>,
      tpu.vector_store %arg8[%swap3A_790, %swap3A_791], %gather3A_659 {strides = array<i32>} : memref<1x4096xf32, #tpu.memory_space<vmem>>, vector<16xf32>,
      %mul3A_793 = arith.constant 16 : i32
      %mul3A_794 = arith.muli %scan3A_486, %mul3A_793 : i32
      %mul3A_795 = arith.constant 16 : i32
      %mul3A_796 = arith.muli %mul3A_794, %mul3A_795 : i32
      %add3A_797 = arith.constant 208 : i32
      %add3A_798 = arith.addi %mul3A_796, %add3A_797 : i32
      %swap3A_799 = arith.constant 0 : i32
      %swap3A_800 = arith.index_cast %swap3A_799 : i32 to index
      %swap3A_801 = arith.index_cast %add3A_798 : i32 to index
      %swap3A_802 = tpu.vector_load %arg8[%swap3A_800, %swap3A_801] {strides = array<i32>} : memref<1x4096xf32, #tpu.memory_space<vmem>>, vector<16xf32>,
      tpu.vector_store %arg8[%swap3A_800, %swap3A_801], %gather3A_660 {strides = array<i32>} : memref<1x4096xf32, #tpu.memory_space<vmem>>, vector<16xf32>,
      %mul3A_803 = arith.constant 16 : i32
      %mul3A_804 = arith.muli %scan3A_486, %mul3A_803 : i32
      %mul3A_805 = arith.constant 16 : i32
      %mul3A_806 = arith.muli %mul3A_804, %mul3A_805 : i32
      %add3A_807 = arith.constant 224 : i32
      %add3A_808 = arith.addi %mul3A_806, %add3A_807 : i32
      %swap3A_809 = arith.constant 0 : i32
      %swap3A_810 = arith.index_cast %swap3A_809 : i32 to index
      %swap3A_811 = arith.index_cast %add3A_808 : i32 to index
      %swap3A_812 = tpu.vector_load %arg8[%swap3A_810, %swap3A_811] {strides = array<i32>} : memref<1x4096xf32, #tpu.memory_space<vmem>>, vector<16xf32>,
      tpu.vector_store %arg8[%swap3A_810, %swap3A_811], %gather3A_661 {strides = array<i32>} : memref<1x4096xf32, #tpu.memory_space<vmem>>, vector<16xf32>,
      %mul3A_813 = arith.constant 16 : i32
      %mul3A_814 = arith.muli %scan3A_486, %mul3A_813 : i32
      %mul3A_815 = arith.constant 16 : i32
      %mul3A_816 = arith.muli %mul3A_814, %mul3A_815 : i32
      %add3A_817 = arith.constant 240 : i32
      %add3A_818 = arith.addi %mul3A_816, %add3A_817 : i32
      %swap3A_819 = arith.constant 0 : i32
      %swap3A_820 = arith.index_cast %swap3A_819 : i32 to index
      %swap3A_821 = arith.index_cast %add3A_818 : i32 to index
      %swap3A_822 = tpu.vector_load %arg8[%swap3A_820, %swap3A_821] {strides = array<i32>} : memref<1x4096xf32, #tpu.memory_space<vmem>>, vector<16xf32>,
      tpu.vector_store %arg8[%swap3A_820, %swap3A_821], %gather3A_662 {strides = array<i32>} : memref<1x4096xf32, #tpu.memory_space<vmem>>, vector<16xf32>,
    }
    %scan3A_26 = arith.constant 16 : i32
    %dma_start3A_27 = arith.constant 4096 : i32
    %dma_start3A_28 = tpu.memref_slice %arg4[%add3A_5, %dma_start3A_27] : memref<64x16384xf32, #tpu.memory_space<hbm>> -> memref<1x4096xf32, #tpu.memory_space<hbm>>
    %dma_start3A_29 = arith.constant 4096 : i32
    %dma_start3A_30 = tpu.memref_slice %arg4[%add3A_5, %dma_start3A_29] : memref<64x16384xf32, #tpu.memory_space<hbm>> -> memref<1x4096xf32, #tpu.memory_space<hbm>>
    tpu.enqueue_dma source(%arg8 : memref<1x4096xf32, #tpu.memory_space<vmem>>) target(%dma_start3A_30 : memref<1x4096xf32, #tpu.memory_space<hbm>>) target_semaphore(%arg10 : memref<!tpu.dma_semaphore, #tpu.memory_space<semaphore_mem>>)
    %dma_wait3A_31 = arith.constant 0 : i32
    %dma_wait3A_32 = arith.constant 0 : i32
    %dma_wait3A_33 = tpu.memref_slice %arg4[%dma_wait3A_31, %dma_wait3A_32] : memref<64x16384xf32, #tpu.memory_space<hbm>> -> memref<1x4096xf32, #tpu.memory_space<hbm>>
    %dma_wait3A_34 = arith.constant 0 : i32
    %dma_wait3A_35 = arith.constant 0 : i32
    %dma_wait3A_36 = tpu.memref_slice %arg4[%dma_wait3A_34, %dma_wait3A_35] : memref<64x16384xf32, #tpu.memory_space<hbm>> -> memref<1x4096xf32, #tpu.memory_space<hbm>>
    tpu.wait_dma2 semaphore(%arg10 : memref<!tpu.dma_semaphore, #tpu.memory_space<semaphore_mem>>) src(%arg7 : memref<1x4096xf32, #tpu.memory_space<vmem>>) dst(%dma_wait3A_36 : memref<1x4096xf32, #tpu.memory_space<hbm>>)
    %scan3A_37 = arith.constant 0 : i32
    %scan3A_38 = arith.constant 0 : i32
    %scan3A_39 = arith.constant 16 : i32
    %scan3A_40 = arith.addi %scan3A_38, %scan3A_39 : i32
    %scan3A_41 = arith.constant 2 : i32
    scf.for %scan3A_151 = %scan3A_38 to %scan3A_40 step %scan3A_41  : i32 {
      %mul3A_152 = arith.constant 16 : i32
      %mul3A_153 = arith.muli %scan3A_151, %mul3A_152 : i32
      %mul3A_154 = arith.constant 16 : i32
      %mul3A_155 = arith.muli %mul3A_153, %mul3A_154 : i32
      %add3A_156 = arith.constant 8192 : i32
      %add3A_157 = arith.addi %add3A_156, %mul3A_155 : i32
      %add3A_158 = arith.constant 0 : i32
      %add3A_159 = arith.addi %add3A_157, %add3A_158 : i32
      %get3A = arith.index_cast %add3A_159 : i32 to index
      %get3A_160 = tpu.vector_load %arg6[%get3A] {strides = array<i32>} : memref<16384xi32, #tpu.memory_space<vmem>>, vector<16xi32>,
      %mul3A_161 = arith.constant 16 : i32
      %mul3A_162 = arith.muli %scan3A_151, %mul3A_161 : i32
      %mul3A_163 = arith.constant 16 : i32
      %mul3A_164 = arith.muli %mul3A_162, %mul3A_163 : i32
      %add3A_165 = arith.constant 8192 : i32
      %add3A_166 = arith.addi %add3A_165, %mul3A_164 : i32
      %add3A_167 = arith.constant 16 : i32
      %add3A_168 = arith.addi %add3A_166, %add3A_167 : i32
      %get3A_169 = arith.index_cast %add3A_168 : i32 to index
      %get3A_170 = tpu.vector_load %arg6[%get3A_169] {strides = array<i32>} : memref<16384xi32, #tpu.memory_space<vmem>>, vector<16xi32>,
      %mul3A_171 = arith.constant 16 : i32
      %mul3A_172 = arith.muli %scan3A_151, %mul3A_171 : i32
      %mul3A_173 = arith.constant 16 : i32
      %mul3A_174 = arith.muli %mul3A_172, %mul3A_173 : i32
      %add3A_175 = arith.constant 8192 : i32
      %add3A_176 = arith.addi %add3A_175, %mul3A_174 : i32
      %add3A_177 = arith.constant 32 : i32
      %add3A_178 = arith.addi %add3A_176, %add3A_177 : i32
      %get3A_179 = arith.index_cast %add3A_178 : i32 to index
      %get3A_180 = tpu.vector_load %arg6[%get3A_179] {strides = array<i32>} : memref<16384xi32, #tpu.memory_space<vmem>>, vector<16xi32>,
      %mul3A_181 = arith.constant 16 : i32
      %mul3A_182 = arith.muli %scan3A_151, %mul3A_181 : i32
      %mul3A_183 = arith.constant 16 : i32
      %mul3A_184 = arith.muli %mul3A_182, %mul3A_183 : i32
      %add3A_185 = arith.constant 8192 : i32
      %add3A_186 = arith.addi %add3A_185, %mul3A_184 : i32
      %add3A_187 = arith.constant 48 : i32
      %add3A_188 = arith.addi %add3A_186, %add3A_187 : i32
      %get3A_189 = arith.index_cast %add3A_188 : i32 to index
      %get3A_190 = tpu.vector_load %arg6[%get3A_189] {strides = array<i32>} : memref<16384xi32, #tpu.memory_space<vmem>>, vector<16xi32>,
      %mul3A_191 = arith.constant 16 : i32
      %mul3A_192 = arith.muli %scan3A_151, %mul3A_191 : i32
      %mul3A_193 = arith.constant 16 : i32
      %mul3A_194 = arith.muli %mul3A_192, %mul3A_193 : i32
      %add3A_195 = arith.constant 8192 : i32
      %add3A_196 = arith.addi %add3A_195, %mul3A_194 : i32
      %add3A_197 = arith.constant 64 : i32
      %add3A_198 = arith.addi %add3A_196, %add3A_197 : i32
      %get3A_199 = arith.index_cast %add3A_198 : i32 to index
      %get3A_200 = tpu.vector_load %arg6[%get3A_199] {strides = array<i32>} : memref<16384xi32, #tpu.memory_space<vmem>>, vector<16xi32>,
      %mul3A_201 = arith.constant 16 : i32
      %mul3A_202 = arith.muli %scan3A_151, %mul3A_201 : i32
      %mul3A_203 = arith.constant 16 : i32
      %mul3A_204 = arith.muli %mul3A_202, %mul3A_203 : i32
      %add3A_205 = arith.constant 8192 : i32
      %add3A_206 = arith.addi %add3A_205, %mul3A_204 : i32
      %add3A_207 = arith.constant 80 : i32
      %add3A_208 = arith.addi %add3A_206, %add3A_207 : i32
      %get3A_209 = arith.index_cast %add3A_208 : i32 to index
      %get3A_210 = tpu.vector_load %arg6[%get3A_209] {strides = array<i32>} : memref<16384xi32, #tpu.memory_space<vmem>>, vector<16xi32>,
      %mul3A_211 = arith.constant 16 : i32
      %mul3A_212 = arith.muli %scan3A_151, %mul3A_211 : i32
      %mul3A_213 = arith.constant 16 : i32
      %mul3A_214 = arith.muli %mul3A_212, %mul3A_213 : i32
      %add3A_215 = arith.constant 8192 : i32
      %add3A_216 = arith.addi %add3A_215, %mul3A_214 : i32
      %add3A_217 = arith.constant 96 : i32
      %add3A_218 = arith.addi %add3A_216, %add3A_217 : i32
      %get3A_219 = arith.index_cast %add3A_218 : i32 to index
      %get3A_220 = tpu.vector_load %arg6[%get3A_219] {strides = array<i32>} : memref<16384xi32, #tpu.memory_space<vmem>>, vector<16xi32>,
      %mul3A_221 = arith.constant 16 : i32
      %mul3A_222 = arith.muli %scan3A_151, %mul3A_221 : i32
      %mul3A_223 = arith.constant 16 : i32
      %mul3A_224 = arith.muli %mul3A_222, %mul3A_223 : i32
      %add3A_225 = arith.constant 8192 : i32
      %add3A_226 = arith.addi %add3A_225, %mul3A_224 : i32
      %add3A_227 = arith.constant 112 : i32
      %add3A_228 = arith.addi %add3A_226, %add3A_227 : i32
      %get3A_229 = arith.index_cast %add3A_228 : i32 to index
      %get3A_230 = tpu.vector_load %arg6[%get3A_229] {strides = array<i32>} : memref<16384xi32, #tpu.memory_space<vmem>>, vector<16xi32>,
      %mul3A_231 = arith.constant 16 : i32
      %mul3A_232 = arith.muli %scan3A_151, %mul3A_231 : i32
      %mul3A_233 = arith.constant 16 : i32
      %mul3A_234 = arith.muli %mul3A_232, %mul3A_233 : i32
      %add3A_235 = arith.constant 8192 : i32
      %add3A_236 = arith.addi %add3A_235, %mul3A_234 : i32
      %add3A_237 = arith.constant 128 : i32
      %add3A_238 = arith.addi %add3A_236, %add3A_237 : i32
      %get3A_239 = arith.index_cast %add3A_238 : i32 to index
      %get3A_240 = tpu.vector_load %arg6[%get3A_239] {strides = array<i32>} : memref<16384xi32, #tpu.memory_space<vmem>>, vector<16xi32>,
      %mul3A_241 = arith.constant 16 : i32
      %mul3A_242 = arith.muli %scan3A_151, %mul3A_241 : i32
      %mul3A_243 = arith.constant 16 : i32
      %mul3A_244 = arith.muli %mul3A_242, %mul3A_243 : i32
      %add3A_245 = arith.constant 8192 : i32
      %add3A_246 = arith.addi %add3A_245, %mul3A_244 : i32
      %add3A_247 = arith.constant 144 : i32
      %add3A_248 = arith.addi %add3A_246, %add3A_247 : i32
      %get3A_249 = arith.index_cast %add3A_248 : i32 to index
      %get3A_250 = tpu.vector_load %arg6[%get3A_249] {strides = array<i32>} : memref<16384xi32, #tpu.memory_space<vmem>>, vector<16xi32>,
      %mul3A_251 = arith.constant 16 : i32
      %mul3A_252 = arith.muli %scan3A_151, %mul3A_251 : i32
      %mul3A_253 = arith.constant 16 : i32
      %mul3A_254 = arith.muli %mul3A_252, %mul3A_253 : i32
      %add3A_255 = arith.constant 8192 : i32
      %add3A_256 = arith.addi %add3A_255, %mul3A_254 : i32
      %add3A_257 = arith.constant 160 : i32
      %add3A_258 = arith.addi %add3A_256, %add3A_257 : i32
      %get3A_259 = arith.index_cast %add3A_258 : i32 to index
      %get3A_260 = tpu.vector_load %arg6[%get3A_259] {strides = array<i32>} : memref<16384xi32, #tpu.memory_space<vmem>>, vector<16xi32>,
      %mul3A_261 = arith.constant 16 : i32
      %mul3A_262 = arith.muli %scan3A_151, %mul3A_261 : i32
      %mul3A_263 = arith.constant 16 : i32
      %mul3A_264 = arith.muli %mul3A_262, %mul3A_263 : i32
      %add3A_265 = arith.constant 8192 : i32
      %add3A_266 = arith.addi %add3A_265, %mul3A_264 : i32
      %add3A_267 = arith.constant 176 : i32
      %add3A_268 = arith.addi %add3A_266, %add3A_267 : i32
      %get3A_269 = arith.index_cast %add3A_268 : i32 to index
      %get3A_270 = tpu.vector_load %arg6[%get3A_269] {strides = array<i32>} : memref<16384xi32, #tpu.memory_space<vmem>>, vector<16xi32>,
      %mul3A_271 = arith.constant 16 : i32
      %mul3A_272 = arith.muli %scan3A_151, %mul3A_271 : i32
      %mul3A_273 = arith.constant 16 : i32
      %mul3A_274 = arith.muli %mul3A_272, %mul3A_273 : i32
      %add3A_275 = arith.constant 8192 : i32
      %add3A_276 = arith.addi %add3A_275, %mul3A_274 : i32
      %add3A_277 = arith.constant 192 : i32
      %add3A_278 = arith.addi %add3A_276, %add3A_277 : i32
      %get3A_279 = arith.index_cast %add3A_278 : i32 to index
      %get3A_280 = tpu.vector_load %arg6[%get3A_279] {strides = array<i32>} : memref<16384xi32, #tpu.memory_space<vmem>>, vector<16xi32>,
      %mul3A_281 = arith.constant 16 : i32
      %mul3A_282 = arith.muli %scan3A_151, %mul3A_281 : i32
      %mul3A_283 = arith.constant 16 : i32
      %mul3A_284 = arith.muli %mul3A_282, %mul3A_283 : i32
      %add3A_285 = arith.constant 8192 : i32
      %add3A_286 = arith.addi %add3A_285, %mul3A_284 : i32
      %add3A_287 = arith.constant 208 : i32
      %add3A_288 = arith.addi %add3A_286, %add3A_287 : i32
      %get3A_289 = arith.index_cast %add3A_288 : i32 to index
      %get3A_290 = tpu.vector_load %arg6[%get3A_289] {strides = array<i32>} : memref<16384xi32, #tpu.memory_space<vmem>>, vector<16xi32>,
      %mul3A_291 = arith.constant 16 : i32
      %mul3A_292 = arith.muli %scan3A_151, %mul3A_291 : i32
      %mul3A_293 = arith.constant 16 : i32
      %mul3A_294 = arith.muli %mul3A_292, %mul3A_293 : i32
      %add3A_295 = arith.constant 8192 : i32
      %add3A_296 = arith.addi %add3A_295, %mul3A_294 : i32
      %add3A_297 = arith.constant 224 : i32
      %add3A_298 = arith.addi %add3A_296, %add3A_297 : i32
      %get3A_299 = arith.index_cast %add3A_298 : i32 to index
      %get3A_300 = tpu.vector_load %arg6[%get3A_299] {strides = array<i32>} : memref<16384xi32, #tpu.memory_space<vmem>>, vector<16xi32>,
      %mul3A_301 = arith.constant 16 : i32
      %mul3A_302 = arith.muli %scan3A_151, %mul3A_301 : i32
      %mul3A_303 = arith.constant 16 : i32
      %mul3A_304 = arith.muli %mul3A_302, %mul3A_303 : i32
      %add3A_305 = arith.constant 8192 : i32
      %add3A_306 = arith.addi %add3A_305, %mul3A_304 : i32
      %add3A_307 = arith.constant 240 : i32
      %add3A_308 = arith.addi %add3A_306, %add3A_307 : i32
      %get3A_309 = arith.index_cast %add3A_308 : i32 to index
      %get3A_310 = tpu.vector_load %arg6[%get3A_309] {strides = array<i32>} : memref<16384xi32, #tpu.memory_space<vmem>>, vector<16xi32>,
      %gather3A = tpu.vector_load_idx %arg5[%broadcast_in_dim3A_1, %get3A_160] : memref<1x100000xf32, #tpu.memory_space<vmem>>[vector<16xi32>, vector<16xi32>], vector<16xf32>,
      %gather3A_311 = tpu.vector_load_idx %arg5[%broadcast_in_dim3A_1, %get3A_170] : memref<1x100000xf32, #tpu.memory_space<vmem>>[vector<16xi32>, vector<16xi32>], vector<16xf32>,
      %gather3A_312 = tpu.vector_load_idx %arg5[%broadcast_in_dim3A_1, %get3A_180] : memref<1x100000xf32, #tpu.memory_space<vmem>>[vector<16xi32>, vector<16xi32>], vector<16xf32>,
      %gather3A_313 = tpu.vector_load_idx %arg5[%broadcast_in_dim3A_1, %get3A_190] : memref<1x100000xf32, #tpu.memory_space<vmem>>[vector<16xi32>, vector<16xi32>], vector<16xf32>,
      %gather3A_314 = tpu.vector_load_idx %arg5[%broadcast_in_dim3A_1, %get3A_200] : memref<1x100000xf32, #tpu.memory_space<vmem>>[vector<16xi32>, vector<16xi32>], vector<16xf32>,
      %gather3A_315 = tpu.vector_load_idx %arg5[%broadcast_in_dim3A_1, %get3A_210] : memref<1x100000xf32, #tpu.memory_space<vmem>>[vector<16xi32>, vector<16xi32>], vector<16xf32>,
      %gather3A_316 = tpu.vector_load_idx %arg5[%broadcast_in_dim3A_1, %get3A_220] : memref<1x100000xf32, #tpu.memory_space<vmem>>[vector<16xi32>, vector<16xi32>], vector<16xf32>,
      %gather3A_317 = tpu.vector_load_idx %arg5[%broadcast_in_dim3A_1, %get3A_230] : memref<1x100000xf32, #tpu.memory_space<vmem>>[vector<16xi32>, vector<16xi32>], vector<16xf32>,
      %gather3A_318 = tpu.vector_load_idx %arg5[%broadcast_in_dim3A_1, %get3A_240] : memref<1x100000xf32, #tpu.memory_space<vmem>>[vector<16xi32>, vector<16xi32>], vector<16xf32>,
      %gather3A_319 = tpu.vector_load_idx %arg5[%broadcast_in_dim3A_1, %get3A_250] : memref<1x100000xf32, #tpu.memory_space<vmem>>[vector<16xi32>, vector<16xi32>], vector<16xf32>,
      %gather3A_320 = tpu.vector_load_idx %arg5[%broadcast_in_dim3A_1, %get3A_260] : memref<1x100000xf32, #tpu.memory_space<vmem>>[vector<16xi32>, vector<16xi32>], vector<16xf32>,
      %gather3A_321 = tpu.vector_load_idx %arg5[%broadcast_in_dim3A_1, %get3A_270] : memref<1x100000xf32, #tpu.memory_space<vmem>>[vector<16xi32>, vector<16xi32>], vector<16xf32>,
      %gather3A_322 = tpu.vector_load_idx %arg5[%broadcast_in_dim3A_1, %get3A_280] : memref<1x100000xf32, #tpu.memory_space<vmem>>[vector<16xi32>, vector<16xi32>], vector<16xf32>,
      %gather3A_323 = tpu.vector_load_idx %arg5[%broadcast_in_dim3A_1, %get3A_290] : memref<1x100000xf32, #tpu.memory_space<vmem>>[vector<16xi32>, vector<16xi32>], vector<16xf32>,
      %gather3A_324 = tpu.vector_load_idx %arg5[%broadcast_in_dim3A_1, %get3A_300] : memref<1x100000xf32, #tpu.memory_space<vmem>>[vector<16xi32>, vector<16xi32>], vector<16xf32>,
      %gather3A_325 = tpu.vector_load_idx %arg5[%broadcast_in_dim3A_1, %get3A_310] : memref<1x100000xf32, #tpu.memory_space<vmem>>[vector<16xi32>, vector<16xi32>], vector<16xf32>,
      %mul3A_326 = arith.constant 16 : i32
      %mul3A_327 = arith.muli %scan3A_151, %mul3A_326 : i32
      %mul3A_328 = arith.constant 16 : i32
      %mul3A_329 = arith.muli %mul3A_327, %mul3A_328 : i32
      %add3A_330 = arith.constant 0 : i32
      %add3A_331 = arith.addi %mul3A_329, %add3A_330 : i32
      %swap3A = arith.constant 0 : i32
      %swap3A_332 = arith.index_cast %swap3A : i32 to index
      %swap3A_333 = arith.index_cast %add3A_331 : i32 to index
      %swap3A_334 = tpu.vector_load %arg7[%swap3A_332, %swap3A_333] {strides = array<i32>} : memref<1x4096xf32, #tpu.memory_space<vmem>>, vector<16xf32>,
      tpu.vector_store %arg7[%swap3A_332, %swap3A_333], %gather3A {strides = array<i32>} : memref<1x4096xf32, #tpu.memory_space<vmem>>, vector<16xf32>,
      %mul3A_335 = arith.constant 16 : i32
      %mul3A_336 = arith.muli %scan3A_151, %mul3A_335 : i32
      %mul3A_337 = arith.constant 16 : i32
      %mul3A_338 = arith.muli %mul3A_336, %mul3A_337 : i32
      %add3A_339 = arith.constant 16 : i32
      %add3A_340 = arith.addi %mul3A_338, %add3A_339 : i32
      %swap3A_341 = arith.constant 0 : i32
      %swap3A_342 = arith.index_cast %swap3A_341 : i32 to index
      %swap3A_343 = arith.index_cast %add3A_340 : i32 to index
      %swap3A_344 = tpu.vector_load %arg7[%swap3A_342, %swap3A_343] {strides = array<i32>} : memref<1x4096xf32, #tpu.memory_space<vmem>>, vector<16xf32>,
      tpu.vector_store %arg7[%swap3A_342, %swap3A_343], %gather3A_311 {strides = array<i32>} : memref<1x4096xf32, #tpu.memory_space<vmem>>, vector<16xf32>,
      %mul3A_345 = arith.constant 16 : i32
      %mul3A_346 = arith.muli %scan3A_151, %mul3A_345 : i32
      %mul3A_347 = arith.constant 16 : i32
      %mul3A_348 = arith.muli %mul3A_346, %mul3A_347 : i32
      %add3A_349 = arith.constant 32 : i32
      %add3A_350 = arith.addi %mul3A_348, %add3A_349 : i32
      %swap3A_351 = arith.constant 0 : i32
      %swap3A_352 = arith.index_cast %swap3A_351 : i32 to index
      %swap3A_353 = arith.index_cast %add3A_350 : i32 to index
      %swap3A_354 = tpu.vector_load %arg7[%swap3A_352, %swap3A_353] {strides = array<i32>} : memref<1x4096xf32, #tpu.memory_space<vmem>>, vector<16xf32>,
      tpu.vector_store %arg7[%swap3A_352, %swap3A_353], %gather3A_312 {strides = array<i32>} : memref<1x4096xf32, #tpu.memory_space<vmem>>, vector<16xf32>,
      %mul3A_355 = arith.constant 16 : i32
      %mul3A_356 = arith.muli %scan3A_151, %mul3A_355 : i32
      %mul3A_357 = arith.constant 16 : i32
      %mul3A_358 = arith.muli %mul3A_356, %mul3A_357 : i32
      %add3A_359 = arith.constant 48 : i32
      %add3A_360 = arith.addi %mul3A_358, %add3A_359 : i32
      %swap3A_361 = arith.constant 0 : i32
      %swap3A_362 = arith.index_cast %swap3A_361 : i32 to index
      %swap3A_363 = arith.index_cast %add3A_360 : i32 to index
      %swap3A_364 = tpu.vector_load %arg7[%swap3A_362, %swap3A_363] {strides = array<i32>} : memref<1x4096xf32, #tpu.memory_space<vmem>>, vector<16xf32>,
      tpu.vector_store %arg7[%swap3A_362, %swap3A_363], %gather3A_313 {strides = array<i32>} : memref<1x4096xf32, #tpu.memory_space<vmem>>, vector<16xf32>,
      %mul3A_365 = arith.constant 16 : i32
      %mul3A_366 = arith.muli %scan3A_151, %mul3A_365 : i32
      %mul3A_367 = arith.constant 16 : i32
      %mul3A_368 = arith.muli %mul3A_366, %mul3A_367 : i32
      %add3A_369 = arith.constant 64 : i32
      %add3A_370 = arith.addi %mul3A_368, %add3A_369 : i32
      %swap3A_371 = arith.constant 0 : i32
      %swap3A_372 = arith.index_cast %swap3A_371 : i32 to index
      %swap3A_373 = arith.index_cast %add3A_370 : i32 to index
      %swap3A_374 = tpu.vector_load %arg7[%swap3A_372, %swap3A_373] {strides = array<i32>} : memref<1x4096xf32, #tpu.memory_space<vmem>>, vector<16xf32>,
      tpu.vector_store %arg7[%swap3A_372, %swap3A_373], %gather3A_314 {strides = array<i32>} : memref<1x4096xf32, #tpu.memory_space<vmem>>, vector<16xf32>,
      %mul3A_375 = arith.constant 16 : i32
      %mul3A_376 = arith.muli %scan3A_151, %mul3A_375 : i32
      %mul3A_377 = arith.constant 16 : i32
      %mul3A_378 = arith.muli %mul3A_376, %mul3A_377 : i32
      %add3A_379 = arith.constant 80 : i32
      %add3A_380 = arith.addi %mul3A_378, %add3A_379 : i32
      %swap3A_381 = arith.constant 0 : i32
      %swap3A_382 = arith.index_cast %swap3A_381 : i32 to index
      %swap3A_383 = arith.index_cast %add3A_380 : i32 to index
      %swap3A_384 = tpu.vector_load %arg7[%swap3A_382, %swap3A_383] {strides = array<i32>} : memref<1x4096xf32, #tpu.memory_space<vmem>>, vector<16xf32>,
      tpu.vector_store %arg7[%swap3A_382, %swap3A_383], %gather3A_315 {strides = array<i32>} : memref<1x4096xf32, #tpu.memory_space<vmem>>, vector<16xf32>,
      %mul3A_385 = arith.constant 16 : i32
      %mul3A_386 = arith.muli %scan3A_151, %mul3A_385 : i32
      %mul3A_387 = arith.constant 16 : i32
      %mul3A_388 = arith.muli %mul3A_386, %mul3A_387 : i32
      %add3A_389 = arith.constant 96 : i32
      %add3A_390 = arith.addi %mul3A_388, %add3A_389 : i32
      %swap3A_391 = arith.constant 0 : i32
      %swap3A_392 = arith.index_cast %swap3A_391 : i32 to index
      %swap3A_393 = arith.index_cast %add3A_390 : i32 to index
      %swap3A_394 = tpu.vector_load %arg7[%swap3A_392, %swap3A_393] {strides = array<i32>} : memref<1x4096xf32, #tpu.memory_space<vmem>>, vector<16xf32>,
      tpu.vector_store %arg7[%swap3A_392, %swap3A_393], %gather3A_316 {strides = array<i32>} : memref<1x4096xf32, #tpu.memory_space<vmem>>, vector<16xf32>,
      %mul3A_395 = arith.constant 16 : i32
      %mul3A_396 = arith.muli %scan3A_151, %mul3A_395 : i32
      %mul3A_397 = arith.constant 16 : i32
      %mul3A_398 = arith.muli %mul3A_396, %mul3A_397 : i32
      %add3A_399 = arith.constant 112 : i32
      %add3A_400 = arith.addi %mul3A_398, %add3A_399 : i32
      %swap3A_401 = arith.constant 0 : i32
      %swap3A_402 = arith.index_cast %swap3A_401 : i32 to index
      %swap3A_403 = arith.index_cast %add3A_400 : i32 to index
      %swap3A_404 = tpu.vector_load %arg7[%swap3A_402, %swap3A_403] {strides = array<i32>} : memref<1x4096xf32, #tpu.memory_space<vmem>>, vector<16xf32>,
      tpu.vector_store %arg7[%swap3A_402, %swap3A_403], %gather3A_317 {strides = array<i32>} : memref<1x4096xf32, #tpu.memory_space<vmem>>, vector<16xf32>,
      %mul3A_405 = arith.constant 16 : i32
      %mul3A_406 = arith.muli %scan3A_151, %mul3A_405 : i32
      %mul3A_407 = arith.constant 16 : i32
      %mul3A_408 = arith.muli %mul3A_406, %mul3A_407 : i32
      %add3A_409 = arith.constant 128 : i32
      %add3A_410 = arith.addi %mul3A_408, %add3A_409 : i32
      %swap3A_411 = arith.constant 0 : i32
      %swap3A_412 = arith.index_cast %swap3A_411 : i32 to index
      %swap3A_413 = arith.index_cast %add3A_410 : i32 to index
      %swap3A_414 = tpu.vector_load %arg7[%swap3A_412, %swap3A_413] {strides = array<i32>} : memref<1x4096xf32, #tpu.memory_space<vmem>>, vector<16xf32>,
      tpu.vector_store %arg7[%swap3A_412, %swap3A_413], %gather3A_318 {strides = array<i32>} : memref<1x4096xf32, #tpu.memory_space<vmem>>, vector<16xf32>,
      %mul3A_415 = arith.constant 16 : i32
      %mul3A_416 = arith.muli %scan3A_151, %mul3A_415 : i32
      %mul3A_417 = arith.constant 16 : i32
      %mul3A_418 = arith.muli %mul3A_416, %mul3A_417 : i32
      %add3A_419 = arith.constant 144 : i32
      %add3A_420 = arith.addi %mul3A_418, %add3A_419 : i32
      %swap3A_421 = arith.constant 0 : i32
      %swap3A_422 = arith.index_cast %swap3A_421 : i32 to index
      %swap3A_423 = arith.index_cast %add3A_420 : i32 to index
      %swap3A_424 = tpu.vector_load %arg7[%swap3A_422, %swap3A_423] {strides = array<i32>} : memref<1x4096xf32, #tpu.memory_space<vmem>>, vector<16xf32>,
      tpu.vector_store %arg7[%swap3A_422, %swap3A_423], %gather3A_319 {strides = array<i32>} : memref<1x4096xf32, #tpu.memory_space<vmem>>, vector<16xf32>,
      %mul3A_425 = arith.constant 16 : i32
      %mul3A_426 = arith.muli %scan3A_151, %mul3A_425 : i32
      %mul3A_427 = arith.constant 16 : i32
      %mul3A_428 = arith.muli %mul3A_426, %mul3A_427 : i32
      %add3A_429 = arith.constant 160 : i32
      %add3A_430 = arith.addi %mul3A_428, %add3A_429 : i32
      %swap3A_431 = arith.constant 0 : i32
      %swap3A_432 = arith.index_cast %swap3A_431 : i32 to index
      %swap3A_433 = arith.index_cast %add3A_430 : i32 to index
      %swap3A_434 = tpu.vector_load %arg7[%swap3A_432, %swap3A_433] {strides = array<i32>} : memref<1x4096xf32, #tpu.memory_space<vmem>>, vector<16xf32>,
      tpu.vector_store %arg7[%swap3A_432, %swap3A_433], %gather3A_320 {strides = array<i32>} : memref<1x4096xf32, #tpu.memory_space<vmem>>, vector<16xf32>,
      %mul3A_435 = arith.constant 16 : i32
      %mul3A_436 = arith.muli %scan3A_151, %mul3A_435 : i32
      %mul3A_437 = arith.constant 16 : i32
      %mul3A_438 = arith.muli %mul3A_436, %mul3A_437 : i32
      %add3A_439 = arith.constant 176 : i32
      %add3A_440 = arith.addi %mul3A_438, %add3A_439 : i32
      %swap3A_441 = arith.constant 0 : i32
      %swap3A_442 = arith.index_cast %swap3A_441 : i32 to index
      %swap3A_443 = arith.index_cast %add3A_440 : i32 to index
      %swap3A_444 = tpu.vector_load %arg7[%swap3A_442, %swap3A_443] {strides = array<i32>} : memref<1x4096xf32, #tpu.memory_space<vmem>>, vector<16xf32>,
      tpu.vector_store %arg7[%swap3A_442, %swap3A_443], %gather3A_321 {strides = array<i32>} : memref<1x4096xf32, #tpu.memory_space<vmem>>, vector<16xf32>,
      %mul3A_445 = arith.constant 16 : i32
      %mul3A_446 = arith.muli %scan3A_151, %mul3A_445 : i32
      %mul3A_447 = arith.constant 16 : i32
      %mul3A_448 = arith.muli %mul3A_446, %mul3A_447 : i32
      %add3A_449 = arith.constant 192 : i32
      %add3A_450 = arith.addi %mul3A_448, %add3A_449 : i32
      %swap3A_451 = arith.constant 0 : i32
      %swap3A_452 = arith.index_cast %swap3A_451 : i32 to index
      %swap3A_453 = arith.index_cast %add3A_450 : i32 to index
      %swap3A_454 = tpu.vector_load %arg7[%swap3A_452, %swap3A_453] {strides = array<i32>} : memref<1x4096xf32, #tpu.memory_space<vmem>>, vector<16xf32>,
      tpu.vector_store %arg7[%swap3A_452, %swap3A_453], %gather3A_322 {strides = array<i32>} : memref<1x4096xf32, #tpu.memory_space<vmem>>, vector<16xf32>,
      %mul3A_455 = arith.constant 16 : i32
      %mul3A_456 = arith.muli %scan3A_151, %mul3A_455 : i32
      %mul3A_457 = arith.constant 16 : i32
      %mul3A_458 = arith.muli %mul3A_456, %mul3A_457 : i32
      %add3A_459 = arith.constant 208 : i32
      %add3A_460 = arith.addi %mul3A_458, %add3A_459 : i32
      %swap3A_461 = arith.constant 0 : i32
      %swap3A_462 = arith.index_cast %swap3A_461 : i32 to index
      %swap3A_463 = arith.index_cast %add3A_460 : i32 to index
      %swap3A_464 = tpu.vector_load %arg7[%swap3A_462, %swap3A_463] {strides = array<i32>} : memref<1x4096xf32, #tpu.memory_space<vmem>>, vector<16xf32>,
      tpu.vector_store %arg7[%swap3A_462, %swap3A_463], %gather3A_323 {strides = array<i32>} : memref<1x4096xf32, #tpu.memory_space<vmem>>, vector<16xf32>,
      %mul3A_465 = arith.constant 16 : i32
      %mul3A_466 = arith.muli %scan3A_151, %mul3A_465 : i32
      %mul3A_467 = arith.constant 16 : i32
      %mul3A_468 = arith.muli %mul3A_466, %mul3A_467 : i32
      %add3A_469 = arith.constant 224 : i32
      %add3A_470 = arith.addi %mul3A_468, %add3A_469 : i32
      %swap3A_471 = arith.constant 0 : i32
      %swap3A_472 = arith.index_cast %swap3A_471 : i32 to index
      %swap3A_473 = arith.index_cast %add3A_470 : i32 to index
      %swap3A_474 = tpu.vector_load %arg7[%swap3A_472, %swap3A_473] {strides = array<i32>} : memref<1x4096xf32, #tpu.memory_space<vmem>>, vector<16xf32>,
      tpu.vector_store %arg7[%swap3A_472, %swap3A_473], %gather3A_324 {strides = array<i32>} : memref<1x4096xf32, #tpu.memory_space<vmem>>, vector<16xf32>,
      %mul3A_475 = arith.constant 16 : i32
      %mul3A_476 = arith.muli %scan3A_151, %mul3A_475 : i32
      %mul3A_477 = arith.constant 16 : i32
      %mul3A_478 = arith.muli %mul3A_476, %mul3A_477 : i32
      %add3A_479 = arith.constant 240 : i32
      %add3A_480 = arith.addi %mul3A_478, %add3A_479 : i32
      %swap3A_481 = arith.constant 0 : i32
      %swap3A_482 = arith.index_cast %swap3A_481 : i32 to index
      %swap3A_483 = arith.index_cast %add3A_480 : i32 to index
      %swap3A_484 = tpu.vector_load %arg7[%swap3A_482, %swap3A_483] {strides = array<i32>} : memref<1x4096xf32, #tpu.memory_space<vmem>>, vector<16xf32>,
      tpu.vector_store %arg7[%swap3A_482, %swap3A_483], %gather3A_325 {strides = array<i32>} : memref<1x4096xf32, #tpu.memory_space<vmem>>, vector<16xf32>,
      %scan3A_485 = arith.constant 1 : i32
      %scan3A_486 = arith.addi %scan3A_151, %scan3A_485 : i32
      %mul3A_487 = arith.constant 16 : i32
      %mul3A_488 = arith.muli %scan3A_486, %mul3A_487 : i32
      %mul3A_489 = arith.constant 16 : i32
      %mul3A_490 = arith.muli %mul3A_488, %mul3A_489 : i32
      %add3A_491 = arith.constant 8192 : i32
      %add3A_492 = arith.addi %add3A_491, %mul3A_490 : i32
      %add3A_493 = arith.constant 0 : i32
      %add3A_494 = arith.addi %add3A_492, %add3A_493 : i32
      %get3A_495 = arith.index_cast %add3A_494 : i32 to index
      %get3A_496 = tpu.vector_load %arg6[%get3A_495] {strides = array<i32>} : memref<16384xi32, #tpu.memory_space<vmem>>, vector<16xi32>,
      %mul3A_497 = arith.constant 16 : i32
      %mul3A_498 = arith.muli %scan3A_486, %mul3A_497 : i32
      %mul3A_499 = arith.constant 16 : i32
      %mul3A_500 = arith.muli %mul3A_498, %mul3A_499 : i32
      %add3A_501 = arith.constant 8192 : i32
      %add3A_502 = arith.addi %add3A_501, %mul3A_500 : i32
      %add3A_503 = arith.constant 16 : i32
      %add3A_504 = arith.addi %add3A_502, %add3A_503 : i32
      %get3A_505 = arith.index_cast %add3A_504 : i32 to index
      %get3A_506 = tpu.vector_load %arg6[%get3A_505] {strides = array<i32>} : memref<16384xi32, #tpu.memory_space<vmem>>, vector<16xi32>,
      %mul3A_507 = arith.constant 16 : i32
      %mul3A_508 = arith.muli %scan3A_486, %mul3A_507 : i32
      %mul3A_509 = arith.constant 16 : i32
      %mul3A_510 = arith.muli %mul3A_508, %mul3A_509 : i32
      %add3A_511 = arith.constant 8192 : i32
      %add3A_512 = arith.addi %add3A_511, %mul3A_510 : i32
      %add3A_513 = arith.constant 32 : i32
      %add3A_514 = arith.addi %add3A_512, %add3A_513 : i32
      %get3A_515 = arith.index_cast %add3A_514 : i32 to index
      %get3A_516 = tpu.vector_load %arg6[%get3A_515] {strides = array<i32>} : memref<16384xi32, #tpu.memory_space<vmem>>, vector<16xi32>,
      %mul3A_517 = arith.constant 16 : i32
      %mul3A_518 = arith.muli %scan3A_486, %mul3A_517 : i32
      %mul3A_519 = arith.constant 16 : i32
      %mul3A_520 = arith.muli %mul3A_518, %mul3A_519 : i32
      %add3A_521 = arith.constant 8192 : i32
      %add3A_522 = arith.addi %add3A_521, %mul3A_520 : i32
      %add3A_523 = arith.constant 48 : i32
      %add3A_524 = arith.addi %add3A_522, %add3A_523 : i32
      %get3A_525 = arith.index_cast %add3A_524 : i32 to index
      %get3A_526 = tpu.vector_load %arg6[%get3A_525] {strides = array<i32>} : memref<16384xi32, #tpu.memory_space<vmem>>, vector<16xi32>,
      %mul3A_527 = arith.constant 16 : i32
      %mul3A_528 = arith.muli %scan3A_486, %mul3A_527 : i32
      %mul3A_529 = arith.constant 16 : i32
      %mul3A_530 = arith.muli %mul3A_528, %mul3A_529 : i32
      %add3A_531 = arith.constant 8192 : i32
      %add3A_532 = arith.addi %add3A_531, %mul3A_530 : i32
      %add3A_533 = arith.constant 64 : i32
      %add3A_534 = arith.addi %add3A_532, %add3A_533 : i32
      %get3A_535 = arith.index_cast %add3A_534 : i32 to index
      %get3A_536 = tpu.vector_load %arg6[%get3A_535] {strides = array<i32>} : memref<16384xi32, #tpu.memory_space<vmem>>, vector<16xi32>,
      %mul3A_537 = arith.constant 16 : i32
      %mul3A_538 = arith.muli %scan3A_486, %mul3A_537 : i32
      %mul3A_539 = arith.constant 16 : i32
      %mul3A_540 = arith.muli %mul3A_538, %mul3A_539 : i32
      %add3A_541 = arith.constant 8192 : i32
      %add3A_542 = arith.addi %add3A_541, %mul3A_540 : i32
      %add3A_543 = arith.constant 80 : i32
      %add3A_544 = arith.addi %add3A_542, %add3A_543 : i32
      %get3A_545 = arith.index_cast %add3A_544 : i32 to index
      %get3A_546 = tpu.vector_load %arg6[%get3A_545] {strides = array<i32>} : memref<16384xi32, #tpu.memory_space<vmem>>, vector<16xi32>,
      %mul3A_547 = arith.constant 16 : i32
      %mul3A_548 = arith.muli %scan3A_486, %mul3A_547 : i32
      %mul3A_549 = arith.constant 16 : i32
      %mul3A_550 = arith.muli %mul3A_548, %mul3A_549 : i32
      %add3A_551 = arith.constant 8192 : i32
      %add3A_552 = arith.addi %add3A_551, %mul3A_550 : i32
      %add3A_553 = arith.constant 96 : i32
      %add3A_554 = arith.addi %add3A_552, %add3A_553 : i32
      %get3A_555 = arith.index_cast %add3A_554 : i32 to index
      %get3A_556 = tpu.vector_load %arg6[%get3A_555] {strides = array<i32>} : memref<16384xi32, #tpu.memory_space<vmem>>, vector<16xi32>,
      %mul3A_557 = arith.constant 16 : i32
      %mul3A_558 = arith.muli %scan3A_486, %mul3A_557 : i32
      %mul3A_559 = arith.constant 16 : i32
      %mul3A_560 = arith.muli %mul3A_558, %mul3A_559 : i32
      %add3A_561 = arith.constant 8192 : i32
      %add3A_562 = arith.addi %add3A_561, %mul3A_560 : i32
      %add3A_563 = arith.constant 112 : i32
      %add3A_564 = arith.addi %add3A_562, %add3A_563 : i32
      %get3A_565 = arith.index_cast %add3A_564 : i32 to index
      %get3A_566 = tpu.vector_load %arg6[%get3A_565] {strides = array<i32>} : memref<16384xi32, #tpu.memory_space<vmem>>, vector<16xi32>,
      %mul3A_567 = arith.constant 16 : i32
      %mul3A_568 = arith.muli %scan3A_486, %mul3A_567 : i32
      %mul3A_569 = arith.constant 16 : i32
      %mul3A_570 = arith.muli %mul3A_568, %mul3A_569 : i32
      %add3A_571 = arith.constant 8192 : i32
      %add3A_572 = arith.addi %add3A_571, %mul3A_570 : i32
      %add3A_573 = arith.constant 128 : i32
      %add3A_574 = arith.addi %add3A_572, %add3A_573 : i32
      %get3A_575 = arith.index_cast %add3A_574 : i32 to index
      %get3A_576 = tpu.vector_load %arg6[%get3A_575] {strides = array<i32>} : memref<16384xi32, #tpu.memory_space<vmem>>, vector<16xi32>,
      %mul3A_577 = arith.constant 16 : i32
      %mul3A_578 = arith.muli %scan3A_486, %mul3A_577 : i32
      %mul3A_579 = arith.constant 16 : i32
      %mul3A_580 = arith.muli %mul3A_578, %mul3A_579 : i32
      %add3A_581 = arith.constant 8192 : i32
      %add3A_582 = arith.addi %add3A_581, %mul3A_580 : i32
      %add3A_583 = arith.constant 144 : i32
      %add3A_584 = arith.addi %add3A_582, %add3A_583 : i32
      %get3A_585 = arith.index_cast %add3A_584 : i32 to index
      %get3A_586 = tpu.vector_load %arg6[%get3A_585] {strides = array<i32>} : memref<16384xi32, #tpu.memory_space<vmem>>, vector<16xi32>,
      %mul3A_587 = arith.constant 16 : i32
      %mul3A_588 = arith.muli %scan3A_486, %mul3A_587 : i32
      %mul3A_589 = arith.constant 16 : i32
      %mul3A_590 = arith.muli %mul3A_588, %mul3A_589 : i32
      %add3A_591 = arith.constant 8192 : i32
      %add3A_592 = arith.addi %add3A_591, %mul3A_590 : i32
      %add3A_593 = arith.constant 160 : i32
      %add3A_594 = arith.addi %add3A_592, %add3A_593 : i32
      %get3A_595 = arith.index_cast %add3A_594 : i32 to index
      %get3A_596 = tpu.vector_load %arg6[%get3A_595] {strides = array<i32>} : memref<16384xi32, #tpu.memory_space<vmem>>, vector<16xi32>,
      %mul3A_597 = arith.constant 16 : i32
      %mul3A_598 = arith.muli %scan3A_486, %mul3A_597 : i32
      %mul3A_599 = arith.constant 16 : i32
      %mul3A_600 = arith.muli %mul3A_598, %mul3A_599 : i32
      %add3A_601 = arith.constant 8192 : i32
      %add3A_602 = arith.addi %add3A_601, %mul3A_600 : i32
      %add3A_603 = arith.constant 176 : i32
      %add3A_604 = arith.addi %add3A_602, %add3A_603 : i32
      %get3A_605 = arith.index_cast %add3A_604 : i32 to index
      %get3A_606 = tpu.vector_load %arg6[%get3A_605] {strides = array<i32>} : memref<16384xi32, #tpu.memory_space<vmem>>, vector<16xi32>,
      %mul3A_607 = arith.constant 16 : i32
      %mul3A_608 = arith.muli %scan3A_486, %mul3A_607 : i32
      %mul3A_609 = arith.constant 16 : i32
      %mul3A_610 = arith.muli %mul3A_608, %mul3A_609 : i32
      %add3A_611 = arith.constant 8192 : i32
      %add3A_612 = arith.addi %add3A_611, %mul3A_610 : i32
      %add3A_613 = arith.constant 192 : i32
      %add3A_614 = arith.addi %add3A_612, %add3A_613 : i32
      %get3A_615 = arith.index_cast %add3A_614 : i32 to index
      %get3A_616 = tpu.vector_load %arg6[%get3A_615] {strides = array<i32>} : memref<16384xi32, #tpu.memory_space<vmem>>, vector<16xi32>,
      %mul3A_617 = arith.constant 16 : i32
      %mul3A_618 = arith.muli %scan3A_486, %mul3A_617 : i32
      %mul3A_619 = arith.constant 16 : i32
      %mul3A_620 = arith.muli %mul3A_618, %mul3A_619 : i32
      %add3A_621 = arith.constant 8192 : i32
      %add3A_622 = arith.addi %add3A_621, %mul3A_620 : i32
      %add3A_623 = arith.constant 208 : i32
      %add3A_624 = arith.addi %add3A_622, %add3A_623 : i32
      %get3A_625 = arith.index_cast %add3A_624 : i32 to index
      %get3A_626 = tpu.vector_load %arg6[%get3A_625] {strides = array<i32>} : memref<16384xi32, #tpu.memory_space<vmem>>, vector<16xi32>,
      %mul3A_627 = arith.constant 16 : i32
      %mul3A_628 = arith.muli %scan3A_486, %mul3A_627 : i32
      %mul3A_629 = arith.constant 16 : i32
      %mul3A_630 = arith.muli %mul3A_628, %mul3A_629 : i32
      %add3A_631 = arith.constant 8192 : i32
      %add3A_632 = arith.addi %add3A_631, %mul3A_630 : i32
      %add3A_633 = arith.constant 224 : i32
      %add3A_634 = arith.addi %add3A_632, %add3A_633 : i32
      %get3A_635 = arith.index_cast %add3A_634 : i32 to index
      %get3A_636 = tpu.vector_load %arg6[%get3A_635] {strides = array<i32>} : memref<16384xi32, #tpu.memory_space<vmem>>, vector<16xi32>,
      %mul3A_637 = arith.constant 16 : i32
      %mul3A_638 = arith.muli %scan3A_486, %mul3A_637 : i32
      %mul3A_639 = arith.constant 16 : i32
      %mul3A_640 = arith.muli %mul3A_638, %mul3A_639 : i32
      %add3A_641 = arith.constant 8192 : i32
      %add3A_642 = arith.addi %add3A_641, %mul3A_640 : i32
      %add3A_643 = arith.constant 240 : i32
      %add3A_644 = arith.addi %add3A_642, %add3A_643 : i32
      %get3A_645 = arith.index_cast %add3A_644 : i32 to index
      %get3A_646 = tpu.vector_load %arg6[%get3A_645] {strides = array<i32>} : memref<16384xi32, #tpu.memory_space<vmem>>, vector<16xi32>,
      %gather3A_647 = tpu.vector_load_idx %arg5[%broadcast_in_dim3A_1, %get3A_496] : memref<1x100000xf32, #tpu.memory_space<vmem>>[vector<16xi32>, vector<16xi32>], vector<16xf32>,
      %gather3A_648 = tpu.vector_load_idx %arg5[%broadcast_in_dim3A_1, %get3A_506] : memref<1x100000xf32, #tpu.memory_space<vmem>>[vector<16xi32>, vector<16xi32>], vector<16xf32>,
      %gather3A_649 = tpu.vector_load_idx %arg5[%broadcast_in_dim3A_1, %get3A_516] : memref<1x100000xf32, #tpu.memory_space<vmem>>[vector<16xi32>, vector<16xi32>], vector<16xf32>,
      %gather3A_650 = tpu.vector_load_idx %arg5[%broadcast_in_dim3A_1, %get3A_526] : memref<1x100000xf32, #tpu.memory_space<vmem>>[vector<16xi32>, vector<16xi32>], vector<16xf32>,
      %gather3A_651 = tpu.vector_load_idx %arg5[%broadcast_in_dim3A_1, %get3A_536] : memref<1x100000xf32, #tpu.memory_space<vmem>>[vector<16xi32>, vector<16xi32>], vector<16xf32>,
      %gather3A_652 = tpu.vector_load_idx %arg5[%broadcast_in_dim3A_1, %get3A_546] : memref<1x100000xf32, #tpu.memory_space<vmem>>[vector<16xi32>, vector<16xi32>], vector<16xf32>,
      %gather3A_653 = tpu.vector_load_idx %arg5[%broadcast_in_dim3A_1, %get3A_556] : memref<1x100000xf32, #tpu.memory_space<vmem>>[vector<16xi32>, vector<16xi32>], vector<16xf32>,
      %gather3A_654 = tpu.vector_load_idx %arg5[%broadcast_in_dim3A_1, %get3A_566] : memref<1x100000xf32, #tpu.memory_space<vmem>>[vector<16xi32>, vector<16xi32>], vector<16xf32>,
      %gather3A_655 = tpu.vector_load_idx %arg5[%broadcast_in_dim3A_1, %get3A_576] : memref<1x100000xf32, #tpu.memory_space<vmem>>[vector<16xi32>, vector<16xi32>], vector<16xf32>,
      %gather3A_656 = tpu.vector_load_idx %arg5[%broadcast_in_dim3A_1, %get3A_586] : memref<1x100000xf32, #tpu.memory_space<vmem>>[vector<16xi32>, vector<16xi32>], vector<16xf32>,
      %gather3A_657 = tpu.vector_load_idx %arg5[%broadcast_in_dim3A_1, %get3A_596] : memref<1x100000xf32, #tpu.memory_space<vmem>>[vector<16xi32>, vector<16xi32>], vector<16xf32>,
      %gather3A_658 = tpu.vector_load_idx %arg5[%broadcast_in_dim3A_1, %get3A_606] : memref<1x100000xf32, #tpu.memory_space<vmem>>[vector<16xi32>, vector<16xi32>], vector<16xf32>,
      %gather3A_659 = tpu.vector_load_idx %arg5[%broadcast_in_dim3A_1, %get3A_616] : memref<1x100000xf32, #tpu.memory_space<vmem>>[vector<16xi32>, vector<16xi32>], vector<16xf32>,
      %gather3A_660 = tpu.vector_load_idx %arg5[%broadcast_in_dim3A_1, %get3A_626] : memref<1x100000xf32, #tpu.memory_space<vmem>>[vector<16xi32>, vector<16xi32>], vector<16xf32>,
      %gather3A_661 = tpu.vector_load_idx %arg5[%broadcast_in_dim3A_1, %get3A_636] : memref<1x100000xf32, #tpu.memory_space<vmem>>[vector<16xi32>, vector<16xi32>], vector<16xf32>,
      %gather3A_662 = tpu.vector_load_idx %arg5[%broadcast_in_dim3A_1, %get3A_646] : memref<1x100000xf32, #tpu.memory_space<vmem>>[vector<16xi32>, vector<16xi32>], vector<16xf32>,
      %mul3A_663 = arith.constant 16 : i32
      %mul3A_664 = arith.muli %scan3A_486, %mul3A_663 : i32
      %mul3A_665 = arith.constant 16 : i32
      %mul3A_666 = arith.muli %mul3A_664, %mul3A_665 : i32
      %add3A_667 = arith.constant 0 : i32
      %add3A_668 = arith.addi %mul3A_666, %add3A_667 : i32
      %swap3A_669 = arith.constant 0 : i32
      %swap3A_670 = arith.index_cast %swap3A_669 : i32 to index
      %swap3A_671 = arith.index_cast %add3A_668 : i32 to index
      %swap3A_672 = tpu.vector_load %arg7[%swap3A_670, %swap3A_671] {strides = array<i32>} : memref<1x4096xf32, #tpu.memory_space<vmem>>, vector<16xf32>,
      tpu.vector_store %arg7[%swap3A_670, %swap3A_671], %gather3A_647 {strides = array<i32>} : memref<1x4096xf32, #tpu.memory_space<vmem>>, vector<16xf32>,
      %mul3A_673 = arith.constant 16 : i32
      %mul3A_674 = arith.muli %scan3A_486, %mul3A_673 : i32
      %mul3A_675 = arith.constant 16 : i32
      %mul3A_676 = arith.muli %mul3A_674, %mul3A_675 : i32
      %add3A_677 = arith.constant 16 : i32
      %add3A_678 = arith.addi %mul3A_676, %add3A_677 : i32
      %swap3A_679 = arith.constant 0 : i32
      %swap3A_680 = arith.index_cast %swap3A_679 : i32 to index
      %swap3A_681 = arith.index_cast %add3A_678 : i32 to index
      %swap3A_682 = tpu.vector_load %arg7[%swap3A_680, %swap3A_681] {strides = array<i32>} : memref<1x4096xf32, #tpu.memory_space<vmem>>, vector<16xf32>,
      tpu.vector_store %arg7[%swap3A_680, %swap3A_681], %gather3A_648 {strides = array<i32>} : memref<1x4096xf32, #tpu.memory_space<vmem>>, vector<16xf32>,
      %mul3A_683 = arith.constant 16 : i32
      %mul3A_684 = arith.muli %scan3A_486, %mul3A_683 : i32
      %mul3A_685 = arith.constant 16 : i32
      %mul3A_686 = arith.muli %mul3A_684, %mul3A_685 : i32
      %add3A_687 = arith.constant 32 : i32
      %add3A_688 = arith.addi %mul3A_686, %add3A_687 : i32
      %swap3A_689 = arith.constant 0 : i32
      %swap3A_690 = arith.index_cast %swap3A_689 : i32 to index
      %swap3A_691 = arith.index_cast %add3A_688 : i32 to index
      %swap3A_692 = tpu.vector_load %arg7[%swap3A_690, %swap3A_691] {strides = array<i32>} : memref<1x4096xf32, #tpu.memory_space<vmem>>, vector<16xf32>,
      tpu.vector_store %arg7[%swap3A_690, %swap3A_691], %gather3A_649 {strides = array<i32>} : memref<1x4096xf32, #tpu.memory_space<vmem>>, vector<16xf32>,
      %mul3A_693 = arith.constant 16 : i32
      %mul3A_694 = arith.muli %scan3A_486, %mul3A_693 : i32
      %mul3A_695 = arith.constant 16 : i32
      %mul3A_696 = arith.muli %mul3A_694, %mul3A_695 : i32
      %add3A_697 = arith.constant 48 : i32
      %add3A_698 = arith.addi %mul3A_696, %add3A_697 : i32
      %swap3A_699 = arith.constant 0 : i32
      %swap3A_700 = arith.index_cast %swap3A_699 : i32 to index
      %swap3A_701 = arith.index_cast %add3A_698 : i32 to index
      %swap3A_702 = tpu.vector_load %arg7[%swap3A_700, %swap3A_701] {strides = array<i32>} : memref<1x4096xf32, #tpu.memory_space<vmem>>, vector<16xf32>,
      tpu.vector_store %arg7[%swap3A_700, %swap3A_701], %gather3A_650 {strides = array<i32>} : memref<1x4096xf32, #tpu.memory_space<vmem>>, vector<16xf32>,
      %mul3A_703 = arith.constant 16 : i32
      %mul3A_704 = arith.muli %scan3A_486, %mul3A_703 : i32
      %mul3A_705 = arith.constant 16 : i32
      %mul3A_706 = arith.muli %mul3A_704, %mul3A_705 : i32
      %add3A_707 = arith.constant 64 : i32
      %add3A_708 = arith.addi %mul3A_706, %add3A_707 : i32
      %swap3A_709 = arith.constant 0 : i32
      %swap3A_710 = arith.index_cast %swap3A_709 : i32 to index
      %swap3A_711 = arith.index_cast %add3A_708 : i32 to index
      %swap3A_712 = tpu.vector_load %arg7[%swap3A_710, %swap3A_711] {strides = array<i32>} : memref<1x4096xf32, #tpu.memory_space<vmem>>, vector<16xf32>,
      tpu.vector_store %arg7[%swap3A_710, %swap3A_711], %gather3A_651 {strides = array<i32>} : memref<1x4096xf32, #tpu.memory_space<vmem>>, vector<16xf32>,
      %mul3A_713 = arith.constant 16 : i32
      %mul3A_714 = arith.muli %scan3A_486, %mul3A_713 : i32
      %mul3A_715 = arith.constant 16 : i32
      %mul3A_716 = arith.muli %mul3A_714, %mul3A_715 : i32
      %add3A_717 = arith.constant 80 : i32
      %add3A_718 = arith.addi %mul3A_716, %add3A_717 : i32
      %swap3A_719 = arith.constant 0 : i32
      %swap3A_720 = arith.index_cast %swap3A_719 : i32 to index
      %swap3A_721 = arith.index_cast %add3A_718 : i32 to index
      %swap3A_722 = tpu.vector_load %arg7[%swap3A_720, %swap3A_721] {strides = array<i32>} : memref<1x4096xf32, #tpu.memory_space<vmem>>, vector<16xf32>,
      tpu.vector_store %arg7[%swap3A_720, %swap3A_721], %gather3A_652 {strides = array<i32>} : memref<1x4096xf32, #tpu.memory_space<vmem>>, vector<16xf32>,
      %mul3A_723 = arith.constant 16 : i32
      %mul3A_724 = arith.muli %scan3A_486, %mul3A_723 : i32
      %mul3A_725 = arith.constant 16 : i32
      %mul3A_726 = arith.muli %mul3A_724, %mul3A_725 : i32
      %add3A_727 = arith.constant 96 : i32
      %add3A_728 = arith.addi %mul3A_726, %add3A_727 : i32
      %swap3A_729 = arith.constant 0 : i32
      %swap3A_730 = arith.index_cast %swap3A_729 : i32 to index
      %swap3A_731 = arith.index_cast %add3A_728 : i32 to index
      %swap3A_732 = tpu.vector_load %arg7[%swap3A_730, %swap3A_731] {strides = array<i32>} : memref<1x4096xf32, #tpu.memory_space<vmem>>, vector<16xf32>,
      tpu.vector_store %arg7[%swap3A_730, %swap3A_731], %gather3A_653 {strides = array<i32>} : memref<1x4096xf32, #tpu.memory_space<vmem>>, vector<16xf32>,
      %mul3A_733 = arith.constant 16 : i32
      %mul3A_734 = arith.muli %scan3A_486, %mul3A_733 : i32
      %mul3A_735 = arith.constant 16 : i32
      %mul3A_736 = arith.muli %mul3A_734, %mul3A_735 : i32
      %add3A_737 = arith.constant 112 : i32
      %add3A_738 = arith.addi %mul3A_736, %add3A_737 : i32
      %swap3A_739 = arith.constant 0 : i32
      %swap3A_740 = arith.index_cast %swap3A_739 : i32 to index
      %swap3A_741 = arith.index_cast %add3A_738 : i32 to index
      %swap3A_742 = tpu.vector_load %arg7[%swap3A_740, %swap3A_741] {strides = array<i32>} : memref<1x4096xf32, #tpu.memory_space<vmem>>, vector<16xf32>,
      tpu.vector_store %arg7[%swap3A_740, %swap3A_741], %gather3A_654 {strides = array<i32>} : memref<1x4096xf32, #tpu.memory_space<vmem>>, vector<16xf32>,
      %mul3A_743 = arith.constant 16 : i32
      %mul3A_744 = arith.muli %scan3A_486, %mul3A_743 : i32
      %mul3A_745 = arith.constant 16 : i32
      %mul3A_746 = arith.muli %mul3A_744, %mul3A_745 : i32
      %add3A_747 = arith.constant 128 : i32
      %add3A_748 = arith.addi %mul3A_746, %add3A_747 : i32
      %swap3A_749 = arith.constant 0 : i32
      %swap3A_750 = arith.index_cast %swap3A_749 : i32 to index
      %swap3A_751 = arith.index_cast %add3A_748 : i32 to index
      %swap3A_752 = tpu.vector_load %arg7[%swap3A_750, %swap3A_751] {strides = array<i32>} : memref<1x4096xf32, #tpu.memory_space<vmem>>, vector<16xf32>,
      tpu.vector_store %arg7[%swap3A_750, %swap3A_751], %gather3A_655 {strides = array<i32>} : memref<1x4096xf32, #tpu.memory_space<vmem>>, vector<16xf32>,
      %mul3A_753 = arith.constant 16 : i32
      %mul3A_754 = arith.muli %scan3A_486, %mul3A_753 : i32
      %mul3A_755 = arith.constant 16 : i32
      %mul3A_756 = arith.muli %mul3A_754, %mul3A_755 : i32
      %add3A_757 = arith.constant 144 : i32
      %add3A_758 = arith.addi %mul3A_756, %add3A_757 : i32
      %swap3A_759 = arith.constant 0 : i32
      %swap3A_760 = arith.index_cast %swap3A_759 : i32 to index
      %swap3A_761 = arith.index_cast %add3A_758 : i32 to index
      %swap3A_762 = tpu.vector_load %arg7[%swap3A_760, %swap3A_761] {strides = array<i32>} : memref<1x4096xf32, #tpu.memory_space<vmem>>, vector<16xf32>,
      tpu.vector_store %arg7[%swap3A_760, %swap3A_761], %gather3A_656 {strides = array<i32>} : memref<1x4096xf32, #tpu.memory_space<vmem>>, vector<16xf32>,
      %mul3A_763 = arith.constant 16 : i32
      %mul3A_764 = arith.muli %scan3A_486, %mul3A_763 : i32
      %mul3A_765 = arith.constant 16 : i32
      %mul3A_766 = arith.muli %mul3A_764, %mul3A_765 : i32
      %add3A_767 = arith.constant 160 : i32
      %add3A_768 = arith.addi %mul3A_766, %add3A_767 : i32
      %swap3A_769 = arith.constant 0 : i32
      %swap3A_770 = arith.index_cast %swap3A_769 : i32 to index
      %swap3A_771 = arith.index_cast %add3A_768 : i32 to index
      %swap3A_772 = tpu.vector_load %arg7[%swap3A_770, %swap3A_771] {strides = array<i32>} : memref<1x4096xf32, #tpu.memory_space<vmem>>, vector<16xf32>,
      tpu.vector_store %arg7[%swap3A_770, %swap3A_771], %gather3A_657 {strides = array<i32>} : memref<1x4096xf32, #tpu.memory_space<vmem>>, vector<16xf32>,
      %mul3A_773 = arith.constant 16 : i32
      %mul3A_774 = arith.muli %scan3A_486, %mul3A_773 : i32
      %mul3A_775 = arith.constant 16 : i32
      %mul3A_776 = arith.muli %mul3A_774, %mul3A_775 : i32
      %add3A_777 = arith.constant 176 : i32
      %add3A_778 = arith.addi %mul3A_776, %add3A_777 : i32
      %swap3A_779 = arith.constant 0 : i32
      %swap3A_780 = arith.index_cast %swap3A_779 : i32 to index
      %swap3A_781 = arith.index_cast %add3A_778 : i32 to index
      %swap3A_782 = tpu.vector_load %arg7[%swap3A_780, %swap3A_781] {strides = array<i32>} : memref<1x4096xf32, #tpu.memory_space<vmem>>, vector<16xf32>,
      tpu.vector_store %arg7[%swap3A_780, %swap3A_781], %gather3A_658 {strides = array<i32>} : memref<1x4096xf32, #tpu.memory_space<vmem>>, vector<16xf32>,
      %mul3A_783 = arith.constant 16 : i32
      %mul3A_784 = arith.muli %scan3A_486, %mul3A_783 : i32
      %mul3A_785 = arith.constant 16 : i32
      %mul3A_786 = arith.muli %mul3A_784, %mul3A_785 : i32
      %add3A_787 = arith.constant 192 : i32
      %add3A_788 = arith.addi %mul3A_786, %add3A_787 : i32
      %swap3A_789 = arith.constant 0 : i32
      %swap3A_790 = arith.index_cast %swap3A_789 : i32 to index
      %swap3A_791 = arith.index_cast %add3A_788 : i32 to index
      %swap3A_792 = tpu.vector_load %arg7[%swap3A_790, %swap3A_791] {strides = array<i32>} : memref<1x4096xf32, #tpu.memory_space<vmem>>, vector<16xf32>,
      tpu.vector_store %arg7[%swap3A_790, %swap3A_791], %gather3A_659 {strides = array<i32>} : memref<1x4096xf32, #tpu.memory_space<vmem>>, vector<16xf32>,
      %mul3A_793 = arith.constant 16 : i32
      %mul3A_794 = arith.muli %scan3A_486, %mul3A_793 : i32
      %mul3A_795 = arith.constant 16 : i32
      %mul3A_796 = arith.muli %mul3A_794, %mul3A_795 : i32
      %add3A_797 = arith.constant 208 : i32
      %add3A_798 = arith.addi %mul3A_796, %add3A_797 : i32
      %swap3A_799 = arith.constant 0 : i32
      %swap3A_800 = arith.index_cast %swap3A_799 : i32 to index
      %swap3A_801 = arith.index_cast %add3A_798 : i32 to index
      %swap3A_802 = tpu.vector_load %arg7[%swap3A_800, %swap3A_801] {strides = array<i32>} : memref<1x4096xf32, #tpu.memory_space<vmem>>, vector<16xf32>,
      tpu.vector_store %arg7[%swap3A_800, %swap3A_801], %gather3A_660 {strides = array<i32>} : memref<1x4096xf32, #tpu.memory_space<vmem>>, vector<16xf32>,
      %mul3A_803 = arith.constant 16 : i32
      %mul3A_804 = arith.muli %scan3A_486, %mul3A_803 : i32
      %mul3A_805 = arith.constant 16 : i32
      %mul3A_806 = arith.muli %mul3A_804, %mul3A_805 : i32
      %add3A_807 = arith.constant 224 : i32
      %add3A_808 = arith.addi %mul3A_806, %add3A_807 : i32
      %swap3A_809 = arith.constant 0 : i32
      %swap3A_810 = arith.index_cast %swap3A_809 : i32 to index
      %swap3A_811 = arith.index_cast %add3A_808 : i32 to index
      %swap3A_812 = tpu.vector_load %arg7[%swap3A_810, %swap3A_811] {strides = array<i32>} : memref<1x4096xf32, #tpu.memory_space<vmem>>, vector<16xf32>,
      tpu.vector_store %arg7[%swap3A_810, %swap3A_811], %gather3A_661 {strides = array<i32>} : memref<1x4096xf32, #tpu.memory_space<vmem>>, vector<16xf32>,
      %mul3A_813 = arith.constant 16 : i32
      %mul3A_814 = arith.muli %scan3A_486, %mul3A_813 : i32
      %mul3A_815 = arith.constant 16 : i32
      %mul3A_816 = arith.muli %mul3A_814, %mul3A_815 : i32
      %add3A_817 = arith.constant 240 : i32
      %add3A_818 = arith.addi %mul3A_816, %add3A_817 : i32
      %swap3A_819 = arith.constant 0 : i32
      %swap3A_820 = arith.index_cast %swap3A_819 : i32 to index
      %swap3A_821 = arith.index_cast %add3A_818 : i32 to index
      %swap3A_822 = tpu.vector_load %arg7[%swap3A_820, %swap3A_821] {strides = array<i32>} : memref<1x4096xf32, #tpu.memory_space<vmem>>, vector<16xf32>,
      tpu.vector_store %arg7[%swap3A_820, %swap3A_821], %gather3A_662 {strides = array<i32>} : memref<1x4096xf32, #tpu.memory_space<vmem>>, vector<16xf32>,
    }
    %scan3A_42 = arith.constant 16 : i32
    %dma_start3A_43 = arith.constant 8192 : i32
    %dma_start3A_44 = tpu.memref_slice %arg4[%add3A_5, %dma_start3A_43] : memref<64x16384xf32, #tpu.memory_space<hbm>> -> memref<1x4096xf32, #tpu.memory_space<hbm>>
    %dma_start3A_45 = arith.constant 8192 : i32
    %dma_start3A_46 = tpu.memref_slice %arg4[%add3A_5, %dma_start3A_45] : memref<64x16384xf32, #tpu.memory_space<hbm>> -> memref<1x4096xf32, #tpu.memory_space<hbm>>
    tpu.enqueue_dma source(%arg7 : memref<1x4096xf32, #tpu.memory_space<vmem>>) target(%dma_start3A_46 : memref<1x4096xf32, #tpu.memory_space<hbm>>) target_semaphore(%arg10 : memref<!tpu.dma_semaphore, #tpu.memory_space<semaphore_mem>>)
    %dma_wait3A_47 = arith.constant 0 : i32
    %dma_wait3A_48 = arith.constant 0 : i32
    %dma_wait3A_49 = tpu.memref_slice %arg4[%dma_wait3A_47, %dma_wait3A_48] : memref<64x16384xf32, #tpu.memory_space<hbm>> -> memref<1x4096xf32, #tpu.memory_space<hbm>>
    %dma_wait3A_50 = arith.constant 0 : i32
    %dma_wait3A_51 = arith.constant 0 : i32
    %dma_wait3A_52 = tpu.memref_slice %arg4[%dma_wait3A_50, %dma_wait3A_51] : memref<64x16384xf32, #tpu.memory_space<hbm>> -> memref<1x4096xf32, #tpu.memory_space<hbm>>
    tpu.wait_dma2 semaphore(%arg10 : memref<!tpu.dma_semaphore, #tpu.memory_space<semaphore_mem>>) src(%arg8 : memref<1x4096xf32, #tpu.memory_space<vmem>>) dst(%dma_wait3A_52 : memref<1x4096xf32, #tpu.memory_space<hbm>>)
    %scan3A_53 = arith.constant 0 : i32
    %scan3A_54 = arith.constant 0 : i32
    %scan3A_55 = arith.constant 16 : i32
    %scan3A_56 = arith.addi %scan3A_54, %scan3A_55 : i32
    %scan3A_57 = arith.constant 2 : i32
    scf.for %scan3A_151 = %scan3A_54 to %scan3A_56 step %scan3A_57  : i32 {
      %mul3A_152 = arith.constant 16 : i32
      %mul3A_153 = arith.muli %scan3A_151, %mul3A_152 : i32
      %mul3A_154 = arith.constant 16 : i32
      %mul3A_155 = arith.muli %mul3A_153, %mul3A_154 : i32
      %add3A_156 = arith.constant 12288 : i32
      %add3A_157 = arith.addi %add3A_156, %mul3A_155 : i32
      %add3A_158 = arith.constant 0 : i32
      %add3A_159 = arith.addi %add3A_157, %add3A_158 : i32
      %get3A = arith.index_cast %add3A_159 : i32 to index
      %get3A_160 = tpu.vector_load %arg6[%get3A] {strides = array<i32>} : memref<16384xi32, #tpu.memory_space<vmem>>, vector<16xi32>,
      %mul3A_161 = arith.constant 16 : i32
      %mul3A_162 = arith.muli %scan3A_151, %mul3A_161 : i32
      %mul3A_163 = arith.constant 16 : i32
      %mul3A_164 = arith.muli %mul3A_162, %mul3A_163 : i32
      %add3A_165 = arith.constant 12288 : i32
      %add3A_166 = arith.addi %add3A_165, %mul3A_164 : i32
      %add3A_167 = arith.constant 16 : i32
      %add3A_168 = arith.addi %add3A_166, %add3A_167 : i32
      %get3A_169 = arith.index_cast %add3A_168 : i32 to index
      %get3A_170 = tpu.vector_load %arg6[%get3A_169] {strides = array<i32>} : memref<16384xi32, #tpu.memory_space<vmem>>, vector<16xi32>,
      %mul3A_171 = arith.constant 16 : i32
      %mul3A_172 = arith.muli %scan3A_151, %mul3A_171 : i32
      %mul3A_173 = arith.constant 16 : i32
      %mul3A_174 = arith.muli %mul3A_172, %mul3A_173 : i32
      %add3A_175 = arith.constant 12288 : i32
      %add3A_176 = arith.addi %add3A_175, %mul3A_174 : i32
      %add3A_177 = arith.constant 32 : i32
      %add3A_178 = arith.addi %add3A_176, %add3A_177 : i32
      %get3A_179 = arith.index_cast %add3A_178 : i32 to index
      %get3A_180 = tpu.vector_load %arg6[%get3A_179] {strides = array<i32>} : memref<16384xi32, #tpu.memory_space<vmem>>, vector<16xi32>,
      %mul3A_181 = arith.constant 16 : i32
      %mul3A_182 = arith.muli %scan3A_151, %mul3A_181 : i32
      %mul3A_183 = arith.constant 16 : i32
      %mul3A_184 = arith.muli %mul3A_182, %mul3A_183 : i32
      %add3A_185 = arith.constant 12288 : i32
      %add3A_186 = arith.addi %add3A_185, %mul3A_184 : i32
      %add3A_187 = arith.constant 48 : i32
      %add3A_188 = arith.addi %add3A_186, %add3A_187 : i32
      %get3A_189 = arith.index_cast %add3A_188 : i32 to index
      %get3A_190 = tpu.vector_load %arg6[%get3A_189] {strides = array<i32>} : memref<16384xi32, #tpu.memory_space<vmem>>, vector<16xi32>,
      %mul3A_191 = arith.constant 16 : i32
      %mul3A_192 = arith.muli %scan3A_151, %mul3A_191 : i32
      %mul3A_193 = arith.constant 16 : i32
      %mul3A_194 = arith.muli %mul3A_192, %mul3A_193 : i32
      %add3A_195 = arith.constant 12288 : i32
      %add3A_196 = arith.addi %add3A_195, %mul3A_194 : i32
      %add3A_197 = arith.constant 64 : i32
      %add3A_198 = arith.addi %add3A_196, %add3A_197 : i32
      %get3A_199 = arith.index_cast %add3A_198 : i32 to index
      %get3A_200 = tpu.vector_load %arg6[%get3A_199] {strides = array<i32>} : memref<16384xi32, #tpu.memory_space<vmem>>, vector<16xi32>,
      %mul3A_201 = arith.constant 16 : i32
      %mul3A_202 = arith.muli %scan3A_151, %mul3A_201 : i32
      %mul3A_203 = arith.constant 16 : i32
      %mul3A_204 = arith.muli %mul3A_202, %mul3A_203 : i32
      %add3A_205 = arith.constant 12288 : i32
      %add3A_206 = arith.addi %add3A_205, %mul3A_204 : i32
      %add3A_207 = arith.constant 80 : i32
      %add3A_208 = arith.addi %add3A_206, %add3A_207 : i32
      %get3A_209 = arith.index_cast %add3A_208 : i32 to index
      %get3A_210 = tpu.vector_load %arg6[%get3A_209] {strides = array<i32>} : memref<16384xi32, #tpu.memory_space<vmem>>, vector<16xi32>,
      %mul3A_211 = arith.constant 16 : i32
      %mul3A_212 = arith.muli %scan3A_151, %mul3A_211 : i32
      %mul3A_213 = arith.constant 16 : i32
      %mul3A_214 = arith.muli %mul3A_212, %mul3A_213 : i32
      %add3A_215 = arith.constant 12288 : i32
      %add3A_216 = arith.addi %add3A_215, %mul3A_214 : i32
      %add3A_217 = arith.constant 96 : i32
      %add3A_218 = arith.addi %add3A_216, %add3A_217 : i32
      %get3A_219 = arith.index_cast %add3A_218 : i32 to index
      %get3A_220 = tpu.vector_load %arg6[%get3A_219] {strides = array<i32>} : memref<16384xi32, #tpu.memory_space<vmem>>, vector<16xi32>,
      %mul3A_221 = arith.constant 16 : i32
      %mul3A_222 = arith.muli %scan3A_151, %mul3A_221 : i32
      %mul3A_223 = arith.constant 16 : i32
      %mul3A_224 = arith.muli %mul3A_222, %mul3A_223 : i32
      %add3A_225 = arith.constant 12288 : i32
      %add3A_226 = arith.addi %add3A_225, %mul3A_224 : i32
      %add3A_227 = arith.constant 112 : i32
      %add3A_228 = arith.addi %add3A_226, %add3A_227 : i32
      %get3A_229 = arith.index_cast %add3A_228 : i32 to index
      %get3A_230 = tpu.vector_load %arg6[%get3A_229] {strides = array<i32>} : memref<16384xi32, #tpu.memory_space<vmem>>, vector<16xi32>,
      %mul3A_231 = arith.constant 16 : i32
      %mul3A_232 = arith.muli %scan3A_151, %mul3A_231 : i32
      %mul3A_233 = arith.constant 16 : i32
      %mul3A_234 = arith.muli %mul3A_232, %mul3A_233 : i32
      %add3A_235 = arith.constant 12288 : i32
      %add3A_236 = arith.addi %add3A_235, %mul3A_234 : i32
      %add3A_237 = arith.constant 128 : i32
      %add3A_238 = arith.addi %add3A_236, %add3A_237 : i32
      %get3A_239 = arith.index_cast %add3A_238 : i32 to index
      %get3A_240 = tpu.vector_load %arg6[%get3A_239] {strides = array<i32>} : memref<16384xi32, #tpu.memory_space<vmem>>, vector<16xi32>,
      %mul3A_241 = arith.constant 16 : i32
      %mul3A_242 = arith.muli %scan3A_151, %mul3A_241 : i32
      %mul3A_243 = arith.constant 16 : i32
      %mul3A_244 = arith.muli %mul3A_242, %mul3A_243 : i32
      %add3A_245 = arith.constant 12288 : i32
      %add3A_246 = arith.addi %add3A_245, %mul3A_244 : i32
      %add3A_247 = arith.constant 144 : i32
      %add3A_248 = arith.addi %add3A_246, %add3A_247 : i32
      %get3A_249 = arith.index_cast %add3A_248 : i32 to index
      %get3A_250 = tpu.vector_load %arg6[%get3A_249] {strides = array<i32>} : memref<16384xi32, #tpu.memory_space<vmem>>, vector<16xi32>,
      %mul3A_251 = arith.constant 16 : i32
      %mul3A_252 = arith.muli %scan3A_151, %mul3A_251 : i32
      %mul3A_253 = arith.constant 16 : i32
      %mul3A_254 = arith.muli %mul3A_252, %mul3A_253 : i32
      %add3A_255 = arith.constant 12288 : i32
      %add3A_256 = arith.addi %add3A_255, %mul3A_254 : i32
      %add3A_257 = arith.constant 160 : i32
      %add3A_258 = arith.addi %add3A_256, %add3A_257 : i32
      %get3A_259 = arith.index_cast %add3A_258 : i32 to index
      %get3A_260 = tpu.vector_load %arg6[%get3A_259] {strides = array<i32>} : memref<16384xi32, #tpu.memory_space<vmem>>, vector<16xi32>,
      %mul3A_261 = arith.constant 16 : i32
      %mul3A_262 = arith.muli %scan3A_151, %mul3A_261 : i32
      %mul3A_263 = arith.constant 16 : i32
      %mul3A_264 = arith.muli %mul3A_262, %mul3A_263 : i32
      %add3A_265 = arith.constant 12288 : i32
      %add3A_266 = arith.addi %add3A_265, %mul3A_264 : i32
      %add3A_267 = arith.constant 176 : i32
      %add3A_268 = arith.addi %add3A_266, %add3A_267 : i32
      %get3A_269 = arith.index_cast %add3A_268 : i32 to index
      %get3A_270 = tpu.vector_load %arg6[%get3A_269] {strides = array<i32>} : memref<16384xi32, #tpu.memory_space<vmem>>, vector<16xi32>,
      %mul3A_271 = arith.constant 16 : i32
      %mul3A_272 = arith.muli %scan3A_151, %mul3A_271 : i32
      %mul3A_273 = arith.constant 16 : i32
      %mul3A_274 = arith.muli %mul3A_272, %mul3A_273 : i32
      %add3A_275 = arith.constant 12288 : i32
      %add3A_276 = arith.addi %add3A_275, %mul3A_274 : i32
      %add3A_277 = arith.constant 192 : i32
      %add3A_278 = arith.addi %add3A_276, %add3A_277 : i32
      %get3A_279 = arith.index_cast %add3A_278 : i32 to index
      %get3A_280 = tpu.vector_load %arg6[%get3A_279] {strides = array<i32>} : memref<16384xi32, #tpu.memory_space<vmem>>, vector<16xi32>,
      %mul3A_281 = arith.constant 16 : i32
      %mul3A_282 = arith.muli %scan3A_151, %mul3A_281 : i32
      %mul3A_283 = arith.constant 16 : i32
      %mul3A_284 = arith.muli %mul3A_282, %mul3A_283 : i32
      %add3A_285 = arith.constant 12288 : i32
      %add3A_286 = arith.addi %add3A_285, %mul3A_284 : i32
      %add3A_287 = arith.constant 208 : i32
      %add3A_288 = arith.addi %add3A_286, %add3A_287 : i32
      %get3A_289 = arith.index_cast %add3A_288 : i32 to index
      %get3A_290 = tpu.vector_load %arg6[%get3A_289] {strides = array<i32>} : memref<16384xi32, #tpu.memory_space<vmem>>, vector<16xi32>,
      %mul3A_291 = arith.constant 16 : i32
      %mul3A_292 = arith.muli %scan3A_151, %mul3A_291 : i32
      %mul3A_293 = arith.constant 16 : i32
      %mul3A_294 = arith.muli %mul3A_292, %mul3A_293 : i32
      %add3A_295 = arith.constant 12288 : i32
      %add3A_296 = arith.addi %add3A_295, %mul3A_294 : i32
      %add3A_297 = arith.constant 224 : i32
      %add3A_298 = arith.addi %add3A_296, %add3A_297 : i32
      %get3A_299 = arith.index_cast %add3A_298 : i32 to index
      %get3A_300 = tpu.vector_load %arg6[%get3A_299] {strides = array<i32>} : memref<16384xi32, #tpu.memory_space<vmem>>, vector<16xi32>,
      %mul3A_301 = arith.constant 16 : i32
      %mul3A_302 = arith.muli %scan3A_151, %mul3A_301 : i32
      %mul3A_303 = arith.constant 16 : i32
      %mul3A_304 = arith.muli %mul3A_302, %mul3A_303 : i32
      %add3A_305 = arith.constant 12288 : i32
      %add3A_306 = arith.addi %add3A_305, %mul3A_304 : i32
      %add3A_307 = arith.constant 240 : i32
      %add3A_308 = arith.addi %add3A_306, %add3A_307 : i32
      %get3A_309 = arith.index_cast %add3A_308 : i32 to index
      %get3A_310 = tpu.vector_load %arg6[%get3A_309] {strides = array<i32>} : memref<16384xi32, #tpu.memory_space<vmem>>, vector<16xi32>,
      %gather3A = tpu.vector_load_idx %arg5[%broadcast_in_dim3A_1, %get3A_160] : memref<1x100000xf32, #tpu.memory_space<vmem>>[vector<16xi32>, vector<16xi32>], vector<16xf32>,
      %gather3A_311 = tpu.vector_load_idx %arg5[%broadcast_in_dim3A_1, %get3A_170] : memref<1x100000xf32, #tpu.memory_space<vmem>>[vector<16xi32>, vector<16xi32>], vector<16xf32>,
      %gather3A_312 = tpu.vector_load_idx %arg5[%broadcast_in_dim3A_1, %get3A_180] : memref<1x100000xf32, #tpu.memory_space<vmem>>[vector<16xi32>, vector<16xi32>], vector<16xf32>,
      %gather3A_313 = tpu.vector_load_idx %arg5[%broadcast_in_dim3A_1, %get3A_190] : memref<1x100000xf32, #tpu.memory_space<vmem>>[vector<16xi32>, vector<16xi32>], vector<16xf32>,
      %gather3A_314 = tpu.vector_load_idx %arg5[%broadcast_in_dim3A_1, %get3A_200] : memref<1x100000xf32, #tpu.memory_space<vmem>>[vector<16xi32>, vector<16xi32>], vector<16xf32>,
      %gather3A_315 = tpu.vector_load_idx %arg5[%broadcast_in_dim3A_1, %get3A_210] : memref<1x100000xf32, #tpu.memory_space<vmem>>[vector<16xi32>, vector<16xi32>], vector<16xf32>,
      %gather3A_316 = tpu.vector_load_idx %arg5[%broadcast_in_dim3A_1, %get3A_220] : memref<1x100000xf32, #tpu.memory_space<vmem>>[vector<16xi32>, vector<16xi32>], vector<16xf32>,
      %gather3A_317 = tpu.vector_load_idx %arg5[%broadcast_in_dim3A_1, %get3A_230] : memref<1x100000xf32, #tpu.memory_space<vmem>>[vector<16xi32>, vector<16xi32>], vector<16xf32>,
      %gather3A_318 = tpu.vector_load_idx %arg5[%broadcast_in_dim3A_1, %get3A_240] : memref<1x100000xf32, #tpu.memory_space<vmem>>[vector<16xi32>, vector<16xi32>], vector<16xf32>,
      %gather3A_319 = tpu.vector_load_idx %arg5[%broadcast_in_dim3A_1, %get3A_250] : memref<1x100000xf32, #tpu.memory_space<vmem>>[vector<16xi32>, vector<16xi32>], vector<16xf32>,
      %gather3A_320 = tpu.vector_load_idx %arg5[%broadcast_in_dim3A_1, %get3A_260] : memref<1x100000xf32, #tpu.memory_space<vmem>>[vector<16xi32>, vector<16xi32>], vector<16xf32>,
      %gather3A_321 = tpu.vector_load_idx %arg5[%broadcast_in_dim3A_1, %get3A_270] : memref<1x100000xf32, #tpu.memory_space<vmem>>[vector<16xi32>, vector<16xi32>], vector<16xf32>,
      %gather3A_322 = tpu.vector_load_idx %arg5[%broadcast_in_dim3A_1, %get3A_280] : memref<1x100000xf32, #tpu.memory_space<vmem>>[vector<16xi32>, vector<16xi32>], vector<16xf32>,
      %gather3A_323 = tpu.vector_load_idx %arg5[%broadcast_in_dim3A_1, %get3A_290] : memref<1x100000xf32, #tpu.memory_space<vmem>>[vector<16xi32>, vector<16xi32>], vector<16xf32>,
      %gather3A_324 = tpu.vector_load_idx %arg5[%broadcast_in_dim3A_1, %get3A_300] : memref<1x100000xf32, #tpu.memory_space<vmem>>[vector<16xi32>, vector<16xi32>], vector<16xf32>,
      %gather3A_325 = tpu.vector_load_idx %arg5[%broadcast_in_dim3A_1, %get3A_310] : memref<1x100000xf32, #tpu.memory_space<vmem>>[vector<16xi32>, vector<16xi32>], vector<16xf32>,
      %mul3A_326 = arith.constant 16 : i32
      %mul3A_327 = arith.muli %scan3A_151, %mul3A_326 : i32
      %mul3A_328 = arith.constant 16 : i32
      %mul3A_329 = arith.muli %mul3A_327, %mul3A_328 : i32
      %add3A_330 = arith.constant 0 : i32
      %add3A_331 = arith.addi %mul3A_329, %add3A_330 : i32
      %swap3A = arith.constant 0 : i32
      %swap3A_332 = arith.index_cast %swap3A : i32 to index
      %swap3A_333 = arith.index_cast %add3A_331 : i32 to index
      %swap3A_334 = tpu.vector_load %arg8[%swap3A_332, %swap3A_333] {strides = array<i32>} : memref<1x4096xf32, #tpu.memory_space<vmem>>, vector<16xf32>,
      tpu.vector_store %arg8[%swap3A_332, %swap3A_333], %gather3A {strides = array<i32>} : memref<1x4096xf32, #tpu.memory_space<vmem>>, vector<16xf32>,
      %mul3A_335 = arith.constant 16 : i32
      %mul3A_336 = arith.muli %scan3A_151, %mul3A_335 : i32
      %mul3A_337 = arith.constant 16 : i32
      %mul3A_338 = arith.muli %mul3A_336, %mul3A_337 : i32
      %add3A_339 = arith.constant 16 : i32
      %add3A_340 = arith.addi %mul3A_338, %add3A_339 : i32
      %swap3A_341 = arith.constant 0 : i32
      %swap3A_342 = arith.index_cast %swap3A_341 : i32 to index
      %swap3A_343 = arith.index_cast %add3A_340 : i32 to index
      %swap3A_344 = tpu.vector_load %arg8[%swap3A_342, %swap3A_343] {strides = array<i32>} : memref<1x4096xf32, #tpu.memory_space<vmem>>, vector<16xf32>,
      tpu.vector_store %arg8[%swap3A_342, %swap3A_343], %gather3A_311 {strides = array<i32>} : memref<1x4096xf32, #tpu.memory_space<vmem>>, vector<16xf32>,
      %mul3A_345 = arith.constant 16 : i32
      %mul3A_346 = arith.muli %scan3A_151, %mul3A_345 : i32
      %mul3A_347 = arith.constant 16 : i32
      %mul3A_348 = arith.muli %mul3A_346, %mul3A_347 : i32
      %add3A_349 = arith.constant 32 : i32
      %add3A_350 = arith.addi %mul3A_348, %add3A_349 : i32
      %swap3A_351 = arith.constant 0 : i32
      %swap3A_352 = arith.index_cast %swap3A_351 : i32 to index
      %swap3A_353 = arith.index_cast %add3A_350 : i32 to index
      %swap3A_354 = tpu.vector_load %arg8[%swap3A_352, %swap3A_353] {strides = array<i32>} : memref<1x4096xf32, #tpu.memory_space<vmem>>, vector<16xf32>,
      tpu.vector_store %arg8[%swap3A_352, %swap3A_353], %gather3A_312 {strides = array<i32>} : memref<1x4096xf32, #tpu.memory_space<vmem>>, vector<16xf32>,
      %mul3A_355 = arith.constant 16 : i32
      %mul3A_356 = arith.muli %scan3A_151, %mul3A_355 : i32
      %mul3A_357 = arith.constant 16 : i32
      %mul3A_358 = arith.muli %mul3A_356, %mul3A_357 : i32
      %add3A_359 = arith.constant 48 : i32
      %add3A_360 = arith.addi %mul3A_358, %add3A_359 : i32
      %swap3A_361 = arith.constant 0 : i32
      %swap3A_362 = arith.index_cast %swap3A_361 : i32 to index
      %swap3A_363 = arith.index_cast %add3A_360 : i32 to index
      %swap3A_364 = tpu.vector_load %arg8[%swap3A_362, %swap3A_363] {strides = array<i32>} : memref<1x4096xf32, #tpu.memory_space<vmem>>, vector<16xf32>,
      tpu.vector_store %arg8[%swap3A_362, %swap3A_363], %gather3A_313 {strides = array<i32>} : memref<1x4096xf32, #tpu.memory_space<vmem>>, vector<16xf32>,
      %mul3A_365 = arith.constant 16 : i32
      %mul3A_366 = arith.muli %scan3A_151, %mul3A_365 : i32
      %mul3A_367 = arith.constant 16 : i32
      %mul3A_368 = arith.muli %mul3A_366, %mul3A_367 : i32
      %add3A_369 = arith.constant 64 : i32
      %add3A_370 = arith.addi %mul3A_368, %add3A_369 : i32
      %swap3A_371 = arith.constant 0 : i32
      %swap3A_372 = arith.index_cast %swap3A_371 : i32 to index
      %swap3A_373 = arith.index_cast %add3A_370 : i32 to index
      %swap3A_374 = tpu.vector_load %arg8[%swap3A_372, %swap3A_373] {strides = array<i32>} : memref<1x4096xf32, #tpu.memory_space<vmem>>, vector<16xf32>,
      tpu.vector_store %arg8[%swap3A_372, %swap3A_373], %gather3A_314 {strides = array<i32>} : memref<1x4096xf32, #tpu.memory_space<vmem>>, vector<16xf32>,
      %mul3A_375 = arith.constant 16 : i32
      %mul3A_376 = arith.muli %scan3A_151, %mul3A_375 : i32
      %mul3A_377 = arith.constant 16 : i32
      %mul3A_378 = arith.muli %mul3A_376, %mul3A_377 : i32
      %add3A_379 = arith.constant 80 : i32
      %add3A_380 = arith.addi %mul3A_378, %add3A_379 : i32
      %swap3A_381 = arith.constant 0 : i32
      %swap3A_382 = arith.index_cast %swap3A_381 : i32 to index
      %swap3A_383 = arith.index_cast %add3A_380 : i32 to index
      %swap3A_384 = tpu.vector_load %arg8[%swap3A_382, %swap3A_383] {strides = array<i32>} : memref<1x4096xf32, #tpu.memory_space<vmem>>, vector<16xf32>,
      tpu.vector_store %arg8[%swap3A_382, %swap3A_383], %gather3A_315 {strides = array<i32>} : memref<1x4096xf32, #tpu.memory_space<vmem>>, vector<16xf32>,
      %mul3A_385 = arith.constant 16 : i32
      %mul3A_386 = arith.muli %scan3A_151, %mul3A_385 : i32
      %mul3A_387 = arith.constant 16 : i32
      %mul3A_388 = arith.muli %mul3A_386, %mul3A_387 : i32
      %add3A_389 = arith.constant 96 : i32
      %add3A_390 = arith.addi %mul3A_388, %add3A_389 : i32
      %swap3A_391 = arith.constant 0 : i32
      %swap3A_392 = arith.index_cast %swap3A_391 : i32 to index
      %swap3A_393 = arith.index_cast %add3A_390 : i32 to index
      %swap3A_394 = tpu.vector_load %arg8[%swap3A_392, %swap3A_393] {strides = array<i32>} : memref<1x4096xf32, #tpu.memory_space<vmem>>, vector<16xf32>,
      tpu.vector_store %arg8[%swap3A_392, %swap3A_393], %gather3A_316 {strides = array<i32>} : memref<1x4096xf32, #tpu.memory_space<vmem>>, vector<16xf32>,
      %mul3A_395 = arith.constant 16 : i32
      %mul3A_396 = arith.muli %scan3A_151, %mul3A_395 : i32
      %mul3A_397 = arith.constant 16 : i32
      %mul3A_398 = arith.muli %mul3A_396, %mul3A_397 : i32
      %add3A_399 = arith.constant 112 : i32
      %add3A_400 = arith.addi %mul3A_398, %add3A_399 : i32
      %swap3A_401 = arith.constant 0 : i32
      %swap3A_402 = arith.index_cast %swap3A_401 : i32 to index
      %swap3A_403 = arith.index_cast %add3A_400 : i32 to index
      %swap3A_404 = tpu.vector_load %arg8[%swap3A_402, %swap3A_403] {strides = array<i32>} : memref<1x4096xf32, #tpu.memory_space<vmem>>, vector<16xf32>,
      tpu.vector_store %arg8[%swap3A_402, %swap3A_403], %gather3A_317 {strides = array<i32>} : memref<1x4096xf32, #tpu.memory_space<vmem>>, vector<16xf32>,
      %mul3A_405 = arith.constant 16 : i32
      %mul3A_406 = arith.muli %scan3A_151, %mul3A_405 : i32
      %mul3A_407 = arith.constant 16 : i32
      %mul3A_408 = arith.muli %mul3A_406, %mul3A_407 : i32
      %add3A_409 = arith.constant 128 : i32
      %add3A_410 = arith.addi %mul3A_408, %add3A_409 : i32
      %swap3A_411 = arith.constant 0 : i32
      %swap3A_412 = arith.index_cast %swap3A_411 : i32 to index
      %swap3A_413 = arith.index_cast %add3A_410 : i32 to index
      %swap3A_414 = tpu.vector_load %arg8[%swap3A_412, %swap3A_413] {strides = array<i32>} : memref<1x4096xf32, #tpu.memory_space<vmem>>, vector<16xf32>,
      tpu.vector_store %arg8[%swap3A_412, %swap3A_413], %gather3A_318 {strides = array<i32>} : memref<1x4096xf32, #tpu.memory_space<vmem>>, vector<16xf32>,
      %mul3A_415 = arith.constant 16 : i32
      %mul3A_416 = arith.muli %scan3A_151, %mul3A_415 : i32
      %mul3A_417 = arith.constant 16 : i32
      %mul3A_418 = arith.muli %mul3A_416, %mul3A_417 : i32
      %add3A_419 = arith.constant 144 : i32
      %add3A_420 = arith.addi %mul3A_418, %add3A_419 : i32
      %swap3A_421 = arith.constant 0 : i32
      %swap3A_422 = arith.index_cast %swap3A_421 : i32 to index
      %swap3A_423 = arith.index_cast %add3A_420 : i32 to index
      %swap3A_424 = tpu.vector_load %arg8[%swap3A_422, %swap3A_423] {strides = array<i32>} : memref<1x4096xf32, #tpu.memory_space<vmem>>, vector<16xf32>,
      tpu.vector_store %arg8[%swap3A_422, %swap3A_423], %gather3A_319 {strides = array<i32>} : memref<1x4096xf32, #tpu.memory_space<vmem>>, vector<16xf32>,
      %mul3A_425 = arith.constant 16 : i32
      %mul3A_426 = arith.muli %scan3A_151, %mul3A_425 : i32
      %mul3A_427 = arith.constant 16 : i32
      %mul3A_428 = arith.muli %mul3A_426, %mul3A_427 : i32
      %add3A_429 = arith.constant 160 : i32
      %add3A_430 = arith.addi %mul3A_428, %add3A_429 : i32
      %swap3A_431 = arith.constant 0 : i32
      %swap3A_432 = arith.index_cast %swap3A_431 : i32 to index
      %swap3A_433 = arith.index_cast %add3A_430 : i32 to index
      %swap3A_434 = tpu.vector_load %arg8[%swap3A_432, %swap3A_433] {strides = array<i32>} : memref<1x4096xf32, #tpu.memory_space<vmem>>, vector<16xf32>,
      tpu.vector_store %arg8[%swap3A_432, %swap3A_433], %gather3A_320 {strides = array<i32>} : memref<1x4096xf32, #tpu.memory_space<vmem>>, vector<16xf32>,
      %mul3A_435 = arith.constant 16 : i32
      %mul3A_436 = arith.muli %scan3A_151, %mul3A_435 : i32
      %mul3A_437 = arith.constant 16 : i32
      %mul3A_438 = arith.muli %mul3A_436, %mul3A_437 : i32
      %add3A_439 = arith.constant 176 : i32
      %add3A_440 = arith.addi %mul3A_438, %add3A_439 : i32
      %swap3A_441 = arith.constant 0 : i32
      %swap3A_442 = arith.index_cast %swap3A_441 : i32 to index
      %swap3A_443 = arith.index_cast %add3A_440 : i32 to index
      %swap3A_444 = tpu.vector_load %arg8[%swap3A_442, %swap3A_443] {strides = array<i32>} : memref<1x4096xf32, #tpu.memory_space<vmem>>, vector<16xf32>,
      tpu.vector_store %arg8[%swap3A_442, %swap3A_443], %gather3A_321 {strides = array<i32>} : memref<1x4096xf32, #tpu.memory_space<vmem>>, vector<16xf32>,
      %mul3A_445 = arith.constant 16 : i32
      %mul3A_446 = arith.muli %scan3A_151, %mul3A_445 : i32
      %mul3A_447 = arith.constant 16 : i32
      %mul3A_448 = arith.muli %mul3A_446, %mul3A_447 : i32
      %add3A_449 = arith.constant 192 : i32
      %add3A_450 = arith.addi %mul3A_448, %add3A_449 : i32
      %swap3A_451 = arith.constant 0 : i32
      %swap3A_452 = arith.index_cast %swap3A_451 : i32 to index
      %swap3A_453 = arith.index_cast %add3A_450 : i32 to index
      %swap3A_454 = tpu.vector_load %arg8[%swap3A_452, %swap3A_453] {strides = array<i32>} : memref<1x4096xf32, #tpu.memory_space<vmem>>, vector<16xf32>,
      tpu.vector_store %arg8[%swap3A_452, %swap3A_453], %gather3A_322 {strides = array<i32>} : memref<1x4096xf32, #tpu.memory_space<vmem>>, vector<16xf32>,
      %mul3A_455 = arith.constant 16 : i32
      %mul3A_456 = arith.muli %scan3A_151, %mul3A_455 : i32
      %mul3A_457 = arith.constant 16 : i32
      %mul3A_458 = arith.muli %mul3A_456, %mul3A_457 : i32
      %add3A_459 = arith.constant 208 : i32
      %add3A_460 = arith.addi %mul3A_458, %add3A_459 : i32
      %swap3A_461 = arith.constant 0 : i32
      %swap3A_462 = arith.index_cast %swap3A_461 : i32 to index
      %swap3A_463 = arith.index_cast %add3A_460 : i32 to index
      %swap3A_464 = tpu.vector_load %arg8[%swap3A_462, %swap3A_463] {strides = array<i32>} : memref<1x4096xf32, #tpu.memory_space<vmem>>, vector<16xf32>,
      tpu.vector_store %arg8[%swap3A_462, %swap3A_463], %gather3A_323 {strides = array<i32>} : memref<1x4096xf32, #tpu.memory_space<vmem>>, vector<16xf32>,
      %mul3A_465 = arith.constant 16 : i32
      %mul3A_466 = arith.muli %scan3A_151, %mul3A_465 : i32
      %mul3A_467 = arith.constant 16 : i32
      %mul3A_468 = arith.muli %mul3A_466, %mul3A_467 : i32
      %add3A_469 = arith.constant 224 : i32
      %add3A_470 = arith.addi %mul3A_468, %add3A_469 : i32
      %swap3A_471 = arith.constant 0 : i32
      %swap3A_472 = arith.index_cast %swap3A_471 : i32 to index
      %swap3A_473 = arith.index_cast %add3A_470 : i32 to index
      %swap3A_474 = tpu.vector_load %arg8[%swap3A_472, %swap3A_473] {strides = array<i32>} : memref<1x4096xf32, #tpu.memory_space<vmem>>, vector<16xf32>,
      tpu.vector_store %arg8[%swap3A_472, %swap3A_473], %gather3A_324 {strides = array<i32>} : memref<1x4096xf32, #tpu.memory_space<vmem>>, vector<16xf32>,
      %mul3A_475 = arith.constant 16 : i32
      %mul3A_476 = arith.muli %scan3A_151, %mul3A_475 : i32
      %mul3A_477 = arith.constant 16 : i32
      %mul3A_478 = arith.muli %mul3A_476, %mul3A_477 : i32
      %add3A_479 = arith.constant 240 : i32
      %add3A_480 = arith.addi %mul3A_478, %add3A_479 : i32
      %swap3A_481 = arith.constant 0 : i32
      %swap3A_482 = arith.index_cast %swap3A_481 : i32 to index
      %swap3A_483 = arith.index_cast %add3A_480 : i32 to index
      %swap3A_484 = tpu.vector_load %arg8[%swap3A_482, %swap3A_483] {strides = array<i32>} : memref<1x4096xf32, #tpu.memory_space<vmem>>, vector<16xf32>,
      tpu.vector_store %arg8[%swap3A_482, %swap3A_483], %gather3A_325 {strides = array<i32>} : memref<1x4096xf32, #tpu.memory_space<vmem>>, vector<16xf32>,
      %scan3A_485 = arith.constant 1 : i32
      %scan3A_486 = arith.addi %scan3A_151, %scan3A_485 : i32
      %mul3A_487 = arith.constant 16 : i32
      %mul3A_488 = arith.muli %scan3A_486, %mul3A_487 : i32
      %mul3A_489 = arith.constant 16 : i32
      %mul3A_490 = arith.muli %mul3A_488, %mul3A_489 : i32
      %add3A_491 = arith.constant 12288 : i32
      %add3A_492 = arith.addi %add3A_491, %mul3A_490 : i32
      %add3A_493 = arith.constant 0 : i32
      %add3A_494 = arith.addi %add3A_492, %add3A_493 : i32
      %get3A_495 = arith.index_cast %add3A_494 : i32 to index
      %get3A_496 = tpu.vector_load %arg6[%get3A_495] {strides = array<i32>} : memref<16384xi32, #tpu.memory_space<vmem>>, vector<16xi32>,
      %mul3A_497 = arith.constant 16 : i32
      %mul3A_498 = arith.muli %scan3A_486, %mul3A_497 : i32
      %mul3A_499 = arith.constant 16 : i32
      %mul3A_500 = arith.muli %mul3A_498, %mul3A_499 : i32
      %add3A_501 = arith.constant 12288 : i32
      %add3A_502 = arith.addi %add3A_501, %mul3A_500 : i32
      %add3A_503 = arith.constant 16 : i32
      %add3A_504 = arith.addi %add3A_502, %add3A_503 : i32
      %get3A_505 = arith.index_cast %add3A_504 : i32 to index
      %get3A_506 = tpu.vector_load %arg6[%get3A_505] {strides = array<i32>} : memref<16384xi32, #tpu.memory_space<vmem>>, vector<16xi32>,
      %mul3A_507 = arith.constant 16 : i32
      %mul3A_508 = arith.muli %scan3A_486, %mul3A_507 : i32
      %mul3A_509 = arith.constant 16 : i32
      %mul3A_510 = arith.muli %mul3A_508, %mul3A_509 : i32
      %add3A_511 = arith.constant 12288 : i32
      %add3A_512 = arith.addi %add3A_511, %mul3A_510 : i32
      %add3A_513 = arith.constant 32 : i32
      %add3A_514 = arith.addi %add3A_512, %add3A_513 : i32
      %get3A_515 = arith.index_cast %add3A_514 : i32 to index
      %get3A_516 = tpu.vector_load %arg6[%get3A_515] {strides = array<i32>} : memref<16384xi32, #tpu.memory_space<vmem>>, vector<16xi32>,
      %mul3A_517 = arith.constant 16 : i32
      %mul3A_518 = arith.muli %scan3A_486, %mul3A_517 : i32
      %mul3A_519 = arith.constant 16 : i32
      %mul3A_520 = arith.muli %mul3A_518, %mul3A_519 : i32
      %add3A_521 = arith.constant 12288 : i32
      %add3A_522 = arith.addi %add3A_521, %mul3A_520 : i32
      %add3A_523 = arith.constant 48 : i32
      %add3A_524 = arith.addi %add3A_522, %add3A_523 : i32
      %get3A_525 = arith.index_cast %add3A_524 : i32 to index
      %get3A_526 = tpu.vector_load %arg6[%get3A_525] {strides = array<i32>} : memref<16384xi32, #tpu.memory_space<vmem>>, vector<16xi32>,
      %mul3A_527 = arith.constant 16 : i32
      %mul3A_528 = arith.muli %scan3A_486, %mul3A_527 : i32
      %mul3A_529 = arith.constant 16 : i32
      %mul3A_530 = arith.muli %mul3A_528, %mul3A_529 : i32
      %add3A_531 = arith.constant 12288 : i32
      %add3A_532 = arith.addi %add3A_531, %mul3A_530 : i32
      %add3A_533 = arith.constant 64 : i32
      %add3A_534 = arith.addi %add3A_532, %add3A_533 : i32
      %get3A_535 = arith.index_cast %add3A_534 : i32 to index
      %get3A_536 = tpu.vector_load %arg6[%get3A_535] {strides = array<i32>} : memref<16384xi32, #tpu.memory_space<vmem>>, vector<16xi32>,
      %mul3A_537 = arith.constant 16 : i32
      %mul3A_538 = arith.muli %scan3A_486, %mul3A_537 : i32
      %mul3A_539 = arith.constant 16 : i32
      %mul3A_540 = arith.muli %mul3A_538, %mul3A_539 : i32
      %add3A_541 = arith.constant 12288 : i32
      %add3A_542 = arith.addi %add3A_541, %mul3A_540 : i32
      %add3A_543 = arith.constant 80 : i32
      %add3A_544 = arith.addi %add3A_542, %add3A_543 : i32
      %get3A_545 = arith.index_cast %add3A_544 : i32 to index
      %get3A_546 = tpu.vector_load %arg6[%get3A_545] {strides = array<i32>} : memref<16384xi32, #tpu.memory_space<vmem>>, vector<16xi32>,
      %mul3A_547 = arith.constant 16 : i32
      %mul3A_548 = arith.muli %scan3A_486, %mul3A_547 : i32
      %mul3A_549 = arith.constant 16 : i32
      %mul3A_550 = arith.muli %mul3A_548, %mul3A_549 : i32
      %add3A_551 = arith.constant 12288 : i32
      %add3A_552 = arith.addi %add3A_551, %mul3A_550 : i32
      %add3A_553 = arith.constant 96 : i32
      %add3A_554 = arith.addi %add3A_552, %add3A_553 : i32
      %get3A_555 = arith.index_cast %add3A_554 : i32 to index
      %get3A_556 = tpu.vector_load %arg6[%get3A_555] {strides = array<i32>} : memref<16384xi32, #tpu.memory_space<vmem>>, vector<16xi32>,
      %mul3A_557 = arith.constant 16 : i32
      %mul3A_558 = arith.muli %scan3A_486, %mul3A_557 : i32
      %mul3A_559 = arith.constant 16 : i32
      %mul3A_560 = arith.muli %mul3A_558, %mul3A_559 : i32
      %add3A_561 = arith.constant 12288 : i32
      %add3A_562 = arith.addi %add3A_561, %mul3A_560 : i32
      %add3A_563 = arith.constant 112 : i32
      %add3A_564 = arith.addi %add3A_562, %add3A_563 : i32
      %get3A_565 = arith.index_cast %add3A_564 : i32 to index
      %get3A_566 = tpu.vector_load %arg6[%get3A_565] {strides = array<i32>} : memref<16384xi32, #tpu.memory_space<vmem>>, vector<16xi32>,
      %mul3A_567 = arith.constant 16 : i32
      %mul3A_568 = arith.muli %scan3A_486, %mul3A_567 : i32
      %mul3A_569 = arith.constant 16 : i32
      %mul3A_570 = arith.muli %mul3A_568, %mul3A_569 : i32
      %add3A_571 = arith.constant 12288 : i32
      %add3A_572 = arith.addi %add3A_571, %mul3A_570 : i32
      %add3A_573 = arith.constant 128 : i32
      %add3A_574 = arith.addi %add3A_572, %add3A_573 : i32
      %get3A_575 = arith.index_cast %add3A_574 : i32 to index
      %get3A_576 = tpu.vector_load %arg6[%get3A_575] {strides = array<i32>} : memref<16384xi32, #tpu.memory_space<vmem>>, vector<16xi32>,
      %mul3A_577 = arith.constant 16 : i32
      %mul3A_578 = arith.muli %scan3A_486, %mul3A_577 : i32
      %mul3A_579 = arith.constant 16 : i32
      %mul3A_580 = arith.muli %mul3A_578, %mul3A_579 : i32
      %add3A_581 = arith.constant 12288 : i32
      %add3A_582 = arith.addi %add3A_581, %mul3A_580 : i32
      %add3A_583 = arith.constant 144 : i32
      %add3A_584 = arith.addi %add3A_582, %add3A_583 : i32
      %get3A_585 = arith.index_cast %add3A_584 : i32 to index
      %get3A_586 = tpu.vector_load %arg6[%get3A_585] {strides = array<i32>} : memref<16384xi32, #tpu.memory_space<vmem>>, vector<16xi32>,
      %mul3A_587 = arith.constant 16 : i32
      %mul3A_588 = arith.muli %scan3A_486, %mul3A_587 : i32
      %mul3A_589 = arith.constant 16 : i32
      %mul3A_590 = arith.muli %mul3A_588, %mul3A_589 : i32
      %add3A_591 = arith.constant 12288 : i32
      %add3A_592 = arith.addi %add3A_591, %mul3A_590 : i32
      %add3A_593 = arith.constant 160 : i32
      %add3A_594 = arith.addi %add3A_592, %add3A_593 : i32
      %get3A_595 = arith.index_cast %add3A_594 : i32 to index
      %get3A_596 = tpu.vector_load %arg6[%get3A_595] {strides = array<i32>} : memref<16384xi32, #tpu.memory_space<vmem>>, vector<16xi32>,
      %mul3A_597 = arith.constant 16 : i32
      %mul3A_598 = arith.muli %scan3A_486, %mul3A_597 : i32
      %mul3A_599 = arith.constant 16 : i32
      %mul3A_600 = arith.muli %mul3A_598, %mul3A_599 : i32
      %add3A_601 = arith.constant 12288 : i32
      %add3A_602 = arith.addi %add3A_601, %mul3A_600 : i32
      %add3A_603 = arith.constant 176 : i32
      %add3A_604 = arith.addi %add3A_602, %add3A_603 : i32
      %get3A_605 = arith.index_cast %add3A_604 : i32 to index
      %get3A_606 = tpu.vector_load %arg6[%get3A_605] {strides = array<i32>} : memref<16384xi32, #tpu.memory_space<vmem>>, vector<16xi32>,
      %mul3A_607 = arith.constant 16 : i32
      %mul3A_608 = arith.muli %scan3A_486, %mul3A_607 : i32
      %mul3A_609 = arith.constant 16 : i32
      %mul3A_610 = arith.muli %mul3A_608, %mul3A_609 : i32
      %add3A_611 = arith.constant 12288 : i32
      %add3A_612 = arith.addi %add3A_611, %mul3A_610 : i32
      %add3A_613 = arith.constant 192 : i32
      %add3A_614 = arith.addi %add3A_612, %add3A_613 : i32
      %get3A_615 = arith.index_cast %add3A_614 : i32 to index
      %get3A_616 = tpu.vector_load %arg6[%get3A_615] {strides = array<i32>} : memref<16384xi32, #tpu.memory_space<vmem>>, vector<16xi32>,
      %mul3A_617 = arith.constant 16 : i32
      %mul3A_618 = arith.muli %scan3A_486, %mul3A_617 : i32
      %mul3A_619 = arith.constant 16 : i32
      %mul3A_620 = arith.muli %mul3A_618, %mul3A_619 : i32
      %add3A_621 = arith.constant 12288 : i32
      %add3A_622 = arith.addi %add3A_621, %mul3A_620 : i32
      %add3A_623 = arith.constant 208 : i32
      %add3A_624 = arith.addi %add3A_622, %add3A_623 : i32
      %get3A_625 = arith.index_cast %add3A_624 : i32 to index
      %get3A_626 = tpu.vector_load %arg6[%get3A_625] {strides = array<i32>} : memref<16384xi32, #tpu.memory_space<vmem>>, vector<16xi32>,
      %mul3A_627 = arith.constant 16 : i32
      %mul3A_628 = arith.muli %scan3A_486, %mul3A_627 : i32
      %mul3A_629 = arith.constant 16 : i32
      %mul3A_630 = arith.muli %mul3A_628, %mul3A_629 : i32
      %add3A_631 = arith.constant 12288 : i32
      %add3A_632 = arith.addi %add3A_631, %mul3A_630 : i32
      %add3A_633 = arith.constant 224 : i32
      %add3A_634 = arith.addi %add3A_632, %add3A_633 : i32
      %get3A_635 = arith.index_cast %add3A_634 : i32 to index
      %get3A_636 = tpu.vector_load %arg6[%get3A_635] {strides = array<i32>} : memref<16384xi32, #tpu.memory_space<vmem>>, vector<16xi32>,
      %mul3A_637 = arith.constant 16 : i32
      %mul3A_638 = arith.muli %scan3A_486, %mul3A_637 : i32
      %mul3A_639 = arith.constant 16 : i32
      %mul3A_640 = arith.muli %mul3A_638, %mul3A_639 : i32
      %add3A_641 = arith.constant 12288 : i32
      %add3A_642 = arith.addi %add3A_641, %mul3A_640 : i32
      %add3A_643 = arith.constant 240 : i32
      %add3A_644 = arith.addi %add3A_642, %add3A_643 : i32
      %get3A_645 = arith.index_cast %add3A_644 : i32 to index
      %get3A_646 = tpu.vector_load %arg6[%get3A_645] {strides = array<i32>} : memref<16384xi32, #tpu.memory_space<vmem>>, vector<16xi32>,
      %gather3A_647 = tpu.vector_load_idx %arg5[%broadcast_in_dim3A_1, %get3A_496] : memref<1x100000xf32, #tpu.memory_space<vmem>>[vector<16xi32>, vector<16xi32>], vector<16xf32>,
      %gather3A_648 = tpu.vector_load_idx %arg5[%broadcast_in_dim3A_1, %get3A_506] : memref<1x100000xf32, #tpu.memory_space<vmem>>[vector<16xi32>, vector<16xi32>], vector<16xf32>,
      %gather3A_649 = tpu.vector_load_idx %arg5[%broadcast_in_dim3A_1, %get3A_516] : memref<1x100000xf32, #tpu.memory_space<vmem>>[vector<16xi32>, vector<16xi32>], vector<16xf32>,
      %gather3A_650 = tpu.vector_load_idx %arg5[%broadcast_in_dim3A_1, %get3A_526] : memref<1x100000xf32, #tpu.memory_space<vmem>>[vector<16xi32>, vector<16xi32>], vector<16xf32>,
      %gather3A_651 = tpu.vector_load_idx %arg5[%broadcast_in_dim3A_1, %get3A_536] : memref<1x100000xf32, #tpu.memory_space<vmem>>[vector<16xi32>, vector<16xi32>], vector<16xf32>,
      %gather3A_652 = tpu.vector_load_idx %arg5[%broadcast_in_dim3A_1, %get3A_546] : memref<1x100000xf32, #tpu.memory_space<vmem>>[vector<16xi32>, vector<16xi32>], vector<16xf32>,
      %gather3A_653 = tpu.vector_load_idx %arg5[%broadcast_in_dim3A_1, %get3A_556] : memref<1x100000xf32, #tpu.memory_space<vmem>>[vector<16xi32>, vector<16xi32>], vector<16xf32>,
      %gather3A_654 = tpu.vector_load_idx %arg5[%broadcast_in_dim3A_1, %get3A_566] : memref<1x100000xf32, #tpu.memory_space<vmem>>[vector<16xi32>, vector<16xi32>], vector<16xf32>,
      %gather3A_655 = tpu.vector_load_idx %arg5[%broadcast_in_dim3A_1, %get3A_576] : memref<1x100000xf32, #tpu.memory_space<vmem>>[vector<16xi32>, vector<16xi32>], vector<16xf32>,
      %gather3A_656 = tpu.vector_load_idx %arg5[%broadcast_in_dim3A_1, %get3A_586] : memref<1x100000xf32, #tpu.memory_space<vmem>>[vector<16xi32>, vector<16xi32>], vector<16xf32>,
      %gather3A_657 = tpu.vector_load_idx %arg5[%broadcast_in_dim3A_1, %get3A_596] : memref<1x100000xf32, #tpu.memory_space<vmem>>[vector<16xi32>, vector<16xi32>], vector<16xf32>,
      %gather3A_658 = tpu.vector_load_idx %arg5[%broadcast_in_dim3A_1, %get3A_606] : memref<1x100000xf32, #tpu.memory_space<vmem>>[vector<16xi32>, vector<16xi32>], vector<16xf32>,
      %gather3A_659 = tpu.vector_load_idx %arg5[%broadcast_in_dim3A_1, %get3A_616] : memref<1x100000xf32, #tpu.memory_space<vmem>>[vector<16xi32>, vector<16xi32>], vector<16xf32>,
      %gather3A_660 = tpu.vector_load_idx %arg5[%broadcast_in_dim3A_1, %get3A_626] : memref<1x100000xf32, #tpu.memory_space<vmem>>[vector<16xi32>, vector<16xi32>], vector<16xf32>,
      %gather3A_661 = tpu.vector_load_idx %arg5[%broadcast_in_dim3A_1, %get3A_636] : memref<1x100000xf32, #tpu.memory_space<vmem>>[vector<16xi32>, vector<16xi32>], vector<16xf32>,
      %gather3A_662 = tpu.vector_load_idx %arg5[%broadcast_in_dim3A_1, %get3A_646] : memref<1x100000xf32, #tpu.memory_space<vmem>>[vector<16xi32>, vector<16xi32>], vector<16xf32>,
      %mul3A_663 = arith.constant 16 : i32
      %mul3A_664 = arith.muli %scan3A_486, %mul3A_663 : i32
      %mul3A_665 = arith.constant 16 : i32
      %mul3A_666 = arith.muli %mul3A_664, %mul3A_665 : i32
      %add3A_667 = arith.constant 0 : i32
      %add3A_668 = arith.addi %mul3A_666, %add3A_667 : i32
      %swap3A_669 = arith.constant 0 : i32
      %swap3A_670 = arith.index_cast %swap3A_669 : i32 to index
      %swap3A_671 = arith.index_cast %add3A_668 : i32 to index
      %swap3A_672 = tpu.vector_load %arg8[%swap3A_670, %swap3A_671] {strides = array<i32>} : memref<1x4096xf32, #tpu.memory_space<vmem>>, vector<16xf32>,
      tpu.vector_store %arg8[%swap3A_670, %swap3A_671], %gather3A_647 {strides = array<i32>} : memref<1x4096xf32, #tpu.memory_space<vmem>>, vector<16xf32>,
      %mul3A_673 = arith.constant 16 : i32
      %mul3A_674 = arith.muli %scan3A_486, %mul3A_673 : i32
      %mul3A_675 = arith.constant 16 : i32
      %mul3A_676 = arith.muli %mul3A_674, %mul3A_675 : i32
      %add3A_677 = arith.constant 16 : i32
      %add3A_678 = arith.addi %mul3A_676, %add3A_677 : i32
      %swap3A_679 = arith.constant 0 : i32
      %swap3A_680 = arith.index_cast %swap3A_679 : i32 to index
      %swap3A_681 = arith.index_cast %add3A_678 : i32 to index
      %swap3A_682 = tpu.vector_load %arg8[%swap3A_680, %swap3A_681] {strides = array<i32>} : memref<1x4096xf32, #tpu.memory_space<vmem>>, vector<16xf32>,
      tpu.vector_store %arg8[%swap3A_680, %swap3A_681], %gather3A_648 {strides = array<i32>} : memref<1x4096xf32, #tpu.memory_space<vmem>>, vector<16xf32>,
      %mul3A_683 = arith.constant 16 : i32
      %mul3A_684 = arith.muli %scan3A_486, %mul3A_683 : i32
      %mul3A_685 = arith.constant 16 : i32
      %mul3A_686 = arith.muli %mul3A_684, %mul3A_685 : i32
      %add3A_687 = arith.constant 32 : i32
      %add3A_688 = arith.addi %mul3A_686, %add3A_687 : i32
      %swap3A_689 = arith.constant 0 : i32
      %swap3A_690 = arith.index_cast %swap3A_689 : i32 to index
      %swap3A_691 = arith.index_cast %add3A_688 : i32 to index
      %swap3A_692 = tpu.vector_load %arg8[%swap3A_690, %swap3A_691] {strides = array<i32>} : memref<1x4096xf32, #tpu.memory_space<vmem>>, vector<16xf32>,
      tpu.vector_store %arg8[%swap3A_690, %swap3A_691], %gather3A_649 {strides = array<i32>} : memref<1x4096xf32, #tpu.memory_space<vmem>>, vector<16xf32>,
      %mul3A_693 = arith.constant 16 : i32
      %mul3A_694 = arith.muli %scan3A_486, %mul3A_693 : i32
      %mul3A_695 = arith.constant 16 : i32
      %mul3A_696 = arith.muli %mul3A_694, %mul3A_695 : i32
      %add3A_697 = arith.constant 48 : i32
      %add3A_698 = arith.addi %mul3A_696, %add3A_697 : i32
      %swap3A_699 = arith.constant 0 : i32
      %swap3A_700 = arith.index_cast %swap3A_699 : i32 to index
      %swap3A_701 = arith.index_cast %add3A_698 : i32 to index
      %swap3A_702 = tpu.vector_load %arg8[%swap3A_700, %swap3A_701] {strides = array<i32>} : memref<1x4096xf32, #tpu.memory_space<vmem>>, vector<16xf32>,
      tpu.vector_store %arg8[%swap3A_700, %swap3A_701], %gather3A_650 {strides = array<i32>} : memref<1x4096xf32, #tpu.memory_space<vmem>>, vector<16xf32>,
      %mul3A_703 = arith.constant 16 : i32
      %mul3A_704 = arith.muli %scan3A_486, %mul3A_703 : i32
      %mul3A_705 = arith.constant 16 : i32
      %mul3A_706 = arith.muli %mul3A_704, %mul3A_705 : i32
      %add3A_707 = arith.constant 64 : i32
      %add3A_708 = arith.addi %mul3A_706, %add3A_707 : i32
      %swap3A_709 = arith.constant 0 : i32
      %swap3A_710 = arith.index_cast %swap3A_709 : i32 to index
      %swap3A_711 = arith.index_cast %add3A_708 : i32 to index
      %swap3A_712 = tpu.vector_load %arg8[%swap3A_710, %swap3A_711] {strides = array<i32>} : memref<1x4096xf32, #tpu.memory_space<vmem>>, vector<16xf32>,
      tpu.vector_store %arg8[%swap3A_710, %swap3A_711], %gather3A_651 {strides = array<i32>} : memref<1x4096xf32, #tpu.memory_space<vmem>>, vector<16xf32>,
      %mul3A_713 = arith.constant 16 : i32
      %mul3A_714 = arith.muli %scan3A_486, %mul3A_713 : i32
      %mul3A_715 = arith.constant 16 : i32
      %mul3A_716 = arith.muli %mul3A_714, %mul3A_715 : i32
      %add3A_717 = arith.constant 80 : i32
      %add3A_718 = arith.addi %mul3A_716, %add3A_717 : i32
      %swap3A_719 = arith.constant 0 : i32
      %swap3A_720 = arith.index_cast %swap3A_719 : i32 to index
      %swap3A_721 = arith.index_cast %add3A_718 : i32 to index
      %swap3A_722 = tpu.vector_load %arg8[%swap3A_720, %swap3A_721] {strides = array<i32>} : memref<1x4096xf32, #tpu.memory_space<vmem>>, vector<16xf32>,
      tpu.vector_store %arg8[%swap3A_720, %swap3A_721], %gather3A_652 {strides = array<i32>} : memref<1x4096xf32, #tpu.memory_space<vmem>>, vector<16xf32>,
      %mul3A_723 = arith.constant 16 : i32
      %mul3A_724 = arith.muli %scan3A_486, %mul3A_723 : i32
      %mul3A_725 = arith.constant 16 : i32
      %mul3A_726 = arith.muli %mul3A_724, %mul3A_725 : i32
      %add3A_727 = arith.constant 96 : i32
      %add3A_728 = arith.addi %mul3A_726, %add3A_727 : i32
      %swap3A_729 = arith.constant 0 : i32
      %swap3A_730 = arith.index_cast %swap3A_729 : i32 to index
      %swap3A_731 = arith.index_cast %add3A_728 : i32 to index
      %swap3A_732 = tpu.vector_load %arg8[%swap3A_730, %swap3A_731] {strides = array<i32>} : memref<1x4096xf32, #tpu.memory_space<vmem>>, vector<16xf32>,
      tpu.vector_store %arg8[%swap3A_730, %swap3A_731], %gather3A_653 {strides = array<i32>} : memref<1x4096xf32, #tpu.memory_space<vmem>>, vector<16xf32>,
      %mul3A_733 = arith.constant 16 : i32
      %mul3A_734 = arith.muli %scan3A_486, %mul3A_733 : i32
      %mul3A_735 = arith.constant 16 : i32
      %mul3A_736 = arith.muli %mul3A_734, %mul3A_735 : i32
      %add3A_737 = arith.constant 112 : i32
      %add3A_738 = arith.addi %mul3A_736, %add3A_737 : i32
      %swap3A_739 = arith.constant 0 : i32
      %swap3A_740 = arith.index_cast %swap3A_739 : i32 to index
      %swap3A_741 = arith.index_cast %add3A_738 : i32 to index
      %swap3A_742 = tpu.vector_load %arg8[%swap3A_740, %swap3A_741] {strides = array<i32>} : memref<1x4096xf32, #tpu.memory_space<vmem>>, vector<16xf32>,
      tpu.vector_store %arg8[%swap3A_740, %swap3A_741], %gather3A_654 {strides = array<i32>} : memref<1x4096xf32, #tpu.memory_space<vmem>>, vector<16xf32>,
      %mul3A_743 = arith.constant 16 : i32
      %mul3A_744 = arith.muli %scan3A_486, %mul3A_743 : i32
      %mul3A_745 = arith.constant 16 : i32
      %mul3A_746 = arith.muli %mul3A_744, %mul3A_745 : i32
      %add3A_747 = arith.constant 128 : i32
      %add3A_748 = arith.addi %mul3A_746, %add3A_747 : i32
      %swap3A_749 = arith.constant 0 : i32
      %swap3A_750 = arith.index_cast %swap3A_749 : i32 to index
      %swap3A_751 = arith.index_cast %add3A_748 : i32 to index
      %swap3A_752 = tpu.vector_load %arg8[%swap3A_750, %swap3A_751] {strides = array<i32>} : memref<1x4096xf32, #tpu.memory_space<vmem>>, vector<16xf32>,
      tpu.vector_store %arg8[%swap3A_750, %swap3A_751], %gather3A_655 {strides = array<i32>} : memref<1x4096xf32, #tpu.memory_space<vmem>>, vector<16xf32>,
      %mul3A_753 = arith.constant 16 : i32
      %mul3A_754 = arith.muli %scan3A_486, %mul3A_753 : i32
      %mul3A_755 = arith.constant 16 : i32
      %mul3A_756 = arith.muli %mul3A_754, %mul3A_755 : i32
      %add3A_757 = arith.constant 144 : i32
      %add3A_758 = arith.addi %mul3A_756, %add3A_757 : i32
      %swap3A_759 = arith.constant 0 : i32
      %swap3A_760 = arith.index_cast %swap3A_759 : i32 to index
      %swap3A_761 = arith.index_cast %add3A_758 : i32 to index
      %swap3A_762 = tpu.vector_load %arg8[%swap3A_760, %swap3A_761] {strides = array<i32>} : memref<1x4096xf32, #tpu.memory_space<vmem>>, vector<16xf32>,
      tpu.vector_store %arg8[%swap3A_760, %swap3A_761], %gather3A_656 {strides = array<i32>} : memref<1x4096xf32, #tpu.memory_space<vmem>>, vector<16xf32>,
      %mul3A_763 = arith.constant 16 : i32
      %mul3A_764 = arith.muli %scan3A_486, %mul3A_763 : i32
      %mul3A_765 = arith.constant 16 : i32
      %mul3A_766 = arith.muli %mul3A_764, %mul3A_765 : i32
      %add3A_767 = arith.constant 160 : i32
      %add3A_768 = arith.addi %mul3A_766, %add3A_767 : i32
      %swap3A_769 = arith.constant 0 : i32
      %swap3A_770 = arith.index_cast %swap3A_769 : i32 to index
      %swap3A_771 = arith.index_cast %add3A_768 : i32 to index
      %swap3A_772 = tpu.vector_load %arg8[%swap3A_770, %swap3A_771] {strides = array<i32>} : memref<1x4096xf32, #tpu.memory_space<vmem>>, vector<16xf32>,
      tpu.vector_store %arg8[%swap3A_770, %swap3A_771], %gather3A_657 {strides = array<i32>} : memref<1x4096xf32, #tpu.memory_space<vmem>>, vector<16xf32>,
      %mul3A_773 = arith.constant 16 : i32
      %mul3A_774 = arith.muli %scan3A_486, %mul3A_773 : i32
      %mul3A_775 = arith.constant 16 : i32
      %mul3A_776 = arith.muli %mul3A_774, %mul3A_775 : i32
      %add3A_777 = arith.constant 176 : i32
      %add3A_778 = arith.addi %mul3A_776, %add3A_777 : i32
      %swap3A_779 = arith.constant 0 : i32
      %swap3A_780 = arith.index_cast %swap3A_779 : i32 to index
      %swap3A_781 = arith.index_cast %add3A_778 : i32 to index
      %swap3A_782 = tpu.vector_load %arg8[%swap3A_780, %swap3A_781] {strides = array<i32>} : memref<1x4096xf32, #tpu.memory_space<vmem>>, vector<16xf32>,
      tpu.vector_store %arg8[%swap3A_780, %swap3A_781], %gather3A_658 {strides = array<i32>} : memref<1x4096xf32, #tpu.memory_space<vmem>>, vector<16xf32>,
      %mul3A_783 = arith.constant 16 : i32
      %mul3A_784 = arith.muli %scan3A_486, %mul3A_783 : i32
      %mul3A_785 = arith.constant 16 : i32
      %mul3A_786 = arith.muli %mul3A_784, %mul3A_785 : i32
      %add3A_787 = arith.constant 192 : i32
      %add3A_788 = arith.addi %mul3A_786, %add3A_787 : i32
      %swap3A_789 = arith.constant 0 : i32
      %swap3A_790 = arith.index_cast %swap3A_789 : i32 to index
      %swap3A_791 = arith.index_cast %add3A_788 : i32 to index
      %swap3A_792 = tpu.vector_load %arg8[%swap3A_790, %swap3A_791] {strides = array<i32>} : memref<1x4096xf32, #tpu.memory_space<vmem>>, vector<16xf32>,
      tpu.vector_store %arg8[%swap3A_790, %swap3A_791], %gather3A_659 {strides = array<i32>} : memref<1x4096xf32, #tpu.memory_space<vmem>>, vector<16xf32>,
      %mul3A_793 = arith.constant 16 : i32
      %mul3A_794 = arith.muli %scan3A_486, %mul3A_793 : i32
      %mul3A_795 = arith.constant 16 : i32
      %mul3A_796 = arith.muli %mul3A_794, %mul3A_795 : i32
      %add3A_797 = arith.constant 208 : i32
      %add3A_798 = arith.addi %mul3A_796, %add3A_797 : i32
      %swap3A_799 = arith.constant 0 : i32
      %swap3A_800 = arith.index_cast %swap3A_799 : i32 to index
      %swap3A_801 = arith.index_cast %add3A_798 : i32 to index
      %swap3A_802 = tpu.vector_load %arg8[%swap3A_800, %swap3A_801] {strides = array<i32>} : memref<1x4096xf32, #tpu.memory_space<vmem>>, vector<16xf32>,
      tpu.vector_store %arg8[%swap3A_800, %swap3A_801], %gather3A_660 {strides = array<i32>} : memref<1x4096xf32, #tpu.memory_space<vmem>>, vector<16xf32>,
      %mul3A_803 = arith.constant 16 : i32
      %mul3A_804 = arith.muli %scan3A_486, %mul3A_803 : i32
      %mul3A_805 = arith.constant 16 : i32
      %mul3A_806 = arith.muli %mul3A_804, %mul3A_805 : i32
      %add3A_807 = arith.constant 224 : i32
      %add3A_808 = arith.addi %mul3A_806, %add3A_807 : i32
      %swap3A_809 = arith.constant 0 : i32
      %swap3A_810 = arith.index_cast %swap3A_809 : i32 to index
      %swap3A_811 = arith.index_cast %add3A_808 : i32 to index
      %swap3A_812 = tpu.vector_load %arg8[%swap3A_810, %swap3A_811] {strides = array<i32>} : memref<1x4096xf32, #tpu.memory_space<vmem>>, vector<16xf32>,
      tpu.vector_store %arg8[%swap3A_810, %swap3A_811], %gather3A_661 {strides = array<i32>} : memref<1x4096xf32, #tpu.memory_space<vmem>>, vector<16xf32>,
      %mul3A_813 = arith.constant 16 : i32
      %mul3A_814 = arith.muli %scan3A_486, %mul3A_813 : i32
      %mul3A_815 = arith.constant 16 : i32
      %mul3A_816 = arith.muli %mul3A_814, %mul3A_815 : i32
      %add3A_817 = arith.constant 240 : i32
      %add3A_818 = arith.addi %mul3A_816, %add3A_817 : i32
      %swap3A_819 = arith.constant 0 : i32
      %swap3A_820 = arith.index_cast %swap3A_819 : i32 to index
      %swap3A_821 = arith.index_cast %add3A_818 : i32 to index
      %swap3A_822 = tpu.vector_load %arg8[%swap3A_820, %swap3A_821] {strides = array<i32>} : memref<1x4096xf32, #tpu.memory_space<vmem>>, vector<16xf32>,
      tpu.vector_store %arg8[%swap3A_820, %swap3A_821], %gather3A_662 {strides = array<i32>} : memref<1x4096xf32, #tpu.memory_space<vmem>>, vector<16xf32>,
    }
    %scan3A_58 = arith.constant 16 : i32
    %dma_start3A_59 = arith.constant 12288 : i32
    %dma_start3A_60 = tpu.memref_slice %arg4[%add3A_5, %dma_start3A_59] : memref<64x16384xf32, #tpu.memory_space<hbm>> -> memref<1x4096xf32, #tpu.memory_space<hbm>>
    %dma_start3A_61 = arith.constant 12288 : i32
    %dma_start3A_62 = tpu.memref_slice %arg4[%add3A_5, %dma_start3A_61] : memref<64x16384xf32, #tpu.memory_space<hbm>> -> memref<1x4096xf32, #tpu.memory_space<hbm>>
    tpu.enqueue_dma source(%arg8 : memref<1x4096xf32, #tpu.memory_space<vmem>>) target(%dma_start3A_62 : memref<1x4096xf32, #tpu.memory_space<hbm>>) target_semaphore(%arg10 : memref<!tpu.dma_semaphore, #tpu.memory_space<semaphore_mem>>)
    %mul3A_63 = arith.constant 2 : i32
    %mul3A_64 = arith.muli %add3A, %mul3A_63 : i32
    %add3A_65 = arith.constant 1 : i32
    %add3A_66 = arith.addi %mul3A_64, %add3A_65 : i32
    %dma_start3A_67 = arith.constant 0 : i32
    %dma_start3A_68 = tpu.memref_slice %arg3[%add3A_66, %dma_start3A_67] : memref<64x100000xf32, #tpu.memory_space<hbm>> -> memref<1x100000xf32, #tpu.memory_space<hbm>>
    %dma_start3A_69 = arith.constant 0 : i32
    %dma_start3A_70 = tpu.memref_slice %arg3[%add3A_66, %dma_start3A_69] : memref<64x100000xf32, #tpu.memory_space<hbm>> -> memref<1x100000xf32, #tpu.memory_space<hbm>>
    tpu.enqueue_dma source(%dma_start3A_70 : memref<1x100000xf32, #tpu.memory_space<hbm>>) target(%arg5 : memref<1x100000xf32, #tpu.memory_space<vmem>>) target_semaphore(%arg9 : memref<!tpu.dma_semaphore, #tpu.memory_space<semaphore_mem>>)
    %dma_wait3A_71 = arith.constant 0 : i32
    %dma_wait3A_72 = tpu.memref_slice %arg3[%add3A_66, %dma_wait3A_71] : memref<64x100000xf32, #tpu.memory_space<hbm>> -> memref<1x100000xf32, #tpu.memory_space<hbm>>
    %dma_wait3A_73 = arith.constant 0 : i32
    %dma_wait3A_74 = tpu.memref_slice %arg3[%add3A_66, %dma_wait3A_73] : memref<64x100000xf32, #tpu.memory_space<hbm>> -> memref<1x100000xf32, #tpu.memory_space<hbm>>
    tpu.wait_dma2 semaphore(%arg9 : memref<!tpu.dma_semaphore, #tpu.memory_space<semaphore_mem>>) src(%dma_wait3A_74 : memref<1x100000xf32, #tpu.memory_space<hbm>>) dst(%arg5 : memref<1x100000xf32, #tpu.memory_space<vmem>>)
    %dma_wait3A_75 = arith.constant 0 : i32
    %dma_wait3A_76 = arith.constant 0 : i32
    %dma_wait3A_77 = tpu.memref_slice %arg4[%dma_wait3A_75, %dma_wait3A_76] : memref<64x16384xf32, #tpu.memory_space<hbm>> -> memref<1x4096xf32, #tpu.memory_space<hbm>>
    %dma_wait3A_78 = arith.constant 0 : i32
    %dma_wait3A_79 = arith.constant 0 : i32
    %dma_wait3A_80 = tpu.memref_slice %arg4[%dma_wait3A_78, %dma_wait3A_79] : memref<64x16384xf32, #tpu.memory_space<hbm>> -> memref<1x4096xf32, #tpu.memory_space<hbm>>
    tpu.wait_dma2 semaphore(%arg10 : memref<!tpu.dma_semaphore, #tpu.memory_space<semaphore_mem>>) src(%arg7 : memref<1x4096xf32, #tpu.memory_space<vmem>>) dst(%dma_wait3A_80 : memref<1x4096xf32, #tpu.memory_space<hbm>>)
    %scan3A_81 = arith.constant 0 : i32
    %scan3A_82 = arith.constant 0 : i32
    %scan3A_83 = arith.constant 16 : i32
    %scan3A_84 = arith.addi %scan3A_82, %scan3A_83 : i32
    %scan3A_85 = arith.constant 2 : i32
    scf.for %scan3A_151 = %scan3A_82 to %scan3A_84 step %scan3A_85  : i32 {
      %mul3A_152 = arith.constant 16 : i32
      %mul3A_153 = arith.muli %scan3A_151, %mul3A_152 : i32
      %mul3A_154 = arith.constant 16 : i32
      %mul3A_155 = arith.muli %mul3A_153, %mul3A_154 : i32
      %add3A_156 = arith.constant 0 : i32
      %add3A_157 = arith.addi %add3A_156, %mul3A_155 : i32
      %add3A_158 = arith.constant 0 : i32
      %add3A_159 = arith.addi %add3A_157, %add3A_158 : i32
      %get3A = arith.index_cast %add3A_159 : i32 to index
      %get3A_160 = tpu.vector_load %arg6[%get3A] {strides = array<i32>} : memref<16384xi32, #tpu.memory_space<vmem>>, vector<16xi32>,
      %mul3A_161 = arith.constant 16 : i32
      %mul3A_162 = arith.muli %scan3A_151, %mul3A_161 : i32
      %mul3A_163 = arith.constant 16 : i32
      %mul3A_164 = arith.muli %mul3A_162, %mul3A_163 : i32
      %add3A_165 = arith.constant 0 : i32
      %add3A_166 = arith.addi %add3A_165, %mul3A_164 : i32
      %add3A_167 = arith.constant 16 : i32
      %add3A_168 = arith.addi %add3A_166, %add3A_167 : i32
      %get3A_169 = arith.index_cast %add3A_168 : i32 to index
      %get3A_170 = tpu.vector_load %arg6[%get3A_169] {strides = array<i32>} : memref<16384xi32, #tpu.memory_space<vmem>>, vector<16xi32>,
      %mul3A_171 = arith.constant 16 : i32
      %mul3A_172 = arith.muli %scan3A_151, %mul3A_171 : i32
      %mul3A_173 = arith.constant 16 : i32
      %mul3A_174 = arith.muli %mul3A_172, %mul3A_173 : i32
      %add3A_175 = arith.constant 0 : i32
      %add3A_176 = arith.addi %add3A_175, %mul3A_174 : i32
      %add3A_177 = arith.constant 32 : i32
      %add3A_178 = arith.addi %add3A_176, %add3A_177 : i32
      %get3A_179 = arith.index_cast %add3A_178 : i32 to index
      %get3A_180 = tpu.vector_load %arg6[%get3A_179] {strides = array<i32>} : memref<16384xi32, #tpu.memory_space<vmem>>, vector<16xi32>,
      %mul3A_181 = arith.constant 16 : i32
      %mul3A_182 = arith.muli %scan3A_151, %mul3A_181 : i32
      %mul3A_183 = arith.constant 16 : i32
      %mul3A_184 = arith.muli %mul3A_182, %mul3A_183 : i32
      %add3A_185 = arith.constant 0 : i32
      %add3A_186 = arith.addi %add3A_185, %mul3A_184 : i32
      %add3A_187 = arith.constant 48 : i32
      %add3A_188 = arith.addi %add3A_186, %add3A_187 : i32
      %get3A_189 = arith.index_cast %add3A_188 : i32 to index
      %get3A_190 = tpu.vector_load %arg6[%get3A_189] {strides = array<i32>} : memref<16384xi32, #tpu.memory_space<vmem>>, vector<16xi32>,
      %mul3A_191 = arith.constant 16 : i32
      %mul3A_192 = arith.muli %scan3A_151, %mul3A_191 : i32
      %mul3A_193 = arith.constant 16 : i32
      %mul3A_194 = arith.muli %mul3A_192, %mul3A_193 : i32
      %add3A_195 = arith.constant 0 : i32
      %add3A_196 = arith.addi %add3A_195, %mul3A_194 : i32
      %add3A_197 = arith.constant 64 : i32
      %add3A_198 = arith.addi %add3A_196, %add3A_197 : i32
      %get3A_199 = arith.index_cast %add3A_198 : i32 to index
      %get3A_200 = tpu.vector_load %arg6[%get3A_199] {strides = array<i32>} : memref<16384xi32, #tpu.memory_space<vmem>>, vector<16xi32>,
      %mul3A_201 = arith.constant 16 : i32
      %mul3A_202 = arith.muli %scan3A_151, %mul3A_201 : i32
      %mul3A_203 = arith.constant 16 : i32
      %mul3A_204 = arith.muli %mul3A_202, %mul3A_203 : i32
      %add3A_205 = arith.constant 0 : i32
      %add3A_206 = arith.addi %add3A_205, %mul3A_204 : i32
      %add3A_207 = arith.constant 80 : i32
      %add3A_208 = arith.addi %add3A_206, %add3A_207 : i32
      %get3A_209 = arith.index_cast %add3A_208 : i32 to index
      %get3A_210 = tpu.vector_load %arg6[%get3A_209] {strides = array<i32>} : memref<16384xi32, #tpu.memory_space<vmem>>, vector<16xi32>,
      %mul3A_211 = arith.constant 16 : i32
      %mul3A_212 = arith.muli %scan3A_151, %mul3A_211 : i32
      %mul3A_213 = arith.constant 16 : i32
      %mul3A_214 = arith.muli %mul3A_212, %mul3A_213 : i32
      %add3A_215 = arith.constant 0 : i32
      %add3A_216 = arith.addi %add3A_215, %mul3A_214 : i32
      %add3A_217 = arith.constant 96 : i32
      %add3A_218 = arith.addi %add3A_216, %add3A_217 : i32
      %get3A_219 = arith.index_cast %add3A_218 : i32 to index
      %get3A_220 = tpu.vector_load %arg6[%get3A_219] {strides = array<i32>} : memref<16384xi32, #tpu.memory_space<vmem>>, vector<16xi32>,
      %mul3A_221 = arith.constant 16 : i32
      %mul3A_222 = arith.muli %scan3A_151, %mul3A_221 : i32
      %mul3A_223 = arith.constant 16 : i32
      %mul3A_224 = arith.muli %mul3A_222, %mul3A_223 : i32
      %add3A_225 = arith.constant 0 : i32
      %add3A_226 = arith.addi %add3A_225, %mul3A_224 : i32
      %add3A_227 = arith.constant 112 : i32
      %add3A_228 = arith.addi %add3A_226, %add3A_227 : i32
      %get3A_229 = arith.index_cast %add3A_228 : i32 to index
      %get3A_230 = tpu.vector_load %arg6[%get3A_229] {strides = array<i32>} : memref<16384xi32, #tpu.memory_space<vmem>>, vector<16xi32>,
      %mul3A_231 = arith.constant 16 : i32
      %mul3A_232 = arith.muli %scan3A_151, %mul3A_231 : i32
      %mul3A_233 = arith.constant 16 : i32
      %mul3A_234 = arith.muli %mul3A_232, %mul3A_233 : i32
      %add3A_235 = arith.constant 0 : i32
      %add3A_236 = arith.addi %add3A_235, %mul3A_234 : i32
      %add3A_237 = arith.constant 128 : i32
      %add3A_238 = arith.addi %add3A_236, %add3A_237 : i32
      %get3A_239 = arith.index_cast %add3A_238 : i32 to index
      %get3A_240 = tpu.vector_load %arg6[%get3A_239] {strides = array<i32>} : memref<16384xi32, #tpu.memory_space<vmem>>, vector<16xi32>,
      %mul3A_241 = arith.constant 16 : i32
      %mul3A_242 = arith.muli %scan3A_151, %mul3A_241 : i32
      %mul3A_243 = arith.constant 16 : i32
      %mul3A_244 = arith.muli %mul3A_242, %mul3A_243 : i32
      %add3A_245 = arith.constant 0 : i32
      %add3A_246 = arith.addi %add3A_245, %mul3A_244 : i32
      %add3A_247 = arith.constant 144 : i32
      %add3A_248 = arith.addi %add3A_246, %add3A_247 : i32
      %get3A_249 = arith.index_cast %add3A_248 : i32 to index
      %get3A_250 = tpu.vector_load %arg6[%get3A_249] {strides = array<i32>} : memref<16384xi32, #tpu.memory_space<vmem>>, vector<16xi32>,
      %mul3A_251 = arith.constant 16 : i32
      %mul3A_252 = arith.muli %scan3A_151, %mul3A_251 : i32
      %mul3A_253 = arith.constant 16 : i32
      %mul3A_254 = arith.muli %mul3A_252, %mul3A_253 : i32
      %add3A_255 = arith.constant 0 : i32
      %add3A_256 = arith.addi %add3A_255, %mul3A_254 : i32
      %add3A_257 = arith.constant 160 : i32
      %add3A_258 = arith.addi %add3A_256, %add3A_257 : i32
      %get3A_259 = arith.index_cast %add3A_258 : i32 to index
      %get3A_260 = tpu.vector_load %arg6[%get3A_259] {strides = array<i32>} : memref<16384xi32, #tpu.memory_space<vmem>>, vector<16xi32>,
      %mul3A_261 = arith.constant 16 : i32
      %mul3A_262 = arith.muli %scan3A_151, %mul3A_261 : i32
      %mul3A_263 = arith.constant 16 : i32
      %mul3A_264 = arith.muli %mul3A_262, %mul3A_263 : i32
      %add3A_265 = arith.constant 0 : i32
      %add3A_266 = arith.addi %add3A_265, %mul3A_264 : i32
      %add3A_267 = arith.constant 176 : i32
      %add3A_268 = arith.addi %add3A_266, %add3A_267 : i32
      %get3A_269 = arith.index_cast %add3A_268 : i32 to index
      %get3A_270 = tpu.vector_load %arg6[%get3A_269] {strides = array<i32>} : memref<16384xi32, #tpu.memory_space<vmem>>, vector<16xi32>,
      %mul3A_271 = arith.constant 16 : i32
      %mul3A_272 = arith.muli %scan3A_151, %mul3A_271 : i32
      %mul3A_273 = arith.constant 16 : i32
      %mul3A_274 = arith.muli %mul3A_272, %mul3A_273 : i32
      %add3A_275 = arith.constant 0 : i32
      %add3A_276 = arith.addi %add3A_275, %mul3A_274 : i32
      %add3A_277 = arith.constant 192 : i32
      %add3A_278 = arith.addi %add3A_276, %add3A_277 : i32
      %get3A_279 = arith.index_cast %add3A_278 : i32 to index
      %get3A_280 = tpu.vector_load %arg6[%get3A_279] {strides = array<i32>} : memref<16384xi32, #tpu.memory_space<vmem>>, vector<16xi32>,
      %mul3A_281 = arith.constant 16 : i32
      %mul3A_282 = arith.muli %scan3A_151, %mul3A_281 : i32
      %mul3A_283 = arith.constant 16 : i32
      %mul3A_284 = arith.muli %mul3A_282, %mul3A_283 : i32
      %add3A_285 = arith.constant 0 : i32
      %add3A_286 = arith.addi %add3A_285, %mul3A_284 : i32
      %add3A_287 = arith.constant 208 : i32
      %add3A_288 = arith.addi %add3A_286, %add3A_287 : i32
      %get3A_289 = arith.index_cast %add3A_288 : i32 to index
      %get3A_290 = tpu.vector_load %arg6[%get3A_289] {strides = array<i32>} : memref<16384xi32, #tpu.memory_space<vmem>>, vector<16xi32>,
      %mul3A_291 = arith.constant 16 : i32
      %mul3A_292 = arith.muli %scan3A_151, %mul3A_291 : i32
      %mul3A_293 = arith.constant 16 : i32
      %mul3A_294 = arith.muli %mul3A_292, %mul3A_293 : i32
      %add3A_295 = arith.constant 0 : i32
      %add3A_296 = arith.addi %add3A_295, %mul3A_294 : i32
      %add3A_297 = arith.constant 224 : i32
      %add3A_298 = arith.addi %add3A_296, %add3A_297 : i32
      %get3A_299 = arith.index_cast %add3A_298 : i32 to index
      %get3A_300 = tpu.vector_load %arg6[%get3A_299] {strides = array<i32>} : memref<16384xi32, #tpu.memory_space<vmem>>, vector<16xi32>,
      %mul3A_301 = arith.constant 16 : i32
      %mul3A_302 = arith.muli %scan3A_151, %mul3A_301 : i32
      %mul3A_303 = arith.constant 16 : i32
      %mul3A_304 = arith.muli %mul3A_302, %mul3A_303 : i32
      %add3A_305 = arith.constant 0 : i32
      %add3A_306 = arith.addi %add3A_305, %mul3A_304 : i32
      %add3A_307 = arith.constant 240 : i32
      %add3A_308 = arith.addi %add3A_306, %add3A_307 : i32
      %get3A_309 = arith.index_cast %add3A_308 : i32 to index
      %get3A_310 = tpu.vector_load %arg6[%get3A_309] {strides = array<i32>} : memref<16384xi32, #tpu.memory_space<vmem>>, vector<16xi32>,
      %gather3A = tpu.vector_load_idx %arg5[%broadcast_in_dim3A_1, %get3A_160] : memref<1x100000xf32, #tpu.memory_space<vmem>>[vector<16xi32>, vector<16xi32>], vector<16xf32>,
      %gather3A_311 = tpu.vector_load_idx %arg5[%broadcast_in_dim3A_1, %get3A_170] : memref<1x100000xf32, #tpu.memory_space<vmem>>[vector<16xi32>, vector<16xi32>], vector<16xf32>,
      %gather3A_312 = tpu.vector_load_idx %arg5[%broadcast_in_dim3A_1, %get3A_180] : memref<1x100000xf32, #tpu.memory_space<vmem>>[vector<16xi32>, vector<16xi32>], vector<16xf32>,
      %gather3A_313 = tpu.vector_load_idx %arg5[%broadcast_in_dim3A_1, %get3A_190] : memref<1x100000xf32, #tpu.memory_space<vmem>>[vector<16xi32>, vector<16xi32>], vector<16xf32>,
      %gather3A_314 = tpu.vector_load_idx %arg5[%broadcast_in_dim3A_1, %get3A_200] : memref<1x100000xf32, #tpu.memory_space<vmem>>[vector<16xi32>, vector<16xi32>], vector<16xf32>,
      %gather3A_315 = tpu.vector_load_idx %arg5[%broadcast_in_dim3A_1, %get3A_210] : memref<1x100000xf32, #tpu.memory_space<vmem>>[vector<16xi32>, vector<16xi32>], vector<16xf32>,
      %gather3A_316 = tpu.vector_load_idx %arg5[%broadcast_in_dim3A_1, %get3A_220] : memref<1x100000xf32, #tpu.memory_space<vmem>>[vector<16xi32>, vector<16xi32>], vector<16xf32>,
      %gather3A_317 = tpu.vector_load_idx %arg5[%broadcast_in_dim3A_1, %get3A_230] : memref<1x100000xf32, #tpu.memory_space<vmem>>[vector<16xi32>, vector<16xi32>], vector<16xf32>,
      %gather3A_318 = tpu.vector_load_idx %arg5[%broadcast_in_dim3A_1, %get3A_240] : memref<1x100000xf32, #tpu.memory_space<vmem>>[vector<16xi32>, vector<16xi32>], vector<16xf32>,
      %gather3A_319 = tpu.vector_load_idx %arg5[%broadcast_in_dim3A_1, %get3A_250] : memref<1x100000xf32, #tpu.memory_space<vmem>>[vector<16xi32>, vector<16xi32>], vector<16xf32>,
      %gather3A_320 = tpu.vector_load_idx %arg5[%broadcast_in_dim3A_1, %get3A_260] : memref<1x100000xf32, #tpu.memory_space<vmem>>[vector<16xi32>, vector<16xi32>], vector<16xf32>,
      %gather3A_321 = tpu.vector_load_idx %arg5[%broadcast_in_dim3A_1, %get3A_270] : memref<1x100000xf32, #tpu.memory_space<vmem>>[vector<16xi32>, vector<16xi32>], vector<16xf32>,
      %gather3A_322 = tpu.vector_load_idx %arg5[%broadcast_in_dim3A_1, %get3A_280] : memref<1x100000xf32, #tpu.memory_space<vmem>>[vector<16xi32>, vector<16xi32>], vector<16xf32>,
      %gather3A_323 = tpu.vector_load_idx %arg5[%broadcast_in_dim3A_1, %get3A_290] : memref<1x100000xf32, #tpu.memory_space<vmem>>[vector<16xi32>, vector<16xi32>], vector<16xf32>,
      %gather3A_324 = tpu.vector_load_idx %arg5[%broadcast_in_dim3A_1, %get3A_300] : memref<1x100000xf32, #tpu.memory_space<vmem>>[vector<16xi32>, vector<16xi32>], vector<16xf32>,
      %gather3A_325 = tpu.vector_load_idx %arg5[%broadcast_in_dim3A_1, %get3A_310] : memref<1x100000xf32, #tpu.memory_space<vmem>>[vector<16xi32>, vector<16xi32>], vector<16xf32>,
      %mul3A_326 = arith.constant 16 : i32
      %mul3A_327 = arith.muli %scan3A_151, %mul3A_326 : i32
      %mul3A_328 = arith.constant 16 : i32
      %mul3A_329 = arith.muli %mul3A_327, %mul3A_328 : i32
      %add3A_330 = arith.constant 0 : i32
      %add3A_331 = arith.addi %mul3A_329, %add3A_330 : i32
      %swap3A = arith.constant 0 : i32
      %swap3A_332 = arith.index_cast %swap3A : i32 to index
      %swap3A_333 = arith.index_cast %add3A_331 : i32 to index
      %swap3A_334 = tpu.vector_load %arg7[%swap3A_332, %swap3A_333] {strides = array<i32>} : memref<1x4096xf32, #tpu.memory_space<vmem>>, vector<16xf32>,
      tpu.vector_store %arg7[%swap3A_332, %swap3A_333], %gather3A {strides = array<i32>} : memref<1x4096xf32, #tpu.memory_space<vmem>>, vector<16xf32>,
      %mul3A_335 = arith.constant 16 : i32
      %mul3A_336 = arith.muli %scan3A_151, %mul3A_335 : i32
      %mul3A_337 = arith.constant 16 : i32
      %mul3A_338 = arith.muli %mul3A_336, %mul3A_337 : i32
      %add3A_339 = arith.constant 16 : i32
      %add3A_340 = arith.addi %mul3A_338, %add3A_339 : i32
      %swap3A_341 = arith.constant 0 : i32
      %swap3A_342 = arith.index_cast %swap3A_341 : i32 to index
      %swap3A_343 = arith.index_cast %add3A_340 : i32 to index
      %swap3A_344 = tpu.vector_load %arg7[%swap3A_342, %swap3A_343] {strides = array<i32>} : memref<1x4096xf32, #tpu.memory_space<vmem>>, vector<16xf32>,
      tpu.vector_store %arg7[%swap3A_342, %swap3A_343], %gather3A_311 {strides = array<i32>} : memref<1x4096xf32, #tpu.memory_space<vmem>>, vector<16xf32>,
      %mul3A_345 = arith.constant 16 : i32
      %mul3A_346 = arith.muli %scan3A_151, %mul3A_345 : i32
      %mul3A_347 = arith.constant 16 : i32
      %mul3A_348 = arith.muli %mul3A_346, %mul3A_347 : i32
      %add3A_349 = arith.constant 32 : i32
      %add3A_350 = arith.addi %mul3A_348, %add3A_349 : i32
      %swap3A_351 = arith.constant 0 : i32
      %swap3A_352 = arith.index_cast %swap3A_351 : i32 to index
      %swap3A_353 = arith.index_cast %add3A_350 : i32 to index
      %swap3A_354 = tpu.vector_load %arg7[%swap3A_352, %swap3A_353] {strides = array<i32>} : memref<1x4096xf32, #tpu.memory_space<vmem>>, vector<16xf32>,
      tpu.vector_store %arg7[%swap3A_352, %swap3A_353], %gather3A_312 {strides = array<i32>} : memref<1x4096xf32, #tpu.memory_space<vmem>>, vector<16xf32>,
      %mul3A_355 = arith.constant 16 : i32
      %mul3A_356 = arith.muli %scan3A_151, %mul3A_355 : i32
      %mul3A_357 = arith.constant 16 : i32
      %mul3A_358 = arith.muli %mul3A_356, %mul3A_357 : i32
      %add3A_359 = arith.constant 48 : i32
      %add3A_360 = arith.addi %mul3A_358, %add3A_359 : i32
      %swap3A_361 = arith.constant 0 : i32
      %swap3A_362 = arith.index_cast %swap3A_361 : i32 to index
      %swap3A_363 = arith.index_cast %add3A_360 : i32 to index
      %swap3A_364 = tpu.vector_load %arg7[%swap3A_362, %swap3A_363] {strides = array<i32>} : memref<1x4096xf32, #tpu.memory_space<vmem>>, vector<16xf32>,
      tpu.vector_store %arg7[%swap3A_362, %swap3A_363], %gather3A_313 {strides = array<i32>} : memref<1x4096xf32, #tpu.memory_space<vmem>>, vector<16xf32>,
      %mul3A_365 = arith.constant 16 : i32
      %mul3A_366 = arith.muli %scan3A_151, %mul3A_365 : i32
      %mul3A_367 = arith.constant 16 : i32
      %mul3A_368 = arith.muli %mul3A_366, %mul3A_367 : i32
      %add3A_369 = arith.constant 64 : i32
      %add3A_370 = arith.addi %mul3A_368, %add3A_369 : i32
      %swap3A_371 = arith.constant 0 : i32
      %swap3A_372 = arith.index_cast %swap3A_371 : i32 to index
      %swap3A_373 = arith.index_cast %add3A_370 : i32 to index
      %swap3A_374 = tpu.vector_load %arg7[%swap3A_372, %swap3A_373] {strides = array<i32>} : memref<1x4096xf32, #tpu.memory_space<vmem>>, vector<16xf32>,
      tpu.vector_store %arg7[%swap3A_372, %swap3A_373], %gather3A_314 {strides = array<i32>} : memref<1x4096xf32, #tpu.memory_space<vmem>>, vector<16xf32>,
      %mul3A_375 = arith.constant 16 : i32
      %mul3A_376 = arith.muli %scan3A_151, %mul3A_375 : i32
      %mul3A_377 = arith.constant 16 : i32
      %mul3A_378 = arith.muli %mul3A_376, %mul3A_377 : i32
      %add3A_379 = arith.constant 80 : i32
      %add3A_380 = arith.addi %mul3A_378, %add3A_379 : i32
      %swap3A_381 = arith.constant 0 : i32
      %swap3A_382 = arith.index_cast %swap3A_381 : i32 to index
      %swap3A_383 = arith.index_cast %add3A_380 : i32 to index
      %swap3A_384 = tpu.vector_load %arg7[%swap3A_382, %swap3A_383] {strides = array<i32>} : memref<1x4096xf32, #tpu.memory_space<vmem>>, vector<16xf32>,
      tpu.vector_store %arg7[%swap3A_382, %swap3A_383], %gather3A_315 {strides = array<i32>} : memref<1x4096xf32, #tpu.memory_space<vmem>>, vector<16xf32>,
      %mul3A_385 = arith.constant 16 : i32
      %mul3A_386 = arith.muli %scan3A_151, %mul3A_385 : i32
      %mul3A_387 = arith.constant 16 : i32
      %mul3A_388 = arith.muli %mul3A_386, %mul3A_387 : i32
      %add3A_389 = arith.constant 96 : i32
      %add3A_390 = arith.addi %mul3A_388, %add3A_389 : i32
      %swap3A_391 = arith.constant 0 : i32
      %swap3A_392 = arith.index_cast %swap3A_391 : i32 to index
      %swap3A_393 = arith.index_cast %add3A_390 : i32 to index
      %swap3A_394 = tpu.vector_load %arg7[%swap3A_392, %swap3A_393] {strides = array<i32>} : memref<1x4096xf32, #tpu.memory_space<vmem>>, vector<16xf32>,
      tpu.vector_store %arg7[%swap3A_392, %swap3A_393], %gather3A_316 {strides = array<i32>} : memref<1x4096xf32, #tpu.memory_space<vmem>>, vector<16xf32>,
      %mul3A_395 = arith.constant 16 : i32
      %mul3A_396 = arith.muli %scan3A_151, %mul3A_395 : i32
      %mul3A_397 = arith.constant 16 : i32
      %mul3A_398 = arith.muli %mul3A_396, %mul3A_397 : i32
      %add3A_399 = arith.constant 112 : i32
      %add3A_400 = arith.addi %mul3A_398, %add3A_399 : i32
      %swap3A_401 = arith.constant 0 : i32
      %swap3A_402 = arith.index_cast %swap3A_401 : i32 to index
      %swap3A_403 = arith.index_cast %add3A_400 : i32 to index
      %swap3A_404 = tpu.vector_load %arg7[%swap3A_402, %swap3A_403] {strides = array<i32>} : memref<1x4096xf32, #tpu.memory_space<vmem>>, vector<16xf32>,
      tpu.vector_store %arg7[%swap3A_402, %swap3A_403], %gather3A_317 {strides = array<i32>} : memref<1x4096xf32, #tpu.memory_space<vmem>>, vector<16xf32>,
      %mul3A_405 = arith.constant 16 : i32
      %mul3A_406 = arith.muli %scan3A_151, %mul3A_405 : i32
      %mul3A_407 = arith.constant 16 : i32
      %mul3A_408 = arith.muli %mul3A_406, %mul3A_407 : i32
      %add3A_409 = arith.constant 128 : i32
      %add3A_410 = arith.addi %mul3A_408, %add3A_409 : i32
      %swap3A_411 = arith.constant 0 : i32
      %swap3A_412 = arith.index_cast %swap3A_411 : i32 to index
      %swap3A_413 = arith.index_cast %add3A_410 : i32 to index
      %swap3A_414 = tpu.vector_load %arg7[%swap3A_412, %swap3A_413] {strides = array<i32>} : memref<1x4096xf32, #tpu.memory_space<vmem>>, vector<16xf32>,
      tpu.vector_store %arg7[%swap3A_412, %swap3A_413], %gather3A_318 {strides = array<i32>} : memref<1x4096xf32, #tpu.memory_space<vmem>>, vector<16xf32>,
      %mul3A_415 = arith.constant 16 : i32
      %mul3A_416 = arith.muli %scan3A_151, %mul3A_415 : i32
      %mul3A_417 = arith.constant 16 : i32
      %mul3A_418 = arith.muli %mul3A_416, %mul3A_417 : i32
      %add3A_419 = arith.constant 144 : i32
      %add3A_420 = arith.addi %mul3A_418, %add3A_419 : i32
      %swap3A_421 = arith.constant 0 : i32
      %swap3A_422 = arith.index_cast %swap3A_421 : i32 to index
      %swap3A_423 = arith.index_cast %add3A_420 : i32 to index
      %swap3A_424 = tpu.vector_load %arg7[%swap3A_422, %swap3A_423] {strides = array<i32>} : memref<1x4096xf32, #tpu.memory_space<vmem>>, vector<16xf32>,
      tpu.vector_store %arg7[%swap3A_422, %swap3A_423], %gather3A_319 {strides = array<i32>} : memref<1x4096xf32, #tpu.memory_space<vmem>>, vector<16xf32>,
      %mul3A_425 = arith.constant 16 : i32
      %mul3A_426 = arith.muli %scan3A_151, %mul3A_425 : i32
      %mul3A_427 = arith.constant 16 : i32
      %mul3A_428 = arith.muli %mul3A_426, %mul3A_427 : i32
      %add3A_429 = arith.constant 160 : i32
      %add3A_430 = arith.addi %mul3A_428, %add3A_429 : i32
      %swap3A_431 = arith.constant 0 : i32
      %swap3A_432 = arith.index_cast %swap3A_431 : i32 to index
      %swap3A_433 = arith.index_cast %add3A_430 : i32 to index
      %swap3A_434 = tpu.vector_load %arg7[%swap3A_432, %swap3A_433] {strides = array<i32>} : memref<1x4096xf32, #tpu.memory_space<vmem>>, vector<16xf32>,
      tpu.vector_store %arg7[%swap3A_432, %swap3A_433], %gather3A_320 {strides = array<i32>} : memref<1x4096xf32, #tpu.memory_space<vmem>>, vector<16xf32>,
      %mul3A_435 = arith.constant 16 : i32
      %mul3A_436 = arith.muli %scan3A_151, %mul3A_435 : i32
      %mul3A_437 = arith.constant 16 : i32
      %mul3A_438 = arith.muli %mul3A_436, %mul3A_437 : i32
      %add3A_439 = arith.constant 176 : i32
      %add3A_440 = arith.addi %mul3A_438, %add3A_439 : i32
      %swap3A_441 = arith.constant 0 : i32
      %swap3A_442 = arith.index_cast %swap3A_441 : i32 to index
      %swap3A_443 = arith.index_cast %add3A_440 : i32 to index
      %swap3A_444 = tpu.vector_load %arg7[%swap3A_442, %swap3A_443] {strides = array<i32>} : memref<1x4096xf32, #tpu.memory_space<vmem>>, vector<16xf32>,
      tpu.vector_store %arg7[%swap3A_442, %swap3A_443], %gather3A_321 {strides = array<i32>} : memref<1x4096xf32, #tpu.memory_space<vmem>>, vector<16xf32>,
      %mul3A_445 = arith.constant 16 : i32
      %mul3A_446 = arith.muli %scan3A_151, %mul3A_445 : i32
      %mul3A_447 = arith.constant 16 : i32
      %mul3A_448 = arith.muli %mul3A_446, %mul3A_447 : i32
      %add3A_449 = arith.constant 192 : i32
      %add3A_450 = arith.addi %mul3A_448, %add3A_449 : i32
      %swap3A_451 = arith.constant 0 : i32
      %swap3A_452 = arith.index_cast %swap3A_451 : i32 to index
      %swap3A_453 = arith.index_cast %add3A_450 : i32 to index
      %swap3A_454 = tpu.vector_load %arg7[%swap3A_452, %swap3A_453] {strides = array<i32>} : memref<1x4096xf32, #tpu.memory_space<vmem>>, vector<16xf32>,
      tpu.vector_store %arg7[%swap3A_452, %swap3A_453], %gather3A_322 {strides = array<i32>} : memref<1x4096xf32, #tpu.memory_space<vmem>>, vector<16xf32>,
      %mul3A_455 = arith.constant 16 : i32
      %mul3A_456 = arith.muli %scan3A_151, %mul3A_455 : i32
      %mul3A_457 = arith.constant 16 : i32
      %mul3A_458 = arith.muli %mul3A_456, %mul3A_457 : i32
      %add3A_459 = arith.constant 208 : i32
      %add3A_460 = arith.addi %mul3A_458, %add3A_459 : i32
      %swap3A_461 = arith.constant 0 : i32
      %swap3A_462 = arith.index_cast %swap3A_461 : i32 to index
      %swap3A_463 = arith.index_cast %add3A_460 : i32 to index
      %swap3A_464 = tpu.vector_load %arg7[%swap3A_462, %swap3A_463] {strides = array<i32>} : memref<1x4096xf32, #tpu.memory_space<vmem>>, vector<16xf32>,
      tpu.vector_store %arg7[%swap3A_462, %swap3A_463], %gather3A_323 {strides = array<i32>} : memref<1x4096xf32, #tpu.memory_space<vmem>>, vector<16xf32>,
      %mul3A_465 = arith.constant 16 : i32
      %mul3A_466 = arith.muli %scan3A_151, %mul3A_465 : i32
      %mul3A_467 = arith.constant 16 : i32
      %mul3A_468 = arith.muli %mul3A_466, %mul3A_467 : i32
      %add3A_469 = arith.constant 224 : i32
      %add3A_470 = arith.addi %mul3A_468, %add3A_469 : i32
      %swap3A_471 = arith.constant 0 : i32
      %swap3A_472 = arith.index_cast %swap3A_471 : i32 to index
      %swap3A_473 = arith.index_cast %add3A_470 : i32 to index
      %swap3A_474 = tpu.vector_load %arg7[%swap3A_472, %swap3A_473] {strides = array<i32>} : memref<1x4096xf32, #tpu.memory_space<vmem>>, vector<16xf32>,
      tpu.vector_store %arg7[%swap3A_472, %swap3A_473], %gather3A_324 {strides = array<i32>} : memref<1x4096xf32, #tpu.memory_space<vmem>>, vector<16xf32>,
      %mul3A_475 = arith.constant 16 : i32
      %mul3A_476 = arith.muli %scan3A_151, %mul3A_475 : i32
      %mul3A_477 = arith.constant 16 : i32
      %mul3A_478 = arith.muli %mul3A_476, %mul3A_477 : i32
      %add3A_479 = arith.constant 240 : i32
      %add3A_480 = arith.addi %mul3A_478, %add3A_479 : i32
      %swap3A_481 = arith.constant 0 : i32
      %swap3A_482 = arith.index_cast %swap3A_481 : i32 to index
      %swap3A_483 = arith.index_cast %add3A_480 : i32 to index
      %swap3A_484 = tpu.vector_load %arg7[%swap3A_482, %swap3A_483] {strides = array<i32>} : memref<1x4096xf32, #tpu.memory_space<vmem>>, vector<16xf32>,
      tpu.vector_store %arg7[%swap3A_482, %swap3A_483], %gather3A_325 {strides = array<i32>} : memref<1x4096xf32, #tpu.memory_space<vmem>>, vector<16xf32>,
      %scan3A_485 = arith.constant 1 : i32
      %scan3A_486 = arith.addi %scan3A_151, %scan3A_485 : i32
      %mul3A_487 = arith.constant 16 : i32
      %mul3A_488 = arith.muli %scan3A_486, %mul3A_487 : i32
      %mul3A_489 = arith.constant 16 : i32
      %mul3A_490 = arith.muli %mul3A_488, %mul3A_489 : i32
      %add3A_491 = arith.constant 0 : i32
      %add3A_492 = arith.addi %add3A_491, %mul3A_490 : i32
      %add3A_493 = arith.constant 0 : i32
      %add3A_494 = arith.addi %add3A_492, %add3A_493 : i32
      %get3A_495 = arith.index_cast %add3A_494 : i32 to index
      %get3A_496 = tpu.vector_load %arg6[%get3A_495] {strides = array<i32>} : memref<16384xi32, #tpu.memory_space<vmem>>, vector<16xi32>,
      %mul3A_497 = arith.constant 16 : i32
      %mul3A_498 = arith.muli %scan3A_486, %mul3A_497 : i32
      %mul3A_499 = arith.constant 16 : i32
      %mul3A_500 = arith.muli %mul3A_498, %mul3A_499 : i32
      %add3A_501 = arith.constant 0 : i32
      %add3A_502 = arith.addi %add3A_501, %mul3A_500 : i32
      %add3A_503 = arith.constant 16 : i32
      %add3A_504 = arith.addi %add3A_502, %add3A_503 : i32
      %get3A_505 = arith.index_cast %add3A_504 : i32 to index
      %get3A_506 = tpu.vector_load %arg6[%get3A_505] {strides = array<i32>} : memref<16384xi32, #tpu.memory_space<vmem>>, vector<16xi32>,
      %mul3A_507 = arith.constant 16 : i32
      %mul3A_508 = arith.muli %scan3A_486, %mul3A_507 : i32
      %mul3A_509 = arith.constant 16 : i32
      %mul3A_510 = arith.muli %mul3A_508, %mul3A_509 : i32
      %add3A_511 = arith.constant 0 : i32
      %add3A_512 = arith.addi %add3A_511, %mul3A_510 : i32
      %add3A_513 = arith.constant 32 : i32
      %add3A_514 = arith.addi %add3A_512, %add3A_513 : i32
      %get3A_515 = arith.index_cast %add3A_514 : i32 to index
      %get3A_516 = tpu.vector_load %arg6[%get3A_515] {strides = array<i32>} : memref<16384xi32, #tpu.memory_space<vmem>>, vector<16xi32>,
      %mul3A_517 = arith.constant 16 : i32
      %mul3A_518 = arith.muli %scan3A_486, %mul3A_517 : i32
      %mul3A_519 = arith.constant 16 : i32
      %mul3A_520 = arith.muli %mul3A_518, %mul3A_519 : i32
      %add3A_521 = arith.constant 0 : i32
      %add3A_522 = arith.addi %add3A_521, %mul3A_520 : i32
      %add3A_523 = arith.constant 48 : i32
      %add3A_524 = arith.addi %add3A_522, %add3A_523 : i32
      %get3A_525 = arith.index_cast %add3A_524 : i32 to index
      %get3A_526 = tpu.vector_load %arg6[%get3A_525] {strides = array<i32>} : memref<16384xi32, #tpu.memory_space<vmem>>, vector<16xi32>,
      %mul3A_527 = arith.constant 16 : i32
      %mul3A_528 = arith.muli %scan3A_486, %mul3A_527 : i32
      %mul3A_529 = arith.constant 16 : i32
      %mul3A_530 = arith.muli %mul3A_528, %mul3A_529 : i32
      %add3A_531 = arith.constant 0 : i32
      %add3A_532 = arith.addi %add3A_531, %mul3A_530 : i32
      %add3A_533 = arith.constant 64 : i32
      %add3A_534 = arith.addi %add3A_532, %add3A_533 : i32
      %get3A_535 = arith.index_cast %add3A_534 : i32 to index
      %get3A_536 = tpu.vector_load %arg6[%get3A_535] {strides = array<i32>} : memref<16384xi32, #tpu.memory_space<vmem>>, vector<16xi32>,
      %mul3A_537 = arith.constant 16 : i32
      %mul3A_538 = arith.muli %scan3A_486, %mul3A_537 : i32
      %mul3A_539 = arith.constant 16 : i32
      %mul3A_540 = arith.muli %mul3A_538, %mul3A_539 : i32
      %add3A_541 = arith.constant 0 : i32
      %add3A_542 = arith.addi %add3A_541, %mul3A_540 : i32
      %add3A_543 = arith.constant 80 : i32
      %add3A_544 = arith.addi %add3A_542, %add3A_543 : i32
      %get3A_545 = arith.index_cast %add3A_544 : i32 to index
      %get3A_546 = tpu.vector_load %arg6[%get3A_545] {strides = array<i32>} : memref<16384xi32, #tpu.memory_space<vmem>>, vector<16xi32>,
      %mul3A_547 = arith.constant 16 : i32
      %mul3A_548 = arith.muli %scan3A_486, %mul3A_547 : i32
      %mul3A_549 = arith.constant 16 : i32
      %mul3A_550 = arith.muli %mul3A_548, %mul3A_549 : i32
      %add3A_551 = arith.constant 0 : i32
      %add3A_552 = arith.addi %add3A_551, %mul3A_550 : i32
      %add3A_553 = arith.constant 96 : i32
      %add3A_554 = arith.addi %add3A_552, %add3A_553 : i32
      %get3A_555 = arith.index_cast %add3A_554 : i32 to index
      %get3A_556 = tpu.vector_load %arg6[%get3A_555] {strides = array<i32>} : memref<16384xi32, #tpu.memory_space<vmem>>, vector<16xi32>,
      %mul3A_557 = arith.constant 16 : i32
      %mul3A_558 = arith.muli %scan3A_486, %mul3A_557 : i32
      %mul3A_559 = arith.constant 16 : i32
      %mul3A_560 = arith.muli %mul3A_558, %mul3A_559 : i32
      %add3A_561 = arith.constant 0 : i32
      %add3A_562 = arith.addi %add3A_561, %mul3A_560 : i32
      %add3A_563 = arith.constant 112 : i32
      %add3A_564 = arith.addi %add3A_562, %add3A_563 : i32
      %get3A_565 = arith.index_cast %add3A_564 : i32 to index
      %get3A_566 = tpu.vector_load %arg6[%get3A_565] {strides = array<i32>} : memref<16384xi32, #tpu.memory_space<vmem>>, vector<16xi32>,
      %mul3A_567 = arith.constant 16 : i32
      %mul3A_568 = arith.muli %scan3A_486, %mul3A_567 : i32
      %mul3A_569 = arith.constant 16 : i32
      %mul3A_570 = arith.muli %mul3A_568, %mul3A_569 : i32
      %add3A_571 = arith.constant 0 : i32
      %add3A_572 = arith.addi %add3A_571, %mul3A_570 : i32
      %add3A_573 = arith.constant 128 : i32
      %add3A_574 = arith.addi %add3A_572, %add3A_573 : i32
      %get3A_575 = arith.index_cast %add3A_574 : i32 to index
      %get3A_576 = tpu.vector_load %arg6[%get3A_575] {strides = array<i32>} : memref<16384xi32, #tpu.memory_space<vmem>>, vector<16xi32>,
      %mul3A_577 = arith.constant 16 : i32
      %mul3A_578 = arith.muli %scan3A_486, %mul3A_577 : i32
      %mul3A_579 = arith.constant 16 : i32
      %mul3A_580 = arith.muli %mul3A_578, %mul3A_579 : i32
      %add3A_581 = arith.constant 0 : i32
      %add3A_582 = arith.addi %add3A_581, %mul3A_580 : i32
      %add3A_583 = arith.constant 144 : i32
      %add3A_584 = arith.addi %add3A_582, %add3A_583 : i32
      %get3A_585 = arith.index_cast %add3A_584 : i32 to index
      %get3A_586 = tpu.vector_load %arg6[%get3A_585] {strides = array<i32>} : memref<16384xi32, #tpu.memory_space<vmem>>, vector<16xi32>,
      %mul3A_587 = arith.constant 16 : i32
      %mul3A_588 = arith.muli %scan3A_486, %mul3A_587 : i32
      %mul3A_589 = arith.constant 16 : i32
      %mul3A_590 = arith.muli %mul3A_588, %mul3A_589 : i32
      %add3A_591 = arith.constant 0 : i32
      %add3A_592 = arith.addi %add3A_591, %mul3A_590 : i32
      %add3A_593 = arith.constant 160 : i32
      %add3A_594 = arith.addi %add3A_592, %add3A_593 : i32
      %get3A_595 = arith.index_cast %add3A_594 : i32 to index
      %get3A_596 = tpu.vector_load %arg6[%get3A_595] {strides = array<i32>} : memref<16384xi32, #tpu.memory_space<vmem>>, vector<16xi32>,
      %mul3A_597 = arith.constant 16 : i32
      %mul3A_598 = arith.muli %scan3A_486, %mul3A_597 : i32
      %mul3A_599 = arith.constant 16 : i32
      %mul3A_600 = arith.muli %mul3A_598, %mul3A_599 : i32
      %add3A_601 = arith.constant 0 : i32
      %add3A_602 = arith.addi %add3A_601, %mul3A_600 : i32
      %add3A_603 = arith.constant 176 : i32
      %add3A_604 = arith.addi %add3A_602, %add3A_603 : i32
      %get3A_605 = arith.index_cast %add3A_604 : i32 to index
      %get3A_606 = tpu.vector_load %arg6[%get3A_605] {strides = array<i32>} : memref<16384xi32, #tpu.memory_space<vmem>>, vector<16xi32>,
      %mul3A_607 = arith.constant 16 : i32
      %mul3A_608 = arith.muli %scan3A_486, %mul3A_607 : i32
      %mul3A_609 = arith.constant 16 : i32
      %mul3A_610 = arith.muli %mul3A_608, %mul3A_609 : i32
      %add3A_611 = arith.constant 0 : i32
      %add3A_612 = arith.addi %add3A_611, %mul3A_610 : i32
      %add3A_613 = arith.constant 192 : i32
      %add3A_614 = arith.addi %add3A_612, %add3A_613 : i32
      %get3A_615 = arith.index_cast %add3A_614 : i32 to index
      %get3A_616 = tpu.vector_load %arg6[%get3A_615] {strides = array<i32>} : memref<16384xi32, #tpu.memory_space<vmem>>, vector<16xi32>,
      %mul3A_617 = arith.constant 16 : i32
      %mul3A_618 = arith.muli %scan3A_486, %mul3A_617 : i32
      %mul3A_619 = arith.constant 16 : i32
      %mul3A_620 = arith.muli %mul3A_618, %mul3A_619 : i32
      %add3A_621 = arith.constant 0 : i32
      %add3A_622 = arith.addi %add3A_621, %mul3A_620 : i32
      %add3A_623 = arith.constant 208 : i32
      %add3A_624 = arith.addi %add3A_622, %add3A_623 : i32
      %get3A_625 = arith.index_cast %add3A_624 : i32 to index
      %get3A_626 = tpu.vector_load %arg6[%get3A_625] {strides = array<i32>} : memref<16384xi32, #tpu.memory_space<vmem>>, vector<16xi32>,
      %mul3A_627 = arith.constant 16 : i32
      %mul3A_628 = arith.muli %scan3A_486, %mul3A_627 : i32
      %mul3A_629 = arith.constant 16 : i32
      %mul3A_630 = arith.muli %mul3A_628, %mul3A_629 : i32
      %add3A_631 = arith.constant 0 : i32
      %add3A_632 = arith.addi %add3A_631, %mul3A_630 : i32
      %add3A_633 = arith.constant 224 : i32
      %add3A_634 = arith.addi %add3A_632, %add3A_633 : i32
      %get3A_635 = arith.index_cast %add3A_634 : i32 to index
      %get3A_636 = tpu.vector_load %arg6[%get3A_635] {strides = array<i32>} : memref<16384xi32, #tpu.memory_space<vmem>>, vector<16xi32>,
      %mul3A_637 = arith.constant 16 : i32
      %mul3A_638 = arith.muli %scan3A_486, %mul3A_637 : i32
      %mul3A_639 = arith.constant 16 : i32
      %mul3A_640 = arith.muli %mul3A_638, %mul3A_639 : i32
      %add3A_641 = arith.constant 0 : i32
      %add3A_642 = arith.addi %add3A_641, %mul3A_640 : i32
      %add3A_643 = arith.constant 240 : i32
      %add3A_644 = arith.addi %add3A_642, %add3A_643 : i32
      %get3A_645 = arith.index_cast %add3A_644 : i32 to index
      %get3A_646 = tpu.vector_load %arg6[%get3A_645] {strides = array<i32>} : memref<16384xi32, #tpu.memory_space<vmem>>, vector<16xi32>,
      %gather3A_647 = tpu.vector_load_idx %arg5[%broadcast_in_dim3A_1, %get3A_496] : memref<1x100000xf32, #tpu.memory_space<vmem>>[vector<16xi32>, vector<16xi32>], vector<16xf32>,
      %gather3A_648 = tpu.vector_load_idx %arg5[%broadcast_in_dim3A_1, %get3A_506] : memref<1x100000xf32, #tpu.memory_space<vmem>>[vector<16xi32>, vector<16xi32>], vector<16xf32>,
      %gather3A_649 = tpu.vector_load_idx %arg5[%broadcast_in_dim3A_1, %get3A_516] : memref<1x100000xf32, #tpu.memory_space<vmem>>[vector<16xi32>, vector<16xi32>], vector<16xf32>,
      %gather3A_650 = tpu.vector_load_idx %arg5[%broadcast_in_dim3A_1, %get3A_526] : memref<1x100000xf32, #tpu.memory_space<vmem>>[vector<16xi32>, vector<16xi32>], vector<16xf32>,
      %gather3A_651 = tpu.vector_load_idx %arg5[%broadcast_in_dim3A_1, %get3A_536] : memref<1x100000xf32, #tpu.memory_space<vmem>>[vector<16xi32>, vector<16xi32>], vector<16xf32>,
      %gather3A_652 = tpu.vector_load_idx %arg5[%broadcast_in_dim3A_1, %get3A_546] : memref<1x100000xf32, #tpu.memory_space<vmem>>[vector<16xi32>, vector<16xi32>], vector<16xf32>,
      %gather3A_653 = tpu.vector_load_idx %arg5[%broadcast_in_dim3A_1, %get3A_556] : memref<1x100000xf32, #tpu.memory_space<vmem>>[vector<16xi32>, vector<16xi32>], vector<16xf32>,
      %gather3A_654 = tpu.vector_load_idx %arg5[%broadcast_in_dim3A_1, %get3A_566] : memref<1x100000xf32, #tpu.memory_space<vmem>>[vector<16xi32>, vector<16xi32>], vector<16xf32>,
      %gather3A_655 = tpu.vector_load_idx %arg5[%broadcast_in_dim3A_1, %get3A_576] : memref<1x100000xf32, #tpu.memory_space<vmem>>[vector<16xi32>, vector<16xi32>], vector<16xf32>,
      %gather3A_656 = tpu.vector_load_idx %arg5[%broadcast_in_dim3A_1, %get3A_586] : memref<1x100000xf32, #tpu.memory_space<vmem>>[vector<16xi32>, vector<16xi32>], vector<16xf32>,
      %gather3A_657 = tpu.vector_load_idx %arg5[%broadcast_in_dim3A_1, %get3A_596] : memref<1x100000xf32, #tpu.memory_space<vmem>>[vector<16xi32>, vector<16xi32>], vector<16xf32>,
      %gather3A_658 = tpu.vector_load_idx %arg5[%broadcast_in_dim3A_1, %get3A_606] : memref<1x100000xf32, #tpu.memory_space<vmem>>[vector<16xi32>, vector<16xi32>], vector<16xf32>,
      %gather3A_659 = tpu.vector_load_idx %arg5[%broadcast_in_dim3A_1, %get3A_616] : memref<1x100000xf32, #tpu.memory_space<vmem>>[vector<16xi32>, vector<16xi32>], vector<16xf32>,
      %gather3A_660 = tpu.vector_load_idx %arg5[%broadcast_in_dim3A_1, %get3A_626] : memref<1x100000xf32, #tpu.memory_space<vmem>>[vector<16xi32>, vector<16xi32>], vector<16xf32>,
      %gather3A_661 = tpu.vector_load_idx %arg5[%broadcast_in_dim3A_1, %get3A_636] : memref<1x100000xf32, #tpu.memory_space<vmem>>[vector<16xi32>, vector<16xi32>], vector<16xf32>,
      %gather3A_662 = tpu.vector_load_idx %arg5[%broadcast_in_dim3A_1, %get3A_646] : memref<1x100000xf32, #tpu.memory_space<vmem>>[vector<16xi32>, vector<16xi32>], vector<16xf32>,
      %mul3A_663 = arith.constant 16 : i32
      %mul3A_664 = arith.muli %scan3A_486, %mul3A_663 : i32
      %mul3A_665 = arith.constant 16 : i32
      %mul3A_666 = arith.muli %mul3A_664, %mul3A_665 : i32
      %add3A_667 = arith.constant 0 : i32
      %add3A_668 = arith.addi %mul3A_666, %add3A_667 : i32
      %swap3A_669 = arith.constant 0 : i32
      %swap3A_670 = arith.index_cast %swap3A_669 : i32 to index
      %swap3A_671 = arith.index_cast %add3A_668 : i32 to index
      %swap3A_672 = tpu.vector_load %arg7[%swap3A_670, %swap3A_671] {strides = array<i32>} : memref<1x4096xf32, #tpu.memory_space<vmem>>, vector<16xf32>,
      tpu.vector_store %arg7[%swap3A_670, %swap3A_671], %gather3A_647 {strides = array<i32>} : memref<1x4096xf32, #tpu.memory_space<vmem>>, vector<16xf32>,
      %mul3A_673 = arith.constant 16 : i32
      %mul3A_674 = arith.muli %scan3A_486, %mul3A_673 : i32
      %mul3A_675 = arith.constant 16 : i32
      %mul3A_676 = arith.muli %mul3A_674, %mul3A_675 : i32
      %add3A_677 = arith.constant 16 : i32
      %add3A_678 = arith.addi %mul3A_676, %add3A_677 : i32
      %swap3A_679 = arith.constant 0 : i32
      %swap3A_680 = arith.index_cast %swap3A_679 : i32 to index
      %swap3A_681 = arith.index_cast %add3A_678 : i32 to index
      %swap3A_682 = tpu.vector_load %arg7[%swap3A_680, %swap3A_681] {strides = array<i32>} : memref<1x4096xf32, #tpu.memory_space<vmem>>, vector<16xf32>,
      tpu.vector_store %arg7[%swap3A_680, %swap3A_681], %gather3A_648 {strides = array<i32>} : memref<1x4096xf32, #tpu.memory_space<vmem>>, vector<16xf32>,
      %mul3A_683 = arith.constant 16 : i32
      %mul3A_684 = arith.muli %scan3A_486, %mul3A_683 : i32
      %mul3A_685 = arith.constant 16 : i32
      %mul3A_686 = arith.muli %mul3A_684, %mul3A_685 : i32
      %add3A_687 = arith.constant 32 : i32
      %add3A_688 = arith.addi %mul3A_686, %add3A_687 : i32
      %swap3A_689 = arith.constant 0 : i32
      %swap3A_690 = arith.index_cast %swap3A_689 : i32 to index
      %swap3A_691 = arith.index_cast %add3A_688 : i32 to index
      %swap3A_692 = tpu.vector_load %arg7[%swap3A_690, %swap3A_691] {strides = array<i32>} : memref<1x4096xf32, #tpu.memory_space<vmem>>, vector<16xf32>,
      tpu.vector_store %arg7[%swap3A_690, %swap3A_691], %gather3A_649 {strides = array<i32>} : memref<1x4096xf32, #tpu.memory_space<vmem>>, vector<16xf32>,
      %mul3A_693 = arith.constant 16 : i32
      %mul3A_694 = arith.muli %scan3A_486, %mul3A_693 : i32
      %mul3A_695 = arith.constant 16 : i32
      %mul3A_696 = arith.muli %mul3A_694, %mul3A_695 : i32
      %add3A_697 = arith.constant 48 : i32
      %add3A_698 = arith.addi %mul3A_696, %add3A_697 : i32
      %swap3A_699 = arith.constant 0 : i32
      %swap3A_700 = arith.index_cast %swap3A_699 : i32 to index
      %swap3A_701 = arith.index_cast %add3A_698 : i32 to index
      %swap3A_702 = tpu.vector_load %arg7[%swap3A_700, %swap3A_701] {strides = array<i32>} : memref<1x4096xf32, #tpu.memory_space<vmem>>, vector<16xf32>,
      tpu.vector_store %arg7[%swap3A_700, %swap3A_701], %gather3A_650 {strides = array<i32>} : memref<1x4096xf32, #tpu.memory_space<vmem>>, vector<16xf32>,
      %mul3A_703 = arith.constant 16 : i32
      %mul3A_704 = arith.muli %scan3A_486, %mul3A_703 : i32
      %mul3A_705 = arith.constant 16 : i32
      %mul3A_706 = arith.muli %mul3A_704, %mul3A_705 : i32
      %add3A_707 = arith.constant 64 : i32
      %add3A_708 = arith.addi %mul3A_706, %add3A_707 : i32
      %swap3A_709 = arith.constant 0 : i32
      %swap3A_710 = arith.index_cast %swap3A_709 : i32 to index
      %swap3A_711 = arith.index_cast %add3A_708 : i32 to index
      %swap3A_712 = tpu.vector_load %arg7[%swap3A_710, %swap3A_711] {strides = array<i32>} : memref<1x4096xf32, #tpu.memory_space<vmem>>, vector<16xf32>,
      tpu.vector_store %arg7[%swap3A_710, %swap3A_711], %gather3A_651 {strides = array<i32>} : memref<1x4096xf32, #tpu.memory_space<vmem>>, vector<16xf32>,
      %mul3A_713 = arith.constant 16 : i32
      %mul3A_714 = arith.muli %scan3A_486, %mul3A_713 : i32
      %mul3A_715 = arith.constant 16 : i32
      %mul3A_716 = arith.muli %mul3A_714, %mul3A_715 : i32
      %add3A_717 = arith.constant 80 : i32
      %add3A_718 = arith.addi %mul3A_716, %add3A_717 : i32
      %swap3A_719 = arith.constant 0 : i32
      %swap3A_720 = arith.index_cast %swap3A_719 : i32 to index
      %swap3A_721 = arith.index_cast %add3A_718 : i32 to index
      %swap3A_722 = tpu.vector_load %arg7[%swap3A_720, %swap3A_721] {strides = array<i32>} : memref<1x4096xf32, #tpu.memory_space<vmem>>, vector<16xf32>,
      tpu.vector_store %arg7[%swap3A_720, %swap3A_721], %gather3A_652 {strides = array<i32>} : memref<1x4096xf32, #tpu.memory_space<vmem>>, vector<16xf32>,
      %mul3A_723 = arith.constant 16 : i32
      %mul3A_724 = arith.muli %scan3A_486, %mul3A_723 : i32
      %mul3A_725 = arith.constant 16 : i32
      %mul3A_726 = arith.muli %mul3A_724, %mul3A_725 : i32
      %add3A_727 = arith.constant 96 : i32
      %add3A_728 = arith.addi %mul3A_726, %add3A_727 : i32
      %swap3A_729 = arith.constant 0 : i32
      %swap3A_730 = arith.index_cast %swap3A_729 : i32 to index
      %swap3A_731 = arith.index_cast %add3A_728 : i32 to index
      %swap3A_732 = tpu.vector_load %arg7[%swap3A_730, %swap3A_731] {strides = array<i32>} : memref<1x4096xf32, #tpu.memory_space<vmem>>, vector<16xf32>,
      tpu.vector_store %arg7[%swap3A_730, %swap3A_731], %gather3A_653 {strides = array<i32>} : memref<1x4096xf32, #tpu.memory_space<vmem>>, vector<16xf32>,
      %mul3A_733 = arith.constant 16 : i32
      %mul3A_734 = arith.muli %scan3A_486, %mul3A_733 : i32
      %mul3A_735 = arith.constant 16 : i32
      %mul3A_736 = arith.muli %mul3A_734, %mul3A_735 : i32
      %add3A_737 = arith.constant 112 : i32
      %add3A_738 = arith.addi %mul3A_736, %add3A_737 : i32
      %swap3A_739 = arith.constant 0 : i32
      %swap3A_740 = arith.index_cast %swap3A_739 : i32 to index
      %swap3A_741 = arith.index_cast %add3A_738 : i32 to index
      %swap3A_742 = tpu.vector_load %arg7[%swap3A_740, %swap3A_741] {strides = array<i32>} : memref<1x4096xf32, #tpu.memory_space<vmem>>, vector<16xf32>,
      tpu.vector_store %arg7[%swap3A_740, %swap3A_741], %gather3A_654 {strides = array<i32>} : memref<1x4096xf32, #tpu.memory_space<vmem>>, vector<16xf32>,
      %mul3A_743 = arith.constant 16 : i32
      %mul3A_744 = arith.muli %scan3A_486, %mul3A_743 : i32
      %mul3A_745 = arith.constant 16 : i32
      %mul3A_746 = arith.muli %mul3A_744, %mul3A_745 : i32
      %add3A_747 = arith.constant 128 : i32
      %add3A_748 = arith.addi %mul3A_746, %add3A_747 : i32
      %swap3A_749 = arith.constant 0 : i32
      %swap3A_750 = arith.index_cast %swap3A_749 : i32 to index
      %swap3A_751 = arith.index_cast %add3A_748 : i32 to index
      %swap3A_752 = tpu.vector_load %arg7[%swap3A_750, %swap3A_751] {strides = array<i32>} : memref<1x4096xf32, #tpu.memory_space<vmem>>, vector<16xf32>,
      tpu.vector_store %arg7[%swap3A_750, %swap3A_751], %gather3A_655 {strides = array<i32>} : memref<1x4096xf32, #tpu.memory_space<vmem>>, vector<16xf32>,
      %mul3A_753 = arith.constant 16 : i32
      %mul3A_754 = arith.muli %scan3A_486, %mul3A_753 : i32
      %mul3A_755 = arith.constant 16 : i32
      %mul3A_756 = arith.muli %mul3A_754, %mul3A_755 : i32
      %add3A_757 = arith.constant 144 : i32
      %add3A_758 = arith.addi %mul3A_756, %add3A_757 : i32
      %swap3A_759 = arith.constant 0 : i32
      %swap3A_760 = arith.index_cast %swap3A_759 : i32 to index
      %swap3A_761 = arith.index_cast %add3A_758 : i32 to index
      %swap3A_762 = tpu.vector_load %arg7[%swap3A_760, %swap3A_761] {strides = array<i32>} : memref<1x4096xf32, #tpu.memory_space<vmem>>, vector<16xf32>,
      tpu.vector_store %arg7[%swap3A_760, %swap3A_761], %gather3A_656 {strides = array<i32>} : memref<1x4096xf32, #tpu.memory_space<vmem>>, vector<16xf32>,
      %mul3A_763 = arith.constant 16 : i32
      %mul3A_764 = arith.muli %scan3A_486, %mul3A_763 : i32
      %mul3A_765 = arith.constant 16 : i32
      %mul3A_766 = arith.muli %mul3A_764, %mul3A_765 : i32
      %add3A_767 = arith.constant 160 : i32
      %add3A_768 = arith.addi %mul3A_766, %add3A_767 : i32
      %swap3A_769 = arith.constant 0 : i32
      %swap3A_770 = arith.index_cast %swap3A_769 : i32 to index
      %swap3A_771 = arith.index_cast %add3A_768 : i32 to index
      %swap3A_772 = tpu.vector_load %arg7[%swap3A_770, %swap3A_771] {strides = array<i32>} : memref<1x4096xf32, #tpu.memory_space<vmem>>, vector<16xf32>,
      tpu.vector_store %arg7[%swap3A_770, %swap3A_771], %gather3A_657 {strides = array<i32>} : memref<1x4096xf32, #tpu.memory_space<vmem>>, vector<16xf32>,
      %mul3A_773 = arith.constant 16 : i32
      %mul3A_774 = arith.muli %scan3A_486, %mul3A_773 : i32
      %mul3A_775 = arith.constant 16 : i32
      %mul3A_776 = arith.muli %mul3A_774, %mul3A_775 : i32
      %add3A_777 = arith.constant 176 : i32
      %add3A_778 = arith.addi %mul3A_776, %add3A_777 : i32
      %swap3A_779 = arith.constant 0 : i32
      %swap3A_780 = arith.index_cast %swap3A_779 : i32 to index
      %swap3A_781 = arith.index_cast %add3A_778 : i32 to index
      %swap3A_782 = tpu.vector_load %arg7[%swap3A_780, %swap3A_781] {strides = array<i32>} : memref<1x4096xf32, #tpu.memory_space<vmem>>, vector<16xf32>,
      tpu.vector_store %arg7[%swap3A_780, %swap3A_781], %gather3A_658 {strides = array<i32>} : memref<1x4096xf32, #tpu.memory_space<vmem>>, vector<16xf32>,
      %mul3A_783 = arith.constant 16 : i32
      %mul3A_784 = arith.muli %scan3A_486, %mul3A_783 : i32
      %mul3A_785 = arith.constant 16 : i32
      %mul3A_786 = arith.muli %mul3A_784, %mul3A_785 : i32
      %add3A_787 = arith.constant 192 : i32
      %add3A_788 = arith.addi %mul3A_786, %add3A_787 : i32
      %swap3A_789 = arith.constant 0 : i32
      %swap3A_790 = arith.index_cast %swap3A_789 : i32 to index
      %swap3A_791 = arith.index_cast %add3A_788 : i32 to index
      %swap3A_792 = tpu.vector_load %arg7[%swap3A_790, %swap3A_791] {strides = array<i32>} : memref<1x4096xf32, #tpu.memory_space<vmem>>, vector<16xf32>,
      tpu.vector_store %arg7[%swap3A_790, %swap3A_791], %gather3A_659 {strides = array<i32>} : memref<1x4096xf32, #tpu.memory_space<vmem>>, vector<16xf32>,
      %mul3A_793 = arith.constant 16 : i32
      %mul3A_794 = arith.muli %scan3A_486, %mul3A_793 : i32
      %mul3A_795 = arith.constant 16 : i32
      %mul3A_796 = arith.muli %mul3A_794, %mul3A_795 : i32
      %add3A_797 = arith.constant 208 : i32
      %add3A_798 = arith.addi %mul3A_796, %add3A_797 : i32
      %swap3A_799 = arith.constant 0 : i32
      %swap3A_800 = arith.index_cast %swap3A_799 : i32 to index
      %swap3A_801 = arith.index_cast %add3A_798 : i32 to index
      %swap3A_802 = tpu.vector_load %arg7[%swap3A_800, %swap3A_801] {strides = array<i32>} : memref<1x4096xf32, #tpu.memory_space<vmem>>, vector<16xf32>,
      tpu.vector_store %arg7[%swap3A_800, %swap3A_801], %gather3A_660 {strides = array<i32>} : memref<1x4096xf32, #tpu.memory_space<vmem>>, vector<16xf32>,
      %mul3A_803 = arith.constant 16 : i32
      %mul3A_804 = arith.muli %scan3A_486, %mul3A_803 : i32
      %mul3A_805 = arith.constant 16 : i32
      %mul3A_806 = arith.muli %mul3A_804, %mul3A_805 : i32
      %add3A_807 = arith.constant 224 : i32
      %add3A_808 = arith.addi %mul3A_806, %add3A_807 : i32
      %swap3A_809 = arith.constant 0 : i32
      %swap3A_810 = arith.index_cast %swap3A_809 : i32 to index
      %swap3A_811 = arith.index_cast %add3A_808 : i32 to index
      %swap3A_812 = tpu.vector_load %arg7[%swap3A_810, %swap3A_811] {strides = array<i32>} : memref<1x4096xf32, #tpu.memory_space<vmem>>, vector<16xf32>,
      tpu.vector_store %arg7[%swap3A_810, %swap3A_811], %gather3A_661 {strides = array<i32>} : memref<1x4096xf32, #tpu.memory_space<vmem>>, vector<16xf32>,
      %mul3A_813 = arith.constant 16 : i32
      %mul3A_814 = arith.muli %scan3A_486, %mul3A_813 : i32
      %mul3A_815 = arith.constant 16 : i32
      %mul3A_816 = arith.muli %mul3A_814, %mul3A_815 : i32
      %add3A_817 = arith.constant 240 : i32
      %add3A_818 = arith.addi %mul3A_816, %add3A_817 : i32
      %swap3A_819 = arith.constant 0 : i32
      %swap3A_820 = arith.index_cast %swap3A_819 : i32 to index
      %swap3A_821 = arith.index_cast %add3A_818 : i32 to index
      %swap3A_822 = tpu.vector_load %arg7[%swap3A_820, %swap3A_821] {strides = array<i32>} : memref<1x4096xf32, #tpu.memory_space<vmem>>, vector<16xf32>,
      tpu.vector_store %arg7[%swap3A_820, %swap3A_821], %gather3A_662 {strides = array<i32>} : memref<1x4096xf32, #tpu.memory_space<vmem>>, vector<16xf32>,
    }
    %scan3A_86 = arith.constant 16 : i32
    %dma_start3A_87 = arith.constant 0 : i32
    %dma_start3A_88 = tpu.memref_slice %arg4[%add3A_66, %dma_start3A_87] : memref<64x16384xf32, #tpu.memory_space<hbm>> -> memref<1x4096xf32, #tpu.memory_space<hbm>>
    %dma_start3A_89 = arith.constant 0 : i32
    %dma_start3A_90 = tpu.memref_slice %arg4[%add3A_66, %dma_start3A_89] : memref<64x16384xf32, #tpu.memory_space<hbm>> -> memref<1x4096xf32, #tpu.memory_space<hbm>>
    tpu.enqueue_dma source(%arg7 : memref<1x4096xf32, #tpu.memory_space<vmem>>) target(%dma_start3A_90 : memref<1x4096xf32, #tpu.memory_space<hbm>>) target_semaphore(%arg10 : memref<!tpu.dma_semaphore, #tpu.memory_space<semaphore_mem>>)
    %dma_wait3A_91 = arith.constant 0 : i32
    %dma_wait3A_92 = arith.constant 0 : i32
    %dma_wait3A_93 = tpu.memref_slice %arg4[%dma_wait3A_91, %dma_wait3A_92] : memref<64x16384xf32, #tpu.memory_space<hbm>> -> memref<1x4096xf32, #tpu.memory_space<hbm>>
    %dma_wait3A_94 = arith.constant 0 : i32
    %dma_wait3A_95 = arith.constant 0 : i32
    %dma_wait3A_96 = tpu.memref_slice %arg4[%dma_wait3A_94, %dma_wait3A_95] : memref<64x16384xf32, #tpu.memory_space<hbm>> -> memref<1x4096xf32, #tpu.memory_space<hbm>>
    tpu.wait_dma2 semaphore(%arg10 : memref<!tpu.dma_semaphore, #tpu.memory_space<semaphore_mem>>) src(%arg8 : memref<1x4096xf32, #tpu.memory_space<vmem>>) dst(%dma_wait3A_96 : memref<1x4096xf32, #tpu.memory_space<hbm>>)
    %scan3A_97 = arith.constant 0 : i32
    %scan3A_98 = arith.constant 0 : i32
    %scan3A_99 = arith.constant 16 : i32
    %scan3A_100 = arith.addi %scan3A_98, %scan3A_99 : i32
    %scan3A_101 = arith.constant 2 : i32
    scf.for %scan3A_151 = %scan3A_98 to %scan3A_100 step %scan3A_101  : i32 {
      %mul3A_152 = arith.constant 16 : i32
      %mul3A_153 = arith.muli %scan3A_151, %mul3A_152 : i32
      %mul3A_154 = arith.constant 16 : i32
      %mul3A_155 = arith.muli %mul3A_153, %mul3A_154 : i32
      %add3A_156 = arith.constant 4096 : i32
      %add3A_157 = arith.addi %add3A_156, %mul3A_155 : i32
      %add3A_158 = arith.constant 0 : i32
      %add3A_159 = arith.addi %add3A_157, %add3A_158 : i32
      %get3A = arith.index_cast %add3A_159 : i32 to index
      %get3A_160 = tpu.vector_load %arg6[%get3A] {strides = array<i32>} : memref<16384xi32, #tpu.memory_space<vmem>>, vector<16xi32>,
      %mul3A_161 = arith.constant 16 : i32
      %mul3A_162 = arith.muli %scan3A_151, %mul3A_161 : i32
      %mul3A_163 = arith.constant 16 : i32
      %mul3A_164 = arith.muli %mul3A_162, %mul3A_163 : i32
      %add3A_165 = arith.constant 4096 : i32
      %add3A_166 = arith.addi %add3A_165, %mul3A_164 : i32
      %add3A_167 = arith.constant 16 : i32
      %add3A_168 = arith.addi %add3A_166, %add3A_167 : i32
      %get3A_169 = arith.index_cast %add3A_168 : i32 to index
      %get3A_170 = tpu.vector_load %arg6[%get3A_169] {strides = array<i32>} : memref<16384xi32, #tpu.memory_space<vmem>>, vector<16xi32>,
      %mul3A_171 = arith.constant 16 : i32
      %mul3A_172 = arith.muli %scan3A_151, %mul3A_171 : i32
      %mul3A_173 = arith.constant 16 : i32
      %mul3A_174 = arith.muli %mul3A_172, %mul3A_173 : i32
      %add3A_175 = arith.constant 4096 : i32
      %add3A_176 = arith.addi %add3A_175, %mul3A_174 : i32
      %add3A_177 = arith.constant 32 : i32
      %add3A_178 = arith.addi %add3A_176, %add3A_177 : i32
      %get3A_179 = arith.index_cast %add3A_178 : i32 to index
      %get3A_180 = tpu.vector_load %arg6[%get3A_179] {strides = array<i32>} : memref<16384xi32, #tpu.memory_space<vmem>>, vector<16xi32>,
      %mul3A_181 = arith.constant 16 : i32
      %mul3A_182 = arith.muli %scan3A_151, %mul3A_181 : i32
      %mul3A_183 = arith.constant 16 : i32
      %mul3A_184 = arith.muli %mul3A_182, %mul3A_183 : i32
      %add3A_185 = arith.constant 4096 : i32
      %add3A_186 = arith.addi %add3A_185, %mul3A_184 : i32
      %add3A_187 = arith.constant 48 : i32
      %add3A_188 = arith.addi %add3A_186, %add3A_187 : i32
      %get3A_189 = arith.index_cast %add3A_188 : i32 to index
      %get3A_190 = tpu.vector_load %arg6[%get3A_189] {strides = array<i32>} : memref<16384xi32, #tpu.memory_space<vmem>>, vector<16xi32>,
      %mul3A_191 = arith.constant 16 : i32
      %mul3A_192 = arith.muli %scan3A_151, %mul3A_191 : i32
      %mul3A_193 = arith.constant 16 : i32
      %mul3A_194 = arith.muli %mul3A_192, %mul3A_193 : i32
      %add3A_195 = arith.constant 4096 : i32
      %add3A_196 = arith.addi %add3A_195, %mul3A_194 : i32
      %add3A_197 = arith.constant 64 : i32
      %add3A_198 = arith.addi %add3A_196, %add3A_197 : i32
      %get3A_199 = arith.index_cast %add3A_198 : i32 to index
      %get3A_200 = tpu.vector_load %arg6[%get3A_199] {strides = array<i32>} : memref<16384xi32, #tpu.memory_space<vmem>>, vector<16xi32>,
      %mul3A_201 = arith.constant 16 : i32
      %mul3A_202 = arith.muli %scan3A_151, %mul3A_201 : i32
      %mul3A_203 = arith.constant 16 : i32
      %mul3A_204 = arith.muli %mul3A_202, %mul3A_203 : i32
      %add3A_205 = arith.constant 4096 : i32
      %add3A_206 = arith.addi %add3A_205, %mul3A_204 : i32
      %add3A_207 = arith.constant 80 : i32
      %add3A_208 = arith.addi %add3A_206, %add3A_207 : i32
      %get3A_209 = arith.index_cast %add3A_208 : i32 to index
      %get3A_210 = tpu.vector_load %arg6[%get3A_209] {strides = array<i32>} : memref<16384xi32, #tpu.memory_space<vmem>>, vector<16xi32>,
      %mul3A_211 = arith.constant 16 : i32
      %mul3A_212 = arith.muli %scan3A_151, %mul3A_211 : i32
      %mul3A_213 = arith.constant 16 : i32
      %mul3A_214 = arith.muli %mul3A_212, %mul3A_213 : i32
      %add3A_215 = arith.constant 4096 : i32
      %add3A_216 = arith.addi %add3A_215, %mul3A_214 : i32
      %add3A_217 = arith.constant 96 : i32
      %add3A_218 = arith.addi %add3A_216, %add3A_217 : i32
      %get3A_219 = arith.index_cast %add3A_218 : i32 to index
      %get3A_220 = tpu.vector_load %arg6[%get3A_219] {strides = array<i32>} : memref<16384xi32, #tpu.memory_space<vmem>>, vector<16xi32>,
      %mul3A_221 = arith.constant 16 : i32
      %mul3A_222 = arith.muli %scan3A_151, %mul3A_221 : i32
      %mul3A_223 = arith.constant 16 : i32
      %mul3A_224 = arith.muli %mul3A_222, %mul3A_223 : i32
      %add3A_225 = arith.constant 4096 : i32
      %add3A_226 = arith.addi %add3A_225, %mul3A_224 : i32
      %add3A_227 = arith.constant 112 : i32
      %add3A_228 = arith.addi %add3A_226, %add3A_227 : i32
      %get3A_229 = arith.index_cast %add3A_228 : i32 to index
      %get3A_230 = tpu.vector_load %arg6[%get3A_229] {strides = array<i32>} : memref<16384xi32, #tpu.memory_space<vmem>>, vector<16xi32>,
      %mul3A_231 = arith.constant 16 : i32
      %mul3A_232 = arith.muli %scan3A_151, %mul3A_231 : i32
      %mul3A_233 = arith.constant 16 : i32
      %mul3A_234 = arith.muli %mul3A_232, %mul3A_233 : i32
      %add3A_235 = arith.constant 4096 : i32
      %add3A_236 = arith.addi %add3A_235, %mul3A_234 : i32
      %add3A_237 = arith.constant 128 : i32
      %add3A_238 = arith.addi %add3A_236, %add3A_237 : i32
      %get3A_239 = arith.index_cast %add3A_238 : i32 to index
      %get3A_240 = tpu.vector_load %arg6[%get3A_239] {strides = array<i32>} : memref<16384xi32, #tpu.memory_space<vmem>>, vector<16xi32>,
      %mul3A_241 = arith.constant 16 : i32
      %mul3A_242 = arith.muli %scan3A_151, %mul3A_241 : i32
      %mul3A_243 = arith.constant 16 : i32
      %mul3A_244 = arith.muli %mul3A_242, %mul3A_243 : i32
      %add3A_245 = arith.constant 4096 : i32
      %add3A_246 = arith.addi %add3A_245, %mul3A_244 : i32
      %add3A_247 = arith.constant 144 : i32
      %add3A_248 = arith.addi %add3A_246, %add3A_247 : i32
      %get3A_249 = arith.index_cast %add3A_248 : i32 to index
      %get3A_250 = tpu.vector_load %arg6[%get3A_249] {strides = array<i32>} : memref<16384xi32, #tpu.memory_space<vmem>>, vector<16xi32>,
      %mul3A_251 = arith.constant 16 : i32
      %mul3A_252 = arith.muli %scan3A_151, %mul3A_251 : i32
      %mul3A_253 = arith.constant 16 : i32
      %mul3A_254 = arith.muli %mul3A_252, %mul3A_253 : i32
      %add3A_255 = arith.constant 4096 : i32
      %add3A_256 = arith.addi %add3A_255, %mul3A_254 : i32
      %add3A_257 = arith.constant 160 : i32
      %add3A_258 = arith.addi %add3A_256, %add3A_257 : i32
      %get3A_259 = arith.index_cast %add3A_258 : i32 to index
      %get3A_260 = tpu.vector_load %arg6[%get3A_259] {strides = array<i32>} : memref<16384xi32, #tpu.memory_space<vmem>>, vector<16xi32>,
      %mul3A_261 = arith.constant 16 : i32
      %mul3A_262 = arith.muli %scan3A_151, %mul3A_261 : i32
      %mul3A_263 = arith.constant 16 : i32
      %mul3A_264 = arith.muli %mul3A_262, %mul3A_263 : i32
      %add3A_265 = arith.constant 4096 : i32
      %add3A_266 = arith.addi %add3A_265, %mul3A_264 : i32
      %add3A_267 = arith.constant 176 : i32
      %add3A_268 = arith.addi %add3A_266, %add3A_267 : i32
      %get3A_269 = arith.index_cast %add3A_268 : i32 to index
      %get3A_270 = tpu.vector_load %arg6[%get3A_269] {strides = array<i32>} : memref<16384xi32, #tpu.memory_space<vmem>>, vector<16xi32>,
      %mul3A_271 = arith.constant 16 : i32
      %mul3A_272 = arith.muli %scan3A_151, %mul3A_271 : i32
      %mul3A_273 = arith.constant 16 : i32
      %mul3A_274 = arith.muli %mul3A_272, %mul3A_273 : i32
      %add3A_275 = arith.constant 4096 : i32
      %add3A_276 = arith.addi %add3A_275, %mul3A_274 : i32
      %add3A_277 = arith.constant 192 : i32
      %add3A_278 = arith.addi %add3A_276, %add3A_277 : i32
      %get3A_279 = arith.index_cast %add3A_278 : i32 to index
      %get3A_280 = tpu.vector_load %arg6[%get3A_279] {strides = array<i32>} : memref<16384xi32, #tpu.memory_space<vmem>>, vector<16xi32>,
      %mul3A_281 = arith.constant 16 : i32
      %mul3A_282 = arith.muli %scan3A_151, %mul3A_281 : i32
      %mul3A_283 = arith.constant 16 : i32
      %mul3A_284 = arith.muli %mul3A_282, %mul3A_283 : i32
      %add3A_285 = arith.constant 4096 : i32
      %add3A_286 = arith.addi %add3A_285, %mul3A_284 : i32
      %add3A_287 = arith.constant 208 : i32
      %add3A_288 = arith.addi %add3A_286, %add3A_287 : i32
      %get3A_289 = arith.index_cast %add3A_288 : i32 to index
      %get3A_290 = tpu.vector_load %arg6[%get3A_289] {strides = array<i32>} : memref<16384xi32, #tpu.memory_space<vmem>>, vector<16xi32>,
      %mul3A_291 = arith.constant 16 : i32
      %mul3A_292 = arith.muli %scan3A_151, %mul3A_291 : i32
      %mul3A_293 = arith.constant 16 : i32
      %mul3A_294 = arith.muli %mul3A_292, %mul3A_293 : i32
      %add3A_295 = arith.constant 4096 : i32
      %add3A_296 = arith.addi %add3A_295, %mul3A_294 : i32
      %add3A_297 = arith.constant 224 : i32
      %add3A_298 = arith.addi %add3A_296, %add3A_297 : i32
      %get3A_299 = arith.index_cast %add3A_298 : i32 to index
      %get3A_300 = tpu.vector_load %arg6[%get3A_299] {strides = array<i32>} : memref<16384xi32, #tpu.memory_space<vmem>>, vector<16xi32>,
      %mul3A_301 = arith.constant 16 : i32
      %mul3A_302 = arith.muli %scan3A_151, %mul3A_301 : i32
      %mul3A_303 = arith.constant 16 : i32
      %mul3A_304 = arith.muli %mul3A_302, %mul3A_303 : i32
      %add3A_305 = arith.constant 4096 : i32
      %add3A_306 = arith.addi %add3A_305, %mul3A_304 : i32
      %add3A_307 = arith.constant 240 : i32
      %add3A_308 = arith.addi %add3A_306, %add3A_307 : i32
      %get3A_309 = arith.index_cast %add3A_308 : i32 to index
      %get3A_310 = tpu.vector_load %arg6[%get3A_309] {strides = array<i32>} : memref<16384xi32, #tpu.memory_space<vmem>>, vector<16xi32>,
      %gather3A = tpu.vector_load_idx %arg5[%broadcast_in_dim3A_1, %get3A_160] : memref<1x100000xf32, #tpu.memory_space<vmem>>[vector<16xi32>, vector<16xi32>], vector<16xf32>,
      %gather3A_311 = tpu.vector_load_idx %arg5[%broadcast_in_dim3A_1, %get3A_170] : memref<1x100000xf32, #tpu.memory_space<vmem>>[vector<16xi32>, vector<16xi32>], vector<16xf32>,
      %gather3A_312 = tpu.vector_load_idx %arg5[%broadcast_in_dim3A_1, %get3A_180] : memref<1x100000xf32, #tpu.memory_space<vmem>>[vector<16xi32>, vector<16xi32>], vector<16xf32>,
      %gather3A_313 = tpu.vector_load_idx %arg5[%broadcast_in_dim3A_1, %get3A_190] : memref<1x100000xf32, #tpu.memory_space<vmem>>[vector<16xi32>, vector<16xi32>], vector<16xf32>,
      %gather3A_314 = tpu.vector_load_idx %arg5[%broadcast_in_dim3A_1, %get3A_200] : memref<1x100000xf32, #tpu.memory_space<vmem>>[vector<16xi32>, vector<16xi32>], vector<16xf32>,
      %gather3A_315 = tpu.vector_load_idx %arg5[%broadcast_in_dim3A_1, %get3A_210] : memref<1x100000xf32, #tpu.memory_space<vmem>>[vector<16xi32>, vector<16xi32>], vector<16xf32>,
      %gather3A_316 = tpu.vector_load_idx %arg5[%broadcast_in_dim3A_1, %get3A_220] : memref<1x100000xf32, #tpu.memory_space<vmem>>[vector<16xi32>, vector<16xi32>], vector<16xf32>,
      %gather3A_317 = tpu.vector_load_idx %arg5[%broadcast_in_dim3A_1, %get3A_230] : memref<1x100000xf32, #tpu.memory_space<vmem>>[vector<16xi32>, vector<16xi32>], vector<16xf32>,
      %gather3A_318 = tpu.vector_load_idx %arg5[%broadcast_in_dim3A_1, %get3A_240] : memref<1x100000xf32, #tpu.memory_space<vmem>>[vector<16xi32>, vector<16xi32>], vector<16xf32>,
      %gather3A_319 = tpu.vector_load_idx %arg5[%broadcast_in_dim3A_1, %get3A_250] : memref<1x100000xf32, #tpu.memory_space<vmem>>[vector<16xi32>, vector<16xi32>], vector<16xf32>,
      %gather3A_320 = tpu.vector_load_idx %arg5[%broadcast_in_dim3A_1, %get3A_260] : memref<1x100000xf32, #tpu.memory_space<vmem>>[vector<16xi32>, vector<16xi32>], vector<16xf32>,
      %gather3A_321 = tpu.vector_load_idx %arg5[%broadcast_in_dim3A_1, %get3A_270] : memref<1x100000xf32, #tpu.memory_space<vmem>>[vector<16xi32>, vector<16xi32>], vector<16xf32>,
      %gather3A_322 = tpu.vector_load_idx %arg5[%broadcast_in_dim3A_1, %get3A_280] : memref<1x100000xf32, #tpu.memory_space<vmem>>[vector<16xi32>, vector<16xi32>], vector<16xf32>,
      %gather3A_323 = tpu.vector_load_idx %arg5[%broadcast_in_dim3A_1, %get3A_290] : memref<1x100000xf32, #tpu.memory_space<vmem>>[vector<16xi32>, vector<16xi32>], vector<16xf32>,
      %gather3A_324 = tpu.vector_load_idx %arg5[%broadcast_in_dim3A_1, %get3A_300] : memref<1x100000xf32, #tpu.memory_space<vmem>>[vector<16xi32>, vector<16xi32>], vector<16xf32>,
      %gather3A_325 = tpu.vector_load_idx %arg5[%broadcast_in_dim3A_1, %get3A_310] : memref<1x100000xf32, #tpu.memory_space<vmem>>[vector<16xi32>, vector<16xi32>], vector<16xf32>,
      %mul3A_326 = arith.constant 16 : i32
      %mul3A_327 = arith.muli %scan3A_151, %mul3A_326 : i32
      %mul3A_328 = arith.constant 16 : i32
      %mul3A_329 = arith.muli %mul3A_327, %mul3A_328 : i32
      %add3A_330 = arith.constant 0 : i32
      %add3A_331 = arith.addi %mul3A_329, %add3A_330 : i32
      %swap3A = arith.constant 0 : i32
      %swap3A_332 = arith.index_cast %swap3A : i32 to index
      %swap3A_333 = arith.index_cast %add3A_331 : i32 to index
      %swap3A_334 = tpu.vector_load %arg8[%swap3A_332, %swap3A_333] {strides = array<i32>} : memref<1x4096xf32, #tpu.memory_space<vmem>>, vector<16xf32>,
      tpu.vector_store %arg8[%swap3A_332, %swap3A_333], %gather3A {strides = array<i32>} : memref<1x4096xf32, #tpu.memory_space<vmem>>, vector<16xf32>,
      %mul3A_335 = arith.constant 16 : i32
      %mul3A_336 = arith.muli %scan3A_151, %mul3A_335 : i32
      %mul3A_337 = arith.constant 16 : i32
      %mul3A_338 = arith.muli %mul3A_336, %mul3A_337 : i32
      %add3A_339 = arith.constant 16 : i32
      %add3A_340 = arith.addi %mul3A_338, %add3A_339 : i32
      %swap3A_341 = arith.constant 0 : i32
      %swap3A_342 = arith.index_cast %swap3A_341 : i32 to index
      %swap3A_343 = arith.index_cast %add3A_340 : i32 to index
      %swap3A_344 = tpu.vector_load %arg8[%swap3A_342, %swap3A_343] {strides = array<i32>} : memref<1x4096xf32, #tpu.memory_space<vmem>>, vector<16xf32>,
      tpu.vector_store %arg8[%swap3A_342, %swap3A_343], %gather3A_311 {strides = array<i32>} : memref<1x4096xf32, #tpu.memory_space<vmem>>, vector<16xf32>,
      %mul3A_345 = arith.constant 16 : i32
      %mul3A_346 = arith.muli %scan3A_151, %mul3A_345 : i32
      %mul3A_347 = arith.constant 16 : i32
      %mul3A_348 = arith.muli %mul3A_346, %mul3A_347 : i32
      %add3A_349 = arith.constant 32 : i32
      %add3A_350 = arith.addi %mul3A_348, %add3A_349 : i32
      %swap3A_351 = arith.constant 0 : i32
      %swap3A_352 = arith.index_cast %swap3A_351 : i32 to index
      %swap3A_353 = arith.index_cast %add3A_350 : i32 to index
      %swap3A_354 = tpu.vector_load %arg8[%swap3A_352, %swap3A_353] {strides = array<i32>} : memref<1x4096xf32, #tpu.memory_space<vmem>>, vector<16xf32>,
      tpu.vector_store %arg8[%swap3A_352, %swap3A_353], %gather3A_312 {strides = array<i32>} : memref<1x4096xf32, #tpu.memory_space<vmem>>, vector<16xf32>,
      %mul3A_355 = arith.constant 16 : i32
      %mul3A_356 = arith.muli %scan3A_151, %mul3A_355 : i32
      %mul3A_357 = arith.constant 16 : i32
      %mul3A_358 = arith.muli %mul3A_356, %mul3A_357 : i32
      %add3A_359 = arith.constant 48 : i32
      %add3A_360 = arith.addi %mul3A_358, %add3A_359 : i32
      %swap3A_361 = arith.constant 0 : i32
      %swap3A_362 = arith.index_cast %swap3A_361 : i32 to index
      %swap3A_363 = arith.index_cast %add3A_360 : i32 to index
      %swap3A_364 = tpu.vector_load %arg8[%swap3A_362, %swap3A_363] {strides = array<i32>} : memref<1x4096xf32, #tpu.memory_space<vmem>>, vector<16xf32>,
      tpu.vector_store %arg8[%swap3A_362, %swap3A_363], %gather3A_313 {strides = array<i32>} : memref<1x4096xf32, #tpu.memory_space<vmem>>, vector<16xf32>,
      %mul3A_365 = arith.constant 16 : i32
      %mul3A_366 = arith.muli %scan3A_151, %mul3A_365 : i32
      %mul3A_367 = arith.constant 16 : i32
      %mul3A_368 = arith.muli %mul3A_366, %mul3A_367 : i32
      %add3A_369 = arith.constant 64 : i32
      %add3A_370 = arith.addi %mul3A_368, %add3A_369 : i32
      %swap3A_371 = arith.constant 0 : i32
      %swap3A_372 = arith.index_cast %swap3A_371 : i32 to index
      %swap3A_373 = arith.index_cast %add3A_370 : i32 to index
      %swap3A_374 = tpu.vector_load %arg8[%swap3A_372, %swap3A_373] {strides = array<i32>} : memref<1x4096xf32, #tpu.memory_space<vmem>>, vector<16xf32>,
      tpu.vector_store %arg8[%swap3A_372, %swap3A_373], %gather3A_314 {strides = array<i32>} : memref<1x4096xf32, #tpu.memory_space<vmem>>, vector<16xf32>,
      %mul3A_375 = arith.constant 16 : i32
      %mul3A_376 = arith.muli %scan3A_151, %mul3A_375 : i32
      %mul3A_377 = arith.constant 16 : i32
      %mul3A_378 = arith.muli %mul3A_376, %mul3A_377 : i32
      %add3A_379 = arith.constant 80 : i32
      %add3A_380 = arith.addi %mul3A_378, %add3A_379 : i32
      %swap3A_381 = arith.constant 0 : i32
      %swap3A_382 = arith.index_cast %swap3A_381 : i32 to index
      %swap3A_383 = arith.index_cast %add3A_380 : i32 to index
      %swap3A_384 = tpu.vector_load %arg8[%swap3A_382, %swap3A_383] {strides = array<i32>} : memref<1x4096xf32, #tpu.memory_space<vmem>>, vector<16xf32>,
      tpu.vector_store %arg8[%swap3A_382, %swap3A_383], %gather3A_315 {strides = array<i32>} : memref<1x4096xf32, #tpu.memory_space<vmem>>, vector<16xf32>,
      %mul3A_385 = arith.constant 16 : i32
      %mul3A_386 = arith.muli %scan3A_151, %mul3A_385 : i32
      %mul3A_387 = arith.constant 16 : i32
      %mul3A_388 = arith.muli %mul3A_386, %mul3A_387 : i32
      %add3A_389 = arith.constant 96 : i32
      %add3A_390 = arith.addi %mul3A_388, %add3A_389 : i32
      %swap3A_391 = arith.constant 0 : i32
      %swap3A_392 = arith.index_cast %swap3A_391 : i32 to index
      %swap3A_393 = arith.index_cast %add3A_390 : i32 to index
      %swap3A_394 = tpu.vector_load %arg8[%swap3A_392, %swap3A_393] {strides = array<i32>} : memref<1x4096xf32, #tpu.memory_space<vmem>>, vector<16xf32>,
      tpu.vector_store %arg8[%swap3A_392, %swap3A_393], %gather3A_316 {strides = array<i32>} : memref<1x4096xf32, #tpu.memory_space<vmem>>, vector<16xf32>,
      %mul3A_395 = arith.constant 16 : i32
      %mul3A_396 = arith.muli %scan3A_151, %mul3A_395 : i32
      %mul3A_397 = arith.constant 16 : i32
      %mul3A_398 = arith.muli %mul3A_396, %mul3A_397 : i32
      %add3A_399 = arith.constant 112 : i32
      %add3A_400 = arith.addi %mul3A_398, %add3A_399 : i32
      %swap3A_401 = arith.constant 0 : i32
      %swap3A_402 = arith.index_cast %swap3A_401 : i32 to index
      %swap3A_403 = arith.index_cast %add3A_400 : i32 to index
      %swap3A_404 = tpu.vector_load %arg8[%swap3A_402, %swap3A_403] {strides = array<i32>} : memref<1x4096xf32, #tpu.memory_space<vmem>>, vector<16xf32>,
      tpu.vector_store %arg8[%swap3A_402, %swap3A_403], %gather3A_317 {strides = array<i32>} : memref<1x4096xf32, #tpu.memory_space<vmem>>, vector<16xf32>,
      %mul3A_405 = arith.constant 16 : i32
      %mul3A_406 = arith.muli %scan3A_151, %mul3A_405 : i32
      %mul3A_407 = arith.constant 16 : i32
      %mul3A_408 = arith.muli %mul3A_406, %mul3A_407 : i32
      %add3A_409 = arith.constant 128 : i32
      %add3A_410 = arith.addi %mul3A_408, %add3A_409 : i32
      %swap3A_411 = arith.constant 0 : i32
      %swap3A_412 = arith.index_cast %swap3A_411 : i32 to index
      %swap3A_413 = arith.index_cast %add3A_410 : i32 to index
      %swap3A_414 = tpu.vector_load %arg8[%swap3A_412, %swap3A_413] {strides = array<i32>} : memref<1x4096xf32, #tpu.memory_space<vmem>>, vector<16xf32>,
      tpu.vector_store %arg8[%swap3A_412, %swap3A_413], %gather3A_318 {strides = array<i32>} : memref<1x4096xf32, #tpu.memory_space<vmem>>, vector<16xf32>,
      %mul3A_415 = arith.constant 16 : i32
      %mul3A_416 = arith.muli %scan3A_151, %mul3A_415 : i32
      %mul3A_417 = arith.constant 16 : i32
      %mul3A_418 = arith.muli %mul3A_416, %mul3A_417 : i32
      %add3A_419 = arith.constant 144 : i32
      %add3A_420 = arith.addi %mul3A_418, %add3A_419 : i32
      %swap3A_421 = arith.constant 0 : i32
      %swap3A_422 = arith.index_cast %swap3A_421 : i32 to index
      %swap3A_423 = arith.index_cast %add3A_420 : i32 to index
      %swap3A_424 = tpu.vector_load %arg8[%swap3A_422, %swap3A_423] {strides = array<i32>} : memref<1x4096xf32, #tpu.memory_space<vmem>>, vector<16xf32>,
      tpu.vector_store %arg8[%swap3A_422, %swap3A_423], %gather3A_319 {strides = array<i32>} : memref<1x4096xf32, #tpu.memory_space<vmem>>, vector<16xf32>,
      %mul3A_425 = arith.constant 16 : i32
      %mul3A_426 = arith.muli %scan3A_151, %mul3A_425 : i32
      %mul3A_427 = arith.constant 16 : i32
      %mul3A_428 = arith.muli %mul3A_426, %mul3A_427 : i32
      %add3A_429 = arith.constant 160 : i32
      %add3A_430 = arith.addi %mul3A_428, %add3A_429 : i32
      %swap3A_431 = arith.constant 0 : i32
      %swap3A_432 = arith.index_cast %swap3A_431 : i32 to index
      %swap3A_433 = arith.index_cast %add3A_430 : i32 to index
      %swap3A_434 = tpu.vector_load %arg8[%swap3A_432, %swap3A_433] {strides = array<i32>} : memref<1x4096xf32, #tpu.memory_space<vmem>>, vector<16xf32>,
      tpu.vector_store %arg8[%swap3A_432, %swap3A_433], %gather3A_320 {strides = array<i32>} : memref<1x4096xf32, #tpu.memory_space<vmem>>, vector<16xf32>,
      %mul3A_435 = arith.constant 16 : i32
      %mul3A_436 = arith.muli %scan3A_151, %mul3A_435 : i32
      %mul3A_437 = arith.constant 16 : i32
      %mul3A_438 = arith.muli %mul3A_436, %mul3A_437 : i32
      %add3A_439 = arith.constant 176 : i32
      %add3A_440 = arith.addi %mul3A_438, %add3A_439 : i32
      %swap3A_441 = arith.constant 0 : i32
      %swap3A_442 = arith.index_cast %swap3A_441 : i32 to index
      %swap3A_443 = arith.index_cast %add3A_440 : i32 to index
      %swap3A_444 = tpu.vector_load %arg8[%swap3A_442, %swap3A_443] {strides = array<i32>} : memref<1x4096xf32, #tpu.memory_space<vmem>>, vector<16xf32>,
      tpu.vector_store %arg8[%swap3A_442, %swap3A_443], %gather3A_321 {strides = array<i32>} : memref<1x4096xf32, #tpu.memory_space<vmem>>, vector<16xf32>,
      %mul3A_445 = arith.constant 16 : i32
      %mul3A_446 = arith.muli %scan3A_151, %mul3A_445 : i32
      %mul3A_447 = arith.constant 16 : i32
      %mul3A_448 = arith.muli %mul3A_446, %mul3A_447 : i32
      %add3A_449 = arith.constant 192 : i32
      %add3A_450 = arith.addi %mul3A_448, %add3A_449 : i32
      %swap3A_451 = arith.constant 0 : i32
      %swap3A_452 = arith.index_cast %swap3A_451 : i32 to index
      %swap3A_453 = arith.index_cast %add3A_450 : i32 to index
      %swap3A_454 = tpu.vector_load %arg8[%swap3A_452, %swap3A_453] {strides = array<i32>} : memref<1x4096xf32, #tpu.memory_space<vmem>>, vector<16xf32>,
      tpu.vector_store %arg8[%swap3A_452, %swap3A_453], %gather3A_322 {strides = array<i32>} : memref<1x4096xf32, #tpu.memory_space<vmem>>, vector<16xf32>,
      %mul3A_455 = arith.constant 16 : i32
      %mul3A_456 = arith.muli %scan3A_151, %mul3A_455 : i32
      %mul3A_457 = arith.constant 16 : i32
      %mul3A_458 = arith.muli %mul3A_456, %mul3A_457 : i32
      %add3A_459 = arith.constant 208 : i32
      %add3A_460 = arith.addi %mul3A_458, %add3A_459 : i32
      %swap3A_461 = arith.constant 0 : i32
      %swap3A_462 = arith.index_cast %swap3A_461 : i32 to index
      %swap3A_463 = arith.index_cast %add3A_460 : i32 to index
      %swap3A_464 = tpu.vector_load %arg8[%swap3A_462, %swap3A_463] {strides = array<i32>} : memref<1x4096xf32, #tpu.memory_space<vmem>>, vector<16xf32>,
      tpu.vector_store %arg8[%swap3A_462, %swap3A_463], %gather3A_323 {strides = array<i32>} : memref<1x4096xf32, #tpu.memory_space<vmem>>, vector<16xf32>,
      %mul3A_465 = arith.constant 16 : i32
      %mul3A_466 = arith.muli %scan3A_151, %mul3A_465 : i32
      %mul3A_467 = arith.constant 16 : i32
      %mul3A_468 = arith.muli %mul3A_466, %mul3A_467 : i32
      %add3A_469 = arith.constant 224 : i32
      %add3A_470 = arith.addi %mul3A_468, %add3A_469 : i32
      %swap3A_471 = arith.constant 0 : i32
      %swap3A_472 = arith.index_cast %swap3A_471 : i32 to index
      %swap3A_473 = arith.index_cast %add3A_470 : i32 to index
      %swap3A_474 = tpu.vector_load %arg8[%swap3A_472, %swap3A_473] {strides = array<i32>} : memref<1x4096xf32, #tpu.memory_space<vmem>>, vector<16xf32>,
      tpu.vector_store %arg8[%swap3A_472, %swap3A_473], %gather3A_324 {strides = array<i32>} : memref<1x4096xf32, #tpu.memory_space<vmem>>, vector<16xf32>,
      %mul3A_475 = arith.constant 16 : i32
      %mul3A_476 = arith.muli %scan3A_151, %mul3A_475 : i32
      %mul3A_477 = arith.constant 16 : i32
      %mul3A_478 = arith.muli %mul3A_476, %mul3A_477 : i32
      %add3A_479 = arith.constant 240 : i32
      %add3A_480 = arith.addi %mul3A_478, %add3A_479 : i32
      %swap3A_481 = arith.constant 0 : i32
      %swap3A_482 = arith.index_cast %swap3A_481 : i32 to index
      %swap3A_483 = arith.index_cast %add3A_480 : i32 to index
      %swap3A_484 = tpu.vector_load %arg8[%swap3A_482, %swap3A_483] {strides = array<i32>} : memref<1x4096xf32, #tpu.memory_space<vmem>>, vector<16xf32>,
      tpu.vector_store %arg8[%swap3A_482, %swap3A_483], %gather3A_325 {strides = array<i32>} : memref<1x4096xf32, #tpu.memory_space<vmem>>, vector<16xf32>,
      %scan3A_485 = arith.constant 1 : i32
      %scan3A_486 = arith.addi %scan3A_151, %scan3A_485 : i32
      %mul3A_487 = arith.constant 16 : i32
      %mul3A_488 = arith.muli %scan3A_486, %mul3A_487 : i32
      %mul3A_489 = arith.constant 16 : i32
      %mul3A_490 = arith.muli %mul3A_488, %mul3A_489 : i32
      %add3A_491 = arith.constant 4096 : i32
      %add3A_492 = arith.addi %add3A_491, %mul3A_490 : i32
      %add3A_493 = arith.constant 0 : i32
      %add3A_494 = arith.addi %add3A_492, %add3A_493 : i32
      %get3A_495 = arith.index_cast %add3A_494 : i32 to index
      %get3A_496 = tpu.vector_load %arg6[%get3A_495] {strides = array<i32>} : memref<16384xi32, #tpu.memory_space<vmem>>, vector<16xi32>,
      %mul3A_497 = arith.constant 16 : i32
      %mul3A_498 = arith.muli %scan3A_486, %mul3A_497 : i32
      %mul3A_499 = arith.constant 16 : i32
      %mul3A_500 = arith.muli %mul3A_498, %mul3A_499 : i32
      %add3A_501 = arith.constant 4096 : i32
      %add3A_502 = arith.addi %add3A_501, %mul3A_500 : i32
      %add3A_503 = arith.constant 16 : i32
      %add3A_504 = arith.addi %add3A_502, %add3A_503 : i32
      %get3A_505 = arith.index_cast %add3A_504 : i32 to index
      %get3A_506 = tpu.vector_load %arg6[%get3A_505] {strides = array<i32>} : memref<16384xi32, #tpu.memory_space<vmem>>, vector<16xi32>,
      %mul3A_507 = arith.constant 16 : i32
      %mul3A_508 = arith.muli %scan3A_486, %mul3A_507 : i32
      %mul3A_509 = arith.constant 16 : i32
      %mul3A_510 = arith.muli %mul3A_508, %mul3A_509 : i32
      %add3A_511 = arith.constant 4096 : i32
      %add3A_512 = arith.addi %add3A_511, %mul3A_510 : i32
      %add3A_513 = arith.constant 32 : i32
      %add3A_514 = arith.addi %add3A_512, %add3A_513 : i32
      %get3A_515 = arith.index_cast %add3A_514 : i32 to index
      %get3A_516 = tpu.vector_load %arg6[%get3A_515] {strides = array<i32>} : memref<16384xi32, #tpu.memory_space<vmem>>, vector<16xi32>,
      %mul3A_517 = arith.constant 16 : i32
      %mul3A_518 = arith.muli %scan3A_486, %mul3A_517 : i32
      %mul3A_519 = arith.constant 16 : i32
      %mul3A_520 = arith.muli %mul3A_518, %mul3A_519 : i32
      %add3A_521 = arith.constant 4096 : i32
      %add3A_522 = arith.addi %add3A_521, %mul3A_520 : i32
      %add3A_523 = arith.constant 48 : i32
      %add3A_524 = arith.addi %add3A_522, %add3A_523 : i32
      %get3A_525 = arith.index_cast %add3A_524 : i32 to index
      %get3A_526 = tpu.vector_load %arg6[%get3A_525] {strides = array<i32>} : memref<16384xi32, #tpu.memory_space<vmem>>, vector<16xi32>,
      %mul3A_527 = arith.constant 16 : i32
      %mul3A_528 = arith.muli %scan3A_486, %mul3A_527 : i32
      %mul3A_529 = arith.constant 16 : i32
      %mul3A_530 = arith.muli %mul3A_528, %mul3A_529 : i32
      %add3A_531 = arith.constant 4096 : i32
      %add3A_532 = arith.addi %add3A_531, %mul3A_530 : i32
      %add3A_533 = arith.constant 64 : i32
      %add3A_534 = arith.addi %add3A_532, %add3A_533 : i32
      %get3A_535 = arith.index_cast %add3A_534 : i32 to index
      %get3A_536 = tpu.vector_load %arg6[%get3A_535] {strides = array<i32>} : memref<16384xi32, #tpu.memory_space<vmem>>, vector<16xi32>,
      %mul3A_537 = arith.constant 16 : i32
      %mul3A_538 = arith.muli %scan3A_486, %mul3A_537 : i32
      %mul3A_539 = arith.constant 16 : i32
      %mul3A_540 = arith.muli %mul3A_538, %mul3A_539 : i32
      %add3A_541 = arith.constant 4096 : i32
      %add3A_542 = arith.addi %add3A_541, %mul3A_540 : i32
      %add3A_543 = arith.constant 80 : i32
      %add3A_544 = arith.addi %add3A_542, %add3A_543 : i32
      %get3A_545 = arith.index_cast %add3A_544 : i32 to index
      %get3A_546 = tpu.vector_load %arg6[%get3A_545] {strides = array<i32>} : memref<16384xi32, #tpu.memory_space<vmem>>, vector<16xi32>,
      %mul3A_547 = arith.constant 16 : i32
      %mul3A_548 = arith.muli %scan3A_486, %mul3A_547 : i32
      %mul3A_549 = arith.constant 16 : i32
      %mul3A_550 = arith.muli %mul3A_548, %mul3A_549 : i32
      %add3A_551 = arith.constant 4096 : i32
      %add3A_552 = arith.addi %add3A_551, %mul3A_550 : i32
      %add3A_553 = arith.constant 96 : i32
      %add3A_554 = arith.addi %add3A_552, %add3A_553 : i32
      %get3A_555 = arith.index_cast %add3A_554 : i32 to index
      %get3A_556 = tpu.vector_load %arg6[%get3A_555] {strides = array<i32>} : memref<16384xi32, #tpu.memory_space<vmem>>, vector<16xi32>,
      %mul3A_557 = arith.constant 16 : i32
      %mul3A_558 = arith.muli %scan3A_486, %mul3A_557 : i32
      %mul3A_559 = arith.constant 16 : i32
      %mul3A_560 = arith.muli %mul3A_558, %mul3A_559 : i32
      %add3A_561 = arith.constant 4096 : i32
      %add3A_562 = arith.addi %add3A_561, %mul3A_560 : i32
      %add3A_563 = arith.constant 112 : i32
      %add3A_564 = arith.addi %add3A_562, %add3A_563 : i32
      %get3A_565 = arith.index_cast %add3A_564 : i32 to index
      %get3A_566 = tpu.vector_load %arg6[%get3A_565] {strides = array<i32>} : memref<16384xi32, #tpu.memory_space<vmem>>, vector<16xi32>,
      %mul3A_567 = arith.constant 16 : i32
      %mul3A_568 = arith.muli %scan3A_486, %mul3A_567 : i32
      %mul3A_569 = arith.constant 16 : i32
      %mul3A_570 = arith.muli %mul3A_568, %mul3A_569 : i32
      %add3A_571 = arith.constant 4096 : i32
      %add3A_572 = arith.addi %add3A_571, %mul3A_570 : i32
      %add3A_573 = arith.constant 128 : i32
      %add3A_574 = arith.addi %add3A_572, %add3A_573 : i32
      %get3A_575 = arith.index_cast %add3A_574 : i32 to index
      %get3A_576 = tpu.vector_load %arg6[%get3A_575] {strides = array<i32>} : memref<16384xi32, #tpu.memory_space<vmem>>, vector<16xi32>,
      %mul3A_577 = arith.constant 16 : i32
      %mul3A_578 = arith.muli %scan3A_486, %mul3A_577 : i32
      %mul3A_579 = arith.constant 16 : i32
      %mul3A_580 = arith.muli %mul3A_578, %mul3A_579 : i32
      %add3A_581 = arith.constant 4096 : i32
      %add3A_582 = arith.addi %add3A_581, %mul3A_580 : i32
      %add3A_583 = arith.constant 144 : i32
      %add3A_584 = arith.addi %add3A_582, %add3A_583 : i32
      %get3A_585 = arith.index_cast %add3A_584 : i32 to index
      %get3A_586 = tpu.vector_load %arg6[%get3A_585] {strides = array<i32>} : memref<16384xi32, #tpu.memory_space<vmem>>, vector<16xi32>,
      %mul3A_587 = arith.constant 16 : i32
      %mul3A_588 = arith.muli %scan3A_486, %mul3A_587 : i32
      %mul3A_589 = arith.constant 16 : i32
      %mul3A_590 = arith.muli %mul3A_588, %mul3A_589 : i32
      %add3A_591 = arith.constant 4096 : i32
      %add3A_592 = arith.addi %add3A_591, %mul3A_590 : i32
      %add3A_593 = arith.constant 160 : i32
      %add3A_594 = arith.addi %add3A_592, %add3A_593 : i32
      %get3A_595 = arith.index_cast %add3A_594 : i32 to index
      %get3A_596 = tpu.vector_load %arg6[%get3A_595] {strides = array<i32>} : memref<16384xi32, #tpu.memory_space<vmem>>, vector<16xi32>,
      %mul3A_597 = arith.constant 16 : i32
      %mul3A_598 = arith.muli %scan3A_486, %mul3A_597 : i32
      %mul3A_599 = arith.constant 16 : i32
      %mul3A_600 = arith.muli %mul3A_598, %mul3A_599 : i32
      %add3A_601 = arith.constant 4096 : i32
      %add3A_602 = arith.addi %add3A_601, %mul3A_600 : i32
      %add3A_603 = arith.constant 176 : i32
      %add3A_604 = arith.addi %add3A_602, %add3A_603 : i32
      %get3A_605 = arith.index_cast %add3A_604 : i32 to index
      %get3A_606 = tpu.vector_load %arg6[%get3A_605] {strides = array<i32>} : memref<16384xi32, #tpu.memory_space<vmem>>, vector<16xi32>,
      %mul3A_607 = arith.constant 16 : i32
      %mul3A_608 = arith.muli %scan3A_486, %mul3A_607 : i32
      %mul3A_609 = arith.constant 16 : i32
      %mul3A_610 = arith.muli %mul3A_608, %mul3A_609 : i32
      %add3A_611 = arith.constant 4096 : i32
      %add3A_612 = arith.addi %add3A_611, %mul3A_610 : i32
      %add3A_613 = arith.constant 192 : i32
      %add3A_614 = arith.addi %add3A_612, %add3A_613 : i32
      %get3A_615 = arith.index_cast %add3A_614 : i32 to index
      %get3A_616 = tpu.vector_load %arg6[%get3A_615] {strides = array<i32>} : memref<16384xi32, #tpu.memory_space<vmem>>, vector<16xi32>,
      %mul3A_617 = arith.constant 16 : i32
      %mul3A_618 = arith.muli %scan3A_486, %mul3A_617 : i32
      %mul3A_619 = arith.constant 16 : i32
      %mul3A_620 = arith.muli %mul3A_618, %mul3A_619 : i32
      %add3A_621 = arith.constant 4096 : i32
      %add3A_622 = arith.addi %add3A_621, %mul3A_620 : i32
      %add3A_623 = arith.constant 208 : i32
      %add3A_624 = arith.addi %add3A_622, %add3A_623 : i32
      %get3A_625 = arith.index_cast %add3A_624 : i32 to index
      %get3A_626 = tpu.vector_load %arg6[%get3A_625] {strides = array<i32>} : memref<16384xi32, #tpu.memory_space<vmem>>, vector<16xi32>,
      %mul3A_627 = arith.constant 16 : i32
      %mul3A_628 = arith.muli %scan3A_486, %mul3A_627 : i32
      %mul3A_629 = arith.constant 16 : i32
      %mul3A_630 = arith.muli %mul3A_628, %mul3A_629 : i32
      %add3A_631 = arith.constant 4096 : i32
      %add3A_632 = arith.addi %add3A_631, %mul3A_630 : i32
      %add3A_633 = arith.constant 224 : i32
      %add3A_634 = arith.addi %add3A_632, %add3A_633 : i32
      %get3A_635 = arith.index_cast %add3A_634 : i32 to index
      %get3A_636 = tpu.vector_load %arg6[%get3A_635] {strides = array<i32>} : memref<16384xi32, #tpu.memory_space<vmem>>, vector<16xi32>,
      %mul3A_637 = arith.constant 16 : i32
      %mul3A_638 = arith.muli %scan3A_486, %mul3A_637 : i32
      %mul3A_639 = arith.constant 16 : i32
      %mul3A_640 = arith.muli %mul3A_638, %mul3A_639 : i32
      %add3A_641 = arith.constant 4096 : i32
      %add3A_642 = arith.addi %add3A_641, %mul3A_640 : i32
      %add3A_643 = arith.constant 240 : i32
      %add3A_644 = arith.addi %add3A_642, %add3A_643 : i32
      %get3A_645 = arith.index_cast %add3A_644 : i32 to index
      %get3A_646 = tpu.vector_load %arg6[%get3A_645] {strides = array<i32>} : memref<16384xi32, #tpu.memory_space<vmem>>, vector<16xi32>,
      %gather3A_647 = tpu.vector_load_idx %arg5[%broadcast_in_dim3A_1, %get3A_496] : memref<1x100000xf32, #tpu.memory_space<vmem>>[vector<16xi32>, vector<16xi32>], vector<16xf32>,
      %gather3A_648 = tpu.vector_load_idx %arg5[%broadcast_in_dim3A_1, %get3A_506] : memref<1x100000xf32, #tpu.memory_space<vmem>>[vector<16xi32>, vector<16xi32>], vector<16xf32>,
      %gather3A_649 = tpu.vector_load_idx %arg5[%broadcast_in_dim3A_1, %get3A_516] : memref<1x100000xf32, #tpu.memory_space<vmem>>[vector<16xi32>, vector<16xi32>], vector<16xf32>,
      %gather3A_650 = tpu.vector_load_idx %arg5[%broadcast_in_dim3A_1, %get3A_526] : memref<1x100000xf32, #tpu.memory_space<vmem>>[vector<16xi32>, vector<16xi32>], vector<16xf32>,
      %gather3A_651 = tpu.vector_load_idx %arg5[%broadcast_in_dim3A_1, %get3A_536] : memref<1x100000xf32, #tpu.memory_space<vmem>>[vector<16xi32>, vector<16xi32>], vector<16xf32>,
      %gather3A_652 = tpu.vector_load_idx %arg5[%broadcast_in_dim3A_1, %get3A_546] : memref<1x100000xf32, #tpu.memory_space<vmem>>[vector<16xi32>, vector<16xi32>], vector<16xf32>,
      %gather3A_653 = tpu.vector_load_idx %arg5[%broadcast_in_dim3A_1, %get3A_556] : memref<1x100000xf32, #tpu.memory_space<vmem>>[vector<16xi32>, vector<16xi32>], vector<16xf32>,
      %gather3A_654 = tpu.vector_load_idx %arg5[%broadcast_in_dim3A_1, %get3A_566] : memref<1x100000xf32, #tpu.memory_space<vmem>>[vector<16xi32>, vector<16xi32>], vector<16xf32>,
      %gather3A_655 = tpu.vector_load_idx %arg5[%broadcast_in_dim3A_1, %get3A_576] : memref<1x100000xf32, #tpu.memory_space<vmem>>[vector<16xi32>, vector<16xi32>], vector<16xf32>,
      %gather3A_656 = tpu.vector_load_idx %arg5[%broadcast_in_dim3A_1, %get3A_586] : memref<1x100000xf32, #tpu.memory_space<vmem>>[vector<16xi32>, vector<16xi32>], vector<16xf32>,
      %gather3A_657 = tpu.vector_load_idx %arg5[%broadcast_in_dim3A_1, %get3A_596] : memref<1x100000xf32, #tpu.memory_space<vmem>>[vector<16xi32>, vector<16xi32>], vector<16xf32>,
      %gather3A_658 = tpu.vector_load_idx %arg5[%broadcast_in_dim3A_1, %get3A_606] : memref<1x100000xf32, #tpu.memory_space<vmem>>[vector<16xi32>, vector<16xi32>], vector<16xf32>,
      %gather3A_659 = tpu.vector_load_idx %arg5[%broadcast_in_dim3A_1, %get3A_616] : memref<1x100000xf32, #tpu.memory_space<vmem>>[vector<16xi32>, vector<16xi32>], vector<16xf32>,
      %gather3A_660 = tpu.vector_load_idx %arg5[%broadcast_in_dim3A_1, %get3A_626] : memref<1x100000xf32, #tpu.memory_space<vmem>>[vector<16xi32>, vector<16xi32>], vector<16xf32>,
      %gather3A_661 = tpu.vector_load_idx %arg5[%broadcast_in_dim3A_1, %get3A_636] : memref<1x100000xf32, #tpu.memory_space<vmem>>[vector<16xi32>, vector<16xi32>], vector<16xf32>,
      %gather3A_662 = tpu.vector_load_idx %arg5[%broadcast_in_dim3A_1, %get3A_646] : memref<1x100000xf32, #tpu.memory_space<vmem>>[vector<16xi32>, vector<16xi32>], vector<16xf32>,
      %mul3A_663 = arith.constant 16 : i32
      %mul3A_664 = arith.muli %scan3A_486, %mul3A_663 : i32
      %mul3A_665 = arith.constant 16 : i32
      %mul3A_666 = arith.muli %mul3A_664, %mul3A_665 : i32
      %add3A_667 = arith.constant 0 : i32
      %add3A_668 = arith.addi %mul3A_666, %add3A_667 : i32
      %swap3A_669 = arith.constant 0 : i32
      %swap3A_670 = arith.index_cast %swap3A_669 : i32 to index
      %swap3A_671 = arith.index_cast %add3A_668 : i32 to index
      %swap3A_672 = tpu.vector_load %arg8[%swap3A_670, %swap3A_671] {strides = array<i32>} : memref<1x4096xf32, #tpu.memory_space<vmem>>, vector<16xf32>,
      tpu.vector_store %arg8[%swap3A_670, %swap3A_671], %gather3A_647 {strides = array<i32>} : memref<1x4096xf32, #tpu.memory_space<vmem>>, vector<16xf32>,
      %mul3A_673 = arith.constant 16 : i32
      %mul3A_674 = arith.muli %scan3A_486, %mul3A_673 : i32
      %mul3A_675 = arith.constant 16 : i32
      %mul3A_676 = arith.muli %mul3A_674, %mul3A_675 : i32
      %add3A_677 = arith.constant 16 : i32
      %add3A_678 = arith.addi %mul3A_676, %add3A_677 : i32
      %swap3A_679 = arith.constant 0 : i32
      %swap3A_680 = arith.index_cast %swap3A_679 : i32 to index
      %swap3A_681 = arith.index_cast %add3A_678 : i32 to index
      %swap3A_682 = tpu.vector_load %arg8[%swap3A_680, %swap3A_681] {strides = array<i32>} : memref<1x4096xf32, #tpu.memory_space<vmem>>, vector<16xf32>,
      tpu.vector_store %arg8[%swap3A_680, %swap3A_681], %gather3A_648 {strides = array<i32>} : memref<1x4096xf32, #tpu.memory_space<vmem>>, vector<16xf32>,
      %mul3A_683 = arith.constant 16 : i32
      %mul3A_684 = arith.muli %scan3A_486, %mul3A_683 : i32
      %mul3A_685 = arith.constant 16 : i32
      %mul3A_686 = arith.muli %mul3A_684, %mul3A_685 : i32
      %add3A_687 = arith.constant 32 : i32
      %add3A_688 = arith.addi %mul3A_686, %add3A_687 : i32
      %swap3A_689 = arith.constant 0 : i32
      %swap3A_690 = arith.index_cast %swap3A_689 : i32 to index
      %swap3A_691 = arith.index_cast %add3A_688 : i32 to index
      %swap3A_692 = tpu.vector_load %arg8[%swap3A_690, %swap3A_691] {strides = array<i32>} : memref<1x4096xf32, #tpu.memory_space<vmem>>, vector<16xf32>,
      tpu.vector_store %arg8[%swap3A_690, %swap3A_691], %gather3A_649 {strides = array<i32>} : memref<1x4096xf32, #tpu.memory_space<vmem>>, vector<16xf32>,
      %mul3A_693 = arith.constant 16 : i32
      %mul3A_694 = arith.muli %scan3A_486, %mul3A_693 : i32
      %mul3A_695 = arith.constant 16 : i32
      %mul3A_696 = arith.muli %mul3A_694, %mul3A_695 : i32
      %add3A_697 = arith.constant 48 : i32
      %add3A_698 = arith.addi %mul3A_696, %add3A_697 : i32
      %swap3A_699 = arith.constant 0 : i32
      %swap3A_700 = arith.index_cast %swap3A_699 : i32 to index
      %swap3A_701 = arith.index_cast %add3A_698 : i32 to index
      %swap3A_702 = tpu.vector_load %arg8[%swap3A_700, %swap3A_701] {strides = array<i32>} : memref<1x4096xf32, #tpu.memory_space<vmem>>, vector<16xf32>,
      tpu.vector_store %arg8[%swap3A_700, %swap3A_701], %gather3A_650 {strides = array<i32>} : memref<1x4096xf32, #tpu.memory_space<vmem>>, vector<16xf32>,
      %mul3A_703 = arith.constant 16 : i32
      %mul3A_704 = arith.muli %scan3A_486, %mul3A_703 : i32
      %mul3A_705 = arith.constant 16 : i32
      %mul3A_706 = arith.muli %mul3A_704, %mul3A_705 : i32
      %add3A_707 = arith.constant 64 : i32
      %add3A_708 = arith.addi %mul3A_706, %add3A_707 : i32
      %swap3A_709 = arith.constant 0 : i32
      %swap3A_710 = arith.index_cast %swap3A_709 : i32 to index
      %swap3A_711 = arith.index_cast %add3A_708 : i32 to index
      %swap3A_712 = tpu.vector_load %arg8[%swap3A_710, %swap3A_711] {strides = array<i32>} : memref<1x4096xf32, #tpu.memory_space<vmem>>, vector<16xf32>,
      tpu.vector_store %arg8[%swap3A_710, %swap3A_711], %gather3A_651 {strides = array<i32>} : memref<1x4096xf32, #tpu.memory_space<vmem>>, vector<16xf32>,
      %mul3A_713 = arith.constant 16 : i32
      %mul3A_714 = arith.muli %scan3A_486, %mul3A_713 : i32
      %mul3A_715 = arith.constant 16 : i32
      %mul3A_716 = arith.muli %mul3A_714, %mul3A_715 : i32
      %add3A_717 = arith.constant 80 : i32
      %add3A_718 = arith.addi %mul3A_716, %add3A_717 : i32
      %swap3A_719 = arith.constant 0 : i32
      %swap3A_720 = arith.index_cast %swap3A_719 : i32 to index
      %swap3A_721 = arith.index_cast %add3A_718 : i32 to index
      %swap3A_722 = tpu.vector_load %arg8[%swap3A_720, %swap3A_721] {strides = array<i32>} : memref<1x4096xf32, #tpu.memory_space<vmem>>, vector<16xf32>,
      tpu.vector_store %arg8[%swap3A_720, %swap3A_721], %gather3A_652 {strides = array<i32>} : memref<1x4096xf32, #tpu.memory_space<vmem>>, vector<16xf32>,
      %mul3A_723 = arith.constant 16 : i32
      %mul3A_724 = arith.muli %scan3A_486, %mul3A_723 : i32
      %mul3A_725 = arith.constant 16 : i32
      %mul3A_726 = arith.muli %mul3A_724, %mul3A_725 : i32
      %add3A_727 = arith.constant 96 : i32
      %add3A_728 = arith.addi %mul3A_726, %add3A_727 : i32
      %swap3A_729 = arith.constant 0 : i32
      %swap3A_730 = arith.index_cast %swap3A_729 : i32 to index
      %swap3A_731 = arith.index_cast %add3A_728 : i32 to index
      %swap3A_732 = tpu.vector_load %arg8[%swap3A_730, %swap3A_731] {strides = array<i32>} : memref<1x4096xf32, #tpu.memory_space<vmem>>, vector<16xf32>,
      tpu.vector_store %arg8[%swap3A_730, %swap3A_731], %gather3A_653 {strides = array<i32>} : memref<1x4096xf32, #tpu.memory_space<vmem>>, vector<16xf32>,
      %mul3A_733 = arith.constant 16 : i32
      %mul3A_734 = arith.muli %scan3A_486, %mul3A_733 : i32
      %mul3A_735 = arith.constant 16 : i32
      %mul3A_736 = arith.muli %mul3A_734, %mul3A_735 : i32
      %add3A_737 = arith.constant 112 : i32
      %add3A_738 = arith.addi %mul3A_736, %add3A_737 : i32
      %swap3A_739 = arith.constant 0 : i32
      %swap3A_740 = arith.index_cast %swap3A_739 : i32 to index
      %swap3A_741 = arith.index_cast %add3A_738 : i32 to index
      %swap3A_742 = tpu.vector_load %arg8[%swap3A_740, %swap3A_741] {strides = array<i32>} : memref<1x4096xf32, #tpu.memory_space<vmem>>, vector<16xf32>,
      tpu.vector_store %arg8[%swap3A_740, %swap3A_741], %gather3A_654 {strides = array<i32>} : memref<1x4096xf32, #tpu.memory_space<vmem>>, vector<16xf32>,
      %mul3A_743 = arith.constant 16 : i32
      %mul3A_744 = arith.muli %scan3A_486, %mul3A_743 : i32
      %mul3A_745 = arith.constant 16 : i32
      %mul3A_746 = arith.muli %mul3A_744, %mul3A_745 : i32
      %add3A_747 = arith.constant 128 : i32
      %add3A_748 = arith.addi %mul3A_746, %add3A_747 : i32
      %swap3A_749 = arith.constant 0 : i32
      %swap3A_750 = arith.index_cast %swap3A_749 : i32 to index
      %swap3A_751 = arith.index_cast %add3A_748 : i32 to index
      %swap3A_752 = tpu.vector_load %arg8[%swap3A_750, %swap3A_751] {strides = array<i32>} : memref<1x4096xf32, #tpu.memory_space<vmem>>, vector<16xf32>,
      tpu.vector_store %arg8[%swap3A_750, %swap3A_751], %gather3A_655 {strides = array<i32>} : memref<1x4096xf32, #tpu.memory_space<vmem>>, vector<16xf32>,
      %mul3A_753 = arith.constant 16 : i32
      %mul3A_754 = arith.muli %scan3A_486, %mul3A_753 : i32
      %mul3A_755 = arith.constant 16 : i32
      %mul3A_756 = arith.muli %mul3A_754, %mul3A_755 : i32
      %add3A_757 = arith.constant 144 : i32
      %add3A_758 = arith.addi %mul3A_756, %add3A_757 : i32
      %swap3A_759 = arith.constant 0 : i32
      %swap3A_760 = arith.index_cast %swap3A_759 : i32 to index
      %swap3A_761 = arith.index_cast %add3A_758 : i32 to index
      %swap3A_762 = tpu.vector_load %arg8[%swap3A_760, %swap3A_761] {strides = array<i32>} : memref<1x4096xf32, #tpu.memory_space<vmem>>, vector<16xf32>,
      tpu.vector_store %arg8[%swap3A_760, %swap3A_761], %gather3A_656 {strides = array<i32>} : memref<1x4096xf32, #tpu.memory_space<vmem>>, vector<16xf32>,
      %mul3A_763 = arith.constant 16 : i32
      %mul3A_764 = arith.muli %scan3A_486, %mul3A_763 : i32
      %mul3A_765 = arith.constant 16 : i32
      %mul3A_766 = arith.muli %mul3A_764, %mul3A_765 : i32
      %add3A_767 = arith.constant 160 : i32
      %add3A_768 = arith.addi %mul3A_766, %add3A_767 : i32
      %swap3A_769 = arith.constant 0 : i32
      %swap3A_770 = arith.index_cast %swap3A_769 : i32 to index
      %swap3A_771 = arith.index_cast %add3A_768 : i32 to index
      %swap3A_772 = tpu.vector_load %arg8[%swap3A_770, %swap3A_771] {strides = array<i32>} : memref<1x4096xf32, #tpu.memory_space<vmem>>, vector<16xf32>,
      tpu.vector_store %arg8[%swap3A_770, %swap3A_771], %gather3A_657 {strides = array<i32>} : memref<1x4096xf32, #tpu.memory_space<vmem>>, vector<16xf32>,
      %mul3A_773 = arith.constant 16 : i32
      %mul3A_774 = arith.muli %scan3A_486, %mul3A_773 : i32
      %mul3A_775 = arith.constant 16 : i32
      %mul3A_776 = arith.muli %mul3A_774, %mul3A_775 : i32
      %add3A_777 = arith.constant 176 : i32
      %add3A_778 = arith.addi %mul3A_776, %add3A_777 : i32
      %swap3A_779 = arith.constant 0 : i32
      %swap3A_780 = arith.index_cast %swap3A_779 : i32 to index
      %swap3A_781 = arith.index_cast %add3A_778 : i32 to index
      %swap3A_782 = tpu.vector_load %arg8[%swap3A_780, %swap3A_781] {strides = array<i32>} : memref<1x4096xf32, #tpu.memory_space<vmem>>, vector<16xf32>,
      tpu.vector_store %arg8[%swap3A_780, %swap3A_781], %gather3A_658 {strides = array<i32>} : memref<1x4096xf32, #tpu.memory_space<vmem>>, vector<16xf32>,
      %mul3A_783 = arith.constant 16 : i32
      %mul3A_784 = arith.muli %scan3A_486, %mul3A_783 : i32
      %mul3A_785 = arith.constant 16 : i32
      %mul3A_786 = arith.muli %mul3A_784, %mul3A_785 : i32
      %add3A_787 = arith.constant 192 : i32
      %add3A_788 = arith.addi %mul3A_786, %add3A_787 : i32
      %swap3A_789 = arith.constant 0 : i32
      %swap3A_790 = arith.index_cast %swap3A_789 : i32 to index
      %swap3A_791 = arith.index_cast %add3A_788 : i32 to index
      %swap3A_792 = tpu.vector_load %arg8[%swap3A_790, %swap3A_791] {strides = array<i32>} : memref<1x4096xf32, #tpu.memory_space<vmem>>, vector<16xf32>,
      tpu.vector_store %arg8[%swap3A_790, %swap3A_791], %gather3A_659 {strides = array<i32>} : memref<1x4096xf32, #tpu.memory_space<vmem>>, vector<16xf32>,
      %mul3A_793 = arith.constant 16 : i32
      %mul3A_794 = arith.muli %scan3A_486, %mul3A_793 : i32
      %mul3A_795 = arith.constant 16 : i32
      %mul3A_796 = arith.muli %mul3A_794, %mul3A_795 : i32
      %add3A_797 = arith.constant 208 : i32
      %add3A_798 = arith.addi %mul3A_796, %add3A_797 : i32
      %swap3A_799 = arith.constant 0 : i32
      %swap3A_800 = arith.index_cast %swap3A_799 : i32 to index
      %swap3A_801 = arith.index_cast %add3A_798 : i32 to index
      %swap3A_802 = tpu.vector_load %arg8[%swap3A_800, %swap3A_801] {strides = array<i32>} : memref<1x4096xf32, #tpu.memory_space<vmem>>, vector<16xf32>,
      tpu.vector_store %arg8[%swap3A_800, %swap3A_801], %gather3A_660 {strides = array<i32>} : memref<1x4096xf32, #tpu.memory_space<vmem>>, vector<16xf32>,
      %mul3A_803 = arith.constant 16 : i32
      %mul3A_804 = arith.muli %scan3A_486, %mul3A_803 : i32
      %mul3A_805 = arith.constant 16 : i32
      %mul3A_806 = arith.muli %mul3A_804, %mul3A_805 : i32
      %add3A_807 = arith.constant 224 : i32
      %add3A_808 = arith.addi %mul3A_806, %add3A_807 : i32
      %swap3A_809 = arith.constant 0 : i32
      %swap3A_810 = arith.index_cast %swap3A_809 : i32 to index
      %swap3A_811 = arith.index_cast %add3A_808 : i32 to index
      %swap3A_812 = tpu.vector_load %arg8[%swap3A_810, %swap3A_811] {strides = array<i32>} : memref<1x4096xf32, #tpu.memory_space<vmem>>, vector<16xf32>,
      tpu.vector_store %arg8[%swap3A_810, %swap3A_811], %gather3A_661 {strides = array<i32>} : memref<1x4096xf32, #tpu.memory_space<vmem>>, vector<16xf32>,
      %mul3A_813 = arith.constant 16 : i32
      %mul3A_814 = arith.muli %scan3A_486, %mul3A_813 : i32
      %mul3A_815 = arith.constant 16 : i32
      %mul3A_816 = arith.muli %mul3A_814, %mul3A_815 : i32
      %add3A_817 = arith.constant 240 : i32
      %add3A_818 = arith.addi %mul3A_816, %add3A_817 : i32
      %swap3A_819 = arith.constant 0 : i32
      %swap3A_820 = arith.index_cast %swap3A_819 : i32 to index
      %swap3A_821 = arith.index_cast %add3A_818 : i32 to index
      %swap3A_822 = tpu.vector_load %arg8[%swap3A_820, %swap3A_821] {strides = array<i32>} : memref<1x4096xf32, #tpu.memory_space<vmem>>, vector<16xf32>,
      tpu.vector_store %arg8[%swap3A_820, %swap3A_821], %gather3A_662 {strides = array<i32>} : memref<1x4096xf32, #tpu.memory_space<vmem>>, vector<16xf32>,
    }
    %scan3A_102 = arith.constant 16 : i32
    %dma_start3A_103 = arith.constant 4096 : i32
    %dma_start3A_104 = tpu.memref_slice %arg4[%add3A_66, %dma_start3A_103] : memref<64x16384xf32, #tpu.memory_space<hbm>> -> memref<1x4096xf32, #tpu.memory_space<hbm>>
    %dma_start3A_105 = arith.constant 4096 : i32
    %dma_start3A_106 = tpu.memref_slice %arg4[%add3A_66, %dma_start3A_105] : memref<64x16384xf32, #tpu.memory_space<hbm>> -> memref<1x4096xf32, #tpu.memory_space<hbm>>
    tpu.enqueue_dma source(%arg8 : memref<1x4096xf32, #tpu.memory_space<vmem>>) target(%dma_start3A_106 : memref<1x4096xf32, #tpu.memory_space<hbm>>) target_semaphore(%arg10 : memref<!tpu.dma_semaphore, #tpu.memory_space<semaphore_mem>>)
    %dma_wait3A_107 = arith.constant 0 : i32
    %dma_wait3A_108 = arith.constant 0 : i32
    %dma_wait3A_109 = tpu.memref_slice %arg4[%dma_wait3A_107, %dma_wait3A_108] : memref<64x16384xf32, #tpu.memory_space<hbm>> -> memref<1x4096xf32, #tpu.memory_space<hbm>>
    %dma_wait3A_110 = arith.constant 0 : i32
    %dma_wait3A_111 = arith.constant 0 : i32
    %dma_wait3A_112 = tpu.memref_slice %arg4[%dma_wait3A_110, %dma_wait3A_111] : memref<64x16384xf32, #tpu.memory_space<hbm>> -> memref<1x4096xf32, #tpu.memory_space<hbm>>
    tpu.wait_dma2 semaphore(%arg10 : memref<!tpu.dma_semaphore, #tpu.memory_space<semaphore_mem>>) src(%arg7 : memref<1x4096xf32, #tpu.memory_space<vmem>>) dst(%dma_wait3A_112 : memref<1x4096xf32, #tpu.memory_space<hbm>>)
    %scan3A_113 = arith.constant 0 : i32
    %scan3A_114 = arith.constant 0 : i32
    %scan3A_115 = arith.constant 16 : i32
    %scan3A_116 = arith.addi %scan3A_114, %scan3A_115 : i32
    %scan3A_117 = arith.constant 2 : i32
    scf.for %scan3A_151 = %scan3A_114 to %scan3A_116 step %scan3A_117  : i32 {
      %mul3A_152 = arith.constant 16 : i32
      %mul3A_153 = arith.muli %scan3A_151, %mul3A_152 : i32
      %mul3A_154 = arith.constant 16 : i32
      %mul3A_155 = arith.muli %mul3A_153, %mul3A_154 : i32
      %add3A_156 = arith.constant 8192 : i32
      %add3A_157 = arith.addi %add3A_156, %mul3A_155 : i32
      %add3A_158 = arith.constant 0 : i32
      %add3A_159 = arith.addi %add3A_157, %add3A_158 : i32
      %get3A = arith.index_cast %add3A_159 : i32 to index
      %get3A_160 = tpu.vector_load %arg6[%get3A] {strides = array<i32>} : memref<16384xi32, #tpu.memory_space<vmem>>, vector<16xi32>,
      %mul3A_161 = arith.constant 16 : i32
      %mul3A_162 = arith.muli %scan3A_151, %mul3A_161 : i32
      %mul3A_163 = arith.constant 16 : i32
      %mul3A_164 = arith.muli %mul3A_162, %mul3A_163 : i32
      %add3A_165 = arith.constant 8192 : i32
      %add3A_166 = arith.addi %add3A_165, %mul3A_164 : i32
      %add3A_167 = arith.constant 16 : i32
      %add3A_168 = arith.addi %add3A_166, %add3A_167 : i32
      %get3A_169 = arith.index_cast %add3A_168 : i32 to index
      %get3A_170 = tpu.vector_load %arg6[%get3A_169] {strides = array<i32>} : memref<16384xi32, #tpu.memory_space<vmem>>, vector<16xi32>,
      %mul3A_171 = arith.constant 16 : i32
      %mul3A_172 = arith.muli %scan3A_151, %mul3A_171 : i32
      %mul3A_173 = arith.constant 16 : i32
      %mul3A_174 = arith.muli %mul3A_172, %mul3A_173 : i32
      %add3A_175 = arith.constant 8192 : i32
      %add3A_176 = arith.addi %add3A_175, %mul3A_174 : i32
      %add3A_177 = arith.constant 32 : i32
      %add3A_178 = arith.addi %add3A_176, %add3A_177 : i32
      %get3A_179 = arith.index_cast %add3A_178 : i32 to index
      %get3A_180 = tpu.vector_load %arg6[%get3A_179] {strides = array<i32>} : memref<16384xi32, #tpu.memory_space<vmem>>, vector<16xi32>,
      %mul3A_181 = arith.constant 16 : i32
      %mul3A_182 = arith.muli %scan3A_151, %mul3A_181 : i32
      %mul3A_183 = arith.constant 16 : i32
      %mul3A_184 = arith.muli %mul3A_182, %mul3A_183 : i32
      %add3A_185 = arith.constant 8192 : i32
      %add3A_186 = arith.addi %add3A_185, %mul3A_184 : i32
      %add3A_187 = arith.constant 48 : i32
      %add3A_188 = arith.addi %add3A_186, %add3A_187 : i32
      %get3A_189 = arith.index_cast %add3A_188 : i32 to index
      %get3A_190 = tpu.vector_load %arg6[%get3A_189] {strides = array<i32>} : memref<16384xi32, #tpu.memory_space<vmem>>, vector<16xi32>,
      %mul3A_191 = arith.constant 16 : i32
      %mul3A_192 = arith.muli %scan3A_151, %mul3A_191 : i32
      %mul3A_193 = arith.constant 16 : i32
      %mul3A_194 = arith.muli %mul3A_192, %mul3A_193 : i32
      %add3A_195 = arith.constant 8192 : i32
      %add3A_196 = arith.addi %add3A_195, %mul3A_194 : i32
      %add3A_197 = arith.constant 64 : i32
      %add3A_198 = arith.addi %add3A_196, %add3A_197 : i32
      %get3A_199 = arith.index_cast %add3A_198 : i32 to index
      %get3A_200 = tpu.vector_load %arg6[%get3A_199] {strides = array<i32>} : memref<16384xi32, #tpu.memory_space<vmem>>, vector<16xi32>,
      %mul3A_201 = arith.constant 16 : i32
      %mul3A_202 = arith.muli %scan3A_151, %mul3A_201 : i32
      %mul3A_203 = arith.constant 16 : i32
      %mul3A_204 = arith.muli %mul3A_202, %mul3A_203 : i32
      %add3A_205 = arith.constant 8192 : i32
      %add3A_206 = arith.addi %add3A_205, %mul3A_204 : i32
      %add3A_207 = arith.constant 80 : i32
      %add3A_208 = arith.addi %add3A_206, %add3A_207 : i32
      %get3A_209 = arith.index_cast %add3A_208 : i32 to index
      %get3A_210 = tpu.vector_load %arg6[%get3A_209] {strides = array<i32>} : memref<16384xi32, #tpu.memory_space<vmem>>, vector<16xi32>,
      %mul3A_211 = arith.constant 16 : i32
      %mul3A_212 = arith.muli %scan3A_151, %mul3A_211 : i32
      %mul3A_213 = arith.constant 16 : i32
      %mul3A_214 = arith.muli %mul3A_212, %mul3A_213 : i32
      %add3A_215 = arith.constant 8192 : i32
      %add3A_216 = arith.addi %add3A_215, %mul3A_214 : i32
      %add3A_217 = arith.constant 96 : i32
      %add3A_218 = arith.addi %add3A_216, %add3A_217 : i32
      %get3A_219 = arith.index_cast %add3A_218 : i32 to index
      %get3A_220 = tpu.vector_load %arg6[%get3A_219] {strides = array<i32>} : memref<16384xi32, #tpu.memory_space<vmem>>, vector<16xi32>,
      %mul3A_221 = arith.constant 16 : i32
      %mul3A_222 = arith.muli %scan3A_151, %mul3A_221 : i32
      %mul3A_223 = arith.constant 16 : i32
      %mul3A_224 = arith.muli %mul3A_222, %mul3A_223 : i32
      %add3A_225 = arith.constant 8192 : i32
      %add3A_226 = arith.addi %add3A_225, %mul3A_224 : i32
      %add3A_227 = arith.constant 112 : i32
      %add3A_228 = arith.addi %add3A_226, %add3A_227 : i32
      %get3A_229 = arith.index_cast %add3A_228 : i32 to index
      %get3A_230 = tpu.vector_load %arg6[%get3A_229] {strides = array<i32>} : memref<16384xi32, #tpu.memory_space<vmem>>, vector<16xi32>,
      %mul3A_231 = arith.constant 16 : i32
      %mul3A_232 = arith.muli %scan3A_151, %mul3A_231 : i32
      %mul3A_233 = arith.constant 16 : i32
      %mul3A_234 = arith.muli %mul3A_232, %mul3A_233 : i32
      %add3A_235 = arith.constant 8192 : i32
      %add3A_236 = arith.addi %add3A_235, %mul3A_234 : i32
      %add3A_237 = arith.constant 128 : i32
      %add3A_238 = arith.addi %add3A_236, %add3A_237 : i32
      %get3A_239 = arith.index_cast %add3A_238 : i32 to index
      %get3A_240 = tpu.vector_load %arg6[%get3A_239] {strides = array<i32>} : memref<16384xi32, #tpu.memory_space<vmem>>, vector<16xi32>,
      %mul3A_241 = arith.constant 16 : i32
      %mul3A_242 = arith.muli %scan3A_151, %mul3A_241 : i32
      %mul3A_243 = arith.constant 16 : i32
      %mul3A_244 = arith.muli %mul3A_242, %mul3A_243 : i32
      %add3A_245 = arith.constant 8192 : i32
      %add3A_246 = arith.addi %add3A_245, %mul3A_244 : i32
      %add3A_247 = arith.constant 144 : i32
      %add3A_248 = arith.addi %add3A_246, %add3A_247 : i32
      %get3A_249 = arith.index_cast %add3A_248 : i32 to index
      %get3A_250 = tpu.vector_load %arg6[%get3A_249] {strides = array<i32>} : memref<16384xi32, #tpu.memory_space<vmem>>, vector<16xi32>,
      %mul3A_251 = arith.constant 16 : i32
      %mul3A_252 = arith.muli %scan3A_151, %mul3A_251 : i32
      %mul3A_253 = arith.constant 16 : i32
      %mul3A_254 = arith.muli %mul3A_252, %mul3A_253 : i32
      %add3A_255 = arith.constant 8192 : i32
      %add3A_256 = arith.addi %add3A_255, %mul3A_254 : i32
      %add3A_257 = arith.constant 160 : i32
      %add3A_258 = arith.addi %add3A_256, %add3A_257 : i32
      %get3A_259 = arith.index_cast %add3A_258 : i32 to index
      %get3A_260 = tpu.vector_load %arg6[%get3A_259] {strides = array<i32>} : memref<16384xi32, #tpu.memory_space<vmem>>, vector<16xi32>,
      %mul3A_261 = arith.constant 16 : i32
      %mul3A_262 = arith.muli %scan3A_151, %mul3A_261 : i32
      %mul3A_263 = arith.constant 16 : i32
      %mul3A_264 = arith.muli %mul3A_262, %mul3A_263 : i32
      %add3A_265 = arith.constant 8192 : i32
      %add3A_266 = arith.addi %add3A_265, %mul3A_264 : i32
      %add3A_267 = arith.constant 176 : i32
      %add3A_268 = arith.addi %add3A_266, %add3A_267 : i32
      %get3A_269 = arith.index_cast %add3A_268 : i32 to index
      %get3A_270 = tpu.vector_load %arg6[%get3A_269] {strides = array<i32>} : memref<16384xi32, #tpu.memory_space<vmem>>, vector<16xi32>,
      %mul3A_271 = arith.constant 16 : i32
      %mul3A_272 = arith.muli %scan3A_151, %mul3A_271 : i32
      %mul3A_273 = arith.constant 16 : i32
      %mul3A_274 = arith.muli %mul3A_272, %mul3A_273 : i32
      %add3A_275 = arith.constant 8192 : i32
      %add3A_276 = arith.addi %add3A_275, %mul3A_274 : i32
      %add3A_277 = arith.constant 192 : i32
      %add3A_278 = arith.addi %add3A_276, %add3A_277 : i32
      %get3A_279 = arith.index_cast %add3A_278 : i32 to index
      %get3A_280 = tpu.vector_load %arg6[%get3A_279] {strides = array<i32>} : memref<16384xi32, #tpu.memory_space<vmem>>, vector<16xi32>,
      %mul3A_281 = arith.constant 16 : i32
      %mul3A_282 = arith.muli %scan3A_151, %mul3A_281 : i32
      %mul3A_283 = arith.constant 16 : i32
      %mul3A_284 = arith.muli %mul3A_282, %mul3A_283 : i32
      %add3A_285 = arith.constant 8192 : i32
      %add3A_286 = arith.addi %add3A_285, %mul3A_284 : i32
      %add3A_287 = arith.constant 208 : i32
      %add3A_288 = arith.addi %add3A_286, %add3A_287 : i32
      %get3A_289 = arith.index_cast %add3A_288 : i32 to index
      %get3A_290 = tpu.vector_load %arg6[%get3A_289] {strides = array<i32>} : memref<16384xi32, #tpu.memory_space<vmem>>, vector<16xi32>,
      %mul3A_291 = arith.constant 16 : i32
      %mul3A_292 = arith.muli %scan3A_151, %mul3A_291 : i32
      %mul3A_293 = arith.constant 16 : i32
      %mul3A_294 = arith.muli %mul3A_292, %mul3A_293 : i32
      %add3A_295 = arith.constant 8192 : i32
      %add3A_296 = arith.addi %add3A_295, %mul3A_294 : i32
      %add3A_297 = arith.constant 224 : i32
      %add3A_298 = arith.addi %add3A_296, %add3A_297 : i32
      %get3A_299 = arith.index_cast %add3A_298 : i32 to index
      %get3A_300 = tpu.vector_load %arg6[%get3A_299] {strides = array<i32>} : memref<16384xi32, #tpu.memory_space<vmem>>, vector<16xi32>,
      %mul3A_301 = arith.constant 16 : i32
      %mul3A_302 = arith.muli %scan3A_151, %mul3A_301 : i32
      %mul3A_303 = arith.constant 16 : i32
      %mul3A_304 = arith.muli %mul3A_302, %mul3A_303 : i32
      %add3A_305 = arith.constant 8192 : i32
      %add3A_306 = arith.addi %add3A_305, %mul3A_304 : i32
      %add3A_307 = arith.constant 240 : i32
      %add3A_308 = arith.addi %add3A_306, %add3A_307 : i32
      %get3A_309 = arith.index_cast %add3A_308 : i32 to index
      %get3A_310 = tpu.vector_load %arg6[%get3A_309] {strides = array<i32>} : memref<16384xi32, #tpu.memory_space<vmem>>, vector<16xi32>,
      %gather3A = tpu.vector_load_idx %arg5[%broadcast_in_dim3A_1, %get3A_160] : memref<1x100000xf32, #tpu.memory_space<vmem>>[vector<16xi32>, vector<16xi32>], vector<16xf32>,
      %gather3A_311 = tpu.vector_load_idx %arg5[%broadcast_in_dim3A_1, %get3A_170] : memref<1x100000xf32, #tpu.memory_space<vmem>>[vector<16xi32>, vector<16xi32>], vector<16xf32>,
      %gather3A_312 = tpu.vector_load_idx %arg5[%broadcast_in_dim3A_1, %get3A_180] : memref<1x100000xf32, #tpu.memory_space<vmem>>[vector<16xi32>, vector<16xi32>], vector<16xf32>,
      %gather3A_313 = tpu.vector_load_idx %arg5[%broadcast_in_dim3A_1, %get3A_190] : memref<1x100000xf32, #tpu.memory_space<vmem>>[vector<16xi32>, vector<16xi32>], vector<16xf32>,
      %gather3A_314 = tpu.vector_load_idx %arg5[%broadcast_in_dim3A_1, %get3A_200] : memref<1x100000xf32, #tpu.memory_space<vmem>>[vector<16xi32>, vector<16xi32>], vector<16xf32>,
      %gather3A_315 = tpu.vector_load_idx %arg5[%broadcast_in_dim3A_1, %get3A_210] : memref<1x100000xf32, #tpu.memory_space<vmem>>[vector<16xi32>, vector<16xi32>], vector<16xf32>,
      %gather3A_316 = tpu.vector_load_idx %arg5[%broadcast_in_dim3A_1, %get3A_220] : memref<1x100000xf32, #tpu.memory_space<vmem>>[vector<16xi32>, vector<16xi32>], vector<16xf32>,
      %gather3A_317 = tpu.vector_load_idx %arg5[%broadcast_in_dim3A_1, %get3A_230] : memref<1x100000xf32, #tpu.memory_space<vmem>>[vector<16xi32>, vector<16xi32>], vector<16xf32>,
      %gather3A_318 = tpu.vector_load_idx %arg5[%broadcast_in_dim3A_1, %get3A_240] : memref<1x100000xf32, #tpu.memory_space<vmem>>[vector<16xi32>, vector<16xi32>], vector<16xf32>,
      %gather3A_319 = tpu.vector_load_idx %arg5[%broadcast_in_dim3A_1, %get3A_250] : memref<1x100000xf32, #tpu.memory_space<vmem>>[vector<16xi32>, vector<16xi32>], vector<16xf32>,
      %gather3A_320 = tpu.vector_load_idx %arg5[%broadcast_in_dim3A_1, %get3A_260] : memref<1x100000xf32, #tpu.memory_space<vmem>>[vector<16xi32>, vector<16xi32>], vector<16xf32>,
      %gather3A_321 = tpu.vector_load_idx %arg5[%broadcast_in_dim3A_1, %get3A_270] : memref<1x100000xf32, #tpu.memory_space<vmem>>[vector<16xi32>, vector<16xi32>], vector<16xf32>,
      %gather3A_322 = tpu.vector_load_idx %arg5[%broadcast_in_dim3A_1, %get3A_280] : memref<1x100000xf32, #tpu.memory_space<vmem>>[vector<16xi32>, vector<16xi32>], vector<16xf32>,
      %gather3A_323 = tpu.vector_load_idx %arg5[%broadcast_in_dim3A_1, %get3A_290] : memref<1x100000xf32, #tpu.memory_space<vmem>>[vector<16xi32>, vector<16xi32>], vector<16xf32>,
      %gather3A_324 = tpu.vector_load_idx %arg5[%broadcast_in_dim3A_1, %get3A_300] : memref<1x100000xf32, #tpu.memory_space<vmem>>[vector<16xi32>, vector<16xi32>], vector<16xf32>,
      %gather3A_325 = tpu.vector_load_idx %arg5[%broadcast_in_dim3A_1, %get3A_310] : memref<1x100000xf32, #tpu.memory_space<vmem>>[vector<16xi32>, vector<16xi32>], vector<16xf32>,
      %mul3A_326 = arith.constant 16 : i32
      %mul3A_327 = arith.muli %scan3A_151, %mul3A_326 : i32
      %mul3A_328 = arith.constant 16 : i32
      %mul3A_329 = arith.muli %mul3A_327, %mul3A_328 : i32
      %add3A_330 = arith.constant 0 : i32
      %add3A_331 = arith.addi %mul3A_329, %add3A_330 : i32
      %swap3A = arith.constant 0 : i32
      %swap3A_332 = arith.index_cast %swap3A : i32 to index
      %swap3A_333 = arith.index_cast %add3A_331 : i32 to index
      %swap3A_334 = tpu.vector_load %arg7[%swap3A_332, %swap3A_333] {strides = array<i32>} : memref<1x4096xf32, #tpu.memory_space<vmem>>, vector<16xf32>,
      tpu.vector_store %arg7[%swap3A_332, %swap3A_333], %gather3A {strides = array<i32>} : memref<1x4096xf32, #tpu.memory_space<vmem>>, vector<16xf32>,
      %mul3A_335 = arith.constant 16 : i32
      %mul3A_336 = arith.muli %scan3A_151, %mul3A_335 : i32
      %mul3A_337 = arith.constant 16 : i32
      %mul3A_338 = arith.muli %mul3A_336, %mul3A_337 : i32
      %add3A_339 = arith.constant 16 : i32
      %add3A_340 = arith.addi %mul3A_338, %add3A_339 : i32
      %swap3A_341 = arith.constant 0 : i32
      %swap3A_342 = arith.index_cast %swap3A_341 : i32 to index
      %swap3A_343 = arith.index_cast %add3A_340 : i32 to index
      %swap3A_344 = tpu.vector_load %arg7[%swap3A_342, %swap3A_343] {strides = array<i32>} : memref<1x4096xf32, #tpu.memory_space<vmem>>, vector<16xf32>,
      tpu.vector_store %arg7[%swap3A_342, %swap3A_343], %gather3A_311 {strides = array<i32>} : memref<1x4096xf32, #tpu.memory_space<vmem>>, vector<16xf32>,
      %mul3A_345 = arith.constant 16 : i32
      %mul3A_346 = arith.muli %scan3A_151, %mul3A_345 : i32
      %mul3A_347 = arith.constant 16 : i32
      %mul3A_348 = arith.muli %mul3A_346, %mul3A_347 : i32
      %add3A_349 = arith.constant 32 : i32
      %add3A_350 = arith.addi %mul3A_348, %add3A_349 : i32
      %swap3A_351 = arith.constant 0 : i32
      %swap3A_352 = arith.index_cast %swap3A_351 : i32 to index
      %swap3A_353 = arith.index_cast %add3A_350 : i32 to index
      %swap3A_354 = tpu.vector_load %arg7[%swap3A_352, %swap3A_353] {strides = array<i32>} : memref<1x4096xf32, #tpu.memory_space<vmem>>, vector<16xf32>,
      tpu.vector_store %arg7[%swap3A_352, %swap3A_353], %gather3A_312 {strides = array<i32>} : memref<1x4096xf32, #tpu.memory_space<vmem>>, vector<16xf32>,
      %mul3A_355 = arith.constant 16 : i32
      %mul3A_356 = arith.muli %scan3A_151, %mul3A_355 : i32
      %mul3A_357 = arith.constant 16 : i32
      %mul3A_358 = arith.muli %mul3A_356, %mul3A_357 : i32
      %add3A_359 = arith.constant 48 : i32
      %add3A_360 = arith.addi %mul3A_358, %add3A_359 : i32
      %swap3A_361 = arith.constant 0 : i32
      %swap3A_362 = arith.index_cast %swap3A_361 : i32 to index
      %swap3A_363 = arith.index_cast %add3A_360 : i32 to index
      %swap3A_364 = tpu.vector_load %arg7[%swap3A_362, %swap3A_363] {strides = array<i32>} : memref<1x4096xf32, #tpu.memory_space<vmem>>, vector<16xf32>,
      tpu.vector_store %arg7[%swap3A_362, %swap3A_363], %gather3A_313 {strides = array<i32>} : memref<1x4096xf32, #tpu.memory_space<vmem>>, vector<16xf32>,
      %mul3A_365 = arith.constant 16 : i32
      %mul3A_366 = arith.muli %scan3A_151, %mul3A_365 : i32
      %mul3A_367 = arith.constant 16 : i32
      %mul3A_368 = arith.muli %mul3A_366, %mul3A_367 : i32
      %add3A_369 = arith.constant 64 : i32
      %add3A_370 = arith.addi %mul3A_368, %add3A_369 : i32
      %swap3A_371 = arith.constant 0 : i32
      %swap3A_372 = arith.index_cast %swap3A_371 : i32 to index
      %swap3A_373 = arith.index_cast %add3A_370 : i32 to index
      %swap3A_374 = tpu.vector_load %arg7[%swap3A_372, %swap3A_373] {strides = array<i32>} : memref<1x4096xf32, #tpu.memory_space<vmem>>, vector<16xf32>,
      tpu.vector_store %arg7[%swap3A_372, %swap3A_373], %gather3A_314 {strides = array<i32>} : memref<1x4096xf32, #tpu.memory_space<vmem>>, vector<16xf32>,
      %mul3A_375 = arith.constant 16 : i32
      %mul3A_376 = arith.muli %scan3A_151, %mul3A_375 : i32
      %mul3A_377 = arith.constant 16 : i32
      %mul3A_378 = arith.muli %mul3A_376, %mul3A_377 : i32
      %add3A_379 = arith.constant 80 : i32
      %add3A_380 = arith.addi %mul3A_378, %add3A_379 : i32
      %swap3A_381 = arith.constant 0 : i32
      %swap3A_382 = arith.index_cast %swap3A_381 : i32 to index
      %swap3A_383 = arith.index_cast %add3A_380 : i32 to index
      %swap3A_384 = tpu.vector_load %arg7[%swap3A_382, %swap3A_383] {strides = array<i32>} : memref<1x4096xf32, #tpu.memory_space<vmem>>, vector<16xf32>,
      tpu.vector_store %arg7[%swap3A_382, %swap3A_383], %gather3A_315 {strides = array<i32>} : memref<1x4096xf32, #tpu.memory_space<vmem>>, vector<16xf32>,
      %mul3A_385 = arith.constant 16 : i32
      %mul3A_386 = arith.muli %scan3A_151, %mul3A_385 : i32
      %mul3A_387 = arith.constant 16 : i32
      %mul3A_388 = arith.muli %mul3A_386, %mul3A_387 : i32
      %add3A_389 = arith.constant 96 : i32
      %add3A_390 = arith.addi %mul3A_388, %add3A_389 : i32
      %swap3A_391 = arith.constant 0 : i32
      %swap3A_392 = arith.index_cast %swap3A_391 : i32 to index
      %swap3A_393 = arith.index_cast %add3A_390 : i32 to index
      %swap3A_394 = tpu.vector_load %arg7[%swap3A_392, %swap3A_393] {strides = array<i32>} : memref<1x4096xf32, #tpu.memory_space<vmem>>, vector<16xf32>,
      tpu.vector_store %arg7[%swap3A_392, %swap3A_393], %gather3A_316 {strides = array<i32>} : memref<1x4096xf32, #tpu.memory_space<vmem>>, vector<16xf32>,
      %mul3A_395 = arith.constant 16 : i32
      %mul3A_396 = arith.muli %scan3A_151, %mul3A_395 : i32
      %mul3A_397 = arith.constant 16 : i32
      %mul3A_398 = arith.muli %mul3A_396, %mul3A_397 : i32
      %add3A_399 = arith.constant 112 : i32
      %add3A_400 = arith.addi %mul3A_398, %add3A_399 : i32
      %swap3A_401 = arith.constant 0 : i32
      %swap3A_402 = arith.index_cast %swap3A_401 : i32 to index
      %swap3A_403 = arith.index_cast %add3A_400 : i32 to index
      %swap3A_404 = tpu.vector_load %arg7[%swap3A_402, %swap3A_403] {strides = array<i32>} : memref<1x4096xf32, #tpu.memory_space<vmem>>, vector<16xf32>,
      tpu.vector_store %arg7[%swap3A_402, %swap3A_403], %gather3A_317 {strides = array<i32>} : memref<1x4096xf32, #tpu.memory_space<vmem>>, vector<16xf32>,
      %mul3A_405 = arith.constant 16 : i32
      %mul3A_406 = arith.muli %scan3A_151, %mul3A_405 : i32
      %mul3A_407 = arith.constant 16 : i32
      %mul3A_408 = arith.muli %mul3A_406, %mul3A_407 : i32
      %add3A_409 = arith.constant 128 : i32
      %add3A_410 = arith.addi %mul3A_408, %add3A_409 : i32
      %swap3A_411 = arith.constant 0 : i32
      %swap3A_412 = arith.index_cast %swap3A_411 : i32 to index
      %swap3A_413 = arith.index_cast %add3A_410 : i32 to index
      %swap3A_414 = tpu.vector_load %arg7[%swap3A_412, %swap3A_413] {strides = array<i32>} : memref<1x4096xf32, #tpu.memory_space<vmem>>, vector<16xf32>,
      tpu.vector_store %arg7[%swap3A_412, %swap3A_413], %gather3A_318 {strides = array<i32>} : memref<1x4096xf32, #tpu.memory_space<vmem>>, vector<16xf32>,
      %mul3A_415 = arith.constant 16 : i32
      %mul3A_416 = arith.muli %scan3A_151, %mul3A_415 : i32
      %mul3A_417 = arith.constant 16 : i32
      %mul3A_418 = arith.muli %mul3A_416, %mul3A_417 : i32
      %add3A_419 = arith.constant 144 : i32
      %add3A_420 = arith.addi %mul3A_418, %add3A_419 : i32
      %swap3A_421 = arith.constant 0 : i32
      %swap3A_422 = arith.index_cast %swap3A_421 : i32 to index
      %swap3A_423 = arith.index_cast %add3A_420 : i32 to index
      %swap3A_424 = tpu.vector_load %arg7[%swap3A_422, %swap3A_423] {strides = array<i32>} : memref<1x4096xf32, #tpu.memory_space<vmem>>, vector<16xf32>,
      tpu.vector_store %arg7[%swap3A_422, %swap3A_423], %gather3A_319 {strides = array<i32>} : memref<1x4096xf32, #tpu.memory_space<vmem>>, vector<16xf32>,
      %mul3A_425 = arith.constant 16 : i32
      %mul3A_426 = arith.muli %scan3A_151, %mul3A_425 : i32
      %mul3A_427 = arith.constant 16 : i32
      %mul3A_428 = arith.muli %mul3A_426, %mul3A_427 : i32
      %add3A_429 = arith.constant 160 : i32
      %add3A_430 = arith.addi %mul3A_428, %add3A_429 : i32
      %swap3A_431 = arith.constant 0 : i32
      %swap3A_432 = arith.index_cast %swap3A_431 : i32 to index
      %swap3A_433 = arith.index_cast %add3A_430 : i32 to index
      %swap3A_434 = tpu.vector_load %arg7[%swap3A_432, %swap3A_433] {strides = array<i32>} : memref<1x4096xf32, #tpu.memory_space<vmem>>, vector<16xf32>,
      tpu.vector_store %arg7[%swap3A_432, %swap3A_433], %gather3A_320 {strides = array<i32>} : memref<1x4096xf32, #tpu.memory_space<vmem>>, vector<16xf32>,
      %mul3A_435 = arith.constant 16 : i32
      %mul3A_436 = arith.muli %scan3A_151, %mul3A_435 : i32
      %mul3A_437 = arith.constant 16 : i32
      %mul3A_438 = arith.muli %mul3A_436, %mul3A_437 : i32
      %add3A_439 = arith.constant 176 : i32
      %add3A_440 = arith.addi %mul3A_438, %add3A_439 : i32
      %swap3A_441 = arith.constant 0 : i32
      %swap3A_442 = arith.index_cast %swap3A_441 : i32 to index
      %swap3A_443 = arith.index_cast %add3A_440 : i32 to index
      %swap3A_444 = tpu.vector_load %arg7[%swap3A_442, %swap3A_443] {strides = array<i32>} : memref<1x4096xf32, #tpu.memory_space<vmem>>, vector<16xf32>,
      tpu.vector_store %arg7[%swap3A_442, %swap3A_443], %gather3A_321 {strides = array<i32>} : memref<1x4096xf32, #tpu.memory_space<vmem>>, vector<16xf32>,
      %mul3A_445 = arith.constant 16 : i32
      %mul3A_446 = arith.muli %scan3A_151, %mul3A_445 : i32
      %mul3A_447 = arith.constant 16 : i32
      %mul3A_448 = arith.muli %mul3A_446, %mul3A_447 : i32
      %add3A_449 = arith.constant 192 : i32
      %add3A_450 = arith.addi %mul3A_448, %add3A_449 : i32
      %swap3A_451 = arith.constant 0 : i32
      %swap3A_452 = arith.index_cast %swap3A_451 : i32 to index
      %swap3A_453 = arith.index_cast %add3A_450 : i32 to index
      %swap3A_454 = tpu.vector_load %arg7[%swap3A_452, %swap3A_453] {strides = array<i32>} : memref<1x4096xf32, #tpu.memory_space<vmem>>, vector<16xf32>,
      tpu.vector_store %arg7[%swap3A_452, %swap3A_453], %gather3A_322 {strides = array<i32>} : memref<1x4096xf32, #tpu.memory_space<vmem>>, vector<16xf32>,
      %mul3A_455 = arith.constant 16 : i32
      %mul3A_456 = arith.muli %scan3A_151, %mul3A_455 : i32
      %mul3A_457 = arith.constant 16 : i32
      %mul3A_458 = arith.muli %mul3A_456, %mul3A_457 : i32
      %add3A_459 = arith.constant 208 : i32
      %add3A_460 = arith.addi %mul3A_458, %add3A_459 : i32
      %swap3A_461 = arith.constant 0 : i32
      %swap3A_462 = arith.index_cast %swap3A_461 : i32 to index
      %swap3A_463 = arith.index_cast %add3A_460 : i32 to index
      %swap3A_464 = tpu.vector_load %arg7[%swap3A_462, %swap3A_463] {strides = array<i32>} : memref<1x4096xf32, #tpu.memory_space<vmem>>, vector<16xf32>,
      tpu.vector_store %arg7[%swap3A_462, %swap3A_463], %gather3A_323 {strides = array<i32>} : memref<1x4096xf32, #tpu.memory_space<vmem>>, vector<16xf32>,
      %mul3A_465 = arith.constant 16 : i32
      %mul3A_466 = arith.muli %scan3A_151, %mul3A_465 : i32
      %mul3A_467 = arith.constant 16 : i32
      %mul3A_468 = arith.muli %mul3A_466, %mul3A_467 : i32
      %add3A_469 = arith.constant 224 : i32
      %add3A_470 = arith.addi %mul3A_468, %add3A_469 : i32
      %swap3A_471 = arith.constant 0 : i32
      %swap3A_472 = arith.index_cast %swap3A_471 : i32 to index
      %swap3A_473 = arith.index_cast %add3A_470 : i32 to index
      %swap3A_474 = tpu.vector_load %arg7[%swap3A_472, %swap3A_473] {strides = array<i32>} : memref<1x4096xf32, #tpu.memory_space<vmem>>, vector<16xf32>,
      tpu.vector_store %arg7[%swap3A_472, %swap3A_473], %gather3A_324 {strides = array<i32>} : memref<1x4096xf32, #tpu.memory_space<vmem>>, vector<16xf32>,
      %mul3A_475 = arith.constant 16 : i32
      %mul3A_476 = arith.muli %scan3A_151, %mul3A_475 : i32
      %mul3A_477 = arith.constant 16 : i32
      %mul3A_478 = arith.muli %mul3A_476, %mul3A_477 : i32
      %add3A_479 = arith.constant 240 : i32
      %add3A_480 = arith.addi %mul3A_478, %add3A_479 : i32
      %swap3A_481 = arith.constant 0 : i32
      %swap3A_482 = arith.index_cast %swap3A_481 : i32 to index
      %swap3A_483 = arith.index_cast %add3A_480 : i32 to index
      %swap3A_484 = tpu.vector_load %arg7[%swap3A_482, %swap3A_483] {strides = array<i32>} : memref<1x4096xf32, #tpu.memory_space<vmem>>, vector<16xf32>,
      tpu.vector_store %arg7[%swap3A_482, %swap3A_483], %gather3A_325 {strides = array<i32>} : memref<1x4096xf32, #tpu.memory_space<vmem>>, vector<16xf32>,
      %scan3A_485 = arith.constant 1 : i32
      %scan3A_486 = arith.addi %scan3A_151, %scan3A_485 : i32
      %mul3A_487 = arith.constant 16 : i32
      %mul3A_488 = arith.muli %scan3A_486, %mul3A_487 : i32
      %mul3A_489 = arith.constant 16 : i32
      %mul3A_490 = arith.muli %mul3A_488, %mul3A_489 : i32
      %add3A_491 = arith.constant 8192 : i32
      %add3A_492 = arith.addi %add3A_491, %mul3A_490 : i32
      %add3A_493 = arith.constant 0 : i32
      %add3A_494 = arith.addi %add3A_492, %add3A_493 : i32
      %get3A_495 = arith.index_cast %add3A_494 : i32 to index
      %get3A_496 = tpu.vector_load %arg6[%get3A_495] {strides = array<i32>} : memref<16384xi32, #tpu.memory_space<vmem>>, vector<16xi32>,
      %mul3A_497 = arith.constant 16 : i32
      %mul3A_498 = arith.muli %scan3A_486, %mul3A_497 : i32
      %mul3A_499 = arith.constant 16 : i32
      %mul3A_500 = arith.muli %mul3A_498, %mul3A_499 : i32
      %add3A_501 = arith.constant 8192 : i32
      %add3A_502 = arith.addi %add3A_501, %mul3A_500 : i32
      %add3A_503 = arith.constant 16 : i32
      %add3A_504 = arith.addi %add3A_502, %add3A_503 : i32
      %get3A_505 = arith.index_cast %add3A_504 : i32 to index
      %get3A_506 = tpu.vector_load %arg6[%get3A_505] {strides = array<i32>} : memref<16384xi32, #tpu.memory_space<vmem>>, vector<16xi32>,
      %mul3A_507 = arith.constant 16 : i32
      %mul3A_508 = arith.muli %scan3A_486, %mul3A_507 : i32
      %mul3A_509 = arith.constant 16 : i32
      %mul3A_510 = arith.muli %mul3A_508, %mul3A_509 : i32
      %add3A_511 = arith.constant 8192 : i32
      %add3A_512 = arith.addi %add3A_511, %mul3A_510 : i32
      %add3A_513 = arith.constant 32 : i32
      %add3A_514 = arith.addi %add3A_512, %add3A_513 : i32
      %get3A_515 = arith.index_cast %add3A_514 : i32 to index
      %get3A_516 = tpu.vector_load %arg6[%get3A_515] {strides = array<i32>} : memref<16384xi32, #tpu.memory_space<vmem>>, vector<16xi32>,
      %mul3A_517 = arith.constant 16 : i32
      %mul3A_518 = arith.muli %scan3A_486, %mul3A_517 : i32
      %mul3A_519 = arith.constant 16 : i32
      %mul3A_520 = arith.muli %mul3A_518, %mul3A_519 : i32
      %add3A_521 = arith.constant 8192 : i32
      %add3A_522 = arith.addi %add3A_521, %mul3A_520 : i32
      %add3A_523 = arith.constant 48 : i32
      %add3A_524 = arith.addi %add3A_522, %add3A_523 : i32
      %get3A_525 = arith.index_cast %add3A_524 : i32 to index
      %get3A_526 = tpu.vector_load %arg6[%get3A_525] {strides = array<i32>} : memref<16384xi32, #tpu.memory_space<vmem>>, vector<16xi32>,
      %mul3A_527 = arith.constant 16 : i32
      %mul3A_528 = arith.muli %scan3A_486, %mul3A_527 : i32
      %mul3A_529 = arith.constant 16 : i32
      %mul3A_530 = arith.muli %mul3A_528, %mul3A_529 : i32
      %add3A_531 = arith.constant 8192 : i32
      %add3A_532 = arith.addi %add3A_531, %mul3A_530 : i32
      %add3A_533 = arith.constant 64 : i32
      %add3A_534 = arith.addi %add3A_532, %add3A_533 : i32
      %get3A_535 = arith.index_cast %add3A_534 : i32 to index
      %get3A_536 = tpu.vector_load %arg6[%get3A_535] {strides = array<i32>} : memref<16384xi32, #tpu.memory_space<vmem>>, vector<16xi32>,
      %mul3A_537 = arith.constant 16 : i32
      %mul3A_538 = arith.muli %scan3A_486, %mul3A_537 : i32
      %mul3A_539 = arith.constant 16 : i32
      %mul3A_540 = arith.muli %mul3A_538, %mul3A_539 : i32
      %add3A_541 = arith.constant 8192 : i32
      %add3A_542 = arith.addi %add3A_541, %mul3A_540 : i32
      %add3A_543 = arith.constant 80 : i32
      %add3A_544 = arith.addi %add3A_542, %add3A_543 : i32
      %get3A_545 = arith.index_cast %add3A_544 : i32 to index
      %get3A_546 = tpu.vector_load %arg6[%get3A_545] {strides = array<i32>} : memref<16384xi32, #tpu.memory_space<vmem>>, vector<16xi32>,
      %mul3A_547 = arith.constant 16 : i32
      %mul3A_548 = arith.muli %scan3A_486, %mul3A_547 : i32
      %mul3A_549 = arith.constant 16 : i32
      %mul3A_550 = arith.muli %mul3A_548, %mul3A_549 : i32
      %add3A_551 = arith.constant 8192 : i32
      %add3A_552 = arith.addi %add3A_551, %mul3A_550 : i32
      %add3A_553 = arith.constant 96 : i32
      %add3A_554 = arith.addi %add3A_552, %add3A_553 : i32
      %get3A_555 = arith.index_cast %add3A_554 : i32 to index
      %get3A_556 = tpu.vector_load %arg6[%get3A_555] {strides = array<i32>} : memref<16384xi32, #tpu.memory_space<vmem>>, vector<16xi32>,
      %mul3A_557 = arith.constant 16 : i32
      %mul3A_558 = arith.muli %scan3A_486, %mul3A_557 : i32
      %mul3A_559 = arith.constant 16 : i32
      %mul3A_560 = arith.muli %mul3A_558, %mul3A_559 : i32
      %add3A_561 = arith.constant 8192 : i32
      %add3A_562 = arith.addi %add3A_561, %mul3A_560 : i32
      %add3A_563 = arith.constant 112 : i32
      %add3A_564 = arith.addi %add3A_562, %add3A_563 : i32
      %get3A_565 = arith.index_cast %add3A_564 : i32 to index
      %get3A_566 = tpu.vector_load %arg6[%get3A_565] {strides = array<i32>} : memref<16384xi32, #tpu.memory_space<vmem>>, vector<16xi32>,
      %mul3A_567 = arith.constant 16 : i32
      %mul3A_568 = arith.muli %scan3A_486, %mul3A_567 : i32
      %mul3A_569 = arith.constant 16 : i32
      %mul3A_570 = arith.muli %mul3A_568, %mul3A_569 : i32
      %add3A_571 = arith.constant 8192 : i32
      %add3A_572 = arith.addi %add3A_571, %mul3A_570 : i32
      %add3A_573 = arith.constant 128 : i32
      %add3A_574 = arith.addi %add3A_572, %add3A_573 : i32
      %get3A_575 = arith.index_cast %add3A_574 : i32 to index
      %get3A_576 = tpu.vector_load %arg6[%get3A_575] {strides = array<i32>} : memref<16384xi32, #tpu.memory_space<vmem>>, vector<16xi32>,
      %mul3A_577 = arith.constant 16 : i32
      %mul3A_578 = arith.muli %scan3A_486, %mul3A_577 : i32
      %mul3A_579 = arith.constant 16 : i32
      %mul3A_580 = arith.muli %mul3A_578, %mul3A_579 : i32
      %add3A_581 = arith.constant 8192 : i32
      %add3A_582 = arith.addi %add3A_581, %mul3A_580 : i32
      %add3A_583 = arith.constant 144 : i32
      %add3A_584 = arith.addi %add3A_582, %add3A_583 : i32
      %get3A_585 = arith.index_cast %add3A_584 : i32 to index
      %get3A_586 = tpu.vector_load %arg6[%get3A_585] {strides = array<i32>} : memref<16384xi32, #tpu.memory_space<vmem>>, vector<16xi32>,
      %mul3A_587 = arith.constant 16 : i32
      %mul3A_588 = arith.muli %scan3A_486, %mul3A_587 : i32
      %mul3A_589 = arith.constant 16 : i32
      %mul3A_590 = arith.muli %mul3A_588, %mul3A_589 : i32
      %add3A_591 = arith.constant 8192 : i32
      %add3A_592 = arith.addi %add3A_591, %mul3A_590 : i32
      %add3A_593 = arith.constant 160 : i32
      %add3A_594 = arith.addi %add3A_592, %add3A_593 : i32
      %get3A_595 = arith.index_cast %add3A_594 : i32 to index
      %get3A_596 = tpu.vector_load %arg6[%get3A_595] {strides = array<i32>} : memref<16384xi32, #tpu.memory_space<vmem>>, vector<16xi32>,
      %mul3A_597 = arith.constant 16 : i32
      %mul3A_598 = arith.muli %scan3A_486, %mul3A_597 : i32
      %mul3A_599 = arith.constant 16 : i32
      %mul3A_600 = arith.muli %mul3A_598, %mul3A_599 : i32
      %add3A_601 = arith.constant 8192 : i32
      %add3A_602 = arith.addi %add3A_601, %mul3A_600 : i32
      %add3A_603 = arith.constant 176 : i32
      %add3A_604 = arith.addi %add3A_602, %add3A_603 : i32
      %get3A_605 = arith.index_cast %add3A_604 : i32 to index
      %get3A_606 = tpu.vector_load %arg6[%get3A_605] {strides = array<i32>} : memref<16384xi32, #tpu.memory_space<vmem>>, vector<16xi32>,
      %mul3A_607 = arith.constant 16 : i32
      %mul3A_608 = arith.muli %scan3A_486, %mul3A_607 : i32
      %mul3A_609 = arith.constant 16 : i32
      %mul3A_610 = arith.muli %mul3A_608, %mul3A_609 : i32
      %add3A_611 = arith.constant 8192 : i32
      %add3A_612 = arith.addi %add3A_611, %mul3A_610 : i32
      %add3A_613 = arith.constant 192 : i32
      %add3A_614 = arith.addi %add3A_612, %add3A_613 : i32
      %get3A_615 = arith.index_cast %add3A_614 : i32 to index
      %get3A_616 = tpu.vector_load %arg6[%get3A_615] {strides = array<i32>} : memref<16384xi32, #tpu.memory_space<vmem>>, vector<16xi32>,
      %mul3A_617 = arith.constant 16 : i32
      %mul3A_618 = arith.muli %scan3A_486, %mul3A_617 : i32
      %mul3A_619 = arith.constant 16 : i32
      %mul3A_620 = arith.muli %mul3A_618, %mul3A_619 : i32
      %add3A_621 = arith.constant 8192 : i32
      %add3A_622 = arith.addi %add3A_621, %mul3A_620 : i32
      %add3A_623 = arith.constant 208 : i32
      %add3A_624 = arith.addi %add3A_622, %add3A_623 : i32
      %get3A_625 = arith.index_cast %add3A_624 : i32 to index
      %get3A_626 = tpu.vector_load %arg6[%get3A_625] {strides = array<i32>} : memref<16384xi32, #tpu.memory_space<vmem>>, vector<16xi32>,
      %mul3A_627 = arith.constant 16 : i32
      %mul3A_628 = arith.muli %scan3A_486, %mul3A_627 : i32
      %mul3A_629 = arith.constant 16 : i32
      %mul3A_630 = arith.muli %mul3A_628, %mul3A_629 : i32
      %add3A_631 = arith.constant 8192 : i32
      %add3A_632 = arith.addi %add3A_631, %mul3A_630 : i32
      %add3A_633 = arith.constant 224 : i32
      %add3A_634 = arith.addi %add3A_632, %add3A_633 : i32
      %get3A_635 = arith.index_cast %add3A_634 : i32 to index
      %get3A_636 = tpu.vector_load %arg6[%get3A_635] {strides = array<i32>} : memref<16384xi32, #tpu.memory_space<vmem>>, vector<16xi32>,
      %mul3A_637 = arith.constant 16 : i32
      %mul3A_638 = arith.muli %scan3A_486, %mul3A_637 : i32
      %mul3A_639 = arith.constant 16 : i32
      %mul3A_640 = arith.muli %mul3A_638, %mul3A_639 : i32
      %add3A_641 = arith.constant 8192 : i32
      %add3A_642 = arith.addi %add3A_641, %mul3A_640 : i32
      %add3A_643 = arith.constant 240 : i32
      %add3A_644 = arith.addi %add3A_642, %add3A_643 : i32
      %get3A_645 = arith.index_cast %add3A_644 : i32 to index
      %get3A_646 = tpu.vector_load %arg6[%get3A_645] {strides = array<i32>} : memref<16384xi32, #tpu.memory_space<vmem>>, vector<16xi32>,
      %gather3A_647 = tpu.vector_load_idx %arg5[%broadcast_in_dim3A_1, %get3A_496] : memref<1x100000xf32, #tpu.memory_space<vmem>>[vector<16xi32>, vector<16xi32>], vector<16xf32>,
      %gather3A_648 = tpu.vector_load_idx %arg5[%broadcast_in_dim3A_1, %get3A_506] : memref<1x100000xf32, #tpu.memory_space<vmem>>[vector<16xi32>, vector<16xi32>], vector<16xf32>,
      %gather3A_649 = tpu.vector_load_idx %arg5[%broadcast_in_dim3A_1, %get3A_516] : memref<1x100000xf32, #tpu.memory_space<vmem>>[vector<16xi32>, vector<16xi32>], vector<16xf32>,
      %gather3A_650 = tpu.vector_load_idx %arg5[%broadcast_in_dim3A_1, %get3A_526] : memref<1x100000xf32, #tpu.memory_space<vmem>>[vector<16xi32>, vector<16xi32>], vector<16xf32>,
      %gather3A_651 = tpu.vector_load_idx %arg5[%broadcast_in_dim3A_1, %get3A_536] : memref<1x100000xf32, #tpu.memory_space<vmem>>[vector<16xi32>, vector<16xi32>], vector<16xf32>,
      %gather3A_652 = tpu.vector_load_idx %arg5[%broadcast_in_dim3A_1, %get3A_546] : memref<1x100000xf32, #tpu.memory_space<vmem>>[vector<16xi32>, vector<16xi32>], vector<16xf32>,
      %gather3A_653 = tpu.vector_load_idx %arg5[%broadcast_in_dim3A_1, %get3A_556] : memref<1x100000xf32, #tpu.memory_space<vmem>>[vector<16xi32>, vector<16xi32>], vector<16xf32>,
      %gather3A_654 = tpu.vector_load_idx %arg5[%broadcast_in_dim3A_1, %get3A_566] : memref<1x100000xf32, #tpu.memory_space<vmem>>[vector<16xi32>, vector<16xi32>], vector<16xf32>,
      %gather3A_655 = tpu.vector_load_idx %arg5[%broadcast_in_dim3A_1, %get3A_576] : memref<1x100000xf32, #tpu.memory_space<vmem>>[vector<16xi32>, vector<16xi32>], vector<16xf32>,
      %gather3A_656 = tpu.vector_load_idx %arg5[%broadcast_in_dim3A_1, %get3A_586] : memref<1x100000xf32, #tpu.memory_space<vmem>>[vector<16xi32>, vector<16xi32>], vector<16xf32>,
      %gather3A_657 = tpu.vector_load_idx %arg5[%broadcast_in_dim3A_1, %get3A_596] : memref<1x100000xf32, #tpu.memory_space<vmem>>[vector<16xi32>, vector<16xi32>], vector<16xf32>,
      %gather3A_658 = tpu.vector_load_idx %arg5[%broadcast_in_dim3A_1, %get3A_606] : memref<1x100000xf32, #tpu.memory_space<vmem>>[vector<16xi32>, vector<16xi32>], vector<16xf32>,
      %gather3A_659 = tpu.vector_load_idx %arg5[%broadcast_in_dim3A_1, %get3A_616] : memref<1x100000xf32, #tpu.memory_space<vmem>>[vector<16xi32>, vector<16xi32>], vector<16xf32>,
      %gather3A_660 = tpu.vector_load_idx %arg5[%broadcast_in_dim3A_1, %get3A_626] : memref<1x100000xf32, #tpu.memory_space<vmem>>[vector<16xi32>, vector<16xi32>], vector<16xf32>,
      %gather3A_661 = tpu.vector_load_idx %arg5[%broadcast_in_dim3A_1, %get3A_636] : memref<1x100000xf32, #tpu.memory_space<vmem>>[vector<16xi32>, vector<16xi32>], vector<16xf32>,
      %gather3A_662 = tpu.vector_load_idx %arg5[%broadcast_in_dim3A_1, %get3A_646] : memref<1x100000xf32, #tpu.memory_space<vmem>>[vector<16xi32>, vector<16xi32>], vector<16xf32>,
      %mul3A_663 = arith.constant 16 : i32
      %mul3A_664 = arith.muli %scan3A_486, %mul3A_663 : i32
      %mul3A_665 = arith.constant 16 : i32
      %mul3A_666 = arith.muli %mul3A_664, %mul3A_665 : i32
      %add3A_667 = arith.constant 0 : i32
      %add3A_668 = arith.addi %mul3A_666, %add3A_667 : i32
      %swap3A_669 = arith.constant 0 : i32
      %swap3A_670 = arith.index_cast %swap3A_669 : i32 to index
      %swap3A_671 = arith.index_cast %add3A_668 : i32 to index
      %swap3A_672 = tpu.vector_load %arg7[%swap3A_670, %swap3A_671] {strides = array<i32>} : memref<1x4096xf32, #tpu.memory_space<vmem>>, vector<16xf32>,
      tpu.vector_store %arg7[%swap3A_670, %swap3A_671], %gather3A_647 {strides = array<i32>} : memref<1x4096xf32, #tpu.memory_space<vmem>>, vector<16xf32>,
      %mul3A_673 = arith.constant 16 : i32
      %mul3A_674 = arith.muli %scan3A_486, %mul3A_673 : i32
      %mul3A_675 = arith.constant 16 : i32
      %mul3A_676 = arith.muli %mul3A_674, %mul3A_675 : i32
      %add3A_677 = arith.constant 16 : i32
      %add3A_678 = arith.addi %mul3A_676, %add3A_677 : i32
      %swap3A_679 = arith.constant 0 : i32
      %swap3A_680 = arith.index_cast %swap3A_679 : i32 to index
      %swap3A_681 = arith.index_cast %add3A_678 : i32 to index
      %swap3A_682 = tpu.vector_load %arg7[%swap3A_680, %swap3A_681] {strides = array<i32>} : memref<1x4096xf32, #tpu.memory_space<vmem>>, vector<16xf32>,
      tpu.vector_store %arg7[%swap3A_680, %swap3A_681], %gather3A_648 {strides = array<i32>} : memref<1x4096xf32, #tpu.memory_space<vmem>>, vector<16xf32>,
      %mul3A_683 = arith.constant 16 : i32
      %mul3A_684 = arith.muli %scan3A_486, %mul3A_683 : i32
      %mul3A_685 = arith.constant 16 : i32
      %mul3A_686 = arith.muli %mul3A_684, %mul3A_685 : i32
      %add3A_687 = arith.constant 32 : i32
      %add3A_688 = arith.addi %mul3A_686, %add3A_687 : i32
      %swap3A_689 = arith.constant 0 : i32
      %swap3A_690 = arith.index_cast %swap3A_689 : i32 to index
      %swap3A_691 = arith.index_cast %add3A_688 : i32 to index
      %swap3A_692 = tpu.vector_load %arg7[%swap3A_690, %swap3A_691] {strides = array<i32>} : memref<1x4096xf32, #tpu.memory_space<vmem>>, vector<16xf32>,
      tpu.vector_store %arg7[%swap3A_690, %swap3A_691], %gather3A_649 {strides = array<i32>} : memref<1x4096xf32, #tpu.memory_space<vmem>>, vector<16xf32>,
      %mul3A_693 = arith.constant 16 : i32
      %mul3A_694 = arith.muli %scan3A_486, %mul3A_693 : i32
      %mul3A_695 = arith.constant 16 : i32
      %mul3A_696 = arith.muli %mul3A_694, %mul3A_695 : i32
      %add3A_697 = arith.constant 48 : i32
      %add3A_698 = arith.addi %mul3A_696, %add3A_697 : i32
      %swap3A_699 = arith.constant 0 : i32
      %swap3A_700 = arith.index_cast %swap3A_699 : i32 to index
      %swap3A_701 = arith.index_cast %add3A_698 : i32 to index
      %swap3A_702 = tpu.vector_load %arg7[%swap3A_700, %swap3A_701] {strides = array<i32>} : memref<1x4096xf32, #tpu.memory_space<vmem>>, vector<16xf32>,
      tpu.vector_store %arg7[%swap3A_700, %swap3A_701], %gather3A_650 {strides = array<i32>} : memref<1x4096xf32, #tpu.memory_space<vmem>>, vector<16xf32>,
      %mul3A_703 = arith.constant 16 : i32
      %mul3A_704 = arith.muli %scan3A_486, %mul3A_703 : i32
      %mul3A_705 = arith.constant 16 : i32
      %mul3A_706 = arith.muli %mul3A_704, %mul3A_705 : i32
      %add3A_707 = arith.constant 64 : i32
      %add3A_708 = arith.addi %mul3A_706, %add3A_707 : i32
      %swap3A_709 = arith.constant 0 : i32
      %swap3A_710 = arith.index_cast %swap3A_709 : i32 to index
      %swap3A_711 = arith.index_cast %add3A_708 : i32 to index
      %swap3A_712 = tpu.vector_load %arg7[%swap3A_710, %swap3A_711] {strides = array<i32>} : memref<1x4096xf32, #tpu.memory_space<vmem>>, vector<16xf32>,
      tpu.vector_store %arg7[%swap3A_710, %swap3A_711], %gather3A_651 {strides = array<i32>} : memref<1x4096xf32, #tpu.memory_space<vmem>>, vector<16xf32>,
      %mul3A_713 = arith.constant 16 : i32
      %mul3A_714 = arith.muli %scan3A_486, %mul3A_713 : i32
      %mul3A_715 = arith.constant 16 : i32
      %mul3A_716 = arith.muli %mul3A_714, %mul3A_715 : i32
      %add3A_717 = arith.constant 80 : i32
      %add3A_718 = arith.addi %mul3A_716, %add3A_717 : i32
      %swap3A_719 = arith.constant 0 : i32
      %swap3A_720 = arith.index_cast %swap3A_719 : i32 to index
      %swap3A_721 = arith.index_cast %add3A_718 : i32 to index
      %swap3A_722 = tpu.vector_load %arg7[%swap3A_720, %swap3A_721] {strides = array<i32>} : memref<1x4096xf32, #tpu.memory_space<vmem>>, vector<16xf32>,
      tpu.vector_store %arg7[%swap3A_720, %swap3A_721], %gather3A_652 {strides = array<i32>} : memref<1x4096xf32, #tpu.memory_space<vmem>>, vector<16xf32>,
      %mul3A_723 = arith.constant 16 : i32
      %mul3A_724 = arith.muli %scan3A_486, %mul3A_723 : i32
      %mul3A_725 = arith.constant 16 : i32
      %mul3A_726 = arith.muli %mul3A_724, %mul3A_725 : i32
      %add3A_727 = arith.constant 96 : i32
      %add3A_728 = arith.addi %mul3A_726, %add3A_727 : i32
      %swap3A_729 = arith.constant 0 : i32
      %swap3A_730 = arith.index_cast %swap3A_729 : i32 to index
      %swap3A_731 = arith.index_cast %add3A_728 : i32 to index
      %swap3A_732 = tpu.vector_load %arg7[%swap3A_730, %swap3A_731] {strides = array<i32>} : memref<1x4096xf32, #tpu.memory_space<vmem>>, vector<16xf32>,
      tpu.vector_store %arg7[%swap3A_730, %swap3A_731], %gather3A_653 {strides = array<i32>} : memref<1x4096xf32, #tpu.memory_space<vmem>>, vector<16xf32>,
      %mul3A_733 = arith.constant 16 : i32
      %mul3A_734 = arith.muli %scan3A_486, %mul3A_733 : i32
      %mul3A_735 = arith.constant 16 : i32
      %mul3A_736 = arith.muli %mul3A_734, %mul3A_735 : i32
      %add3A_737 = arith.constant 112 : i32
      %add3A_738 = arith.addi %mul3A_736, %add3A_737 : i32
      %swap3A_739 = arith.constant 0 : i32
      %swap3A_740 = arith.index_cast %swap3A_739 : i32 to index
      %swap3A_741 = arith.index_cast %add3A_738 : i32 to index
      %swap3A_742 = tpu.vector_load %arg7[%swap3A_740, %swap3A_741] {strides = array<i32>} : memref<1x4096xf32, #tpu.memory_space<vmem>>, vector<16xf32>,
      tpu.vector_store %arg7[%swap3A_740, %swap3A_741], %gather3A_654 {strides = array<i32>} : memref<1x4096xf32, #tpu.memory_space<vmem>>, vector<16xf32>,
      %mul3A_743 = arith.constant 16 : i32
      %mul3A_744 = arith.muli %scan3A_486, %mul3A_743 : i32
      %mul3A_745 = arith.constant 16 : i32
      %mul3A_746 = arith.muli %mul3A_744, %mul3A_745 : i32
      %add3A_747 = arith.constant 128 : i32
      %add3A_748 = arith.addi %mul3A_746, %add3A_747 : i32
      %swap3A_749 = arith.constant 0 : i32
      %swap3A_750 = arith.index_cast %swap3A_749 : i32 to index
      %swap3A_751 = arith.index_cast %add3A_748 : i32 to index
      %swap3A_752 = tpu.vector_load %arg7[%swap3A_750, %swap3A_751] {strides = array<i32>} : memref<1x4096xf32, #tpu.memory_space<vmem>>, vector<16xf32>,
      tpu.vector_store %arg7[%swap3A_750, %swap3A_751], %gather3A_655 {strides = array<i32>} : memref<1x4096xf32, #tpu.memory_space<vmem>>, vector<16xf32>,
      %mul3A_753 = arith.constant 16 : i32
      %mul3A_754 = arith.muli %scan3A_486, %mul3A_753 : i32
      %mul3A_755 = arith.constant 16 : i32
      %mul3A_756 = arith.muli %mul3A_754, %mul3A_755 : i32
      %add3A_757 = arith.constant 144 : i32
      %add3A_758 = arith.addi %mul3A_756, %add3A_757 : i32
      %swap3A_759 = arith.constant 0 : i32
      %swap3A_760 = arith.index_cast %swap3A_759 : i32 to index
      %swap3A_761 = arith.index_cast %add3A_758 : i32 to index
      %swap3A_762 = tpu.vector_load %arg7[%swap3A_760, %swap3A_761] {strides = array<i32>} : memref<1x4096xf32, #tpu.memory_space<vmem>>, vector<16xf32>,
      tpu.vector_store %arg7[%swap3A_760, %swap3A_761], %gather3A_656 {strides = array<i32>} : memref<1x4096xf32, #tpu.memory_space<vmem>>, vector<16xf32>,
      %mul3A_763 = arith.constant 16 : i32
      %mul3A_764 = arith.muli %scan3A_486, %mul3A_763 : i32
      %mul3A_765 = arith.constant 16 : i32
      %mul3A_766 = arith.muli %mul3A_764, %mul3A_765 : i32
      %add3A_767 = arith.constant 160 : i32
      %add3A_768 = arith.addi %mul3A_766, %add3A_767 : i32
      %swap3A_769 = arith.constant 0 : i32
      %swap3A_770 = arith.index_cast %swap3A_769 : i32 to index
      %swap3A_771 = arith.index_cast %add3A_768 : i32 to index
      %swap3A_772 = tpu.vector_load %arg7[%swap3A_770, %swap3A_771] {strides = array<i32>} : memref<1x4096xf32, #tpu.memory_space<vmem>>, vector<16xf32>,
      tpu.vector_store %arg7[%swap3A_770, %swap3A_771], %gather3A_657 {strides = array<i32>} : memref<1x4096xf32, #tpu.memory_space<vmem>>, vector<16xf32>,
      %mul3A_773 = arith.constant 16 : i32
      %mul3A_774 = arith.muli %scan3A_486, %mul3A_773 : i32
      %mul3A_775 = arith.constant 16 : i32
      %mul3A_776 = arith.muli %mul3A_774, %mul3A_775 : i32
      %add3A_777 = arith.constant 176 : i32
      %add3A_778 = arith.addi %mul3A_776, %add3A_777 : i32
      %swap3A_779 = arith.constant 0 : i32
      %swap3A_780 = arith.index_cast %swap3A_779 : i32 to index
      %swap3A_781 = arith.index_cast %add3A_778 : i32 to index
      %swap3A_782 = tpu.vector_load %arg7[%swap3A_780, %swap3A_781] {strides = array<i32>} : memref<1x4096xf32, #tpu.memory_space<vmem>>, vector<16xf32>,
      tpu.vector_store %arg7[%swap3A_780, %swap3A_781], %gather3A_658 {strides = array<i32>} : memref<1x4096xf32, #tpu.memory_space<vmem>>, vector<16xf32>,
      %mul3A_783 = arith.constant 16 : i32
      %mul3A_784 = arith.muli %scan3A_486, %mul3A_783 : i32
      %mul3A_785 = arith.constant 16 : i32
      %mul3A_786 = arith.muli %mul3A_784, %mul3A_785 : i32
      %add3A_787 = arith.constant 192 : i32
      %add3A_788 = arith.addi %mul3A_786, %add3A_787 : i32
      %swap3A_789 = arith.constant 0 : i32
      %swap3A_790 = arith.index_cast %swap3A_789 : i32 to index
      %swap3A_791 = arith.index_cast %add3A_788 : i32 to index
      %swap3A_792 = tpu.vector_load %arg7[%swap3A_790, %swap3A_791] {strides = array<i32>} : memref<1x4096xf32, #tpu.memory_space<vmem>>, vector<16xf32>,
      tpu.vector_store %arg7[%swap3A_790, %swap3A_791], %gather3A_659 {strides = array<i32>} : memref<1x4096xf32, #tpu.memory_space<vmem>>, vector<16xf32>,
      %mul3A_793 = arith.constant 16 : i32
      %mul3A_794 = arith.muli %scan3A_486, %mul3A_793 : i32
      %mul3A_795 = arith.constant 16 : i32
      %mul3A_796 = arith.muli %mul3A_794, %mul3A_795 : i32
      %add3A_797 = arith.constant 208 : i32
      %add3A_798 = arith.addi %mul3A_796, %add3A_797 : i32
      %swap3A_799 = arith.constant 0 : i32
      %swap3A_800 = arith.index_cast %swap3A_799 : i32 to index
      %swap3A_801 = arith.index_cast %add3A_798 : i32 to index
      %swap3A_802 = tpu.vector_load %arg7[%swap3A_800, %swap3A_801] {strides = array<i32>} : memref<1x4096xf32, #tpu.memory_space<vmem>>, vector<16xf32>,
      tpu.vector_store %arg7[%swap3A_800, %swap3A_801], %gather3A_660 {strides = array<i32>} : memref<1x4096xf32, #tpu.memory_space<vmem>>, vector<16xf32>,
      %mul3A_803 = arith.constant 16 : i32
      %mul3A_804 = arith.muli %scan3A_486, %mul3A_803 : i32
      %mul3A_805 = arith.constant 16 : i32
      %mul3A_806 = arith.muli %mul3A_804, %mul3A_805 : i32
      %add3A_807 = arith.constant 224 : i32
      %add3A_808 = arith.addi %mul3A_806, %add3A_807 : i32
      %swap3A_809 = arith.constant 0 : i32
      %swap3A_810 = arith.index_cast %swap3A_809 : i32 to index
      %swap3A_811 = arith.index_cast %add3A_808 : i32 to index
      %swap3A_812 = tpu.vector_load %arg7[%swap3A_810, %swap3A_811] {strides = array<i32>} : memref<1x4096xf32, #tpu.memory_space<vmem>>, vector<16xf32>,
      tpu.vector_store %arg7[%swap3A_810, %swap3A_811], %gather3A_661 {strides = array<i32>} : memref<1x4096xf32, #tpu.memory_space<vmem>>, vector<16xf32>,
      %mul3A_813 = arith.constant 16 : i32
      %mul3A_814 = arith.muli %scan3A_486, %mul3A_813 : i32
      %mul3A_815 = arith.constant 16 : i32
      %mul3A_816 = arith.muli %mul3A_814, %mul3A_815 : i32
      %add3A_817 = arith.constant 240 : i32
      %add3A_818 = arith.addi %mul3A_816, %add3A_817 : i32
      %swap3A_819 = arith.constant 0 : i32
      %swap3A_820 = arith.index_cast %swap3A_819 : i32 to index
      %swap3A_821 = arith.index_cast %add3A_818 : i32 to index
      %swap3A_822 = tpu.vector_load %arg7[%swap3A_820, %swap3A_821] {strides = array<i32>} : memref<1x4096xf32, #tpu.memory_space<vmem>>, vector<16xf32>,
      tpu.vector_store %arg7[%swap3A_820, %swap3A_821], %gather3A_662 {strides = array<i32>} : memref<1x4096xf32, #tpu.memory_space<vmem>>, vector<16xf32>,
    }
    %scan3A_118 = arith.constant 16 : i32
    %dma_start3A_119 = arith.constant 8192 : i32
    %dma_start3A_120 = tpu.memref_slice %arg4[%add3A_66, %dma_start3A_119] : memref<64x16384xf32, #tpu.memory_space<hbm>> -> memref<1x4096xf32, #tpu.memory_space<hbm>>
    %dma_start3A_121 = arith.constant 8192 : i32
    %dma_start3A_122 = tpu.memref_slice %arg4[%add3A_66, %dma_start3A_121] : memref<64x16384xf32, #tpu.memory_space<hbm>> -> memref<1x4096xf32, #tpu.memory_space<hbm>>
    tpu.enqueue_dma source(%arg7 : memref<1x4096xf32, #tpu.memory_space<vmem>>) target(%dma_start3A_122 : memref<1x4096xf32, #tpu.memory_space<hbm>>) target_semaphore(%arg10 : memref<!tpu.dma_semaphore, #tpu.memory_space<semaphore_mem>>)
    %dma_wait3A_123 = arith.constant 0 : i32
    %dma_wait3A_124 = arith.constant 0 : i32
    %dma_wait3A_125 = tpu.memref_slice %arg4[%dma_wait3A_123, %dma_wait3A_124] : memref<64x16384xf32, #tpu.memory_space<hbm>> -> memref<1x4096xf32, #tpu.memory_space<hbm>>
    %dma_wait3A_126 = arith.constant 0 : i32
    %dma_wait3A_127 = arith.constant 0 : i32
    %dma_wait3A_128 = tpu.memref_slice %arg4[%dma_wait3A_126, %dma_wait3A_127] : memref<64x16384xf32, #tpu.memory_space<hbm>> -> memref<1x4096xf32, #tpu.memory_space<hbm>>
    tpu.wait_dma2 semaphore(%arg10 : memref<!tpu.dma_semaphore, #tpu.memory_space<semaphore_mem>>) src(%arg8 : memref<1x4096xf32, #tpu.memory_space<vmem>>) dst(%dma_wait3A_128 : memref<1x4096xf32, #tpu.memory_space<hbm>>)
    %scan3A_129 = arith.constant 0 : i32
    %scan3A_130 = arith.constant 0 : i32
    %scan3A_131 = arith.constant 16 : i32
    %scan3A_132 = arith.addi %scan3A_130, %scan3A_131 : i32
    %scan3A_133 = arith.constant 2 : i32
    scf.for %scan3A_151 = %scan3A_130 to %scan3A_132 step %scan3A_133  : i32 {
      %mul3A_152 = arith.constant 16 : i32
      %mul3A_153 = arith.muli %scan3A_151, %mul3A_152 : i32
      %mul3A_154 = arith.constant 16 : i32
      %mul3A_155 = arith.muli %mul3A_153, %mul3A_154 : i32
      %add3A_156 = arith.constant 12288 : i32
      %add3A_157 = arith.addi %add3A_156, %mul3A_155 : i32
      %add3A_158 = arith.constant 0 : i32
      %add3A_159 = arith.addi %add3A_157, %add3A_158 : i32
      %get3A = arith.index_cast %add3A_159 : i32 to index
      %get3A_160 = tpu.vector_load %arg6[%get3A] {strides = array<i32>} : memref<16384xi32, #tpu.memory_space<vmem>>, vector<16xi32>,
      %mul3A_161 = arith.constant 16 : i32
      %mul3A_162 = arith.muli %scan3A_151, %mul3A_161 : i32
      %mul3A_163 = arith.constant 16 : i32
      %mul3A_164 = arith.muli %mul3A_162, %mul3A_163 : i32
      %add3A_165 = arith.constant 12288 : i32
      %add3A_166 = arith.addi %add3A_165, %mul3A_164 : i32
      %add3A_167 = arith.constant 16 : i32
      %add3A_168 = arith.addi %add3A_166, %add3A_167 : i32
      %get3A_169 = arith.index_cast %add3A_168 : i32 to index
      %get3A_170 = tpu.vector_load %arg6[%get3A_169] {strides = array<i32>} : memref<16384xi32, #tpu.memory_space<vmem>>, vector<16xi32>,
      %mul3A_171 = arith.constant 16 : i32
      %mul3A_172 = arith.muli %scan3A_151, %mul3A_171 : i32
      %mul3A_173 = arith.constant 16 : i32
      %mul3A_174 = arith.muli %mul3A_172, %mul3A_173 : i32
      %add3A_175 = arith.constant 12288 : i32
      %add3A_176 = arith.addi %add3A_175, %mul3A_174 : i32
      %add3A_177 = arith.constant 32 : i32
      %add3A_178 = arith.addi %add3A_176, %add3A_177 : i32
      %get3A_179 = arith.index_cast %add3A_178 : i32 to index
      %get3A_180 = tpu.vector_load %arg6[%get3A_179] {strides = array<i32>} : memref<16384xi32, #tpu.memory_space<vmem>>, vector<16xi32>,
      %mul3A_181 = arith.constant 16 : i32
      %mul3A_182 = arith.muli %scan3A_151, %mul3A_181 : i32
      %mul3A_183 = arith.constant 16 : i32
      %mul3A_184 = arith.muli %mul3A_182, %mul3A_183 : i32
      %add3A_185 = arith.constant 12288 : i32
      %add3A_186 = arith.addi %add3A_185, %mul3A_184 : i32
      %add3A_187 = arith.constant 48 : i32
      %add3A_188 = arith.addi %add3A_186, %add3A_187 : i32
      %get3A_189 = arith.index_cast %add3A_188 : i32 to index
      %get3A_190 = tpu.vector_load %arg6[%get3A_189] {strides = array<i32>} : memref<16384xi32, #tpu.memory_space<vmem>>, vector<16xi32>,
      %mul3A_191 = arith.constant 16 : i32
      %mul3A_192 = arith.muli %scan3A_151, %mul3A_191 : i32
      %mul3A_193 = arith.constant 16 : i32
      %mul3A_194 = arith.muli %mul3A_192, %mul3A_193 : i32
      %add3A_195 = arith.constant 12288 : i32
      %add3A_196 = arith.addi %add3A_195, %mul3A_194 : i32
      %add3A_197 = arith.constant 64 : i32
      %add3A_198 = arith.addi %add3A_196, %add3A_197 : i32
      %get3A_199 = arith.index_cast %add3A_198 : i32 to index
      %get3A_200 = tpu.vector_load %arg6[%get3A_199] {strides = array<i32>} : memref<16384xi32, #tpu.memory_space<vmem>>, vector<16xi32>,
      %mul3A_201 = arith.constant 16 : i32
      %mul3A_202 = arith.muli %scan3A_151, %mul3A_201 : i32
      %mul3A_203 = arith.constant 16 : i32
      %mul3A_204 = arith.muli %mul3A_202, %mul3A_203 : i32
      %add3A_205 = arith.constant 12288 : i32
      %add3A_206 = arith.addi %add3A_205, %mul3A_204 : i32
      %add3A_207 = arith.constant 80 : i32
      %add3A_208 = arith.addi %add3A_206, %add3A_207 : i32
      %get3A_209 = arith.index_cast %add3A_208 : i32 to index
      %get3A_210 = tpu.vector_load %arg6[%get3A_209] {strides = array<i32>} : memref<16384xi32, #tpu.memory_space<vmem>>, vector<16xi32>,
      %mul3A_211 = arith.constant 16 : i32
      %mul3A_212 = arith.muli %scan3A_151, %mul3A_211 : i32
      %mul3A_213 = arith.constant 16 : i32
      %mul3A_214 = arith.muli %mul3A_212, %mul3A_213 : i32
      %add3A_215 = arith.constant 12288 : i32
      %add3A_216 = arith.addi %add3A_215, %mul3A_214 : i32
      %add3A_217 = arith.constant 96 : i32
      %add3A_218 = arith.addi %add3A_216, %add3A_217 : i32
      %get3A_219 = arith.index_cast %add3A_218 : i32 to index
      %get3A_220 = tpu.vector_load %arg6[%get3A_219] {strides = array<i32>} : memref<16384xi32, #tpu.memory_space<vmem>>, vector<16xi32>,
      %mul3A_221 = arith.constant 16 : i32
      %mul3A_222 = arith.muli %scan3A_151, %mul3A_221 : i32
      %mul3A_223 = arith.constant 16 : i32
      %mul3A_224 = arith.muli %mul3A_222, %mul3A_223 : i32
      %add3A_225 = arith.constant 12288 : i32
      %add3A_226 = arith.addi %add3A_225, %mul3A_224 : i32
      %add3A_227 = arith.constant 112 : i32
      %add3A_228 = arith.addi %add3A_226, %add3A_227 : i32
      %get3A_229 = arith.index_cast %add3A_228 : i32 to index
      %get3A_230 = tpu.vector_load %arg6[%get3A_229] {strides = array<i32>} : memref<16384xi32, #tpu.memory_space<vmem>>, vector<16xi32>,
      %mul3A_231 = arith.constant 16 : i32
      %mul3A_232 = arith.muli %scan3A_151, %mul3A_231 : i32
      %mul3A_233 = arith.constant 16 : i32
      %mul3A_234 = arith.muli %mul3A_232, %mul3A_233 : i32
      %add3A_235 = arith.constant 12288 : i32
      %add3A_236 = arith.addi %add3A_235, %mul3A_234 : i32
      %add3A_237 = arith.constant 128 : i32
      %add3A_238 = arith.addi %add3A_236, %add3A_237 : i32
      %get3A_239 = arith.index_cast %add3A_238 : i32 to index
      %get3A_240 = tpu.vector_load %arg6[%get3A_239] {strides = array<i32>} : memref<16384xi32, #tpu.memory_space<vmem>>, vector<16xi32>,
      %mul3A_241 = arith.constant 16 : i32
      %mul3A_242 = arith.muli %scan3A_151, %mul3A_241 : i32
      %mul3A_243 = arith.constant 16 : i32
      %mul3A_244 = arith.muli %mul3A_242, %mul3A_243 : i32
      %add3A_245 = arith.constant 12288 : i32
      %add3A_246 = arith.addi %add3A_245, %mul3A_244 : i32
      %add3A_247 = arith.constant 144 : i32
      %add3A_248 = arith.addi %add3A_246, %add3A_247 : i32
      %get3A_249 = arith.index_cast %add3A_248 : i32 to index
      %get3A_250 = tpu.vector_load %arg6[%get3A_249] {strides = array<i32>} : memref<16384xi32, #tpu.memory_space<vmem>>, vector<16xi32>,
      %mul3A_251 = arith.constant 16 : i32
      %mul3A_252 = arith.muli %scan3A_151, %mul3A_251 : i32
      %mul3A_253 = arith.constant 16 : i32
      %mul3A_254 = arith.muli %mul3A_252, %mul3A_253 : i32
      %add3A_255 = arith.constant 12288 : i32
      %add3A_256 = arith.addi %add3A_255, %mul3A_254 : i32
      %add3A_257 = arith.constant 160 : i32
      %add3A_258 = arith.addi %add3A_256, %add3A_257 : i32
      %get3A_259 = arith.index_cast %add3A_258 : i32 to index
      %get3A_260 = tpu.vector_load %arg6[%get3A_259] {strides = array<i32>} : memref<16384xi32, #tpu.memory_space<vmem>>, vector<16xi32>,
      %mul3A_261 = arith.constant 16 : i32
      %mul3A_262 = arith.muli %scan3A_151, %mul3A_261 : i32
      %mul3A_263 = arith.constant 16 : i32
      %mul3A_264 = arith.muli %mul3A_262, %mul3A_263 : i32
      %add3A_265 = arith.constant 12288 : i32
      %add3A_266 = arith.addi %add3A_265, %mul3A_264 : i32
      %add3A_267 = arith.constant 176 : i32
      %add3A_268 = arith.addi %add3A_266, %add3A_267 : i32
      %get3A_269 = arith.index_cast %add3A_268 : i32 to index
      %get3A_270 = tpu.vector_load %arg6[%get3A_269] {strides = array<i32>} : memref<16384xi32, #tpu.memory_space<vmem>>, vector<16xi32>,
      %mul3A_271 = arith.constant 16 : i32
      %mul3A_272 = arith.muli %scan3A_151, %mul3A_271 : i32
      %mul3A_273 = arith.constant 16 : i32
      %mul3A_274 = arith.muli %mul3A_272, %mul3A_273 : i32
      %add3A_275 = arith.constant 12288 : i32
      %add3A_276 = arith.addi %add3A_275, %mul3A_274 : i32
      %add3A_277 = arith.constant 192 : i32
      %add3A_278 = arith.addi %add3A_276, %add3A_277 : i32
      %get3A_279 = arith.index_cast %add3A_278 : i32 to index
      %get3A_280 = tpu.vector_load %arg6[%get3A_279] {strides = array<i32>} : memref<16384xi32, #tpu.memory_space<vmem>>, vector<16xi32>,
      %mul3A_281 = arith.constant 16 : i32
      %mul3A_282 = arith.muli %scan3A_151, %mul3A_281 : i32
      %mul3A_283 = arith.constant 16 : i32
      %mul3A_284 = arith.muli %mul3A_282, %mul3A_283 : i32
      %add3A_285 = arith.constant 12288 : i32
      %add3A_286 = arith.addi %add3A_285, %mul3A_284 : i32
      %add3A_287 = arith.constant 208 : i32
      %add3A_288 = arith.addi %add3A_286, %add3A_287 : i32
      %get3A_289 = arith.index_cast %add3A_288 : i32 to index
      %get3A_290 = tpu.vector_load %arg6[%get3A_289] {strides = array<i32>} : memref<16384xi32, #tpu.memory_space<vmem>>, vector<16xi32>,
      %mul3A_291 = arith.constant 16 : i32
      %mul3A_292 = arith.muli %scan3A_151, %mul3A_291 : i32
      %mul3A_293 = arith.constant 16 : i32
      %mul3A_294 = arith.muli %mul3A_292, %mul3A_293 : i32
      %add3A_295 = arith.constant 12288 : i32
      %add3A_296 = arith.addi %add3A_295, %mul3A_294 : i32
      %add3A_297 = arith.constant 224 : i32
      %add3A_298 = arith.addi %add3A_296, %add3A_297 : i32
      %get3A_299 = arith.index_cast %add3A_298 : i32 to index
      %get3A_300 = tpu.vector_load %arg6[%get3A_299] {strides = array<i32>} : memref<16384xi32, #tpu.memory_space<vmem>>, vector<16xi32>,
      %mul3A_301 = arith.constant 16 : i32
      %mul3A_302 = arith.muli %scan3A_151, %mul3A_301 : i32
      %mul3A_303 = arith.constant 16 : i32
      %mul3A_304 = arith.muli %mul3A_302, %mul3A_303 : i32
      %add3A_305 = arith.constant 12288 : i32
      %add3A_306 = arith.addi %add3A_305, %mul3A_304 : i32
      %add3A_307 = arith.constant 240 : i32
      %add3A_308 = arith.addi %add3A_306, %add3A_307 : i32
      %get3A_309 = arith.index_cast %add3A_308 : i32 to index
      %get3A_310 = tpu.vector_load %arg6[%get3A_309] {strides = array<i32>} : memref<16384xi32, #tpu.memory_space<vmem>>, vector<16xi32>,
      %gather3A = tpu.vector_load_idx %arg5[%broadcast_in_dim3A_1, %get3A_160] : memref<1x100000xf32, #tpu.memory_space<vmem>>[vector<16xi32>, vector<16xi32>], vector<16xf32>,
      %gather3A_311 = tpu.vector_load_idx %arg5[%broadcast_in_dim3A_1, %get3A_170] : memref<1x100000xf32, #tpu.memory_space<vmem>>[vector<16xi32>, vector<16xi32>], vector<16xf32>,
      %gather3A_312 = tpu.vector_load_idx %arg5[%broadcast_in_dim3A_1, %get3A_180] : memref<1x100000xf32, #tpu.memory_space<vmem>>[vector<16xi32>, vector<16xi32>], vector<16xf32>,
      %gather3A_313 = tpu.vector_load_idx %arg5[%broadcast_in_dim3A_1, %get3A_190] : memref<1x100000xf32, #tpu.memory_space<vmem>>[vector<16xi32>, vector<16xi32>], vector<16xf32>,
      %gather3A_314 = tpu.vector_load_idx %arg5[%broadcast_in_dim3A_1, %get3A_200] : memref<1x100000xf32, #tpu.memory_space<vmem>>[vector<16xi32>, vector<16xi32>], vector<16xf32>,
      %gather3A_315 = tpu.vector_load_idx %arg5[%broadcast_in_dim3A_1, %get3A_210] : memref<1x100000xf32, #tpu.memory_space<vmem>>[vector<16xi32>, vector<16xi32>], vector<16xf32>,
      %gather3A_316 = tpu.vector_load_idx %arg5[%broadcast_in_dim3A_1, %get3A_220] : memref<1x100000xf32, #tpu.memory_space<vmem>>[vector<16xi32>, vector<16xi32>], vector<16xf32>,
      %gather3A_317 = tpu.vector_load_idx %arg5[%broadcast_in_dim3A_1, %get3A_230] : memref<1x100000xf32, #tpu.memory_space<vmem>>[vector<16xi32>, vector<16xi32>], vector<16xf32>,
      %gather3A_318 = tpu.vector_load_idx %arg5[%broadcast_in_dim3A_1, %get3A_240] : memref<1x100000xf32, #tpu.memory_space<vmem>>[vector<16xi32>, vector<16xi32>], vector<16xf32>,
      %gather3A_319 = tpu.vector_load_idx %arg5[%broadcast_in_dim3A_1, %get3A_250] : memref<1x100000xf32, #tpu.memory_space<vmem>>[vector<16xi32>, vector<16xi32>], vector<16xf32>,
      %gather3A_320 = tpu.vector_load_idx %arg5[%broadcast_in_dim3A_1, %get3A_260] : memref<1x100000xf32, #tpu.memory_space<vmem>>[vector<16xi32>, vector<16xi32>], vector<16xf32>,
      %gather3A_321 = tpu.vector_load_idx %arg5[%broadcast_in_dim3A_1, %get3A_270] : memref<1x100000xf32, #tpu.memory_space<vmem>>[vector<16xi32>, vector<16xi32>], vector<16xf32>,
      %gather3A_322 = tpu.vector_load_idx %arg5[%broadcast_in_dim3A_1, %get3A_280] : memref<1x100000xf32, #tpu.memory_space<vmem>>[vector<16xi32>, vector<16xi32>], vector<16xf32>,
      %gather3A_323 = tpu.vector_load_idx %arg5[%broadcast_in_dim3A_1, %get3A_290] : memref<1x100000xf32, #tpu.memory_space<vmem>>[vector<16xi32>, vector<16xi32>], vector<16xf32>,
      %gather3A_324 = tpu.vector_load_idx %arg5[%broadcast_in_dim3A_1, %get3A_300] : memref<1x100000xf32, #tpu.memory_space<vmem>>[vector<16xi32>, vector<16xi32>], vector<16xf32>,
      %gather3A_325 = tpu.vector_load_idx %arg5[%broadcast_in_dim3A_1, %get3A_310] : memref<1x100000xf32, #tpu.memory_space<vmem>>[vector<16xi32>, vector<16xi32>], vector<16xf32>,
      %mul3A_326 = arith.constant 16 : i32
      %mul3A_327 = arith.muli %scan3A_151, %mul3A_326 : i32
      %mul3A_328 = arith.constant 16 : i32
      %mul3A_329 = arith.muli %mul3A_327, %mul3A_328 : i32
      %add3A_330 = arith.constant 0 : i32
      %add3A_331 = arith.addi %mul3A_329, %add3A_330 : i32
      %swap3A = arith.constant 0 : i32
      %swap3A_332 = arith.index_cast %swap3A : i32 to index
      %swap3A_333 = arith.index_cast %add3A_331 : i32 to index
      %swap3A_334 = tpu.vector_load %arg8[%swap3A_332, %swap3A_333] {strides = array<i32>} : memref<1x4096xf32, #tpu.memory_space<vmem>>, vector<16xf32>,
      tpu.vector_store %arg8[%swap3A_332, %swap3A_333], %gather3A {strides = array<i32>} : memref<1x4096xf32, #tpu.memory_space<vmem>>, vector<16xf32>,
      %mul3A_335 = arith.constant 16 : i32
      %mul3A_336 = arith.muli %scan3A_151, %mul3A_335 : i32
      %mul3A_337 = arith.constant 16 : i32
      %mul3A_338 = arith.muli %mul3A_336, %mul3A_337 : i32
      %add3A_339 = arith.constant 16 : i32
      %add3A_340 = arith.addi %mul3A_338, %add3A_339 : i32
      %swap3A_341 = arith.constant 0 : i32
      %swap3A_342 = arith.index_cast %swap3A_341 : i32 to index
      %swap3A_343 = arith.index_cast %add3A_340 : i32 to index
      %swap3A_344 = tpu.vector_load %arg8[%swap3A_342, %swap3A_343] {strides = array<i32>} : memref<1x4096xf32, #tpu.memory_space<vmem>>, vector<16xf32>,
      tpu.vector_store %arg8[%swap3A_342, %swap3A_343], %gather3A_311 {strides = array<i32>} : memref<1x4096xf32, #tpu.memory_space<vmem>>, vector<16xf32>,
      %mul3A_345 = arith.constant 16 : i32
      %mul3A_346 = arith.muli %scan3A_151, %mul3A_345 : i32
      %mul3A_347 = arith.constant 16 : i32
      %mul3A_348 = arith.muli %mul3A_346, %mul3A_347 : i32
      %add3A_349 = arith.constant 32 : i32
      %add3A_350 = arith.addi %mul3A_348, %add3A_349 : i32
      %swap3A_351 = arith.constant 0 : i32
      %swap3A_352 = arith.index_cast %swap3A_351 : i32 to index
      %swap3A_353 = arith.index_cast %add3A_350 : i32 to index
      %swap3A_354 = tpu.vector_load %arg8[%swap3A_352, %swap3A_353] {strides = array<i32>} : memref<1x4096xf32, #tpu.memory_space<vmem>>, vector<16xf32>,
      tpu.vector_store %arg8[%swap3A_352, %swap3A_353], %gather3A_312 {strides = array<i32>} : memref<1x4096xf32, #tpu.memory_space<vmem>>, vector<16xf32>,
      %mul3A_355 = arith.constant 16 : i32
      %mul3A_356 = arith.muli %scan3A_151, %mul3A_355 : i32
      %mul3A_357 = arith.constant 16 : i32
      %mul3A_358 = arith.muli %mul3A_356, %mul3A_357 : i32
      %add3A_359 = arith.constant 48 : i32
      %add3A_360 = arith.addi %mul3A_358, %add3A_359 : i32
      %swap3A_361 = arith.constant 0 : i32
      %swap3A_362 = arith.index_cast %swap3A_361 : i32 to index
      %swap3A_363 = arith.index_cast %add3A_360 : i32 to index
      %swap3A_364 = tpu.vector_load %arg8[%swap3A_362, %swap3A_363] {strides = array<i32>} : memref<1x4096xf32, #tpu.memory_space<vmem>>, vector<16xf32>,
      tpu.vector_store %arg8[%swap3A_362, %swap3A_363], %gather3A_313 {strides = array<i32>} : memref<1x4096xf32, #tpu.memory_space<vmem>>, vector<16xf32>,
      %mul3A_365 = arith.constant 16 : i32
      %mul3A_366 = arith.muli %scan3A_151, %mul3A_365 : i32
      %mul3A_367 = arith.constant 16 : i32
      %mul3A_368 = arith.muli %mul3A_366, %mul3A_367 : i32
      %add3A_369 = arith.constant 64 : i32
      %add3A_370 = arith.addi %mul3A_368, %add3A_369 : i32
      %swap3A_371 = arith.constant 0 : i32
      %swap3A_372 = arith.index_cast %swap3A_371 : i32 to index
      %swap3A_373 = arith.index_cast %add3A_370 : i32 to index
      %swap3A_374 = tpu.vector_load %arg8[%swap3A_372, %swap3A_373] {strides = array<i32>} : memref<1x4096xf32, #tpu.memory_space<vmem>>, vector<16xf32>,
      tpu.vector_store %arg8[%swap3A_372, %swap3A_373], %gather3A_314 {strides = array<i32>} : memref<1x4096xf32, #tpu.memory_space<vmem>>, vector<16xf32>,
      %mul3A_375 = arith.constant 16 : i32
      %mul3A_376 = arith.muli %scan3A_151, %mul3A_375 : i32
      %mul3A_377 = arith.constant 16 : i32
      %mul3A_378 = arith.muli %mul3A_376, %mul3A_377 : i32
      %add3A_379 = arith.constant 80 : i32
      %add3A_380 = arith.addi %mul3A_378, %add3A_379 : i32
      %swap3A_381 = arith.constant 0 : i32
      %swap3A_382 = arith.index_cast %swap3A_381 : i32 to index
      %swap3A_383 = arith.index_cast %add3A_380 : i32 to index
      %swap3A_384 = tpu.vector_load %arg8[%swap3A_382, %swap3A_383] {strides = array<i32>} : memref<1x4096xf32, #tpu.memory_space<vmem>>, vector<16xf32>,
      tpu.vector_store %arg8[%swap3A_382, %swap3A_383], %gather3A_315 {strides = array<i32>} : memref<1x4096xf32, #tpu.memory_space<vmem>>, vector<16xf32>,
      %mul3A_385 = arith.constant 16 : i32
      %mul3A_386 = arith.muli %scan3A_151, %mul3A_385 : i32
      %mul3A_387 = arith.constant 16 : i32
      %mul3A_388 = arith.muli %mul3A_386, %mul3A_387 : i32
      %add3A_389 = arith.constant 96 : i32
      %add3A_390 = arith.addi %mul3A_388, %add3A_389 : i32
      %swap3A_391 = arith.constant 0 : i32
      %swap3A_392 = arith.index_cast %swap3A_391 : i32 to index
      %swap3A_393 = arith.index_cast %add3A_390 : i32 to index
      %swap3A_394 = tpu.vector_load %arg8[%swap3A_392, %swap3A_393] {strides = array<i32>} : memref<1x4096xf32, #tpu.memory_space<vmem>>, vector<16xf32>,
      tpu.vector_store %arg8[%swap3A_392, %swap3A_393], %gather3A_316 {strides = array<i32>} : memref<1x4096xf32, #tpu.memory_space<vmem>>, vector<16xf32>,
      %mul3A_395 = arith.constant 16 : i32
      %mul3A_396 = arith.muli %scan3A_151, %mul3A_395 : i32
      %mul3A_397 = arith.constant 16 : i32
      %mul3A_398 = arith.muli %mul3A_396, %mul3A_397 : i32
      %add3A_399 = arith.constant 112 : i32
      %add3A_400 = arith.addi %mul3A_398, %add3A_399 : i32
      %swap3A_401 = arith.constant 0 : i32
      %swap3A_402 = arith.index_cast %swap3A_401 : i32 to index
      %swap3A_403 = arith.index_cast %add3A_400 : i32 to index
      %swap3A_404 = tpu.vector_load %arg8[%swap3A_402, %swap3A_403] {strides = array<i32>} : memref<1x4096xf32, #tpu.memory_space<vmem>>, vector<16xf32>,
      tpu.vector_store %arg8[%swap3A_402, %swap3A_403], %gather3A_317 {strides = array<i32>} : memref<1x4096xf32, #tpu.memory_space<vmem>>, vector<16xf32>,
      %mul3A_405 = arith.constant 16 : i32
      %mul3A_406 = arith.muli %scan3A_151, %mul3A_405 : i32
      %mul3A_407 = arith.constant 16 : i32
      %mul3A_408 = arith.muli %mul3A_406, %mul3A_407 : i32
      %add3A_409 = arith.constant 128 : i32
      %add3A_410 = arith.addi %mul3A_408, %add3A_409 : i32
      %swap3A_411 = arith.constant 0 : i32
      %swap3A_412 = arith.index_cast %swap3A_411 : i32 to index
      %swap3A_413 = arith.index_cast %add3A_410 : i32 to index
      %swap3A_414 = tpu.vector_load %arg8[%swap3A_412, %swap3A_413] {strides = array<i32>} : memref<1x4096xf32, #tpu.memory_space<vmem>>, vector<16xf32>,
      tpu.vector_store %arg8[%swap3A_412, %swap3A_413], %gather3A_318 {strides = array<i32>} : memref<1x4096xf32, #tpu.memory_space<vmem>>, vector<16xf32>,
      %mul3A_415 = arith.constant 16 : i32
      %mul3A_416 = arith.muli %scan3A_151, %mul3A_415 : i32
      %mul3A_417 = arith.constant 16 : i32
      %mul3A_418 = arith.muli %mul3A_416, %mul3A_417 : i32
      %add3A_419 = arith.constant 144 : i32
      %add3A_420 = arith.addi %mul3A_418, %add3A_419 : i32
      %swap3A_421 = arith.constant 0 : i32
      %swap3A_422 = arith.index_cast %swap3A_421 : i32 to index
      %swap3A_423 = arith.index_cast %add3A_420 : i32 to index
      %swap3A_424 = tpu.vector_load %arg8[%swap3A_422, %swap3A_423] {strides = array<i32>} : memref<1x4096xf32, #tpu.memory_space<vmem>>, vector<16xf32>,
      tpu.vector_store %arg8[%swap3A_422, %swap3A_423], %gather3A_319 {strides = array<i32>} : memref<1x4096xf32, #tpu.memory_space<vmem>>, vector<16xf32>,
      %mul3A_425 = arith.constant 16 : i32
      %mul3A_426 = arith.muli %scan3A_151, %mul3A_425 : i32
      %mul3A_427 = arith.constant 16 : i32
      %mul3A_428 = arith.muli %mul3A_426, %mul3A_427 : i32
      %add3A_429 = arith.constant 160 : i32
      %add3A_430 = arith.addi %mul3A_428, %add3A_429 : i32
      %swap3A_431 = arith.constant 0 : i32
      %swap3A_432 = arith.index_cast %swap3A_431 : i32 to index
      %swap3A_433 = arith.index_cast %add3A_430 : i32 to index
      %swap3A_434 = tpu.vector_load %arg8[%swap3A_432, %swap3A_433] {strides = array<i32>} : memref<1x4096xf32, #tpu.memory_space<vmem>>, vector<16xf32>,
      tpu.vector_store %arg8[%swap3A_432, %swap3A_433], %gather3A_320 {strides = array<i32>} : memref<1x4096xf32, #tpu.memory_space<vmem>>, vector<16xf32>,
      %mul3A_435 = arith.constant 16 : i32
      %mul3A_436 = arith.muli %scan3A_151, %mul3A_435 : i32
      %mul3A_437 = arith.constant 16 : i32
      %mul3A_438 = arith.muli %mul3A_436, %mul3A_437 : i32
      %add3A_439 = arith.constant 176 : i32
      %add3A_440 = arith.addi %mul3A_438, %add3A_439 : i32
      %swap3A_441 = arith.constant 0 : i32
      %swap3A_442 = arith.index_cast %swap3A_441 : i32 to index
      %swap3A_443 = arith.index_cast %add3A_440 : i32 to index
      %swap3A_444 = tpu.vector_load %arg8[%swap3A_442, %swap3A_443] {strides = array<i32>} : memref<1x4096xf32, #tpu.memory_space<vmem>>, vector<16xf32>,
      tpu.vector_store %arg8[%swap3A_442, %swap3A_443], %gather3A_321 {strides = array<i32>} : memref<1x4096xf32, #tpu.memory_space<vmem>>, vector<16xf32>,
      %mul3A_445 = arith.constant 16 : i32
      %mul3A_446 = arith.muli %scan3A_151, %mul3A_445 : i32
      %mul3A_447 = arith.constant 16 : i32
      %mul3A_448 = arith.muli %mul3A_446, %mul3A_447 : i32
      %add3A_449 = arith.constant 192 : i32
      %add3A_450 = arith.addi %mul3A_448, %add3A_449 : i32
      %swap3A_451 = arith.constant 0 : i32
      %swap3A_452 = arith.index_cast %swap3A_451 : i32 to index
      %swap3A_453 = arith.index_cast %add3A_450 : i32 to index
      %swap3A_454 = tpu.vector_load %arg8[%swap3A_452, %swap3A_453] {strides = array<i32>} : memref<1x4096xf32, #tpu.memory_space<vmem>>, vector<16xf32>,
      tpu.vector_store %arg8[%swap3A_452, %swap3A_453], %gather3A_322 {strides = array<i32>} : memref<1x4096xf32, #tpu.memory_space<vmem>>, vector<16xf32>,
      %mul3A_455 = arith.constant 16 : i32
      %mul3A_456 = arith.muli %scan3A_151, %mul3A_455 : i32
      %mul3A_457 = arith.constant 16 : i32
      %mul3A_458 = arith.muli %mul3A_456, %mul3A_457 : i32
      %add3A_459 = arith.constant 208 : i32
      %add3A_460 = arith.addi %mul3A_458, %add3A_459 : i32
      %swap3A_461 = arith.constant 0 : i32
      %swap3A_462 = arith.index_cast %swap3A_461 : i32 to index
      %swap3A_463 = arith.index_cast %add3A_460 : i32 to index
      %swap3A_464 = tpu.vector_load %arg8[%swap3A_462, %swap3A_463] {strides = array<i32>} : memref<1x4096xf32, #tpu.memory_space<vmem>>, vector<16xf32>,
      tpu.vector_store %arg8[%swap3A_462, %swap3A_463], %gather3A_323 {strides = array<i32>} : memref<1x4096xf32, #tpu.memory_space<vmem>>, vector<16xf32>,
      %mul3A_465 = arith.constant 16 : i32
      %mul3A_466 = arith.muli %scan3A_151, %mul3A_465 : i32
      %mul3A_467 = arith.constant 16 : i32
      %mul3A_468 = arith.muli %mul3A_466, %mul3A_467 : i32
      %add3A_469 = arith.constant 224 : i32
      %add3A_470 = arith.addi %mul3A_468, %add3A_469 : i32
      %swap3A_471 = arith.constant 0 : i32
      %swap3A_472 = arith.index_cast %swap3A_471 : i32 to index
      %swap3A_473 = arith.index_cast %add3A_470 : i32 to index
      %swap3A_474 = tpu.vector_load %arg8[%swap3A_472, %swap3A_473] {strides = array<i32>} : memref<1x4096xf32, #tpu.memory_space<vmem>>, vector<16xf32>,
      tpu.vector_store %arg8[%swap3A_472, %swap3A_473], %gather3A_324 {strides = array<i32>} : memref<1x4096xf32, #tpu.memory_space<vmem>>, vector<16xf32>,
      %mul3A_475 = arith.constant 16 : i32
      %mul3A_476 = arith.muli %scan3A_151, %mul3A_475 : i32
      %mul3A_477 = arith.constant 16 : i32
      %mul3A_478 = arith.muli %mul3A_476, %mul3A_477 : i32
      %add3A_479 = arith.constant 240 : i32
      %add3A_480 = arith.addi %mul3A_478, %add3A_479 : i32
      %swap3A_481 = arith.constant 0 : i32
      %swap3A_482 = arith.index_cast %swap3A_481 : i32 to index
      %swap3A_483 = arith.index_cast %add3A_480 : i32 to index
      %swap3A_484 = tpu.vector_load %arg8[%swap3A_482, %swap3A_483] {strides = array<i32>} : memref<1x4096xf32, #tpu.memory_space<vmem>>, vector<16xf32>,
      tpu.vector_store %arg8[%swap3A_482, %swap3A_483], %gather3A_325 {strides = array<i32>} : memref<1x4096xf32, #tpu.memory_space<vmem>>, vector<16xf32>,
      %scan3A_485 = arith.constant 1 : i32
      %scan3A_486 = arith.addi %scan3A_151, %scan3A_485 : i32
      %mul3A_487 = arith.constant 16 : i32
      %mul3A_488 = arith.muli %scan3A_486, %mul3A_487 : i32
      %mul3A_489 = arith.constant 16 : i32
      %mul3A_490 = arith.muli %mul3A_488, %mul3A_489 : i32
      %add3A_491 = arith.constant 12288 : i32
      %add3A_492 = arith.addi %add3A_491, %mul3A_490 : i32
      %add3A_493 = arith.constant 0 : i32
      %add3A_494 = arith.addi %add3A_492, %add3A_493 : i32
      %get3A_495 = arith.index_cast %add3A_494 : i32 to index
      %get3A_496 = tpu.vector_load %arg6[%get3A_495] {strides = array<i32>} : memref<16384xi32, #tpu.memory_space<vmem>>, vector<16xi32>,
      %mul3A_497 = arith.constant 16 : i32
      %mul3A_498 = arith.muli %scan3A_486, %mul3A_497 : i32
      %mul3A_499 = arith.constant 16 : i32
      %mul3A_500 = arith.muli %mul3A_498, %mul3A_499 : i32
      %add3A_501 = arith.constant 12288 : i32
      %add3A_502 = arith.addi %add3A_501, %mul3A_500 : i32
      %add3A_503 = arith.constant 16 : i32
      %add3A_504 = arith.addi %add3A_502, %add3A_503 : i32
      %get3A_505 = arith.index_cast %add3A_504 : i32 to index
      %get3A_506 = tpu.vector_load %arg6[%get3A_505] {strides = array<i32>} : memref<16384xi32, #tpu.memory_space<vmem>>, vector<16xi32>,
      %mul3A_507 = arith.constant 16 : i32
      %mul3A_508 = arith.muli %scan3A_486, %mul3A_507 : i32
      %mul3A_509 = arith.constant 16 : i32
      %mul3A_510 = arith.muli %mul3A_508, %mul3A_509 : i32
      %add3A_511 = arith.constant 12288 : i32
      %add3A_512 = arith.addi %add3A_511, %mul3A_510 : i32
      %add3A_513 = arith.constant 32 : i32
      %add3A_514 = arith.addi %add3A_512, %add3A_513 : i32
      %get3A_515 = arith.index_cast %add3A_514 : i32 to index
      %get3A_516 = tpu.vector_load %arg6[%get3A_515] {strides = array<i32>} : memref<16384xi32, #tpu.memory_space<vmem>>, vector<16xi32>,
      %mul3A_517 = arith.constant 16 : i32
      %mul3A_518 = arith.muli %scan3A_486, %mul3A_517 : i32
      %mul3A_519 = arith.constant 16 : i32
      %mul3A_520 = arith.muli %mul3A_518, %mul3A_519 : i32
      %add3A_521 = arith.constant 12288 : i32
      %add3A_522 = arith.addi %add3A_521, %mul3A_520 : i32
      %add3A_523 = arith.constant 48 : i32
      %add3A_524 = arith.addi %add3A_522, %add3A_523 : i32
      %get3A_525 = arith.index_cast %add3A_524 : i32 to index
      %get3A_526 = tpu.vector_load %arg6[%get3A_525] {strides = array<i32>} : memref<16384xi32, #tpu.memory_space<vmem>>, vector<16xi32>,
      %mul3A_527 = arith.constant 16 : i32
      %mul3A_528 = arith.muli %scan3A_486, %mul3A_527 : i32
      %mul3A_529 = arith.constant 16 : i32
      %mul3A_530 = arith.muli %mul3A_528, %mul3A_529 : i32
      %add3A_531 = arith.constant 12288 : i32
      %add3A_532 = arith.addi %add3A_531, %mul3A_530 : i32
      %add3A_533 = arith.constant 64 : i32
      %add3A_534 = arith.addi %add3A_532, %add3A_533 : i32
      %get3A_535 = arith.index_cast %add3A_534 : i32 to index
      %get3A_536 = tpu.vector_load %arg6[%get3A_535] {strides = array<i32>} : memref<16384xi32, #tpu.memory_space<vmem>>, vector<16xi32>,
      %mul3A_537 = arith.constant 16 : i32
      %mul3A_538 = arith.muli %scan3A_486, %mul3A_537 : i32
      %mul3A_539 = arith.constant 16 : i32
      %mul3A_540 = arith.muli %mul3A_538, %mul3A_539 : i32
      %add3A_541 = arith.constant 12288 : i32
      %add3A_542 = arith.addi %add3A_541, %mul3A_540 : i32
      %add3A_543 = arith.constant 80 : i32
      %add3A_544 = arith.addi %add3A_542, %add3A_543 : i32
      %get3A_545 = arith.index_cast %add3A_544 : i32 to index
      %get3A_546 = tpu.vector_load %arg6[%get3A_545] {strides = array<i32>} : memref<16384xi32, #tpu.memory_space<vmem>>, vector<16xi32>,
      %mul3A_547 = arith.constant 16 : i32
      %mul3A_548 = arith.muli %scan3A_486, %mul3A_547 : i32
      %mul3A_549 = arith.constant 16 : i32
      %mul3A_550 = arith.muli %mul3A_548, %mul3A_549 : i32
      %add3A_551 = arith.constant 12288 : i32
      %add3A_552 = arith.addi %add3A_551, %mul3A_550 : i32
      %add3A_553 = arith.constant 96 : i32
      %add3A_554 = arith.addi %add3A_552, %add3A_553 : i32
      %get3A_555 = arith.index_cast %add3A_554 : i32 to index
      %get3A_556 = tpu.vector_load %arg6[%get3A_555] {strides = array<i32>} : memref<16384xi32, #tpu.memory_space<vmem>>, vector<16xi32>,
      %mul3A_557 = arith.constant 16 : i32
      %mul3A_558 = arith.muli %scan3A_486, %mul3A_557 : i32
      %mul3A_559 = arith.constant 16 : i32
      %mul3A_560 = arith.muli %mul3A_558, %mul3A_559 : i32
      %add3A_561 = arith.constant 12288 : i32
      %add3A_562 = arith.addi %add3A_561, %mul3A_560 : i32
      %add3A_563 = arith.constant 112 : i32
      %add3A_564 = arith.addi %add3A_562, %add3A_563 : i32
      %get3A_565 = arith.index_cast %add3A_564 : i32 to index
      %get3A_566 = tpu.vector_load %arg6[%get3A_565] {strides = array<i32>} : memref<16384xi32, #tpu.memory_space<vmem>>, vector<16xi32>,
      %mul3A_567 = arith.constant 16 : i32
      %mul3A_568 = arith.muli %scan3A_486, %mul3A_567 : i32
      %mul3A_569 = arith.constant 16 : i32
      %mul3A_570 = arith.muli %mul3A_568, %mul3A_569 : i32
      %add3A_571 = arith.constant 12288 : i32
      %add3A_572 = arith.addi %add3A_571, %mul3A_570 : i32
      %add3A_573 = arith.constant 128 : i32
      %add3A_574 = arith.addi %add3A_572, %add3A_573 : i32
      %get3A_575 = arith.index_cast %add3A_574 : i32 to index
      %get3A_576 = tpu.vector_load %arg6[%get3A_575] {strides = array<i32>} : memref<16384xi32, #tpu.memory_space<vmem>>, vector<16xi32>,
      %mul3A_577 = arith.constant 16 : i32
      %mul3A_578 = arith.muli %scan3A_486, %mul3A_577 : i32
      %mul3A_579 = arith.constant 16 : i32
      %mul3A_580 = arith.muli %mul3A_578, %mul3A_579 : i32
      %add3A_581 = arith.constant 12288 : i32
      %add3A_582 = arith.addi %add3A_581, %mul3A_580 : i32
      %add3A_583 = arith.constant 144 : i32
      %add3A_584 = arith.addi %add3A_582, %add3A_583 : i32
      %get3A_585 = arith.index_cast %add3A_584 : i32 to index
      %get3A_586 = tpu.vector_load %arg6[%get3A_585] {strides = array<i32>} : memref<16384xi32, #tpu.memory_space<vmem>>, vector<16xi32>,
      %mul3A_587 = arith.constant 16 : i32
      %mul3A_588 = arith.muli %scan3A_486, %mul3A_587 : i32
      %mul3A_589 = arith.constant 16 : i32
      %mul3A_590 = arith.muli %mul3A_588, %mul3A_589 : i32
      %add3A_591 = arith.constant 12288 : i32
      %add3A_592 = arith.addi %add3A_591, %mul3A_590 : i32
      %add3A_593 = arith.constant 160 : i32
      %add3A_594 = arith.addi %add3A_592, %add3A_593 : i32
      %get3A_595 = arith.index_cast %add3A_594 : i32 to index
      %get3A_596 = tpu.vector_load %arg6[%get3A_595] {strides = array<i32>} : memref<16384xi32, #tpu.memory_space<vmem>>, vector<16xi32>,
      %mul3A_597 = arith.constant 16 : i32
      %mul3A_598 = arith.muli %scan3A_486, %mul3A_597 : i32
      %mul3A_599 = arith.constant 16 : i32
      %mul3A_600 = arith.muli %mul3A_598, %mul3A_599 : i32
      %add3A_601 = arith.constant 12288 : i32
      %add3A_602 = arith.addi %add3A_601, %mul3A_600 : i32
      %add3A_603 = arith.constant 176 : i32
      %add3A_604 = arith.addi %add3A_602, %add3A_603 : i32
      %get3A_605 = arith.index_cast %add3A_604 : i32 to index
      %get3A_606 = tpu.vector_load %arg6[%get3A_605] {strides = array<i32>} : memref<16384xi32, #tpu.memory_space<vmem>>, vector<16xi32>,
      %mul3A_607 = arith.constant 16 : i32
      %mul3A_608 = arith.muli %scan3A_486, %mul3A_607 : i32
      %mul3A_609 = arith.constant 16 : i32
      %mul3A_610 = arith.muli %mul3A_608, %mul3A_609 : i32
      %add3A_611 = arith.constant 12288 : i32
      %add3A_612 = arith.addi %add3A_611, %mul3A_610 : i32
      %add3A_613 = arith.constant 192 : i32
      %add3A_614 = arith.addi %add3A_612, %add3A_613 : i32
      %get3A_615 = arith.index_cast %add3A_614 : i32 to index
      %get3A_616 = tpu.vector_load %arg6[%get3A_615] {strides = array<i32>} : memref<16384xi32, #tpu.memory_space<vmem>>, vector<16xi32>,
      %mul3A_617 = arith.constant 16 : i32
      %mul3A_618 = arith.muli %scan3A_486, %mul3A_617 : i32
      %mul3A_619 = arith.constant 16 : i32
      %mul3A_620 = arith.muli %mul3A_618, %mul3A_619 : i32
      %add3A_621 = arith.constant 12288 : i32
      %add3A_622 = arith.addi %add3A_621, %mul3A_620 : i32
      %add3A_623 = arith.constant 208 : i32
      %add3A_624 = arith.addi %add3A_622, %add3A_623 : i32
      %get3A_625 = arith.index_cast %add3A_624 : i32 to index
      %get3A_626 = tpu.vector_load %arg6[%get3A_625] {strides = array<i32>} : memref<16384xi32, #tpu.memory_space<vmem>>, vector<16xi32>,
      %mul3A_627 = arith.constant 16 : i32
      %mul3A_628 = arith.muli %scan3A_486, %mul3A_627 : i32
      %mul3A_629 = arith.constant 16 : i32
      %mul3A_630 = arith.muli %mul3A_628, %mul3A_629 : i32
      %add3A_631 = arith.constant 12288 : i32
      %add3A_632 = arith.addi %add3A_631, %mul3A_630 : i32
      %add3A_633 = arith.constant 224 : i32
      %add3A_634 = arith.addi %add3A_632, %add3A_633 : i32
      %get3A_635 = arith.index_cast %add3A_634 : i32 to index
      %get3A_636 = tpu.vector_load %arg6[%get3A_635] {strides = array<i32>} : memref<16384xi32, #tpu.memory_space<vmem>>, vector<16xi32>,
      %mul3A_637 = arith.constant 16 : i32
      %mul3A_638 = arith.muli %scan3A_486, %mul3A_637 : i32
      %mul3A_639 = arith.constant 16 : i32
      %mul3A_640 = arith.muli %mul3A_638, %mul3A_639 : i32
      %add3A_641 = arith.constant 12288 : i32
      %add3A_642 = arith.addi %add3A_641, %mul3A_640 : i32
      %add3A_643 = arith.constant 240 : i32
      %add3A_644 = arith.addi %add3A_642, %add3A_643 : i32
      %get3A_645 = arith.index_cast %add3A_644 : i32 to index
      %get3A_646 = tpu.vector_load %arg6[%get3A_645] {strides = array<i32>} : memref<16384xi32, #tpu.memory_space<vmem>>, vector<16xi32>,
      %gather3A_647 = tpu.vector_load_idx %arg5[%broadcast_in_dim3A_1, %get3A_496] : memref<1x100000xf32, #tpu.memory_space<vmem>>[vector<16xi32>, vector<16xi32>], vector<16xf32>,
      %gather3A_648 = tpu.vector_load_idx %arg5[%broadcast_in_dim3A_1, %get3A_506] : memref<1x100000xf32, #tpu.memory_space<vmem>>[vector<16xi32>, vector<16xi32>], vector<16xf32>,
      %gather3A_649 = tpu.vector_load_idx %arg5[%broadcast_in_dim3A_1, %get3A_516] : memref<1x100000xf32, #tpu.memory_space<vmem>>[vector<16xi32>, vector<16xi32>], vector<16xf32>,
      %gather3A_650 = tpu.vector_load_idx %arg5[%broadcast_in_dim3A_1, %get3A_526] : memref<1x100000xf32, #tpu.memory_space<vmem>>[vector<16xi32>, vector<16xi32>], vector<16xf32>,
      %gather3A_651 = tpu.vector_load_idx %arg5[%broadcast_in_dim3A_1, %get3A_536] : memref<1x100000xf32, #tpu.memory_space<vmem>>[vector<16xi32>, vector<16xi32>], vector<16xf32>,
      %gather3A_652 = tpu.vector_load_idx %arg5[%broadcast_in_dim3A_1, %get3A_546] : memref<1x100000xf32, #tpu.memory_space<vmem>>[vector<16xi32>, vector<16xi32>], vector<16xf32>,
      %gather3A_653 = tpu.vector_load_idx %arg5[%broadcast_in_dim3A_1, %get3A_556] : memref<1x100000xf32, #tpu.memory_space<vmem>>[vector<16xi32>, vector<16xi32>], vector<16xf32>,
      %gather3A_654 = tpu.vector_load_idx %arg5[%broadcast_in_dim3A_1, %get3A_566] : memref<1x100000xf32, #tpu.memory_space<vmem>>[vector<16xi32>, vector<16xi32>], vector<16xf32>,
      %gather3A_655 = tpu.vector_load_idx %arg5[%broadcast_in_dim3A_1, %get3A_576] : memref<1x100000xf32, #tpu.memory_space<vmem>>[vector<16xi32>, vector<16xi32>], vector<16xf32>,
      %gather3A_656 = tpu.vector_load_idx %arg5[%broadcast_in_dim3A_1, %get3A_586] : memref<1x100000xf32, #tpu.memory_space<vmem>>[vector<16xi32>, vector<16xi32>], vector<16xf32>,
      %gather3A_657 = tpu.vector_load_idx %arg5[%broadcast_in_dim3A_1, %get3A_596] : memref<1x100000xf32, #tpu.memory_space<vmem>>[vector<16xi32>, vector<16xi32>], vector<16xf32>,
      %gather3A_658 = tpu.vector_load_idx %arg5[%broadcast_in_dim3A_1, %get3A_606] : memref<1x100000xf32, #tpu.memory_space<vmem>>[vector<16xi32>, vector<16xi32>], vector<16xf32>,
      %gather3A_659 = tpu.vector_load_idx %arg5[%broadcast_in_dim3A_1, %get3A_616] : memref<1x100000xf32, #tpu.memory_space<vmem>>[vector<16xi32>, vector<16xi32>], vector<16xf32>,
      %gather3A_660 = tpu.vector_load_idx %arg5[%broadcast_in_dim3A_1, %get3A_626] : memref<1x100000xf32, #tpu.memory_space<vmem>>[vector<16xi32>, vector<16xi32>], vector<16xf32>,
      %gather3A_661 = tpu.vector_load_idx %arg5[%broadcast_in_dim3A_1, %get3A_636] : memref<1x100000xf32, #tpu.memory_space<vmem>>[vector<16xi32>, vector<16xi32>], vector<16xf32>,
      %gather3A_662 = tpu.vector_load_idx %arg5[%broadcast_in_dim3A_1, %get3A_646] : memref<1x100000xf32, #tpu.memory_space<vmem>>[vector<16xi32>, vector<16xi32>], vector<16xf32>,
      %mul3A_663 = arith.constant 16 : i32
      %mul3A_664 = arith.muli %scan3A_486, %mul3A_663 : i32
      %mul3A_665 = arith.constant 16 : i32
      %mul3A_666 = arith.muli %mul3A_664, %mul3A_665 : i32
      %add3A_667 = arith.constant 0 : i32
      %add3A_668 = arith.addi %mul3A_666, %add3A_667 : i32
      %swap3A_669 = arith.constant 0 : i32
      %swap3A_670 = arith.index_cast %swap3A_669 : i32 to index
      %swap3A_671 = arith.index_cast %add3A_668 : i32 to index
      %swap3A_672 = tpu.vector_load %arg8[%swap3A_670, %swap3A_671] {strides = array<i32>} : memref<1x4096xf32, #tpu.memory_space<vmem>>, vector<16xf32>,
      tpu.vector_store %arg8[%swap3A_670, %swap3A_671], %gather3A_647 {strides = array<i32>} : memref<1x4096xf32, #tpu.memory_space<vmem>>, vector<16xf32>,
      %mul3A_673 = arith.constant 16 : i32
      %mul3A_674 = arith.muli %scan3A_486, %mul3A_673 : i32
      %mul3A_675 = arith.constant 16 : i32
      %mul3A_676 = arith.muli %mul3A_674, %mul3A_675 : i32
      %add3A_677 = arith.constant 16 : i32
      %add3A_678 = arith.addi %mul3A_676, %add3A_677 : i32
      %swap3A_679 = arith.constant 0 : i32
      %swap3A_680 = arith.index_cast %swap3A_679 : i32 to index
      %swap3A_681 = arith.index_cast %add3A_678 : i32 to index
      %swap3A_682 = tpu.vector_load %arg8[%swap3A_680, %swap3A_681] {strides = array<i32>} : memref<1x4096xf32, #tpu.memory_space<vmem>>, vector<16xf32>,
      tpu.vector_store %arg8[%swap3A_680, %swap3A_681], %gather3A_648 {strides = array<i32>} : memref<1x4096xf32, #tpu.memory_space<vmem>>, vector<16xf32>,
      %mul3A_683 = arith.constant 16 : i32
      %mul3A_684 = arith.muli %scan3A_486, %mul3A_683 : i32
      %mul3A_685 = arith.constant 16 : i32
      %mul3A_686 = arith.muli %mul3A_684, %mul3A_685 : i32
      %add3A_687 = arith.constant 32 : i32
      %add3A_688 = arith.addi %mul3A_686, %add3A_687 : i32
      %swap3A_689 = arith.constant 0 : i32
      %swap3A_690 = arith.index_cast %swap3A_689 : i32 to index
      %swap3A_691 = arith.index_cast %add3A_688 : i32 to index
      %swap3A_692 = tpu.vector_load %arg8[%swap3A_690, %swap3A_691] {strides = array<i32>} : memref<1x4096xf32, #tpu.memory_space<vmem>>, vector<16xf32>,
      tpu.vector_store %arg8[%swap3A_690, %swap3A_691], %gather3A_649 {strides = array<i32>} : memref<1x4096xf32, #tpu.memory_space<vmem>>, vector<16xf32>,
      %mul3A_693 = arith.constant 16 : i32
      %mul3A_694 = arith.muli %scan3A_486, %mul3A_693 : i32
      %mul3A_695 = arith.constant 16 : i32
      %mul3A_696 = arith.muli %mul3A_694, %mul3A_695 : i32
      %add3A_697 = arith.constant 48 : i32
      %add3A_698 = arith.addi %mul3A_696, %add3A_697 : i32
      %swap3A_699 = arith.constant 0 : i32
      %swap3A_700 = arith.index_cast %swap3A_699 : i32 to index
      %swap3A_701 = arith.index_cast %add3A_698 : i32 to index
      %swap3A_702 = tpu.vector_load %arg8[%swap3A_700, %swap3A_701] {strides = array<i32>} : memref<1x4096xf32, #tpu.memory_space<vmem>>, vector<16xf32>,
      tpu.vector_store %arg8[%swap3A_700, %swap3A_701], %gather3A_650 {strides = array<i32>} : memref<1x4096xf32, #tpu.memory_space<vmem>>, vector<16xf32>,
      %mul3A_703 = arith.constant 16 : i32
      %mul3A_704 = arith.muli %scan3A_486, %mul3A_703 : i32
      %mul3A_705 = arith.constant 16 : i32
      %mul3A_706 = arith.muli %mul3A_704, %mul3A_705 : i32
      %add3A_707 = arith.constant 64 : i32
      %add3A_708 = arith.addi %mul3A_706, %add3A_707 : i32
      %swap3A_709 = arith.constant 0 : i32
      %swap3A_710 = arith.index_cast %swap3A_709 : i32 to index
      %swap3A_711 = arith.index_cast %add3A_708 : i32 to index
      %swap3A_712 = tpu.vector_load %arg8[%swap3A_710, %swap3A_711] {strides = array<i32>} : memref<1x4096xf32, #tpu.memory_space<vmem>>, vector<16xf32>,
      tpu.vector_store %arg8[%swap3A_710, %swap3A_711], %gather3A_651 {strides = array<i32>} : memref<1x4096xf32, #tpu.memory_space<vmem>>, vector<16xf32>,
      %mul3A_713 = arith.constant 16 : i32
      %mul3A_714 = arith.muli %scan3A_486, %mul3A_713 : i32
      %mul3A_715 = arith.constant 16 : i32
      %mul3A_716 = arith.muli %mul3A_714, %mul3A_715 : i32
      %add3A_717 = arith.constant 80 : i32
      %add3A_718 = arith.addi %mul3A_716, %add3A_717 : i32
      %swap3A_719 = arith.constant 0 : i32
      %swap3A_720 = arith.index_cast %swap3A_719 : i32 to index
      %swap3A_721 = arith.index_cast %add3A_718 : i32 to index
      %swap3A_722 = tpu.vector_load %arg8[%swap3A_720, %swap3A_721] {strides = array<i32>} : memref<1x4096xf32, #tpu.memory_space<vmem>>, vector<16xf32>,
      tpu.vector_store %arg8[%swap3A_720, %swap3A_721], %gather3A_652 {strides = array<i32>} : memref<1x4096xf32, #tpu.memory_space<vmem>>, vector<16xf32>,
      %mul3A_723 = arith.constant 16 : i32
      %mul3A_724 = arith.muli %scan3A_486, %mul3A_723 : i32
      %mul3A_725 = arith.constant 16 : i32
      %mul3A_726 = arith.muli %mul3A_724, %mul3A_725 : i32
      %add3A_727 = arith.constant 96 : i32
      %add3A_728 = arith.addi %mul3A_726, %add3A_727 : i32
      %swap3A_729 = arith.constant 0 : i32
      %swap3A_730 = arith.index_cast %swap3A_729 : i32 to index
      %swap3A_731 = arith.index_cast %add3A_728 : i32 to index
      %swap3A_732 = tpu.vector_load %arg8[%swap3A_730, %swap3A_731] {strides = array<i32>} : memref<1x4096xf32, #tpu.memory_space<vmem>>, vector<16xf32>,
      tpu.vector_store %arg8[%swap3A_730, %swap3A_731], %gather3A_653 {strides = array<i32>} : memref<1x4096xf32, #tpu.memory_space<vmem>>, vector<16xf32>,
      %mul3A_733 = arith.constant 16 : i32
      %mul3A_734 = arith.muli %scan3A_486, %mul3A_733 : i32
      %mul3A_735 = arith.constant 16 : i32
      %mul3A_736 = arith.muli %mul3A_734, %mul3A_735 : i32
      %add3A_737 = arith.constant 112 : i32
      %add3A_738 = arith.addi %mul3A_736, %add3A_737 : i32
      %swap3A_739 = arith.constant 0 : i32
      %swap3A_740 = arith.index_cast %swap3A_739 : i32 to index
      %swap3A_741 = arith.index_cast %add3A_738 : i32 to index
      %swap3A_742 = tpu.vector_load %arg8[%swap3A_740, %swap3A_741] {strides = array<i32>} : memref<1x4096xf32, #tpu.memory_space<vmem>>, vector<16xf32>,
      tpu.vector_store %arg8[%swap3A_740, %swap3A_741], %gather3A_654 {strides = array<i32>} : memref<1x4096xf32, #tpu.memory_space<vmem>>, vector<16xf32>,
      %mul3A_743 = arith.constant 16 : i32
      %mul3A_744 = arith.muli %scan3A_486, %mul3A_743 : i32
      %mul3A_745 = arith.constant 16 : i32
      %mul3A_746 = arith.muli %mul3A_744, %mul3A_745 : i32
      %add3A_747 = arith.constant 128 : i32
      %add3A_748 = arith.addi %mul3A_746, %add3A_747 : i32
      %swap3A_749 = arith.constant 0 : i32
      %swap3A_750 = arith.index_cast %swap3A_749 : i32 to index
      %swap3A_751 = arith.index_cast %add3A_748 : i32 to index
      %swap3A_752 = tpu.vector_load %arg8[%swap3A_750, %swap3A_751] {strides = array<i32>} : memref<1x4096xf32, #tpu.memory_space<vmem>>, vector<16xf32>,
      tpu.vector_store %arg8[%swap3A_750, %swap3A_751], %gather3A_655 {strides = array<i32>} : memref<1x4096xf32, #tpu.memory_space<vmem>>, vector<16xf32>,
      %mul3A_753 = arith.constant 16 : i32
      %mul3A_754 = arith.muli %scan3A_486, %mul3A_753 : i32
      %mul3A_755 = arith.constant 16 : i32
      %mul3A_756 = arith.muli %mul3A_754, %mul3A_755 : i32
      %add3A_757 = arith.constant 144 : i32
      %add3A_758 = arith.addi %mul3A_756, %add3A_757 : i32
      %swap3A_759 = arith.constant 0 : i32
      %swap3A_760 = arith.index_cast %swap3A_759 : i32 to index
      %swap3A_761 = arith.index_cast %add3A_758 : i32 to index
      %swap3A_762 = tpu.vector_load %arg8[%swap3A_760, %swap3A_761] {strides = array<i32>} : memref<1x4096xf32, #tpu.memory_space<vmem>>, vector<16xf32>,
      tpu.vector_store %arg8[%swap3A_760, %swap3A_761], %gather3A_656 {strides = array<i32>} : memref<1x4096xf32, #tpu.memory_space<vmem>>, vector<16xf32>,
      %mul3A_763 = arith.constant 16 : i32
      %mul3A_764 = arith.muli %scan3A_486, %mul3A_763 : i32
      %mul3A_765 = arith.constant 16 : i32
      %mul3A_766 = arith.muli %mul3A_764, %mul3A_765 : i32
      %add3A_767 = arith.constant 160 : i32
      %add3A_768 = arith.addi %mul3A_766, %add3A_767 : i32
      %swap3A_769 = arith.constant 0 : i32
      %swap3A_770 = arith.index_cast %swap3A_769 : i32 to index
      %swap3A_771 = arith.index_cast %add3A_768 : i32 to index
      %swap3A_772 = tpu.vector_load %arg8[%swap3A_770, %swap3A_771] {strides = array<i32>} : memref<1x4096xf32, #tpu.memory_space<vmem>>, vector<16xf32>,
      tpu.vector_store %arg8[%swap3A_770, %swap3A_771], %gather3A_657 {strides = array<i32>} : memref<1x4096xf32, #tpu.memory_space<vmem>>, vector<16xf32>,
      %mul3A_773 = arith.constant 16 : i32
      %mul3A_774 = arith.muli %scan3A_486, %mul3A_773 : i32
      %mul3A_775 = arith.constant 16 : i32
      %mul3A_776 = arith.muli %mul3A_774, %mul3A_775 : i32
      %add3A_777 = arith.constant 176 : i32
      %add3A_778 = arith.addi %mul3A_776, %add3A_777 : i32
      %swap3A_779 = arith.constant 0 : i32
      %swap3A_780 = arith.index_cast %swap3A_779 : i32 to index
      %swap3A_781 = arith.index_cast %add3A_778 : i32 to index
      %swap3A_782 = tpu.vector_load %arg8[%swap3A_780, %swap3A_781] {strides = array<i32>} : memref<1x4096xf32, #tpu.memory_space<vmem>>, vector<16xf32>,
      tpu.vector_store %arg8[%swap3A_780, %swap3A_781], %gather3A_658 {strides = array<i32>} : memref<1x4096xf32, #tpu.memory_space<vmem>>, vector<16xf32>,
      %mul3A_783 = arith.constant 16 : i32
      %mul3A_784 = arith.muli %scan3A_486, %mul3A_783 : i32
      %mul3A_785 = arith.constant 16 : i32
      %mul3A_786 = arith.muli %mul3A_784, %mul3A_785 : i32
      %add3A_787 = arith.constant 192 : i32
      %add3A_788 = arith.addi %mul3A_786, %add3A_787 : i32
      %swap3A_789 = arith.constant 0 : i32
      %swap3A_790 = arith.index_cast %swap3A_789 : i32 to index
      %swap3A_791 = arith.index_cast %add3A_788 : i32 to index
      %swap3A_792 = tpu.vector_load %arg8[%swap3A_790, %swap3A_791] {strides = array<i32>} : memref<1x4096xf32, #tpu.memory_space<vmem>>, vector<16xf32>,
      tpu.vector_store %arg8[%swap3A_790, %swap3A_791], %gather3A_659 {strides = array<i32>} : memref<1x4096xf32, #tpu.memory_space<vmem>>, vector<16xf32>,
      %mul3A_793 = arith.constant 16 : i32
      %mul3A_794 = arith.muli %scan3A_486, %mul3A_793 : i32
      %mul3A_795 = arith.constant 16 : i32
      %mul3A_796 = arith.muli %mul3A_794, %mul3A_795 : i32
      %add3A_797 = arith.constant 208 : i32
      %add3A_798 = arith.addi %mul3A_796, %add3A_797 : i32
      %swap3A_799 = arith.constant 0 : i32
      %swap3A_800 = arith.index_cast %swap3A_799 : i32 to index
      %swap3A_801 = arith.index_cast %add3A_798 : i32 to index
      %swap3A_802 = tpu.vector_load %arg8[%swap3A_800, %swap3A_801] {strides = array<i32>} : memref<1x4096xf32, #tpu.memory_space<vmem>>, vector<16xf32>,
      tpu.vector_store %arg8[%swap3A_800, %swap3A_801], %gather3A_660 {strides = array<i32>} : memref<1x4096xf32, #tpu.memory_space<vmem>>, vector<16xf32>,
      %mul3A_803 = arith.constant 16 : i32
      %mul3A_804 = arith.muli %scan3A_486, %mul3A_803 : i32
      %mul3A_805 = arith.constant 16 : i32
      %mul3A_806 = arith.muli %mul3A_804, %mul3A_805 : i32
      %add3A_807 = arith.constant 224 : i32
      %add3A_808 = arith.addi %mul3A_806, %add3A_807 : i32
      %swap3A_809 = arith.constant 0 : i32
      %swap3A_810 = arith.index_cast %swap3A_809 : i32 to index
      %swap3A_811 = arith.index_cast %add3A_808 : i32 to index
      %swap3A_812 = tpu.vector_load %arg8[%swap3A_810, %swap3A_811] {strides = array<i32>} : memref<1x4096xf32, #tpu.memory_space<vmem>>, vector<16xf32>,
      tpu.vector_store %arg8[%swap3A_810, %swap3A_811], %gather3A_661 {strides = array<i32>} : memref<1x4096xf32, #tpu.memory_space<vmem>>, vector<16xf32>,
      %mul3A_813 = arith.constant 16 : i32
      %mul3A_814 = arith.muli %scan3A_486, %mul3A_813 : i32
      %mul3A_815 = arith.constant 16 : i32
      %mul3A_816 = arith.muli %mul3A_814, %mul3A_815 : i32
      %add3A_817 = arith.constant 240 : i32
      %add3A_818 = arith.addi %mul3A_816, %add3A_817 : i32
      %swap3A_819 = arith.constant 0 : i32
      %swap3A_820 = arith.index_cast %swap3A_819 : i32 to index
      %swap3A_821 = arith.index_cast %add3A_818 : i32 to index
      %swap3A_822 = tpu.vector_load %arg8[%swap3A_820, %swap3A_821] {strides = array<i32>} : memref<1x4096xf32, #tpu.memory_space<vmem>>, vector<16xf32>,
      tpu.vector_store %arg8[%swap3A_820, %swap3A_821], %gather3A_662 {strides = array<i32>} : memref<1x4096xf32, #tpu.memory_space<vmem>>, vector<16xf32>,
    }
    %scan3A_134 = arith.constant 16 : i32
    %dma_start3A_135 = arith.constant 12288 : i32
    %dma_start3A_136 = tpu.memref_slice %arg4[%add3A_66, %dma_start3A_135] : memref<64x16384xf32, #tpu.memory_space<hbm>> -> memref<1x4096xf32, #tpu.memory_space<hbm>>
    %dma_start3A_137 = arith.constant 12288 : i32
    %dma_start3A_138 = tpu.memref_slice %arg4[%add3A_66, %dma_start3A_137] : memref<64x16384xf32, #tpu.memory_space<hbm>> -> memref<1x4096xf32, #tpu.memory_space<hbm>>
    tpu.enqueue_dma source(%arg8 : memref<1x4096xf32, #tpu.memory_space<vmem>>) target(%dma_start3A_138 : memref<1x4096xf32, #tpu.memory_space<hbm>>) target_semaphore(%arg10 : memref<!tpu.dma_semaphore, #tpu.memory_space<semaphore_mem>>)
    %dma_wait3A_139 = arith.constant 0 : i32
    %dma_wait3A_140 = arith.constant 0 : i32
    %dma_wait3A_141 = tpu.memref_slice %arg4[%dma_wait3A_139, %dma_wait3A_140] : memref<64x16384xf32, #tpu.memory_space<hbm>> -> memref<1x4096xf32, #tpu.memory_space<hbm>>
    %dma_wait3A_142 = arith.constant 0 : i32
    %dma_wait3A_143 = arith.constant 0 : i32
    %dma_wait3A_144 = tpu.memref_slice %arg4[%dma_wait3A_142, %dma_wait3A_143] : memref<64x16384xf32, #tpu.memory_space<hbm>> -> memref<1x4096xf32, #tpu.memory_space<hbm>>
    tpu.wait_dma2 semaphore(%arg10 : memref<!tpu.dma_semaphore, #tpu.memory_space<semaphore_mem>>) src(%arg7 : memref<1x4096xf32, #tpu.memory_space<vmem>>) dst(%dma_wait3A_144 : memref<1x4096xf32, #tpu.memory_space<hbm>>)
    %dma_wait3A_145 = arith.constant 0 : i32
    %dma_wait3A_146 = arith.constant 0 : i32
    %dma_wait3A_147 = tpu.memref_slice %arg4[%dma_wait3A_145, %dma_wait3A_146] : memref<64x16384xf32, #tpu.memory_space<hbm>> -> memref<1x4096xf32, #tpu.memory_space<hbm>>
    %dma_wait3A_148 = arith.constant 0 : i32
    %dma_wait3A_149 = arith.constant 0 : i32
    %dma_wait3A_150 = tpu.memref_slice %arg4[%dma_wait3A_148, %dma_wait3A_149] : memref<64x16384xf32, #tpu.memory_space<hbm>> -> memref<1x4096xf32, #tpu.memory_space<hbm>>
    tpu.wait_dma2 semaphore(%arg10 : memref<!tpu.dma_semaphore, #tpu.memory_space<semaphore_mem>>) src(%arg8 : memref<1x4096xf32, #tpu.memory_space<vmem>>) dst(%dma_wait3A_150 : memref<1x4096xf32, #tpu.memory_space<hbm>>)
    return
  }
}

</mosaic_0001>

<sc_bundles>
// kernel: kernel.3.cloned.1.call-start
scs
__scs_entry_jumppad:
0x0: {  	(pc) =	sbr.rel $0x88, $3  }
0x1: {  	(tag) =	ssettag $0x0;
	lr =	simm.s32 $0x1  }
0x2: {  	[smem:$0x3F9F] =	sst lr;
	_ =	strace $0xD0000000  }
0x3: {  	_ = 	snop  }
0x4: {  	_ = 	snop  }
0x5: {  	_ = 	snop  }
0x6: {  	_ = 	snop  }
0x7: {  	_ = 	snop  }
__scs_overlays_trampoline_lowered:
0x8: {  	[smem:$0x3FAE] =	sst s0  }
0x9: {  	[smem:$0x3FAF] =	sst s1  }
0xa: {  	[smem:$0x3FB0] =	sst s2  }
0xb: {  	[smem:$0x3FB1] =	sst s3  }
0xc: {  	[smem:$0x3FB2] =	sst s4  }
0xd: {  	[smem:$0x3FB3] =	sst s5  }
0xe: {  	[smem:$0x3FB4] =	sst s6  }
0xf: {  	[smem:$0x3FB5] =	sst s7  }
0x10: {  	[smem:$0x3FB6] =	sst s8  }
0x11: {  	[smem:$0x3FB7] =	sst s9;
	s0 =	simm.s32 @!p0 $0x0  }
0x12: {  	s1 =	sld [smem:$0x3F9D];
	s0 =	simm.s32 @p0 $0x1  }
0x13: {  	[smem:$0x3FB8] =	sst s0;
	s0 =	simm.s32 @!p1 $0x0  }
0x14: {  	s2 =	sld [smem:$0x3F9C];
	s0 =	simm.s32 @p1 $0x1  }
0x15: {  	[smem:$0x3FB9] =	sst s0;
	s0 =	simm.s32 @!p2 $0x0  }
0x16: {  	s3 =	sld [smem:$0x3FDB];
	s0 =	simm.s32 @p2 $0x1  }
0x17: {  	s4 =	simm.s32 $0x1BF5;
	[smem:$0x3FBB] =	sst s0  }
0x18: {  	s0 =	sld [smem:$0x3F9E];
	_ =	swait.ge [sflag:s4], $0x0  }
0x19: {  	s7 =	sld [smem:$0x3F9F]  }
0x1a: {  	s8 =	sadd.s32 $0xFFFFE003, lr  }
0x1b: {  	s9 =	sadd.s32 $0xFFFFFEF7, lr;
	s5 =	simm.s32 $0xFFFFFFFF;
	p2 =	slt.u32 s8, $0xFFFFF086  }
0x1c: {  	p1 =	slt.u32 s9, $0xF7A;
	s5 =	simm.s32 @!p2 $0x0  }
0x1d: {  	s5 =	simm.s32 @p1 $0x1;
	p0 =	seq.s32 s7, s2  }
0x1e: {  	s7 =	smul.u32 @!p0 $0xF7A, s2;
	p2 =	seq.s32 @!p0 s5, $0x0  }
0x1f: {  	s9 =	smul.u32 $0xF7A, s1;
	s8 =	simm.s32 @!p0 $0x1BF5;
	p2 =	por !p2, p0  }
0x20: {  	[sflag:s8] =	ssyncset.s32 @!p0 $0xFFFFF086;
	s6 =	sadd.s32 @!p0 s3, s7;
	s7 =	simm.s32 @!p0 $0x108  }
0x21: {  	s3 =	sadd.s32 s3, s9;
	s6 =	sadd.s32 @!p0 $0x88, s6;
	s7 =	simm.s32 @p2 $0x1082  }
0x22: {  	[simem:s7], [sflag:s8] =	dma.local @!p0 [hbm:s6], $0xF7A  }
0x23: {  	s9 =	sor.u32 $0xD0000000, s2;
	s6 =	simm.s32 $0x108;
	_ =	swait.ge @!p0 [sflag:s8], $0x0  }
0x24: {  	s3 =	sadd.s32 $0x88, s3;
	s6 =	simm.s32 @!p1 $0x1082;
	[sflag:s4] =	ssyncset.s32 $0xFFFFF086  }
0x25: {  	[simem:s6], [sflag:s4] =	dma.local [hbm:s3], $0xF7A  }
0x26: {  	[smem:$0x3F9F] =	sst s1;
	(tag) =	ssettag s2;
	_ =	strace s9  }
0x27: {  	s1 =	sld [smem:$0x3FAF]  }
0x28: {  	s2 =	sld [smem:$0x3FB0]  }
0x29: {  	s4 =	sld [smem:$0x3FB2]  }
0x2a: {  	p0 =	seq.s32 s5, $0x0;
	s5 =	sld [smem:$0x3FB3]  }
0x2b: {  	s6 =	sld [smem:$0x3FB4]  }
0x2c: {  	s7 =	sld [smem:$0x3FB5]  }
0x2d: {  	s3 =	simm.s32 $0x108;
	s8 =	sld [smem:$0x3FB6]  }
0x2e: {  	s3 =	simm.s32 @!p0 $0x1082;
	s9 =	sld [smem:$0x3FB7]  }
0x2f: {  	lr =	sadd.s32 s0, s3;
	s0 =	sld [smem:$0x3FAE]  }
0x30: {  	s3 =	sld [smem:$0x3FB1]  }
0x31: {  	[smem:$0x3FBA] =	sst s10  }
0x32: {  	s10 =	sld [smem:$0x3FB8];
	_ =	sdelay $0x3  }
0x33: {  	p0 =	seq.s32 s10, $0x1;
	s10 =	sld [smem:$0x3FBA];
	_ =	sdelay $0x3  }
0x34: {  	[smem:$0x3FBA] =	sst s10  }
0x35: {  	s10 =	sld [smem:$0x3FB9];
	_ =	sdelay $0x3  }
0x36: {  	p1 =	seq.s32 s10, $0x1;
	s10 =	sld [smem:$0x3FBA];
	_ =	sdelay $0x3  }
0x37: {  	[smem:$0x3FBA] =	sst s10  }
0x38: {  	s10 =	sld [smem:$0x3FBB]  }
0x39: {  	_ = 	snop;
	(pc) =	sbr.ind lr, $3  }
0x3a: {  	_ = 	snop  }
0x3b: {  	_ = 	snop  }
0x3c: {  	p2 =	seq.s32 s10, $0x1;
	s10 =	sld [smem:$0x3FBA]  }
0x3d: {  	_ =	shalt  }
0x3e: {  	_ =	shalt  }
0x3f: {  	_ =	shalt  }
0x40: {  	_ =	shalt  }
0x41: {  	_ =	shalt  }
0x42: {  	_ =	shalt  }
0x43: {  	_ =	shalt  }
0x44: {  	_ =	shalt  }
0x45: {  	_ =	shalt  }
0x46: {  	_ =	shalt  }
0x47: {  	_ =	shalt  }
0x48: {  	_ =	shalt  }
0x49: {  	_ =	shalt  }
0x4a: {  	_ =	shalt  }
0x4b: {  	_ =	shalt  }
0x4c: {  	_ =	shalt  }
0x4d: {  	_ =	shalt  }
0x4e: {  	_ =	shalt  }
0x4f: {  	_ =	shalt  }
0x50: {  	_ =	shalt  }
0x51: {  	_ =	shalt  }
0x52: {  	_ =	shalt  }
0x53: {  	_ =	shalt  }
0x54: {  	_ =	shalt  }
0x55: {  	_ =	shalt  }
0x56: {  	_ =	shalt  }
0x57: {  	_ =	shalt  }
0x58: {  	_ =	shalt  }
0x59: {  	_ =	shalt  }
0x5a: {  	_ =	shalt  }
0x5b: {  	_ =	shalt  }
0x5c: {  	_ =	shalt  }
0x5d: {  	_ =	shalt  }
0x5e: {  	_ =	shalt  }
0x5f: {  	_ =	shalt  }
0x60: {  	_ =	shalt  }
0x61: {  	_ =	shalt  }
0x62: {  	_ =	shalt  }
0x63: {  	_ =	shalt  }
0x64: {  	_ =	shalt  }
0x65: {  	_ =	shalt  }
0x66: {  	_ =	shalt  }
0x67: {  	_ =	shalt  }
0x68: {  	_ =	shalt  }
0x69: {  	_ =	shalt  }
0x6a: {  	_ =	shalt  }
0x6b: {  	_ =	shalt  }
0x6c: {  	_ =	shalt  }
0x6d: {  	_ =	shalt  }
0x6e: {  	_ =	shalt  }
0x6f: {  	_ =	shalt  }
0x70: {  	_ =	shalt  }
0x71: {  	_ =	shalt  }
0x72: {  	_ =	shalt  }
0x73: {  	_ =	shalt  }
0x74: {  	_ =	shalt  }
0x75: {  	_ =	shalt  }
0x76: {  	_ =	shalt  }
0x77: {  	_ =	shalt  }
0x78: {  	_ =	shalt  }
0x79: {  	_ =	shalt  }
0x7a: {  	_ =	shalt  }
0x7b: {  	_ =	shalt  }
0x7c: {  	_ =	shalt  }
0x7d: {  	_ =	shalt  }
0x7e: {  	_ =	shalt  }
0x7f: {  	_ =	shalt  }
0x80: {  	_ =	shalt  }
0x81: {  	_ =	shalt  }
0x82: {  	_ =	shalt  }
0x83: {  	_ =	shalt  }
0x84: {  	_ =	shalt  }
0x85: {  	_ =	shalt  }
0x86: {  	_ =	shalt  }
0x87: {  	_ =	shalt  }
.Lfunc_end0:
.L_simem_size_0:
called_computation_lowered:
.L_overlay_start_0:
0x88: {  	s2 =	sld [smem:$0x3FD9]  }
0x89: {  	s3 =	sld [smem:$0x3FFE];
	_ =	sdelay $0x1  }
0x8a: {  	s1 =	srdreg.scid  }
0x8b: {  	s0 =	sand.u32 $0x1, s1  }
0x8c: {  	s18 =	sshll.u32 s0, $0xA;
	s2 =	sadd.s32 s3, s2  }
0x8d: {  	s2 =	sadd.s32 s2, s18  }
0x8e: {  	[smem:$0x3FC6] =	sst s2  }
0x8f: {  	_ = 	snop  }
0x90: {  	s2 =	sld [smem:$0x3FC9]  }
0x91: {  	s19 =	sld [smem:$0x3FC8]  }
0x92: {  	s4 =	sld [smem:$0x3FD0];
	(tm) =	ssettm $0x1  }
0x93: {  	s5 =	sld [smem:$0x3FFB];
	_ =	sdelay $0x3  }
0x94: {  	_ =	strace s5  }
0x95: {  	s5 =	sld [smem:$0x3FFC];
	_ =	sdelay $0x3  }
0x96: {  	_ =	strace s5  }
0x97: {  	s5 =	sld [smem:$0x3FFD];
	_ =	sdelay $0x3  }
0x98: {  	_ =	strace s5  }
0x99: {  	_ =	strace $0x8FFFFFFF  }
0x9a: {  	s20 =	sld [smem:$0x3FDB];
	_ =	sdelay $0x1  }
0x9b: {  	s6 =	simm.s32 $_scs_section_size  }
0x9c: {  	s7 =	simm.s32 $_size__tile_overlayer_lowered;
	s8 =	simm.s32 $_tile_overlayer_lowered  }
0x9d: {  	s23 =	simm.s32 $0x1BFF;
	s22 =	sshll.u32 s8, $0x1;
	s5 =	sadd.s32 s6, s20  }
0x9e: {  	s9 =	simm.s32 $0x0;
	s21 =	sshll.u32 s7, $0x1;
	s7 =	sadd.s32 s22, s5  }
0x9f: {  	[timem:s9], [sflag:s23] =	dma.local [hbm:s7], s21  }
0xa0: {  	_ =	swait.ge [sflag:s23], s21  }
0xa1: {  	s6 =	ssub.s32 $0x0, s21;
	[sflag:s23] =	ssyncset.done $0x0  }
0xa2: {  	[sflag:s23] =	ssyncadd.s32 s6;
	_ =	sdelay $0x1  }
0xa3: {  	s24 =	simm.s32 $0x1B8B  }
0xa4: {  	_ =	swait.ge [sflag:s24], $0x1  }
0xa5: {  	[sflag:s24] =	ssyncset.done $0x0  }
0xa6: {  	s25 =	simm.s32 $0x1B8E;
	[sflag:s24] =	ssyncadd.s32 $0xFFFFFFFF  }
0xa7: {  	s26 =	simm.s32 $execute0_lowered;
	[smem:$0x3FD2] =	sst s25  }
0xa8: {  	s6 =	sshll.u32 s26, $0x1;
	_ =	strace $0x80000046;
	[dreg:$0x1] =	wrdreg $0xFFFFFFFF  }
0xa9: {  	s28 =	simm.s32 $_size_execute0_lowered;
	s5 =	sadd.s32 s5, s6;
	[dreg:$0x0] =	wrdreg $0x0  }
0xaa: {  	s6 =	sshll.u32 s28, $0x1;
	[dreg:$0x2] =	wrdreg s5  }
0xab: {  	[dreg:$0x3] =	wrdreg s6  }
0xac: {  	[dreg:$0x4] =	wrdreg $0xC0  }
0xad: {  	_ =	task [dreg:s9], $0x5FFFF  }
0xae: {  	[dreg:$0x1] =	wrdreg $0xFFFFFFFF  }
0xaf: {  	[dreg:$0x0] =	wrdreg $0x60  }
0xb0: {  	[dreg:$0x2] =	wrdreg s2  }
0xb1: {  	[dreg:$0x3] =	wrdreg s19  }
0xb2: {  	[dreg:$0x4] =	wrdreg s4  }
0xb3: {  	[dreg:$0x5] =	wrdreg $0x9  }
0xb4: {  	_ =	task.clear_ibuf [dreg:s9], $0x6FFFF;
	_ =	strace $0x90000046  }
0xb5: {  	s29 =	simm.s32 $0x9;
	_ =	strace $0x80000048  }
0xb6: {  	_ =	swait.ge [sflag:s29], $0x1  }
0xb7: {  	[sflag:s29] =	ssyncadd.s32 $0xFFFFFFFF  }
0xb8: {  	_ =	strace $0x90000048  }
0xb9: {  	_ =	sfence  }
0xba: {  	s30 =	sld [smem:$0x0];
	_ =	sdelay $0x2  }
0xbb: {  	s31 =	sshll.u32 s1, $0xD;
	s1 =	sshrl.u32 s1, $0x2  }
0xbc: {  	s3 =	sand.u32 $0x4000, s31;
	s1 =	sadd.s32 s1, s30  }
0xbd: {  	s0 =	sor.u32 s3, s0;
	s1 =	sshll.u32 s1, $0x11  }
0xbe: {  	s0 =	sor.u32 s1, s0  }
0xbf: {  	s0 =	sadd.s32 $0x8F2B, s0  }
0xc0: {  	[sflag:s0] =	ssyncadd.remote.s32 $0x1  }
0xc1: {  	_ =	sfence.sel $0xFFFF  }
0xc2: {  	[dreg:$0x0] =	wrdreg $0xFFFFFFFF;
	(pc) =	sbr.abs _section_cstart, $3  }
0xc3: {  	[dreg:$0x1] =	wrdreg $0xFFFFFFFF  }
0xc4: {  	_ =	task.clear_ibuf [dreg:s9], $0x2FFFF;
	_ =	strace $0x9FFFFFFF  }
0xc5: {  	(tm) =	ssettm $0x7FFFFFFF  }
tec
execute0_lowered:
.L_overlay_start_1:
0x0: {  	(tag) =	ssettag $0x1  }
0x1: {  	s1 =	rddreg [dreg:$0x0]  }
0x2: {  	s9 =	rddreg [dreg:$0x1]  }
0x3: {  	s10 =	rddreg [dreg:$0x2]  }
0x4: {  	s0 =	rddreg [dreg:$0x3]  }
0x5: {  	s3 =	simm.s32 $0x0;
	s4 =	srdreg.scid;
	s2 =	stileid.u32  }
0x6: {  	s19 =	simm.s32 $0x1;
	s20 =	simm.s32 $0x1C700;
	s21 =	simm.s32 $0x1D700  }
0x7: {  	s22 =	simm.s32 $0x2;
	s23 =	simm.s32 $0x0;
	[smem:$0x7FF] =	sst s3  }
0x8: {  	s4 =	sand.u32 $0x1, s4;
	s5 =	sshll.u32 s2, $0x9;
	s6 =	sshrl.u32 s2, $0x1  }
0x9: {  	s15 =	sadd.s32 $0x1000, s10;
	s16 =	sadd.s32 $0x2000, s10;
	s17 =	sadd.s32 $0x3000, s10  }
0xa: {  	s7 =	sshll.u32 s4, $0x8;
	s5 =	sand.u32 $0x200, s5;
	s8 =	smul.u32 $0xC3800, s6  }
0xb: {  	_ =	strace $0x80000047;
	s4 =	ssub.s32 $0x2, s4;
	s11 =	sor.u32 s7, s5  }
0xc: {  	s12 =	sshll.u32 s6, $0x11;
	s29 =	sshrl.u32 s4, $0x1;
	s5 =	sor.u32 s8, s11  }
0xd: {  	s7 =	sor.u32 s12, s11;
	s14 =	ssub.s32 s4, s29;
	s11 =	sor.u32 $0x80, s11  }
0xe: {  	s5 =	sshrl.u32 s5, $0x3;
	s13 =	sshrl.u32 s7, $0x3;
	s18 =	sor.u32 s8, s11  }
0xf: {  	s11 =	sor.u32 s12, s11;
	s14 =	smax.u32 s14, $0x1;
	s4 =	sadd.s32 s9, s5  }
0x10: {  	s5 =	sadd.s32 s10, s13;
	s6 =	sadd.s32 s13, s15;
	s7 =	sadd.s32 s13, s16  }
0x11: {  	s8 =	sadd.s32 s13, s17;
	s30 =	sshrl.u32 s18, $0x3;
	s31 =	sshrl.u32 s11, $0x3  }
0x12: {  	s18 =	simm.s32 $0x400;
	s9 =	sadd.s32 s9, s30;
	s10 =	sadd.s32 s10, s31  }
0x13: {  	s11 =	sadd.s32 s31, s15;
	s12 =	sadd.s32 s31, s16;
	s13 =	sadd.s32 s31, s17  }
0x14: {  	s15 =	simm.s32 $0x18700;
	s16 =	simm.s32 $0x3;
	s17 =	simm.s32 $0x80  }
.LBB2_1:
0x15: {  	[tilespmem:s15], [sflag:$0x3] =	stream.linear.gather [hbm4b:s1+s3], $0x4000, $0x38;
	[tilespmem:$0x1E700] =	vst v63  }
0x16: {  	_ =	swait.ge [sflag:s16], $0x4000  }
0x17: {  	[sflag:s16] =	ssyncset.done $0x0  }
0x18: {  	[sflag:s16] =	ssyncadd.s32 $0xFFFFC000  }
0x19: {  	[tilespmem:s3], [sflag:$0x1] =	stream.strided.gather [hbm4b:s4+s17], $0x18700, s18, s17, $0x38;
	[tilespmem:$0x1E700] =	vst v63  }
0x1a: {  	_ =	swait.ge [sflag:s19], $0x18700  }
0x1b: {  	s24 =	simm.s32 $0xFFFFFFFE;
	[sflag:s19] =	ssyncset.done $0x0  }
0x1c: {  	s25 =	simm.s32 $0x18800;
	s26 =	simm.s32 $0x1C800;
	[sflag:s19] =	ssyncadd.s32 $0xFFFE7900  }
.LBB2_2:
0x1d: {  	v0 =	vld [tilespmem:s25+$0xFFFFFF00]  }
0x1e: {  	v1 =	vld [tilespmem:s25+$0xFFFFFF10]  }
0x1f: {  	v2 =	vld [tilespmem:s25+$0xFFFFFF20]  }
0x20: {  	v3 =	vld [tilespmem:s25+$0xFFFFFF30]  }
0x21: {  	v4 =	vld [tilespmem:s25+$0xFFFFFF40]  }
0x22: {  	v5 =	vld [tilespmem:s25+$0xFFFFFF50]  }
0x23: {  	v6 =	vld [tilespmem:s25+$0xFFFFFF60]  }
0x24: {  	v7 =	vld [tilespmem:s25+$0xFFFFFF70]  }
0x25: {  	v8 =	vld [tilespmem:s25+$0xFFFFFF80]  }
0x26: {  	v9 =	vld [tilespmem:s25+$0xFFFFFF90]  }
0x27: {  	v10 =	vld [tilespmem:s25+$0xFFFFFFA0]  }
0x28: {  	v11 =	vld [tilespmem:s25+$0xFFFFFFB0]  }
0x29: {  	v12 =	vld [tilespmem:s25+$0xFFFFFFC0]  }
0x2a: {  	v13 =	vld [tilespmem:s25+$0xFFFFFFD0]  }
0x2b: {  	v14 =	vld [tilespmem:s25+$0xFFFFFFE0]  }
0x2c: {  	v15 =	vld [tilespmem:s25+$0xFFFFFFF0]  }
0x2d: {  	v0 =	vld.idx.msk [tilespmem:v0+s3+$0x0], $0xffff  }
0x2e: {  	v1 =	vld.idx.msk [tilespmem:v1+s3+$0x0], $0xffff  }
0x2f: {  	v2 =	vld.idx.msk [tilespmem:v2+s3+$0x0], $0xffff  }
0x30: {  	v3 =	vld.idx.msk [tilespmem:v3+s3+$0x0], $0xffff  }
0x31: {  	v4 =	vld.idx.msk [tilespmem:v4+s3+$0x0], $0xffff  }
0x32: {  	v5 =	vld.idx.msk [tilespmem:v5+s3+$0x0], $0xffff  }
0x33: {  	v6 =	vld.idx.msk [tilespmem:v6+s3+$0x0], $0xffff  }
0x34: {  	v7 =	vld.idx.msk [tilespmem:v7+s3+$0x0], $0xffff  }
0x35: {  	v8 =	vld.idx.msk [tilespmem:v8+s3+$0x0], $0xffff  }
0x36: {  	v9 =	vld.idx.msk [tilespmem:v9+s3+$0x0], $0xffff  }
0x37: {  	v10 =	vld.idx.msk [tilespmem:v10+s3+$0x0], $0xffff  }
0x38: {  	v11 =	vld.idx.msk [tilespmem:v11+s3+$0x0], $0xffff  }
0x39: {  	v12 =	vld.idx.msk [tilespmem:v12+s3+$0x0], $0xffff  }
0x3a: {  	v13 =	vld.idx.msk [tilespmem:v13+s3+$0x0], $0xffff  }
0x3b: {  	v14 =	vld.idx.msk [tilespmem:v14+s3+$0x0], $0xffff  }
0x3c: {  	v15 =	vld.idx.msk [tilespmem:v15+s3+$0x0], $0xffff;
	[tilespmem:s26+$0xFFFFFF00] =	vst v0  }
0x3d: {  	[tilespmem:s26+$0xFFFFFF10] =	vst v1  }
0x3e: {  	[tilespmem:s26+$0xFFFFFF20] =	vst v2  }
0x3f: {  	[tilespmem:s26+$0xFFFFFF30] =	vst v3  }
0x40: {  	[tilespmem:s26+$0xFFFFFF40] =	vst v4  }
0x41: {  	[tilespmem:s26+$0xFFFFFF50] =	vst v5  }
0x42: {  	[tilespmem:s26+$0xFFFFFF60] =	vst v6  }
0x43: {  	[tilespmem:s26+$0xFFFFFF70] =	vst v7  }
0x44: {  	[tilespmem:s26+$0xFFFFFF80] =	vst v8  }
0x45: {  	[tilespmem:s26+$0xFFFFFF90] =	vst v9  }
0x46: {  	[tilespmem:s26+$0xFFFFFFA0] =	vst v10  }
0x47: {  	[tilespmem:s26+$0xFFFFFFB0] =	vst v11  }
0x48: {  	[tilespmem:s26+$0xFFFFFFC0] =	vst v12  }
0x49: {  	[tilespmem:s26+$0xFFFFFFD0] =	vst v13  }
0x4a: {  	[tilespmem:s26+$0xFFFFFFE0] =	vst v14  }
0x4b: {  	[tilespmem:s26+$0xFFFFFFF0] =	vst v15  }
0x4c: {  	v0 =	vld [tilespmem:s25+$0x0]  }
0x4d: {  	v1 =	vld [tilespmem:s25+$0x10]  }
0x4e: {  	v2 =	vld [tilespmem:s25+$0x20]  }
0x4f: {  	v3 =	vld [tilespmem:s25+$0x30]  }
0x50: {  	v4 =	vld [tilespmem:s25+$0x40]  }
0x51: {  	v5 =	vld [tilespmem:s25+$0x50]  }
0x52: {  	v6 =	vld [tilespmem:s25+$0x60]  }
0x53: {  	v7 =	vld [tilespmem:s25+$0x70]  }
0x54: {  	v8 =	vld [tilespmem:s25+$0x80]  }
0x55: {  	v9 =	vld [tilespmem:s25+$0x90]  }
0x56: {  	v10 =	vld [tilespmem:s25+$0xA0]  }
0x57: {  	v11 =	vld [tilespmem:s25+$0xB0]  }
0x58: {  	v12 =	vld [tilespmem:s25+$0xC0]  }
0x59: {  	v13 =	vld [tilespmem:s25+$0xD0]  }
0x5a: {  	v14 =	vld [tilespmem:s25+$0xE0]  }
0x5b: {  	v15 =	vld [tilespmem:s25+$0xF0]  }
0x5c: {  	v0 =	vld.idx.msk [tilespmem:v0+s3+$0x0], $0xffff  }
0x5d: {  	v1 =	vld.idx.msk [tilespmem:v1+s3+$0x0], $0xffff  }
0x5e: {  	v2 =	vld.idx.msk [tilespmem:v2+s3+$0x0], $0xffff  }
0x5f: {  	v3 =	vld.idx.msk [tilespmem:v3+s3+$0x0], $0xffff  }
0x60: {  	v4 =	vld.idx.msk [tilespmem:v4+s3+$0x0], $0xffff  }
0x61: {  	v5 =	vld.idx.msk [tilespmem:v5+s3+$0x0], $0xffff  }
0x62: {  	v6 =	vld.idx.msk [tilespmem:v6+s3+$0x0], $0xffff  }
0x63: {  	v7 =	vld.idx.msk [tilespmem:v7+s3+$0x0], $0xffff  }
0x64: {  	v8 =	vld.idx.msk [tilespmem:v8+s3+$0x0], $0xffff  }
0x65: {  	v9 =	vld.idx.msk [tilespmem:v9+s3+$0x0], $0xffff  }
0x66: {  	v10 =	vld.idx.msk [tilespmem:v10+s3+$0x0], $0xffff  }
0x67: {  	v11 =	vld.idx.msk [tilespmem:v11+s3+$0x0], $0xffff  }
0x68: {  	v12 =	vld.idx.msk [tilespmem:v12+s3+$0x0], $0xffff  }
0x69: {  	v13 =	vld.idx.msk [tilespmem:v13+s3+$0x0], $0xffff  }
0x6a: {  	v14 =	vld.idx.msk [tilespmem:v14+s3+$0x0], $0xffff  }
0x6b: {  	v15 =	vld.idx.msk [tilespmem:v15+s3+$0x0], $0xffff;
	[tilespmem:s26+$0x0] =	vst v0  }
0x6c: {  	[tilespmem:s26+$0x10] =	vst v1  }
0x6d: {  	[tilespmem:s26+$0x20] =	vst v2  }
0x6e: {  	[tilespmem:s26+$0x30] =	vst v3  }
0x6f: {  	[tilespmem:s26+$0x40] =	vst v4  }
0x70: {  	[tilespmem:s26+$0x50] =	vst v5  }
0x71: {  	[tilespmem:s26+$0x60] =	vst v6  }
0x72: {  	[tilespmem:s26+$0x70] =	vst v7  }
0x73: {  	[tilespmem:s26+$0x80] =	vst v8  }
0x74: {  	s24 =	sadd.s32 $0x2, s24;
	[tilespmem:s26+$0x90] =	vst v9  }
0x75: {  	p0 =	slt.u32 s24, $0xE;
	[tilespmem:s26+$0xA0] =	vst v10  }
.Ltmp0:
0x76: {  	[tilespmem:s26+$0xB0] =	vst v11;
	(pc) =	sbr.rel @p0 .LBB2_2-.Ltmp0, $4  }
0x77: {  	[tilespmem:s26+$0xC0] =	vst v12  }
0x78: {  	[tilespmem:s26+$0xD0] =	vst v13  }
0x79: {  	[tilespmem:s26+$0xE0] =	vst v14  }
0x7a: {  	s25 =	sadd.s32 $0x200, s25;
	[tilespmem:s26+$0xF0] =	vst v15;
	s26 =	sadd.s32 $0x200, s26  }
0x7b: {  	[hbm4b:s5+s17] =	stream.strided.scatter [tilespmem:s20], [sflag:$0x2], $0x1000, s18, s17, $0x38;
	[tilespmem:$0x1E700] =	vst v63  }
0x7c: {  	s24 =	simm.s32 $0xFFFFFFFE;
	s25 =	simm.s32 $0x198F0;
	s26 =	simm.s32 $0x1D800  }
.LBB2_4:
0x7d: {  	v0 =	vld [tilespmem:s25+$0xFFFFFE10]  }
0x7e: {  	v1 =	vld [tilespmem:s25+$0xFFFFFE20]  }
0x7f: {  	v2 =	vld [tilespmem:s25+$0xFFFFFE30]  }
0x80: {  	v3 =	vld [tilespmem:s25+$0xFFFFFE40]  }
0x81: {  	v4 =	vld [tilespmem:s25+$0xFFFFFE50]  }
0x82: {  	v5 =	vld [tilespmem:s25+$0xFFFFFE60]  }
0x83: {  	v6 =	vld [tilespmem:s25+$0xFFFFFE70]  }
0x84: {  	v7 =	vld [tilespmem:s25+$0xFFFFFE80]  }
0x85: {  	v8 =	vld [tilespmem:s25+$0xFFFFFE90]  }
0x86: {  	v9 =	vld [tilespmem:s25+$0xFFFFFEA0]  }
0x87: {  	v10 =	vld [tilespmem:s25+$0xFFFFFEB0]  }
0x88: {  	v11 =	vld [tilespmem:s25+$0xFFFFFEC0]  }
0x89: {  	v12 =	vld [tilespmem:s25+$0xFFFFFED0]  }
0x8a: {  	v13 =	vld [tilespmem:s25+$0xFFFFFEE0]  }
0x8b: {  	v14 =	vld [tilespmem:s25+$0xFFFFFEF0]  }
0x8c: {  	v15 =	vld [tilespmem:s25+$0xFFFFFF00]  }
0x8d: {  	v0 =	vld.idx.msk [tilespmem:v0+s3+$0x0], $0xffff  }
0x8e: {  	v1 =	vld.idx.msk [tilespmem:v1+s3+$0x0], $0xffff  }
0x8f: {  	v2 =	vld.idx.msk [tilespmem:v2+s3+$0x0], $0xffff  }
0x90: {  	v3 =	vld.idx.msk [tilespmem:v3+s3+$0x0], $0xffff  }
0x91: {  	v4 =	vld.idx.msk [tilespmem:v4+s3+$0x0], $0xffff  }
0x92: {  	v5 =	vld.idx.msk [tilespmem:v5+s3+$0x0], $0xffff  }
0x93: {  	v6 =	vld.idx.msk [tilespmem:v6+s3+$0x0], $0xffff  }
0x94: {  	v7 =	vld.idx.msk [tilespmem:v7+s3+$0x0], $0xffff  }
0x95: {  	v8 =	vld.idx.msk [tilespmem:v8+s3+$0x0], $0xffff  }
0x96: {  	v9 =	vld.idx.msk [tilespmem:v9+s3+$0x0], $0xffff  }
0x97: {  	v10 =	vld.idx.msk [tilespmem:v10+s3+$0x0], $0xffff  }
0x98: {  	v11 =	vld.idx.msk [tilespmem:v11+s3+$0x0], $0xffff  }
0x99: {  	v12 =	vld.idx.msk [tilespmem:v12+s3+$0x0], $0xffff  }
0x9a: {  	v13 =	vld.idx.msk [tilespmem:v13+s3+$0x0], $0xffff  }
0x9b: {  	v14 =	vld.idx.msk [tilespmem:v14+s3+$0x0], $0xffff  }
0x9c: {  	v15 =	vld.idx.msk [tilespmem:v15+s3+$0x0], $0xffff;
	[tilespmem:s26+$0xFFFFFF00] =	vst v0  }
0x9d: {  	[tilespmem:s26+$0xFFFFFF10] =	vst v1  }
0x9e: {  	[tilespmem:s26+$0xFFFFFF20] =	vst v2  }
0x9f: {  	[tilespmem:s26+$0xFFFFFF30] =	vst v3  }
0xa0: {  	[tilespmem:s26+$0xFFFFFF40] =	vst v4  }
0xa1: {  	[tilespmem:s26+$0xFFFFFF50] =	vst v5  }
0xa2: {  	[tilespmem:s26+$0xFFFFFF60] =	vst v6  }
0xa3: {  	[tilespmem:s26+$0xFFFFFF70] =	vst v7  }
0xa4: {  	[tilespmem:s26+$0xFFFFFF80] =	vst v8  }
0xa5: {  	[tilespmem:s26+$0xFFFFFF90] =	vst v9  }
0xa6: {  	[tilespmem:s26+$0xFFFFFFA0] =	vst v10  }
0xa7: {  	[tilespmem:s26+$0xFFFFFFB0] =	vst v11  }
0xa8: {  	[tilespmem:s26+$0xFFFFFFC0] =	vst v12  }
0xa9: {  	[tilespmem:s26+$0xFFFFFFD0] =	vst v13  }
0xaa: {  	[tilespmem:s26+$0xFFFFFFE0] =	vst v14  }
0xab: {  	[tilespmem:s26+$0xFFFFFFF0] =	vst v15  }
0xac: {  	v0 =	vld [tilespmem:s25+$0xFFFFFF10]  }
0xad: {  	v1 =	vld [tilespmem:s25+$0xFFFFFF20]  }
0xae: {  	v2 =	vld [tilespmem:s25+$0xFFFFFF30]  }
0xaf: {  	v3 =	vld [tilespmem:s25+$0xFFFFFF40]  }
0xb0: {  	v4 =	vld [tilespmem:s25+$0xFFFFFF50]  }
0xb1: {  	v5 =	vld [tilespmem:s25+$0xFFFFFF60]  }
0xb2: {  	v6 =	vld [tilespmem:s25+$0xFFFFFF70]  }
0xb3: {  	v7 =	vld [tilespmem:s25+$0xFFFFFF80]  }
0xb4: {  	v8 =	vld [tilespmem:s25+$0xFFFFFF90]  }
0xb5: {  	v9 =	vld [tilespmem:s25+$0xFFFFFFA0]  }
0xb6: {  	v10 =	vld [tilespmem:s25+$0xFFFFFFB0]  }
0xb7: {  	v11 =	vld [tilespmem:s25+$0xFFFFFFC0]  }
0xb8: {  	v12 =	vld [tilespmem:s25+$0xFFFFFFD0]  }
0xb9: {  	v13 =	vld [tilespmem:s25+$0xFFFFFFE0]  }
0xba: {  	v14 =	vld [tilespmem:s25+$0xFFFFFFF0]  }
0xbb: {  	v15 =	vld [tilespmem:s25+$0x0]  }
0xbc: {  	v0 =	vld.idx.msk [tilespmem:v0+s3+$0x0], $0xffff  }
0xbd: {  	v1 =	vld.idx.msk [tilespmem:v1+s3+$0x0], $0xffff  }
0xbe: {  	v2 =	vld.idx.msk [tilespmem:v2+s3+$0x0], $0xffff  }
0xbf: {  	v3 =	vld.idx.msk [tilespmem:v3+s3+$0x0], $0xffff  }
0xc0: {  	v4 =	vld.idx.msk [tilespmem:v4+s3+$0x0], $0xffff  }
0xc1: {  	v5 =	vld.idx.msk [tilespmem:v5+s3+$0x0], $0xffff  }
0xc2: {  	v6 =	vld.idx.msk [tilespmem:v6+s3+$0x0], $0xffff  }
0xc3: {  	v7 =	vld.idx.msk [tilespmem:v7+s3+$0x0], $0xffff  }
0xc4: {  	v8 =	vld.idx.msk [tilespmem:v8+s3+$0x0], $0xffff  }
0xc5: {  	v9 =	vld.idx.msk [tilespmem:v9+s3+$0x0], $0xffff  }
0xc6: {  	v10 =	vld.idx.msk [tilespmem:v10+s3+$0x0], $0xffff  }
0xc7: {  	v11 =	vld.idx.msk [tilespmem:v11+s3+$0x0], $0xffff  }
0xc8: {  	v12 =	vld.idx.msk [tilespmem:v12+s3+$0x0], $0xffff  }
0xc9: {  	v13 =	vld.idx.msk [tilespmem:v13+s3+$0x0], $0xffff  }
0xca: {  	v14 =	vld.idx.msk [tilespmem:v14+s3+$0x0], $0xffff  }
0xcb: {  	v15 =	vld.idx.msk [tilespmem:v15+s3+$0x0], $0xffff;
	[tilespmem:s26+$0x0] =	vst v0  }
0xcc: {  	[tilespmem:s26+$0x10] =	vst v1  }
0xcd: {  	[tilespmem:s26+$0x20] =	vst v2  }
0xce: {  	[tilespmem:s26+$0x30] =	vst v3  }
0xcf: {  	[tilespmem:s26+$0x40] =	vst v4  }
0xd0: {  	[tilespmem:s26+$0x50] =	vst v5  }
0xd1: {  	[tilespmem:s26+$0x60] =	vst v6  }
0xd2: {  	[tilespmem:s26+$0x70] =	vst v7  }
0xd3: {  	[tilespmem:s26+$0x80] =	vst v8  }
0xd4: {  	s24 =	sadd.s32 $0x2, s24;
	[tilespmem:s26+$0x90] =	vst v9  }
0xd5: {  	p0 =	slt.u32 s24, $0xE;
	[tilespmem:s26+$0xA0] =	vst v10  }
.Ltmp1:
0xd6: {  	[tilespmem:s26+$0xB0] =	vst v11;
	(pc) =	sbr.rel @p0 .LBB2_4-.Ltmp1, $4  }
0xd7: {  	[tilespmem:s26+$0xC0] =	vst v12  }
0xd8: {  	[tilespmem:s26+$0xD0] =	vst v13  }
0xd9: {  	[tilespmem:s26+$0xE0] =	vst v14  }
0xda: {  	s25 =	sadd.s32 $0x200, s25;
	[tilespmem:s26+$0xF0] =	vst v15;
	s26 =	sadd.s32 $0x200, s26  }
0xdb: {  	[hbm4b:s6+s17] =	stream.strided.scatter [tilespmem:s21], [sflag:$0x2], $0x1000, s18, s17, $0x38;
	[tilespmem:$0x1E700] =	vst v63  }
0xdc: {  	_ =	swait.ge [sflag:s22], $0x1000  }
0xdd: {  	s24 =	simm.s32 $0xFFFFFFFE;
	[sflag:s22] =	ssyncset.done $0x0  }
0xde: {  	s25 =	simm.s32 $0x1A8F0;
	s26 =	simm.s32 $0x1C800;
	[sflag:s22] =	ssyncadd.s32 $0xFFFFF000  }
.LBB2_6:
0xdf: {  	v0 =	vld [tilespmem:s25+$0xFFFFFE10]  }
0xe0: {  	v1 =	vld [tilespmem:s25+$0xFFFFFE20]  }
0xe1: {  	v2 =	vld [tilespmem:s25+$0xFFFFFE30]  }
0xe2: {  	v3 =	vld [tilespmem:s25+$0xFFFFFE40]  }
0xe3: {  	v4 =	vld [tilespmem:s25+$0xFFFFFE50]  }
0xe4: {  	v5 =	vld [tilespmem:s25+$0xFFFFFE60]  }
0xe5: {  	v6 =	vld [tilespmem:s25+$0xFFFFFE70]  }
0xe6: {  	v7 =	vld [tilespmem:s25+$0xFFFFFE80]  }
0xe7: {  	v8 =	vld [tilespmem:s25+$0xFFFFFE90]  }
0xe8: {  	v9 =	vld [tilespmem:s25+$0xFFFFFEA0]  }
0xe9: {  	v10 =	vld [tilespmem:s25+$0xFFFFFEB0]  }
0xea: {  	v11 =	vld [tilespmem:s25+$0xFFFFFEC0]  }
0xeb: {  	v12 =	vld [tilespmem:s25+$0xFFFFFED0]  }
0xec: {  	v13 =	vld [tilespmem:s25+$0xFFFFFEE0]  }
0xed: {  	v14 =	vld [tilespmem:s25+$0xFFFFFEF0]  }
0xee: {  	v15 =	vld [tilespmem:s25+$0xFFFFFF00]  }
0xef: {  	v0 =	vld.idx.msk [tilespmem:v0+s3+$0x0], $0xffff  }
0xf0: {  	v1 =	vld.idx.msk [tilespmem:v1+s3+$0x0], $0xffff  }
0xf1: {  	v2 =	vld.idx.msk [tilespmem:v2+s3+$0x0], $0xffff  }
0xf2: {  	v3 =	vld.idx.msk [tilespmem:v3+s3+$0x0], $0xffff  }
0xf3: {  	v4 =	vld.idx.msk [tilespmem:v4+s3+$0x0], $0xffff  }
0xf4: {  	v5 =	vld.idx.msk [tilespmem:v5+s3+$0x0], $0xffff  }
0xf5: {  	v6 =	vld.idx.msk [tilespmem:v6+s3+$0x0], $0xffff  }
0xf6: {  	v7 =	vld.idx.msk [tilespmem:v7+s3+$0x0], $0xffff  }
0xf7: {  	v8 =	vld.idx.msk [tilespmem:v8+s3+$0x0], $0xffff  }
0xf8: {  	v9 =	vld.idx.msk [tilespmem:v9+s3+$0x0], $0xffff  }
0xf9: {  	v10 =	vld.idx.msk [tilespmem:v10+s3+$0x0], $0xffff  }
0xfa: {  	v11 =	vld.idx.msk [tilespmem:v11+s3+$0x0], $0xffff  }
0xfb: {  	v12 =	vld.idx.msk [tilespmem:v12+s3+$0x0], $0xffff  }
0xfc: {  	v13 =	vld.idx.msk [tilespmem:v13+s3+$0x0], $0xffff  }
0xfd: {  	v14 =	vld.idx.msk [tilespmem:v14+s3+$0x0], $0xffff  }
0xfe: {  	v15 =	vld.idx.msk [tilespmem:v15+s3+$0x0], $0xffff;
	[tilespmem:s26+$0xFFFFFF00] =	vst v0  }
0xff: {  	[tilespmem:s26+$0xFFFFFF10] =	vst v1  }
0x100: {  	[tilespmem:s26+$0xFFFFFF20] =	vst v2  }
0x101: {  	[tilespmem:s26+$0xFFFFFF30] =	vst v3  }
0x102: {  	[tilespmem:s26+$0xFFFFFF40] =	vst v4  }
0x103: {  	[tilespmem:s26+$0xFFFFFF50] =	vst v5  }
0x104: {  	[tilespmem:s26+$0xFFFFFF60] =	vst v6  }
0x105: {  	[tilespmem:s26+$0xFFFFFF70] =	vst v7  }
0x106: {  	[tilespmem:s26+$0xFFFFFF80] =	vst v8  }
0x107: {  	[tilespmem:s26+$0xFFFFFF90] =	vst v9  }
0x108: {  	[tilespmem:s26+$0xFFFFFFA0] =	vst v10  }
0x109: {  	[tilespmem:s26+$0xFFFFFFB0] =	vst v11  }
0x10a: {  	[tilespmem:s26+$0xFFFFFFC0] =	vst v12  }
0x10b: {  	[tilespmem:s26+$0xFFFFFFD0] =	vst v13  }
0x10c: {  	[tilespmem:s26+$0xFFFFFFE0] =	vst v14  }
0x10d: {  	[tilespmem:s26+$0xFFFFFFF0] =	vst v15  }
0x10e: {  	v0 =	vld [tilespmem:s25+$0xFFFFFF10]  }
0x10f: {  	v1 =	vld [tilespmem:s25+$0xFFFFFF20]  }
0x110: {  	v2 =	vld [tilespmem:s25+$0xFFFFFF30]  }
0x111: {  	v3 =	vld [tilespmem:s25+$0xFFFFFF40]  }
0x112: {  	v4 =	vld [tilespmem:s25+$0xFFFFFF50]  }
0x113: {  	v5 =	vld [tilespmem:s25+$0xFFFFFF60]  }
0x114: {  	v6 =	vld [tilespmem:s25+$0xFFFFFF70]  }
0x115: {  	v7 =	vld [tilespmem:s25+$0xFFFFFF80]  }
0x116: {  	v8 =	vld [tilespmem:s25+$0xFFFFFF90]  }
0x117: {  	v9 =	vld [tilespmem:s25+$0xFFFFFFA0]  }
0x118: {  	v10 =	vld [tilespmem:s25+$0xFFFFFFB0]  }
0x119: {  	v11 =	vld [tilespmem:s25+$0xFFFFFFC0]  }
0x11a: {  	v12 =	vld [tilespmem:s25+$0xFFFFFFD0]  }
0x11b: {  	v13 =	vld [tilespmem:s25+$0xFFFFFFE0]  }
0x11c: {  	v14 =	vld [tilespmem:s25+$0xFFFFFFF0]  }
0x11d: {  	v15 =	vld [tilespmem:s25+$0x0]  }
0x11e: {  	v0 =	vld.idx.msk [tilespmem:v0+s3+$0x0], $0xffff  }
0x11f: {  	v1 =	vld.idx.msk [tilespmem:v1+s3+$0x0], $0xffff  }
0x120: {  	v2 =	vld.idx.msk [tilespmem:v2+s3+$0x0], $0xffff  }
0x121: {  	v3 =	vld.idx.msk [tilespmem:v3+s3+$0x0], $0xffff  }
0x122: {  	v4 =	vld.idx.msk [tilespmem:v4+s3+$0x0], $0xffff  }
0x123: {  	v5 =	vld.idx.msk [tilespmem:v5+s3+$0x0], $0xffff  }
0x124: {  	v6 =	vld.idx.msk [tilespmem:v6+s3+$0x0], $0xffff  }
0x125: {  	v7 =	vld.idx.msk [tilespmem:v7+s3+$0x0], $0xffff  }
0x126: {  	v8 =	vld.idx.msk [tilespmem:v8+s3+$0x0], $0xffff  }
0x127: {  	v9 =	vld.idx.msk [tilespmem:v9+s3+$0x0], $0xffff  }
0x128: {  	v10 =	vld.idx.msk [tilespmem:v10+s3+$0x0], $0xffff  }
0x129: {  	v11 =	vld.idx.msk [tilespmem:v11+s3+$0x0], $0xffff  }
0x12a: {  	v12 =	vld.idx.msk [tilespmem:v12+s3+$0x0], $0xffff  }
0x12b: {  	v13 =	vld.idx.msk [tilespmem:v13+s3+$0x0], $0xffff  }
0x12c: {  	v14 =	vld.idx.msk [tilespmem:v14+s3+$0x0], $0xffff  }
0x12d: {  	v15 =	vld.idx.msk [tilespmem:v15+s3+$0x0], $0xffff;
	[tilespmem:s26+$0x0] =	vst v0  }
0x12e: {  	[tilespmem:s26+$0x10] =	vst v1  }
0x12f: {  	[tilespmem:s26+$0x20] =	vst v2  }
0x130: {  	[tilespmem:s26+$0x30] =	vst v3  }
0x131: {  	[tilespmem:s26+$0x40] =	vst v4  }
0x132: {  	[tilespmem:s26+$0x50] =	vst v5  }
0x133: {  	[tilespmem:s26+$0x60] =	vst v6  }
0x134: {  	[tilespmem:s26+$0x70] =	vst v7  }
0x135: {  	[tilespmem:s26+$0x80] =	vst v8  }
0x136: {  	s24 =	sadd.s32 $0x2, s24;
	[tilespmem:s26+$0x90] =	vst v9  }
0x137: {  	p0 =	slt.u32 s24, $0xE;
	[tilespmem:s26+$0xA0] =	vst v10  }
.Ltmp2:
0x138: {  	[tilespmem:s26+$0xB0] =	vst v11;
	(pc) =	sbr.rel @p0 .LBB2_6-.Ltmp2, $4  }
0x139: {  	[tilespmem:s26+$0xC0] =	vst v12  }
0x13a: {  	[tilespmem:s26+$0xD0] =	vst v13  }
0x13b: {  	[tilespmem:s26+$0xE0] =	vst v14  }
0x13c: {  	s25 =	sadd.s32 $0x200, s25;
	[tilespmem:s26+$0xF0] =	vst v15;
	s26 =	sadd.s32 $0x200, s26  }
0x13d: {  	[hbm4b:s7+s17] =	stream.strided.scatter [tilespmem:s20], [sflag:$0x2], $0x1000, s18, s17, $0x38;
	[tilespmem:$0x1E700] =	vst v63  }
0x13e: {  	_ =	swait.ge [sflag:s22], $0x1000  }
0x13f: {  	s24 =	simm.s32 $0xFFFFFFFE;
	[sflag:s22] =	ssyncset.done $0x0  }
0x140: {  	s25 =	simm.s32 $0x1B8F0;
	s26 =	simm.s32 $0x1D800;
	[sflag:s22] =	ssyncadd.s32 $0xFFFFF000  }
.LBB2_8:
0x141: {  	v0 =	vld [tilespmem:s25+$0xFFFFFE10]  }
0x142: {  	v1 =	vld [tilespmem:s25+$0xFFFFFE20]  }
0x143: {  	v2 =	vld [tilespmem:s25+$0xFFFFFE30]  }
0x144: {  	v3 =	vld [tilespmem:s25+$0xFFFFFE40]  }
0x145: {  	v4 =	vld [tilespmem:s25+$0xFFFFFE50]  }
0x146: {  	v5 =	vld [tilespmem:s25+$0xFFFFFE60]  }
0x147: {  	v6 =	vld [tilespmem:s25+$0xFFFFFE70]  }
0x148: {  	v7 =	vld [tilespmem:s25+$0xFFFFFE80]  }
0x149: {  	v8 =	vld [tilespmem:s25+$0xFFFFFE90]  }
0x14a: {  	v9 =	vld [tilespmem:s25+$0xFFFFFEA0]  }
0x14b: {  	v10 =	vld [tilespmem:s25+$0xFFFFFEB0]  }
0x14c: {  	v11 =	vld [tilespmem:s25+$0xFFFFFEC0]  }
0x14d: {  	v12 =	vld [tilespmem:s25+$0xFFFFFED0]  }
0x14e: {  	v13 =	vld [tilespmem:s25+$0xFFFFFEE0]  }
0x14f: {  	v14 =	vld [tilespmem:s25+$0xFFFFFEF0]  }
0x150: {  	v15 =	vld [tilespmem:s25+$0xFFFFFF00]  }
0x151: {  	v0 =	vld.idx.msk [tilespmem:v0+s3+$0x0], $0xffff  }
0x152: {  	v1 =	vld.idx.msk [tilespmem:v1+s3+$0x0], $0xffff  }
0x153: {  	v2 =	vld.idx.msk [tilespmem:v2+s3+$0x0], $0xffff  }
0x154: {  	v3 =	vld.idx.msk [tilespmem:v3+s3+$0x0], $0xffff  }
0x155: {  	v4 =	vld.idx.msk [tilespmem:v4+s3+$0x0], $0xffff  }
0x156: {  	v5 =	vld.idx.msk [tilespmem:v5+s3+$0x0], $0xffff  }
0x157: {  	v6 =	vld.idx.msk [tilespmem:v6+s3+$0x0], $0xffff  }
0x158: {  	v7 =	vld.idx.msk [tilespmem:v7+s3+$0x0], $0xffff  }
0x159: {  	v8 =	vld.idx.msk [tilespmem:v8+s3+$0x0], $0xffff  }
0x15a: {  	v9 =	vld.idx.msk [tilespmem:v9+s3+$0x0], $0xffff  }
0x15b: {  	v10 =	vld.idx.msk [tilespmem:v10+s3+$0x0], $0xffff  }
0x15c: {  	v11 =	vld.idx.msk [tilespmem:v11+s3+$0x0], $0xffff  }
0x15d: {  	v12 =	vld.idx.msk [tilespmem:v12+s3+$0x0], $0xffff  }
0x15e: {  	v13 =	vld.idx.msk [tilespmem:v13+s3+$0x0], $0xffff  }
0x15f: {  	v14 =	vld.idx.msk [tilespmem:v14+s3+$0x0], $0xffff  }
0x160: {  	v15 =	vld.idx.msk [tilespmem:v15+s3+$0x0], $0xffff;
	[tilespmem:s26+$0xFFFFFF00] =	vst v0  }
0x161: {  	[tilespmem:s26+$0xFFFFFF10] =	vst v1  }
0x162: {  	[tilespmem:s26+$0xFFFFFF20] =	vst v2  }
0x163: {  	[tilespmem:s26+$0xFFFFFF30] =	vst v3  }
0x164: {  	[tilespmem:s26+$0xFFFFFF40] =	vst v4  }
0x165: {  	[tilespmem:s26+$0xFFFFFF50] =	vst v5  }
0x166: {  	[tilespmem:s26+$0xFFFFFF60] =	vst v6  }
0x167: {  	[tilespmem:s26+$0xFFFFFF70] =	vst v7  }
0x168: {  	[tilespmem:s26+$0xFFFFFF80] =	vst v8  }
0x169: {  	[tilespmem:s26+$0xFFFFFF90] =	vst v9  }
0x16a: {  	[tilespmem:s26+$0xFFFFFFA0] =	vst v10  }
0x16b: {  	[tilespmem:s26+$0xFFFFFFB0] =	vst v11  }
0x16c: {  	[tilespmem:s26+$0xFFFFFFC0] =	vst v12  }
0x16d: {  	[tilespmem:s26+$0xFFFFFFD0] =	vst v13  }
0x16e: {  	[tilespmem:s26+$0xFFFFFFE0] =	vst v14  }
0x16f: {  	[tilespmem:s26+$0xFFFFFFF0] =	vst v15  }
0x170: {  	v0 =	vld [tilespmem:s25+$0xFFFFFF10]  }
0x171: {  	v1 =	vld [tilespmem:s25+$0xFFFFFF20]  }
0x172: {  	v2 =	vld [tilespmem:s25+$0xFFFFFF30]  }
0x173: {  	v3 =	vld [tilespmem:s25+$0xFFFFFF40]  }
0x174: {  	v4 =	vld [tilespmem:s25+$0xFFFFFF50]  }
0x175: {  	v5 =	vld [tilespmem:s25+$0xFFFFFF60]  }
0x176: {  	v6 =	vld [tilespmem:s25+$0xFFFFFF70]  }
0x177: {  	v7 =	vld [tilespmem:s25+$0xFFFFFF80]  }
0x178: {  	v8 =	vld [tilespmem:s25+$0xFFFFFF90]  }
0x179: {  	v9 =	vld [tilespmem:s25+$0xFFFFFFA0]  }
0x17a: {  	v10 =	vld [tilespmem:s25+$0xFFFFFFB0]  }
0x17b: {  	v11 =	vld [tilespmem:s25+$0xFFFFFFC0]  }
0x17c: {  	v12 =	vld [tilespmem:s25+$0xFFFFFFD0]  }
0x17d: {  	v13 =	vld [tilespmem:s25+$0xFFFFFFE0]  }
0x17e: {  	v14 =	vld [tilespmem:s25+$0xFFFFFFF0]  }
0x17f: {  	v15 =	vld [tilespmem:s25+$0x0]  }
0x180: {  	v0 =	vld.idx.msk [tilespmem:v0+s3+$0x0], $0xffff  }
0x181: {  	v1 =	vld.idx.msk [tilespmem:v1+s3+$0x0], $0xffff  }
0x182: {  	v2 =	vld.idx.msk [tilespmem:v2+s3+$0x0], $0xffff  }
0x183: {  	v3 =	vld.idx.msk [tilespmem:v3+s3+$0x0], $0xffff  }
0x184: {  	v4 =	vld.idx.msk [tilespmem:v4+s3+$0x0], $0xffff  }
0x185: {  	v5 =	vld.idx.msk [tilespmem:v5+s3+$0x0], $0xffff  }
0x186: {  	v6 =	vld.idx.msk [tilespmem:v6+s3+$0x0], $0xffff  }
0x187: {  	v7 =	vld.idx.msk [tilespmem:v7+s3+$0x0], $0xffff  }
0x188: {  	v8 =	vld.idx.msk [tilespmem:v8+s3+$0x0], $0xffff  }
0x189: {  	v9 =	vld.idx.msk [tilespmem:v9+s3+$0x0], $0xffff  }
0x18a: {  	v10 =	vld.idx.msk [tilespmem:v10+s3+$0x0], $0xffff  }
0x18b: {  	v11 =	vld.idx.msk [tilespmem:v11+s3+$0x0], $0xffff  }
0x18c: {  	v12 =	vld.idx.msk [tilespmem:v12+s3+$0x0], $0xffff  }
0x18d: {  	v13 =	vld.idx.msk [tilespmem:v13+s3+$0x0], $0xffff  }
0x18e: {  	v14 =	vld.idx.msk [tilespmem:v14+s3+$0x0], $0xffff  }
0x18f: {  	v15 =	vld.idx.msk [tilespmem:v15+s3+$0x0], $0xffff;
	[tilespmem:s26+$0x0] =	vst v0  }
0x190: {  	[tilespmem:s26+$0x10] =	vst v1  }
0x191: {  	[tilespmem:s26+$0x20] =	vst v2  }
0x192: {  	[tilespmem:s26+$0x30] =	vst v3  }
0x193: {  	[tilespmem:s26+$0x40] =	vst v4  }
0x194: {  	[tilespmem:s26+$0x50] =	vst v5  }
0x195: {  	[tilespmem:s26+$0x60] =	vst v6  }
0x196: {  	[tilespmem:s26+$0x70] =	vst v7  }
0x197: {  	[tilespmem:s26+$0x80] =	vst v8  }
0x198: {  	s24 =	sadd.s32 $0x2, s24;
	[tilespmem:s26+$0x90] =	vst v9  }
0x199: {  	p0 =	slt.u32 s24, $0xE;
	[tilespmem:s26+$0xA0] =	vst v10  }
.Ltmp3:
0x19a: {  	[tilespmem:s26+$0xB0] =	vst v11;
	(pc) =	sbr.rel @p0 .LBB2_8-.Ltmp3, $4  }
0x19b: {  	[tilespmem:s26+$0xC0] =	vst v12  }
0x19c: {  	[tilespmem:s26+$0xD0] =	vst v13  }
0x19d: {  	[tilespmem:s26+$0xE0] =	vst v14  }
0x19e: {  	s25 =	sadd.s32 $0x200, s25;
	[tilespmem:s26+$0xF0] =	vst v15;
	s26 =	sadd.s32 $0x200, s26  }
0x19f: {  	[hbm4b:s8+s17] =	stream.strided.scatter [tilespmem:s21], [sflag:$0x2], $0x1000, s18, s17, $0x38;
	[tilespmem:$0x1E700] =	vst v63  }
0x1a0: {  	_ = 	snop  }
0x1a1: {  	[tilespmem:s3], [sflag:$0x1] =	stream.strided.gather [hbm4b:s9+s17], $0x18700, s18, s17, $0x38;
	[tilespmem:$0x1E700] =	vst v63  }
0x1a2: {  	_ =	swait.ge [sflag:s19], $0x18700  }
0x1a3: {  	[sflag:s19] =	ssyncset.done $0x0  }
0x1a4: {  	[sflag:s19] =	ssyncadd.s32 $0xFFFE7900  }
0x1a5: {  	_ =	swait.ge [sflag:s22], $0x1000  }
0x1a6: {  	s24 =	simm.s32 $0xFFFFFFFE;
	[sflag:s22] =	ssyncset.done $0x0  }
0x1a7: {  	s25 =	simm.s32 $0x18800;
	s26 =	simm.s32 $0x1C800;
	[sflag:s22] =	ssyncadd.s32 $0xFFFFF000  }
.LBB2_10:
0x1a8: {  	v0 =	vld [tilespmem:s25+$0xFFFFFF00]  }
0x1a9: {  	v1 =	vld [tilespmem:s25+$0xFFFFFF10]  }
0x1aa: {  	v2 =	vld [tilespmem:s25+$0xFFFFFF20]  }
0x1ab: {  	v3 =	vld [tilespmem:s25+$0xFFFFFF30]  }
0x1ac: {  	v4 =	vld [tilespmem:s25+$0xFFFFFF40]  }
0x1ad: {  	v5 =	vld [tilespmem:s25+$0xFFFFFF50]  }
0x1ae: {  	v6 =	vld [tilespmem:s25+$0xFFFFFF60]  }
0x1af: {  	v7 =	vld [tilespmem:s25+$0xFFFFFF70]  }
0x1b0: {  	v8 =	vld [tilespmem:s25+$0xFFFFFF80]  }
0x1b1: {  	v9 =	vld [tilespmem:s25+$0xFFFFFF90]  }
0x1b2: {  	v10 =	vld [tilespmem:s25+$0xFFFFFFA0]  }
0x1b3: {  	v11 =	vld [tilespmem:s25+$0xFFFFFFB0]  }
0x1b4: {  	v12 =	vld [tilespmem:s25+$0xFFFFFFC0]  }
0x1b5: {  	v13 =	vld [tilespmem:s25+$0xFFFFFFD0]  }
0x1b6: {  	v14 =	vld [tilespmem:s25+$0xFFFFFFE0]  }
0x1b7: {  	v15 =	vld [tilespmem:s25+$0xFFFFFFF0]  }
0x1b8: {  	v0 =	vld.idx.msk [tilespmem:v0+s3+$0x0], $0xffff  }
0x1b9: {  	v1 =	vld.idx.msk [tilespmem:v1+s3+$0x0], $0xffff  }
0x1ba: {  	v2 =	vld.idx.msk [tilespmem:v2+s3+$0x0], $0xffff  }
0x1bb: {  	v3 =	vld.idx.msk [tilespmem:v3+s3+$0x0], $0xffff  }
0x1bc: {  	v4 =	vld.idx.msk [tilespmem:v4+s3+$0x0], $0xffff  }
0x1bd: {  	v5 =	vld.idx.msk [tilespmem:v5+s3+$0x0], $0xffff  }
0x1be: {  	v6 =	vld.idx.msk [tilespmem:v6+s3+$0x0], $0xffff  }
0x1bf: {  	v7 =	vld.idx.msk [tilespmem:v7+s3+$0x0], $0xffff  }
0x1c0: {  	v8 =	vld.idx.msk [tilespmem:v8+s3+$0x0], $0xffff  }
0x1c1: {  	v9 =	vld.idx.msk [tilespmem:v9+s3+$0x0], $0xffff  }
0x1c2: {  	v10 =	vld.idx.msk [tilespmem:v10+s3+$0x0], $0xffff  }
0x1c3: {  	v11 =	vld.idx.msk [tilespmem:v11+s3+$0x0], $0xffff  }
0x1c4: {  	v12 =	vld.idx.msk [tilespmem:v12+s3+$0x0], $0xffff  }
0x1c5: {  	v13 =	vld.idx.msk [tilespmem:v13+s3+$0x0], $0xffff  }
0x1c6: {  	v14 =	vld.idx.msk [tilespmem:v14+s3+$0x0], $0xffff  }
0x1c7: {  	v15 =	vld.idx.msk [tilespmem:v15+s3+$0x0], $0xffff;
	[tilespmem:s26+$0xFFFFFF00] =	vst v0  }
0x1c8: {  	[tilespmem:s26+$0xFFFFFF10] =	vst v1  }
0x1c9: {  	[tilespmem:s26+$0xFFFFFF20] =	vst v2  }
0x1ca: {  	[tilespmem:s26+$0xFFFFFF30] =	vst v3  }
0x1cb: {  	[tilespmem:s26+$0xFFFFFF40] =	vst v4  }
0x1cc: {  	[tilespmem:s26+$0xFFFFFF50] =	vst v5  }
0x1cd: {  	[tilespmem:s26+$0xFFFFFF60] =	vst v6  }
0x1ce: {  	[tilespmem:s26+$0xFFFFFF70] =	vst v7  }
0x1cf: {  	[tilespmem:s26+$0xFFFFFF80] =	vst v8  }
0x1d0: {  	[tilespmem:s26+$0xFFFFFF90] =	vst v9  }
0x1d1: {  	[tilespmem:s26+$0xFFFFFFA0] =	vst v10  }
0x1d2: {  	[tilespmem:s26+$0xFFFFFFB0] =	vst v11  }
0x1d3: {  	[tilespmem:s26+$0xFFFFFFC0] =	vst v12  }
0x1d4: {  	[tilespmem:s26+$0xFFFFFFD0] =	vst v13  }
0x1d5: {  	[tilespmem:s26+$0xFFFFFFE0] =	vst v14  }
0x1d6: {  	[tilespmem:s26+$0xFFFFFFF0] =	vst v15  }
0x1d7: {  	v0 =	vld [tilespmem:s25+$0x0]  }
0x1d8: {  	v1 =	vld [tilespmem:s25+$0x10]  }
0x1d9: {  	v2 =	vld [tilespmem:s25+$0x20]  }
0x1da: {  	v3 =	vld [tilespmem:s25+$0x30]  }
0x1db: {  	v4 =	vld [tilespmem:s25+$0x40]  }
0x1dc: {  	v5 =	vld [tilespmem:s25+$0x50]  }
0x1dd: {  	v6 =	vld [tilespmem:s25+$0x60]  }
0x1de: {  	v7 =	vld [tilespmem:s25+$0x70]  }
0x1df: {  	v8 =	vld [tilespmem:s25+$0x80]  }
0x1e0: {  	v9 =	vld [tilespmem:s25+$0x90]  }
0x1e1: {  	v10 =	vld [tilespmem:s25+$0xA0]  }
0x1e2: {  	v11 =	vld [tilespmem:s25+$0xB0]  }
0x1e3: {  	v12 =	vld [tilespmem:s25+$0xC0]  }
0x1e4: {  	v13 =	vld [tilespmem:s25+$0xD0]  }
0x1e5: {  	v14 =	vld [tilespmem:s25+$0xE0]  }
0x1e6: {  	v15 =	vld [tilespmem:s25+$0xF0]  }
0x1e7: {  	v0 =	vld.idx.msk [tilespmem:v0+s3+$0x0], $0xffff  }
0x1e8: {  	v1 =	vld.idx.msk [tilespmem:v1+s3+$0x0], $0xffff  }
0x1e9: {  	v2 =	vld.idx.msk [tilespmem:v2+s3+$0x0], $0xffff  }
0x1ea: {  	v3 =	vld.idx.msk [tilespmem:v3+s3+$0x0], $0xffff  }
0x1eb: {  	v4 =	vld.idx.msk [tilespmem:v4+s3+$0x0], $0xffff  }
0x1ec: {  	v5 =	vld.idx.msk [tilespmem:v5+s3+$0x0], $0xffff  }
0x1ed: {  	v6 =	vld.idx.msk [tilespmem:v6+s3+$0x0], $0xffff  }
0x1ee: {  	v7 =	vld.idx.msk [tilespmem:v7+s3+$0x0], $0xffff  }
0x1ef: {  	v8 =	vld.idx.msk [tilespmem:v8+s3+$0x0], $0xffff  }
0x1f0: {  	v9 =	vld.idx.msk [tilespmem:v9+s3+$0x0], $0xffff  }
0x1f1: {  	v10 =	vld.idx.msk [tilespmem:v10+s3+$0x0], $0xffff  }
0x1f2: {  	v11 =	vld.idx.msk [tilespmem:v11+s3+$0x0], $0xffff  }
0x1f3: {  	v12 =	vld.idx.msk [tilespmem:v12+s3+$0x0], $0xffff  }
0x1f4: {  	v13 =	vld.idx.msk [tilespmem:v13+s3+$0x0], $0xffff  }
0x1f5: {  	v14 =	vld.idx.msk [tilespmem:v14+s3+$0x0], $0xffff  }
0x1f6: {  	v15 =	vld.idx.msk [tilespmem:v15+s3+$0x0], $0xffff;
	[tilespmem:s26+$0x0] =	vst v0  }
0x1f7: {  	[tilespmem:s26+$0x10] =	vst v1  }
0x1f8: {  	[tilespmem:s26+$0x20] =	vst v2  }
0x1f9: {  	[tilespmem:s26+$0x30] =	vst v3  }
0x1fa: {  	[tilespmem:s26+$0x40] =	vst v4  }
0x1fb: {  	[tilespmem:s26+$0x50] =	vst v5  }
0x1fc: {  	[tilespmem:s26+$0x60] =	vst v6  }
0x1fd: {  	[tilespmem:s26+$0x70] =	vst v7  }
0x1fe: {  	[tilespmem:s26+$0x80] =	vst v8  }
0x1ff: {  	s24 =	sadd.s32 $0x2, s24;
	[tilespmem:s26+$0x90] =	vst v9  }
0x200: {  	p0 =	slt.u32 s24, $0xE;
	[tilespmem:s26+$0xA0] =	vst v10  }
.Ltmp4:
0x201: {  	[tilespmem:s26+$0xB0] =	vst v11;
	(pc) =	sbr.rel @p0 .LBB2_10-.Ltmp4, $4  }
0x202: {  	[tilespmem:s26+$0xC0] =	vst v12  }
0x203: {  	[tilespmem:s26+$0xD0] =	vst v13  }
0x204: {  	[tilespmem:s26+$0xE0] =	vst v14  }
0x205: {  	s25 =	sadd.s32 $0x200, s25;
	[tilespmem:s26+$0xF0] =	vst v15;
	s26 =	sadd.s32 $0x200, s26  }
0x206: {  	[hbm4b:s10+s17] =	stream.strided.scatter [tilespmem:s20], [sflag:$0x2], $0x1000, s18, s17, $0x38;
	[tilespmem:$0x1E700] =	vst v63  }
0x207: {  	_ =	swait.ge [sflag:s22], $0x1000  }
0x208: {  	s24 =	simm.s32 $0xFFFFFFFE;
	[sflag:s22] =	ssyncset.done $0x0  }
0x209: {  	s25 =	simm.s32 $0x198F0;
	s26 =	simm.s32 $0x1D800;
	[sflag:s22] =	ssyncadd.s32 $0xFFFFF000  }
.LBB2_12:
0x20a: {  	v0 =	vld [tilespmem:s25+$0xFFFFFE10]  }
0x20b: {  	v1 =	vld [tilespmem:s25+$0xFFFFFE20]  }
0x20c: {  	v2 =	vld [tilespmem:s25+$0xFFFFFE30]  }
0x20d: {  	v3 =	vld [tilespmem:s25+$0xFFFFFE40]  }
0x20e: {  	v4 =	vld [tilespmem:s25+$0xFFFFFE50]  }
0x20f: {  	v5 =	vld [tilespmem:s25+$0xFFFFFE60]  }
0x210: {  	v6 =	vld [tilespmem:s25+$0xFFFFFE70]  }
0x211: {  	v7 =	vld [tilespmem:s25+$0xFFFFFE80]  }
0x212: {  	v8 =	vld [tilespmem:s25+$0xFFFFFE90]  }
0x213: {  	v9 =	vld [tilespmem:s25+$0xFFFFFEA0]  }
0x214: {  	v10 =	vld [tilespmem:s25+$0xFFFFFEB0]  }
0x215: {  	v11 =	vld [tilespmem:s25+$0xFFFFFEC0]  }
0x216: {  	v12 =	vld [tilespmem:s25+$0xFFFFFED0]  }
0x217: {  	v13 =	vld [tilespmem:s25+$0xFFFFFEE0]  }
0x218: {  	v14 =	vld [tilespmem:s25+$0xFFFFFEF0]  }
0x219: {  	v15 =	vld [tilespmem:s25+$0xFFFFFF00]  }
0x21a: {  	v0 =	vld.idx.msk [tilespmem:v0+s3+$0x0], $0xffff  }
0x21b: {  	v1 =	vld.idx.msk [tilespmem:v1+s3+$0x0], $0xffff  }
0x21c: {  	v2 =	vld.idx.msk [tilespmem:v2+s3+$0x0], $0xffff  }
0x21d: {  	v3 =	vld.idx.msk [tilespmem:v3+s3+$0x0], $0xffff  }
0x21e: {  	v4 =	vld.idx.msk [tilespmem:v4+s3+$0x0], $0xffff  }
0x21f: {  	v5 =	vld.idx.msk [tilespmem:v5+s3+$0x0], $0xffff  }
0x220: {  	v6 =	vld.idx.msk [tilespmem:v6+s3+$0x0], $0xffff  }
0x221: {  	v7 =	vld.idx.msk [tilespmem:v7+s3+$0x0], $0xffff  }
0x222: {  	v8 =	vld.idx.msk [tilespmem:v8+s3+$0x0], $0xffff  }
0x223: {  	v9 =	vld.idx.msk [tilespmem:v9+s3+$0x0], $0xffff  }
0x224: {  	v10 =	vld.idx.msk [tilespmem:v10+s3+$0x0], $0xffff  }
0x225: {  	v11 =	vld.idx.msk [tilespmem:v11+s3+$0x0], $0xffff  }
0x226: {  	v12 =	vld.idx.msk [tilespmem:v12+s3+$0x0], $0xffff  }
0x227: {  	v13 =	vld.idx.msk [tilespmem:v13+s3+$0x0], $0xffff  }
0x228: {  	v14 =	vld.idx.msk [tilespmem:v14+s3+$0x0], $0xffff  }
0x229: {  	v15 =	vld.idx.msk [tilespmem:v15+s3+$0x0], $0xffff;
	[tilespmem:s26+$0xFFFFFF00] =	vst v0  }
0x22a: {  	[tilespmem:s26+$0xFFFFFF10] =	vst v1  }
0x22b: {  	[tilespmem:s26+$0xFFFFFF20] =	vst v2  }
0x22c: {  	[tilespmem:s26+$0xFFFFFF30] =	vst v3  }
0x22d: {  	[tilespmem:s26+$0xFFFFFF40] =	vst v4  }
0x22e: {  	[tilespmem:s26+$0xFFFFFF50] =	vst v5  }
0x22f: {  	[tilespmem:s26+$0xFFFFFF60] =	vst v6  }
0x230: {  	[tilespmem:s26+$0xFFFFFF70] =	vst v7  }
0x231: {  	[tilespmem:s26+$0xFFFFFF80] =	vst v8  }
0x232: {  	[tilespmem:s26+$0xFFFFFF90] =	vst v9  }
0x233: {  	[tilespmem:s26+$0xFFFFFFA0] =	vst v10  }
0x234: {  	[tilespmem:s26+$0xFFFFFFB0] =	vst v11  }
0x235: {  	[tilespmem:s26+$0xFFFFFFC0] =	vst v12  }
0x236: {  	[tilespmem:s26+$0xFFFFFFD0] =	vst v13  }
0x237: {  	[tilespmem:s26+$0xFFFFFFE0] =	vst v14  }
0x238: {  	[tilespmem:s26+$0xFFFFFFF0] =	vst v15  }
0x239: {  	v0 =	vld [tilespmem:s25+$0xFFFFFF10]  }
0x23a: {  	v1 =	vld [tilespmem:s25+$0xFFFFFF20]  }
0x23b: {  	v2 =	vld [tilespmem:s25+$0xFFFFFF30]  }
0x23c: {  	v3 =	vld [tilespmem:s25+$0xFFFFFF40]  }
0x23d: {  	v4 =	vld [tilespmem:s25+$0xFFFFFF50]  }
0x23e: {  	v5 =	vld [tilespmem:s25+$0xFFFFFF60]  }
0x23f: {  	v6 =	vld [tilespmem:s25+$0xFFFFFF70]  }
0x240: {  	v7 =	vld [tilespmem:s25+$0xFFFFFF80]  }
0x241: {  	v8 =	vld [tilespmem:s25+$0xFFFFFF90]  }
0x242: {  	v9 =	vld [tilespmem:s25+$0xFFFFFFA0]  }
0x243: {  	v10 =	vld [tilespmem:s25+$0xFFFFFFB0]  }
0x244: {  	v11 =	vld [tilespmem:s25+$0xFFFFFFC0]  }
0x245: {  	v12 =	vld [tilespmem:s25+$0xFFFFFFD0]  }
0x246: {  	v13 =	vld [tilespmem:s25+$0xFFFFFFE0]  }
0x247: {  	v14 =	vld [tilespmem:s25+$0xFFFFFFF0]  }
0x248: {  	v15 =	vld [tilespmem:s25+$0x0]  }
0x249: {  	v0 =	vld.idx.msk [tilespmem:v0+s3+$0x0], $0xffff  }
0x24a: {  	v1 =	vld.idx.msk [tilespmem:v1+s3+$0x0], $0xffff  }
0x24b: {  	v2 =	vld.idx.msk [tilespmem:v2+s3+$0x0], $0xffff  }
0x24c: {  	v3 =	vld.idx.msk [tilespmem:v3+s3+$0x0], $0xffff  }
0x24d: {  	v4 =	vld.idx.msk [tilespmem:v4+s3+$0x0], $0xffff  }
0x24e: {  	v5 =	vld.idx.msk [tilespmem:v5+s3+$0x0], $0xffff  }
0x24f: {  	v6 =	vld.idx.msk [tilespmem:v6+s3+$0x0], $0xffff  }
0x250: {  	v7 =	vld.idx.msk [tilespmem:v7+s3+$0x0], $0xffff  }
0x251: {  	v8 =	vld.idx.msk [tilespmem:v8+s3+$0x0], $0xffff  }
0x252: {  	v9 =	vld.idx.msk [tilespmem:v9+s3+$0x0], $0xffff  }
0x253: {  	v10 =	vld.idx.msk [tilespmem:v10+s3+$0x0], $0xffff  }
0x254: {  	v11 =	vld.idx.msk [tilespmem:v11+s3+$0x0], $0xffff  }
0x255: {  	v12 =	vld.idx.msk [tilespmem:v12+s3+$0x0], $0xffff  }
0x256: {  	v13 =	vld.idx.msk [tilespmem:v13+s3+$0x0], $0xffff  }
0x257: {  	v14 =	vld.idx.msk [tilespmem:v14+s3+$0x0], $0xffff  }
0x258: {  	v15 =	vld.idx.msk [tilespmem:v15+s3+$0x0], $0xffff;
	[tilespmem:s26+$0x0] =	vst v0  }
0x259: {  	[tilespmem:s26+$0x10] =	vst v1  }
0x25a: {  	[tilespmem:s26+$0x20] =	vst v2  }
0x25b: {  	[tilespmem:s26+$0x30] =	vst v3  }
0x25c: {  	[tilespmem:s26+$0x40] =	vst v4  }
0x25d: {  	[tilespmem:s26+$0x50] =	vst v5  }
0x25e: {  	[tilespmem:s26+$0x60] =	vst v6  }
0x25f: {  	[tilespmem:s26+$0x70] =	vst v7  }
0x260: {  	[tilespmem:s26+$0x80] =	vst v8  }
0x261: {  	s24 =	sadd.s32 $0x2, s24;
	[tilespmem:s26+$0x90] =	vst v9  }
0x262: {  	p0 =	slt.u32 s24, $0xE;
	[tilespmem:s26+$0xA0] =	vst v10  }
.Ltmp5:
0x263: {  	[tilespmem:s26+$0xB0] =	vst v11;
	(pc) =	sbr.rel @p0 .LBB2_12-.Ltmp5, $4  }
0x264: {  	[tilespmem:s26+$0xC0] =	vst v12  }
0x265: {  	[tilespmem:s26+$0xD0] =	vst v13  }
0x266: {  	[tilespmem:s26+$0xE0] =	vst v14  }
0x267: {  	s25 =	sadd.s32 $0x200, s25;
	[tilespmem:s26+$0xF0] =	vst v15;
	s26 =	sadd.s32 $0x200, s26  }
0x268: {  	[hbm4b:s11+s17] =	stream.strided.scatter [tilespmem:s21], [sflag:$0x2], $0x1000, s18, s17, $0x38;
	[tilespmem:$0x1E700] =	vst v63  }
0x269: {  	_ =	swait.ge [sflag:s22], $0x1000  }
0x26a: {  	s24 =	simm.s32 $0xFFFFFFFE;
	[sflag:s22] =	ssyncset.done $0x0  }
0x26b: {  	s25 =	simm.s32 $0x1A8F0;
	s26 =	simm.s32 $0x1C800;
	[sflag:s22] =	ssyncadd.s32 $0xFFFFF000  }
.LBB2_14:
0x26c: {  	v0 =	vld [tilespmem:s25+$0xFFFFFE10]  }
0x26d: {  	v1 =	vld [tilespmem:s25+$0xFFFFFE20]  }
0x26e: {  	v2 =	vld [tilespmem:s25+$0xFFFFFE30]  }
0x26f: {  	v3 =	vld [tilespmem:s25+$0xFFFFFE40]  }
0x270: {  	v4 =	vld [tilespmem:s25+$0xFFFFFE50]  }
0x271: {  	v5 =	vld [tilespmem:s25+$0xFFFFFE60]  }
0x272: {  	v6 =	vld [tilespmem:s25+$0xFFFFFE70]  }
0x273: {  	v7 =	vld [tilespmem:s25+$0xFFFFFE80]  }
0x274: {  	v8 =	vld [tilespmem:s25+$0xFFFFFE90]  }
0x275: {  	v9 =	vld [tilespmem:s25+$0xFFFFFEA0]  }
0x276: {  	v10 =	vld [tilespmem:s25+$0xFFFFFEB0]  }
0x277: {  	v11 =	vld [tilespmem:s25+$0xFFFFFEC0]  }
0x278: {  	v12 =	vld [tilespmem:s25+$0xFFFFFED0]  }
0x279: {  	v13 =	vld [tilespmem:s25+$0xFFFFFEE0]  }
0x27a: {  	v14 =	vld [tilespmem:s25+$0xFFFFFEF0]  }
0x27b: {  	v15 =	vld [tilespmem:s25+$0xFFFFFF00]  }
0x27c: {  	v0 =	vld.idx.msk [tilespmem:v0+s3+$0x0], $0xffff  }
0x27d: {  	v1 =	vld.idx.msk [tilespmem:v1+s3+$0x0], $0xffff  }
0x27e: {  	v2 =	vld.idx.msk [tilespmem:v2+s3+$0x0], $0xffff  }
0x27f: {  	v3 =	vld.idx.msk [tilespmem:v3+s3+$0x0], $0xffff  }
0x280: {  	v4 =	vld.idx.msk [tilespmem:v4+s3+$0x0], $0xffff  }
0x281: {  	v5 =	vld.idx.msk [tilespmem:v5+s3+$0x0], $0xffff  }
0x282: {  	v6 =	vld.idx.msk [tilespmem:v6+s3+$0x0], $0xffff  }
0x283: {  	v7 =	vld.idx.msk [tilespmem:v7+s3+$0x0], $0xffff  }
0x284: {  	v8 =	vld.idx.msk [tilespmem:v8+s3+$0x0], $0xffff  }
0x285: {  	v9 =	vld.idx.msk [tilespmem:v9+s3+$0x0], $0xffff  }
0x286: {  	v10 =	vld.idx.msk [tilespmem:v10+s3+$0x0], $0xffff  }
0x287: {  	v11 =	vld.idx.msk [tilespmem:v11+s3+$0x0], $0xffff  }
0x288: {  	v12 =	vld.idx.msk [tilespmem:v12+s3+$0x0], $0xffff  }
0x289: {  	v13 =	vld.idx.msk [tilespmem:v13+s3+$0x0], $0xffff  }
0x28a: {  	v14 =	vld.idx.msk [tilespmem:v14+s3+$0x0], $0xffff  }
0x28b: {  	v15 =	vld.idx.msk [tilespmem:v15+s3+$0x0], $0xffff;
	[tilespmem:s26+$0xFFFFFF00] =	vst v0  }
0x28c: {  	[tilespmem:s26+$0xFFFFFF10] =	vst v1  }
0x28d: {  	[tilespmem:s26+$0xFFFFFF20] =	vst v2  }
0x28e: {  	[tilespmem:s26+$0xFFFFFF30] =	vst v3  }
0x28f: {  	[tilespmem:s26+$0xFFFFFF40] =	vst v4  }
0x290: {  	[tilespmem:s26+$0xFFFFFF50] =	vst v5  }
0x291: {  	[tilespmem:s26+$0xFFFFFF60] =	vst v6  }
0x292: {  	[tilespmem:s26+$0xFFFFFF70] =	vst v7  }
0x293: {  	[tilespmem:s26+$0xFFFFFF80] =	vst v8  }
0x294: {  	[tilespmem:s26+$0xFFFFFF90] =	vst v9  }
0x295: {  	[tilespmem:s26+$0xFFFFFFA0] =	vst v10  }
0x296: {  	[tilespmem:s26+$0xFFFFFFB0] =	vst v11  }
0x297: {  	[tilespmem:s26+$0xFFFFFFC0] =	vst v12  }
0x298: {  	[tilespmem:s26+$0xFFFFFFD0] =	vst v13  }
0x299: {  	[tilespmem:s26+$0xFFFFFFE0] =	vst v14  }
0x29a: {  	[tilespmem:s26+$0xFFFFFFF0] =	vst v15  }
0x29b: {  	v0 =	vld [tilespmem:s25+$0xFFFFFF10]  }
0x29c: {  	v1 =	vld [tilespmem:s25+$0xFFFFFF20]  }
0x29d: {  	v2 =	vld [tilespmem:s25+$0xFFFFFF30]  }
0x29e: {  	v3 =	vld [tilespmem:s25+$0xFFFFFF40]  }
0x29f: {  	v4 =	vld [tilespmem:s25+$0xFFFFFF50]  }
0x2a0: {  	v5 =	vld [tilespmem:s25+$0xFFFFFF60]  }
0x2a1: {  	v6 =	vld [tilespmem:s25+$0xFFFFFF70]  }
0x2a2: {  	v7 =	vld [tilespmem:s25+$0xFFFFFF80]  }
0x2a3: {  	v8 =	vld [tilespmem:s25+$0xFFFFFF90]  }
0x2a4: {  	v9 =	vld [tilespmem:s25+$0xFFFFFFA0]  }
0x2a5: {  	v10 =	vld [tilespmem:s25+$0xFFFFFFB0]  }
0x2a6: {  	v11 =	vld [tilespmem:s25+$0xFFFFFFC0]  }
0x2a7: {  	v12 =	vld [tilespmem:s25+$0xFFFFFFD0]  }
0x2a8: {  	v13 =	vld [tilespmem:s25+$0xFFFFFFE0]  }
0x2a9: {  	v14 =	vld [tilespmem:s25+$0xFFFFFFF0]  }
0x2aa: {  	v15 =	vld [tilespmem:s25+$0x0]  }
0x2ab: {  	v0 =	vld.idx.msk [tilespmem:v0+s3+$0x0], $0xffff  }
0x2ac: {  	v1 =	vld.idx.msk [tilespmem:v1+s3+$0x0], $0xffff  }
0x2ad: {  	v2 =	vld.idx.msk [tilespmem:v2+s3+$0x0], $0xffff  }
0x2ae: {  	v3 =	vld.idx.msk [tilespmem:v3+s3+$0x0], $0xffff  }
0x2af: {  	v4 =	vld.idx.msk [tilespmem:v4+s3+$0x0], $0xffff  }
0x2b0: {  	v5 =	vld.idx.msk [tilespmem:v5+s3+$0x0], $0xffff  }
0x2b1: {  	v6 =	vld.idx.msk [tilespmem:v6+s3+$0x0], $0xffff  }
0x2b2: {  	v7 =	vld.idx.msk [tilespmem:v7+s3+$0x0], $0xffff  }
0x2b3: {  	v8 =	vld.idx.msk [tilespmem:v8+s3+$0x0], $0xffff  }
0x2b4: {  	v9 =	vld.idx.msk [tilespmem:v9+s3+$0x0], $0xffff  }
0x2b5: {  	v10 =	vld.idx.msk [tilespmem:v10+s3+$0x0], $0xffff  }
0x2b6: {  	v11 =	vld.idx.msk [tilespmem:v11+s3+$0x0], $0xffff  }
0x2b7: {  	v12 =	vld.idx.msk [tilespmem:v12+s3+$0x0], $0xffff  }
0x2b8: {  	v13 =	vld.idx.msk [tilespmem:v13+s3+$0x0], $0xffff  }
0x2b9: {  	v14 =	vld.idx.msk [tilespmem:v14+s3+$0x0], $0xffff  }
0x2ba: {  	v15 =	vld.idx.msk [tilespmem:v15+s3+$0x0], $0xffff;
	[tilespmem:s26+$0x0] =	vst v0  }
0x2bb: {  	[tilespmem:s26+$0x10] =	vst v1  }
0x2bc: {  	[tilespmem:s26+$0x20] =	vst v2  }
0x2bd: {  	[tilespmem:s26+$0x30] =	vst v3  }
0x2be: {  	[tilespmem:s26+$0x40] =	vst v4  }
0x2bf: {  	[tilespmem:s26+$0x50] =	vst v5  }
0x2c0: {  	[tilespmem:s26+$0x60] =	vst v6  }
0x2c1: {  	[tilespmem:s26+$0x70] =	vst v7  }
0x2c2: {  	[tilespmem:s26+$0x80] =	vst v8  }
0x2c3: {  	s24 =	sadd.s32 $0x2, s24;
	[tilespmem:s26+$0x90] =	vst v9  }
0x2c4: {  	p0 =	slt.u32 s24, $0xE;
	[tilespmem:s26+$0xA0] =	vst v10  }
.Ltmp6:
0x2c5: {  	[tilespmem:s26+$0xB0] =	vst v11;
	(pc) =	sbr.rel @p0 .LBB2_14-.Ltmp6, $4  }
0x2c6: {  	[tilespmem:s26+$0xC0] =	vst v12  }
0x2c7: {  	[tilespmem:s26+$0xD0] =	vst v13  }
0x2c8: {  	[tilespmem:s26+$0xE0] =	vst v14  }
0x2c9: {  	s25 =	sadd.s32 $0x200, s25;
	[tilespmem:s26+$0xF0] =	vst v15;
	s26 =	sadd.s32 $0x200, s26  }
0x2ca: {  	[hbm4b:s12+s17] =	stream.strided.scatter [tilespmem:s20], [sflag:$0x2], $0x1000, s18, s17, $0x38;
	[tilespmem:$0x1E700] =	vst v63  }
0x2cb: {  	_ =	swait.ge [sflag:s22], $0x1000  }
0x2cc: {  	s24 =	simm.s32 $0xFFFFFFFE;
	[sflag:s22] =	ssyncset.done $0x0  }
0x2cd: {  	s25 =	simm.s32 $0x1B8F0;
	s26 =	simm.s32 $0x1D800;
	[sflag:s22] =	ssyncadd.s32 $0xFFFFF000  }
.LBB2_16:
0x2ce: {  	v0 =	vld [tilespmem:s25+$0xFFFFFE10]  }
0x2cf: {  	v1 =	vld [tilespmem:s25+$0xFFFFFE20]  }
0x2d0: {  	v2 =	vld [tilespmem:s25+$0xFFFFFE30]  }
0x2d1: {  	v3 =	vld [tilespmem:s25+$0xFFFFFE40]  }
0x2d2: {  	v4 =	vld [tilespmem:s25+$0xFFFFFE50]  }
0x2d3: {  	v5 =	vld [tilespmem:s25+$0xFFFFFE60]  }
0x2d4: {  	v6 =	vld [tilespmem:s25+$0xFFFFFE70]  }
0x2d5: {  	v7 =	vld [tilespmem:s25+$0xFFFFFE80]  }
0x2d6: {  	v8 =	vld [tilespmem:s25+$0xFFFFFE90]  }
0x2d7: {  	v9 =	vld [tilespmem:s25+$0xFFFFFEA0]  }
0x2d8: {  	v10 =	vld [tilespmem:s25+$0xFFFFFEB0]  }
0x2d9: {  	v11 =	vld [tilespmem:s25+$0xFFFFFEC0]  }
0x2da: {  	v12 =	vld [tilespmem:s25+$0xFFFFFED0]  }
0x2db: {  	v13 =	vld [tilespmem:s25+$0xFFFFFEE0]  }
0x2dc: {  	v14 =	vld [tilespmem:s25+$0xFFFFFEF0]  }
0x2dd: {  	v15 =	vld [tilespmem:s25+$0xFFFFFF00]  }
0x2de: {  	v0 =	vld.idx.msk [tilespmem:v0+s3+$0x0], $0xffff  }
0x2df: {  	v1 =	vld.idx.msk [tilespmem:v1+s3+$0x0], $0xffff  }
0x2e0: {  	v2 =	vld.idx.msk [tilespmem:v2+s3+$0x0], $0xffff  }
0x2e1: {  	v3 =	vld.idx.msk [tilespmem:v3+s3+$0x0], $0xffff  }
0x2e2: {  	v4 =	vld.idx.msk [tilespmem:v4+s3+$0x0], $0xffff  }
0x2e3: {  	v5 =	vld.idx.msk [tilespmem:v5+s3+$0x0], $0xffff  }
0x2e4: {  	v6 =	vld.idx.msk [tilespmem:v6+s3+$0x0], $0xffff  }
0x2e5: {  	v7 =	vld.idx.msk [tilespmem:v7+s3+$0x0], $0xffff  }
0x2e6: {  	v8 =	vld.idx.msk [tilespmem:v8+s3+$0x0], $0xffff  }
0x2e7: {  	v9 =	vld.idx.msk [tilespmem:v9+s3+$0x0], $0xffff  }
0x2e8: {  	v10 =	vld.idx.msk [tilespmem:v10+s3+$0x0], $0xffff  }
0x2e9: {  	v11 =	vld.idx.msk [tilespmem:v11+s3+$0x0], $0xffff  }
0x2ea: {  	v12 =	vld.idx.msk [tilespmem:v12+s3+$0x0], $0xffff  }
0x2eb: {  	v13 =	vld.idx.msk [tilespmem:v13+s3+$0x0], $0xffff  }
0x2ec: {  	v14 =	vld.idx.msk [tilespmem:v14+s3+$0x0], $0xffff  }
0x2ed: {  	v15 =	vld.idx.msk [tilespmem:v15+s3+$0x0], $0xffff;
	[tilespmem:s26+$0xFFFFFF00] =	vst v0  }
0x2ee: {  	[tilespmem:s26+$0xFFFFFF10] =	vst v1  }
0x2ef: {  	[tilespmem:s26+$0xFFFFFF20] =	vst v2  }
0x2f0: {  	[tilespmem:s26+$0xFFFFFF30] =	vst v3  }
0x2f1: {  	[tilespmem:s26+$0xFFFFFF40] =	vst v4  }
0x2f2: {  	[tilespmem:s26+$0xFFFFFF50] =	vst v5  }
0x2f3: {  	[tilespmem:s26+$0xFFFFFF60] =	vst v6  }
0x2f4: {  	[tilespmem:s26+$0xFFFFFF70] =	vst v7  }
0x2f5: {  	[tilespmem:s26+$0xFFFFFF80] =	vst v8  }
0x2f6: {  	[tilespmem:s26+$0xFFFFFF90] =	vst v9  }
0x2f7: {  	[tilespmem:s26+$0xFFFFFFA0] =	vst v10  }
0x2f8: {  	[tilespmem:s26+$0xFFFFFFB0] =	vst v11  }
0x2f9: {  	[tilespmem:s26+$0xFFFFFFC0] =	vst v12  }
0x2fa: {  	[tilespmem:s26+$0xFFFFFFD0] =	vst v13  }
0x2fb: {  	[tilespmem:s26+$0xFFFFFFE0] =	vst v14  }
0x2fc: {  	[tilespmem:s26+$0xFFFFFFF0] =	vst v15  }
0x2fd: {  	v0 =	vld [tilespmem:s25+$0xFFFFFF10]  }
0x2fe: {  	v1 =	vld [tilespmem:s25+$0xFFFFFF20]  }
0x2ff: {  	v2 =	vld [tilespmem:s25+$0xFFFFFF30]  }
0x300: {  	v3 =	vld [tilespmem:s25+$0xFFFFFF40]  }
0x301: {  	v4 =	vld [tilespmem:s25+$0xFFFFFF50]  }
0x302: {  	v5 =	vld [tilespmem:s25+$0xFFFFFF60]  }
0x303: {  	v6 =	vld [tilespmem:s25+$0xFFFFFF70]  }
0x304: {  	v7 =	vld [tilespmem:s25+$0xFFFFFF80]  }
0x305: {  	v8 =	vld [tilespmem:s25+$0xFFFFFF90]  }
0x306: {  	v9 =	vld [tilespmem:s25+$0xFFFFFFA0]  }
0x307: {  	v10 =	vld [tilespmem:s25+$0xFFFFFFB0]  }
0x308: {  	v11 =	vld [tilespmem:s25+$0xFFFFFFC0]  }
0x309: {  	v12 =	vld [tilespmem:s25+$0xFFFFFFD0]  }
0x30a: {  	v13 =	vld [tilespmem:s25+$0xFFFFFFE0]  }
0x30b: {  	v14 =	vld [tilespmem:s25+$0xFFFFFFF0]  }
0x30c: {  	v15 =	vld [tilespmem:s25+$0x0]  }
0x30d: {  	v0 =	vld.idx.msk [tilespmem:v0+s3+$0x0], $0xffff  }
0x30e: {  	v1 =	vld.idx.msk [tilespmem:v1+s3+$0x0], $0xffff  }
0x30f: {  	v2 =	vld.idx.msk [tilespmem:v2+s3+$0x0], $0xffff  }
0x310: {  	v3 =	vld.idx.msk [tilespmem:v3+s3+$0x0], $0xffff  }
0x311: {  	v4 =	vld.idx.msk [tilespmem:v4+s3+$0x0], $0xffff  }
0x312: {  	v5 =	vld.idx.msk [tilespmem:v5+s3+$0x0], $0xffff  }
0x313: {  	v6 =	vld.idx.msk [tilespmem:v6+s3+$0x0], $0xffff  }
0x314: {  	v7 =	vld.idx.msk [tilespmem:v7+s3+$0x0], $0xffff  }
0x315: {  	v8 =	vld.idx.msk [tilespmem:v8+s3+$0x0], $0xffff  }
0x316: {  	v9 =	vld.idx.msk [tilespmem:v9+s3+$0x0], $0xffff  }
0x317: {  	v10 =	vld.idx.msk [tilespmem:v10+s3+$0x0], $0xffff  }
0x318: {  	v11 =	vld.idx.msk [tilespmem:v11+s3+$0x0], $0xffff  }
0x319: {  	v12 =	vld.idx.msk [tilespmem:v12+s3+$0x0], $0xffff  }
0x31a: {  	v13 =	vld.idx.msk [tilespmem:v13+s3+$0x0], $0xffff  }
0x31b: {  	v14 =	vld.idx.msk [tilespmem:v14+s3+$0x0], $0xffff  }
0x31c: {  	v15 =	vld.idx.msk [tilespmem:v15+s3+$0x0], $0xffff;
	[tilespmem:s26+$0x0] =	vst v0  }
0x31d: {  	[tilespmem:s26+$0x10] =	vst v1  }
0x31e: {  	[tilespmem:s26+$0x20] =	vst v2  }
0x31f: {  	[tilespmem:s26+$0x30] =	vst v3  }
0x320: {  	[tilespmem:s26+$0x40] =	vst v4  }
0x321: {  	[tilespmem:s26+$0x50] =	vst v5  }
0x322: {  	[tilespmem:s26+$0x60] =	vst v6  }
0x323: {  	[tilespmem:s26+$0x70] =	vst v7  }
0x324: {  	[tilespmem:s26+$0x80] =	vst v8  }
0x325: {  	s24 =	sadd.s32 $0x2, s24;
	[tilespmem:s26+$0x90] =	vst v9  }
0x326: {  	p0 =	slt.u32 s24, $0xE;
	[tilespmem:s26+$0xA0] =	vst v10  }
.Ltmp7:
0x327: {  	[tilespmem:s26+$0xB0] =	vst v11;
	(pc) =	sbr.rel @p0 .LBB2_16-.Ltmp7, $4  }
0x328: {  	[tilespmem:s26+$0xC0] =	vst v12  }
0x329: {  	[tilespmem:s26+$0xD0] =	vst v13  }
0x32a: {  	[tilespmem:s26+$0xE0] =	vst v14  }
0x32b: {  	s25 =	sadd.s32 $0x200, s25;
	[tilespmem:s26+$0xF0] =	vst v15;
	s26 =	sadd.s32 $0x200, s26  }
0x32c: {  	[hbm4b:s13+s17] =	stream.strided.scatter [tilespmem:s21], [sflag:$0x2], $0x1000, s18, s17, $0x38;
	[tilespmem:$0x1E700] =	vst v63  }
0x32d: {  	s23 =	sadd.s32 $0x1, s23  }
0x32e: {  	_ =	swait.ge [sflag:s22], $0x1000;
	p0 =	sne.s32 s23, s14  }
.Ltmp8:
0x32f: {  	[sflag:s22] =	ssyncset.done $0x0;
	(pc) =	sbr.rel @p0 .LBB2_1-.Ltmp8, $4  }
0x330: {  	[sflag:s22] =	ssyncadd.s32 $0xFFFFF000  }
0x331: {  	_ =	swait.ge [sflag:s22], $0x1000  }
0x332: {  	[sflag:s22] =	ssyncset.done $0x0  }
0x333: {  	[sflag:s22] =	ssyncadd.s32 $0xFFFFF000  }
0x334: {  	_ =	sfence.sel $0x180000  }
0x335: {  	[bflag:$0x0] =	sbarrier.arrive $0xFFFF  }
0x336: {  	p0 =	sne.s32 s2, $0x0;
	_ =	strace $0x90000047  }
0x337: {  	s0 =	sadd.s32 @!p0 $0x100000, s0;
	[bflag:$0x2] =	sbarrier.arrive $0xFFFF  }
0x338: {  	[sflag:s0] =	ssyncadd.tile.s32 @!p0 $0x1;
	_ =	shalt  }
.Lfunc_end2:
_tile_overlayer_lowered:
.L_overlay_start_2:
0x339: {  	(tag) =	ssettag $0x2  }
0x33a: {  	s0 =	rddreg [dreg:$0x0];
	s2 =	stileid.u32  }
0x33b: {  	s1 =	rddreg [dreg:$0x1];
	p0 =	sne.s32 s2, $0x0  }
0x33c: {  	s3 =	rddreg [dreg:$0x2];
	[bflag:$0x3] =	sbarrier.arrive $0xFFFF;
	s2 =	simm.s32 @!p0 $0x1C03  }
0x33d: {  	[timem:s3], [sflag:s2] =	dma.local @!p0 [hbm:s0], s1  }
0x33e: {  	s0 =	simm.s32 @!p0 $0x3  }
0x33f: {  	_ =	swait.ge @!p0 [sflag:s0], s1  }
0x340: {  	s1 =	ssub.s32 @!p0 $0x0, s1;
	[sflag:s0] =	ssyncset.done @!p0 $0x0  }
0x341: {  	[sflag:s0] =	ssyncadd.s32 @!p0 s1  }
0x342: {  	[bflag:$0x3] =	sbarrier.arrive $0xFFFF  }
0x343: {  	_ =	shalt  }

</sc_bundles>
